<compile_context>
chip_gen: v7x
topology: tpu7x:2x2x1
jax: 0.10.2.dev20260603
libtpu: 0.0.44.dev20260713+nightly
codegen_flags: <defaults>
</compile_context>

<pallas_src>
import functools

import jax
import jax.numpy as jnp
from jax import lax
from jax.experimental import pallas as pl
from jax.experimental.pallas import tpu as pltpu
from jax.experimental.pallas import tpu_sc as plsc

_B = 16384
_SEQ = 50
_E = 32
_H = 128
_NCLS = 1000

_NC = 2
_NS = 16
_NW = _NC * _NS
_RPT = _B // _NW
_CB = 16
_NCH = _RPT // _CB
_PADW = 64
_SENT = -1


def _sc_body(idx_hbm, table_hbm, out_hbm,
             idx0, idx1, rows0, rows1, outc0, outc1,
             isem0, isem1, gsem0, gsem1, osem0, osem1):
    wid = lax.axis_index("s") * _NC + lax.axis_index("c")
    base = wid * _RPT
    idxc = (idx0, idx1)
    rows = (rows0, rows1)
    outc = (outc0, outc1)
    isems = (isem0, isem1)
    gsems = (gsem0, gsem1)
    osems = (osem0, osem1)

    def start_idx(c, b):
        pltpu.async_copy(
            idx_hbm.at[pl.ds(base + c * _CB, _CB)], idxc[b], isems[b])

    def start_gather(c, b):
        pltpu.make_async_copy(
            idx_hbm.at[pl.ds(base + c * _CB, _CB)], idxc[b], isems[b]).wait()
        for r in range(_CB):
            pltpu.async_copy(
                table_hbm.at[plsc.Indices(idxc[b].at[r], ignored_value=_SENT)],
                rows[b].at[r], gsems[b])

    def drain_gather(c, b):
        for r in range(_CB):
            pltpu.make_async_copy(
                table_hbm.at[plsc.Indices(idxc[b].at[r], ignored_value=_SENT)],
                rows[b].at[r], gsems[b]).wait()

    start_idx(0, 0)
    start_idx(1, 1)
    start_gather(0, 0)
    start_gather(1, 1)

    def outer(c2, carry):
        for b in range(2):
            c = c2 * 2 + b
            drain_gather(c, b)
            @pl.when(c + 2 < _NCH)
            def _():
                start_idx(c + 2, b)

            @pl.when(c >= 2)
            def _():
                pltpu.make_async_copy(
                    outc[b], out_hbm.at[pl.ds(base + (c - 2) * _CB, _CB)],
                    osems[b]).wait()

            def row_body(r, carry2):
                a0 = rows[b][r, 0, pl.ds(0, 16)]
                a1 = rows[b][r, 0, pl.ds(16, 16)]
                for j in range(1, _SEQ):
                    a0 = a0 + rows[b][r, j, pl.ds(0, 16)]
                    a1 = a1 + rows[b][r, j, pl.ds(16, 16)]
                outc[b][r, pl.ds(0, 16)] = a0
                outc[b][r, pl.ds(16, 16)] = a1
                return carry2

            lax.fori_loop(0, _CB, row_body, 0)
            pltpu.async_copy(
                outc[b], out_hbm.at[pl.ds(base + c * _CB, _CB)], osems[b])

            @pl.when(c + 2 < _NCH)
            def _():
                start_gather(c + 2, b)
        return carry

    lax.fori_loop(0, _NCH // 2, outer, 0)
    for b in range(2):
        c = _NCH - 2 + b
        pltpu.make_async_copy(
            outc[b], out_hbm.at[pl.ds(base + c * _CB, _CB)], osems[b]).wait()


_sc_gather_sum = functools.partial(
    pl.kernel,
    out_type=jax.ShapeDtypeStruct((_B, _E), jnp.float32),
    mesh=plsc.VectorSubcoreMesh(
        core_axis_name="c", subcore_axis_name="s",
        num_cores=_NC, num_subcores=_NS),
    scratch_types=[
        pltpu.VMEM((_CB, _PADW), jnp.int32),
        pltpu.VMEM((_CB, _PADW), jnp.int32),
        pltpu.VMEM((_CB, _PADW, _E), jnp.float32),
        pltpu.VMEM((_CB, _PADW, _E), jnp.float32),
        pltpu.VMEM((_CB, _E), jnp.float32),
        pltpu.VMEM((_CB, _E), jnp.float32),
        pltpu.SemaphoreType.DMA,
        pltpu.SemaphoreType.DMA,
        pltpu.SemaphoreType.DMA,
        pltpu.SemaphoreType.DMA,
        pltpu.SemaphoreType.DMA,
        pltpu.SemaphoreType.DMA,
    ],
    compiler_params=pltpu.CompilerParams(use_tc_tiling_on_sc=False),
)(_sc_body)


_BB = 512


def _mlp_body(x_ref, w1_ref, b1_ref, w2_ref, b2_ref, w3_ref, b3_ref, o_ref):
    x = x_ref[...]
    h = jnp.dot(x, w1_ref[...], preferred_element_type=jnp.float32) + b1_ref[...]
    h = jnp.maximum(h, 0.0)
    h = jnp.dot(h, w2_ref[...], preferred_element_type=jnp.float32) + b2_ref[...]
    h = jnp.maximum(h, 0.0)
    o = jnp.dot(h, w3_ref[...], preferred_element_type=jnp.float32) + b3_ref[...]
    m = jnp.max(o, axis=-1, keepdims=True)
    e = jnp.exp(o - m)
    s = jnp.log(jnp.sum(e, axis=-1, keepdims=True))
    o_ref[...] = jnp.swapaxes(o - m - s, 0, 1)


def _mlp(embeds, W1, b1, W2, b2, W3, b3):
    grid = (_B // _BB,)
    return pl.pallas_call(
        _mlp_body,
        grid=grid,
        in_specs=[
            pl.BlockSpec((_BB, _E), lambda i: (i, 0)),
            pl.BlockSpec((_E, _H), lambda i: (0, 0)),
            pl.BlockSpec((1, _H), lambda i: (0, 0)),
            pl.BlockSpec((_H, _H), lambda i: (0, 0)),
            pl.BlockSpec((1, _H), lambda i: (0, 0)),
            pl.BlockSpec((_H, _NCLS), lambda i: (0, 0)),
            pl.BlockSpec((1, _NCLS), lambda i: (0, 0)),
        ],
        out_specs=pl.BlockSpec((_NCLS, _BB), lambda i: (0, i)),
        out_shape=jax.ShapeDtypeStruct((_NCLS, _B), jnp.float32),
    )(embeds, W1, b1.reshape(1, _H), W2, b2.reshape(1, _H),
      W3, b3.reshape(1, _NCLS)).T


def kernel(indices, table, W1, b1, W2, b2, W3, b3):
    idx = jnp.pad(indices.astype(jnp.int32), ((0, 0), (0, _PADW - _SEQ)),
                  constant_values=_SENT)
    embeds = _sc_gather_sum(idx, table)
    return _mlp(embeds, W1, b1, W2, b2, W3, b3)

# --- scband reference (transcript-rebuilt; emitter-appended) ---
"""Pipeline reference for scband-cbow-39049842656022 (READ-ONLY COPY).

The authoritative reference and input builder live on the scoring server;
editing this copy changes nothing except your own understanding.
"""

import jax, jax.numpy as jnp
import numpy as np

VOCAB = 1000000
EMBED_DIM = 32
HIDDEN_DIM = 128
NUM_CLASSES = 1000
BATCH = 16384
SEQ = 50

def setup_inputs(seed: int = 0) -> dict:
    key = jax.random.key(seed)
    ks = jax.random.split(key, 8)
    indices = jax.random.randint(ks[0], (BATCH, SEQ), 0, VOCAB, dtype=jnp.int64 if jax.config.jax_enable_x64 else jnp.int32)
    table = jax.random.normal(ks[1], (VOCAB, EMBED_DIM), dtype=jnp.float32) * 0.02
    W1 = jax.random.normal(ks[2], (EMBED_DIM, HIDDEN_DIM), dtype=jnp.float32) * (1.0 / np.sqrt(EMBED_DIM))
    b1 = jnp.zeros((HIDDEN_DIM,), dtype=jnp.float32)
    W2 = jax.random.normal(ks[3], (HIDDEN_DIM, HIDDEN_DIM), dtype=jnp.float32) * (1.0 / np.sqrt(HIDDEN_DIM))
    b2 = jnp.zeros((HIDDEN_DIM,), dtype=jnp.float32)
    W3 = jax.random.normal(ks[4], (HIDDEN_DIM, NUM_CLASSES), dtype=jnp.float32) * (1.0 / np.sqrt(HIDDEN_DIM))
    b3 = jnp.zeros((NUM_CLASSES,), dtype=jnp.float32)
    return {"indices": indices, "table": table, "W1": W1, "b1": b1, "W2": W2, "b2": b2, "W3": W3, "b3": b3}

def reference(indices, table, W1, b1, W2, b2, W3, b3):
    # CBOW: embedding lookup of context words, summed over the sequence axis
    embeds = jnp.take(table, indices, axis=0)          # [B, L, E] gather
    embeds = jnp.sum(embeds, axis=1)                   # [B, E] bag-of-words sum
    # hidden layer 1: embedding_dim -> hidden_dim, relu
    out = jnp.dot(embeds, W1) + b1
    out = jax.nn.relu(out)
    # hidden layer 2: hidden_dim -> hidden_dim, relu
    out = jnp.dot(out, W2) + b2
    out = jax.nn.relu(out)
    # final layer: hidden_dim -> num_classes, log-softmax
    out = jnp.dot(out, W3) + b3
    out = jax.nn.log_softmax(out, axis=-1)
    return out

if __name__ == "__main__":
    import jax
    _d = setup_inputs()
    print(jax.jit(kernel)(*tuple(_d.values())))

</pallas_src>

<mosaic_0001>
#map = affine_map<(d0, d1) -> (0, 0)>
module attributes {stable_mosaic.version = 14 : i64} {
  func.func @_sc_body(%arg0: i32, %arg1: i32, %arg2: memref<16384x64xi32, #tpu.memory_space<hbm>>, %arg3: memref<1000000x32xf32, #tpu.memory_space<hbm>>, %arg4: memref<16384x32xf32, #tpu.memory_space<hbm>>, %arg5: memref<16x64xi32, #tpu.memory_space<vmem>>, %arg6: memref<16x64xi32, #tpu.memory_space<vmem>>, %arg7: memref<16x64x32xf32, #tpu.memory_space<vmem>>, %arg8: memref<16x64x32xf32, #tpu.memory_space<vmem>>, %arg9: memref<16x32xf32, #tpu.memory_space<vmem>>, %arg10: memref<16x32xf32, #tpu.memory_space<vmem>>, %arg11: memref<!tpu.dma_semaphore, #tpu.memory_space<semaphore_mem>>, %arg12: memref<!tpu.dma_semaphore, #tpu.memory_space<semaphore_mem>>, %arg13: memref<!tpu.dma_semaphore, #tpu.memory_space<semaphore_mem>>, %arg14: memref<!tpu.dma_semaphore, #tpu.memory_space<semaphore_mem>>, %arg15: memref<!tpu.dma_semaphore, #tpu.memory_space<semaphore_mem>>, %arg16: memref<!tpu.dma_semaphore, #tpu.memory_space<semaphore_mem>>) attributes {dimension_semantics = [#tpu.dimension_semantics<core_parallel>, #tpu.dimension_semantics<subcore_parallel>], iteration_bounds = array<i64: 2, 16>, scalar_prefetch = 0 : i64, scratch_operands = 12 : i64, tpu.core_type = #tpu.core_type<sc_vector_subcore>, window_params = [{transform_indices = #map}, {transform_indices = #map}, {transform_indices = #map}]} {
    %mul3A = arith.constant 2 : i32
    %mul3A_0 = arith.muli %arg1, %mul3A : i32
    %add3A = arith.addi %mul3A_0, %arg0 : i32
    %mul3A_1 = arith.constant 512 : i32
    %mul3A_2 = arith.muli %add3A, %mul3A_1 : i32
    %add3A_3 = arith.constant 0 : i32
    %add3A_4 = arith.addi %mul3A_2, %add3A_3 : i32
    %dma_start3A = arith.constant 0 : i32
    %dma_start3A_5 = tpu.memref_slice %arg2[%add3A_4, %dma_start3A] : memref<16384x64xi32, #tpu.memory_space<hbm>> -> memref<16x64xi32, #tpu.memory_space<hbm>>
    %dma_start3A_6 = arith.constant 0 : i32
    %dma_start3A_7 = tpu.memref_slice %arg2[%add3A_4, %dma_start3A_6] : memref<16384x64xi32, #tpu.memory_space<hbm>> -> memref<16x64xi32, #tpu.memory_space<hbm>>
    tpu.enqueue_dma source(%dma_start3A_7 : memref<16x64xi32, #tpu.memory_space<hbm>>) target(%arg5 : memref<16x64xi32, #tpu.memory_space<vmem>>) target_semaphore(%arg11 : memref<!tpu.dma_semaphore, #tpu.memory_space<semaphore_mem>>)
    %add3A_8 = arith.constant 16 : i32
    %add3A_9 = arith.addi %mul3A_2, %add3A_8 : i32
    %dma_start3A_10 = arith.constant 0 : i32
    %dma_start3A_11 = tpu.memref_slice %arg2[%add3A_9, %dma_start3A_10] : memref<16384x64xi32, #tpu.memory_space<hbm>> -> memref<16x64xi32, #tpu.memory_space<hbm>>
    %dma_start3A_12 = arith.constant 0 : i32
    %dma_start3A_13 = tpu.memref_slice %arg2[%add3A_9, %dma_start3A_12] : memref<16384x64xi32, #tpu.memory_space<hbm>> -> memref<16x64xi32, #tpu.memory_space<hbm>>
    tpu.enqueue_dma source(%dma_start3A_13 : memref<16x64xi32, #tpu.memory_space<hbm>>) target(%arg6 : memref<16x64xi32, #tpu.memory_space<vmem>>) target_semaphore(%arg12 : memref<!tpu.dma_semaphore, #tpu.memory_space<semaphore_mem>>)
    %add3A_14 = arith.constant 0 : i32
    %add3A_15 = arith.addi %mul3A_2, %add3A_14 : i32
    %dma_wait3A = arith.constant 0 : i32
    %dma_wait3A_16 = tpu.memref_slice %arg2[%add3A_15, %dma_wait3A] : memref<16384x64xi32, #tpu.memory_space<hbm>> -> memref<16x64xi32, #tpu.memory_space<hbm>>
    %dma_wait3A_17 = arith.constant 0 : i32
    %dma_wait3A_18 = tpu.memref_slice %arg2[%add3A_15, %dma_wait3A_17] : memref<16384x64xi32, #tpu.memory_space<hbm>> -> memref<16x64xi32, #tpu.memory_space<hbm>>
    tpu.wait_dma2 semaphore(%arg11 : memref<!tpu.dma_semaphore, #tpu.memory_space<semaphore_mem>>) src(%dma_wait3A_18 : memref<16x64xi32, #tpu.memory_space<hbm>>) dst(%arg5 : memref<16x64xi32, #tpu.memory_space<vmem>>)
    %dma_start3A_19 = arith.constant 0 : i32
    %dma_start3A_20 = arith.constant 0 : i32
    %dma_start3A_21 = arith.constant 0 : i32
    %dma_start3A_22 = arith.constant 0 : i32
    %dma_start3A_23 = tpu.memref_slice %arg7[%dma_start3A_20, %dma_start3A_21, %dma_start3A_22] : memref<16x64x32xf32, #tpu.memory_space<vmem>> -> memref<1x64x32xf32, #tpu.memory_space<vmem>>
    %dma_start3A_24 = tpu.memref_squeeze %dma_start3A_23 : memref<1x64x32xf32, #tpu.memory_space<vmem>> -> memref<64x32xf32, #tpu.memory_space<vmem>>
    %dma_start3A_25 = arith.constant 0 : i32
    %dma_start3A_26 = tpu.memref_slice %arg5[%dma_start3A_19, %dma_start3A_25] : memref<16x64xi32, #tpu.memory_space<vmem>> -> memref<1x64xi32, #tpu.memory_space<vmem>>
    %dma_start3A_27 = tpu.memref_squeeze %dma_start3A_26 : memref<1x64xi32, #tpu.memory_space<vmem>> -> memref<64xi32, #tpu.memory_space<vmem>>
    %dma_start3A_28 = arith.constant 0 : i32
    %dma_start3A_29 = arith.constant 0 : i32
    %dma_start3A_30 = tpu.memref_slice %arg3[%dma_start3A_28, %dma_start3A_29] : memref<1000000x32xf32, #tpu.memory_space<hbm>> -> memref<1000000x32xf32, #tpu.memory_space<hbm>>
    %dma_start3A_31 = arith.constant -1 : i32
    tpu.enqueue_indirect_dma source(%dma_start3A_30 : memref<1000000x32xf32, #tpu.memory_space<hbm>>) target(%dma_start3A_24 : memref<64x32xf32, #tpu.memory_space<vmem>>) offsets(%dma_start3A_27 : memref<64xi32, #tpu.memory_space<vmem>>) offset_filter(%dma_start3A_31) semaphore(%arg13 : memref<!tpu.dma_semaphore, #tpu.memory_space<semaphore_mem>>)
    %dma_start3A_32 = arith.constant 1 : i32
    %dma_start3A_33 = arith.constant 1 : i32
    %dma_start3A_34 = arith.constant 0 : i32
    %dma_start3A_35 = arith.constant 0 : i32
    %dma_start3A_36 = tpu.memref_slice %arg7[%dma_start3A_33, %dma_start3A_34, %dma_start3A_35] : memref<16x64x32xf32, #tpu.memory_space<vmem>> -> memref<1x64x32xf32, #tpu.memory_space<vmem>>
    %dma_start3A_37 = tpu.memref_squeeze %dma_start3A_36 : memref<1x64x32xf32, #tpu.memory_space<vmem>> -> memref<64x32xf32, #tpu.memory_space<vmem>>
    %dma_start3A_38 = arith.constant 0 : i32
    %dma_start3A_39 = tpu.memref_slice %arg5[%dma_start3A_32, %dma_start3A_38] : memref<16x64xi32, #tpu.memory_space<vmem>> -> memref<1x64xi32, #tpu.memory_space<vmem>>
    %dma_start3A_40 = tpu.memref_squeeze %dma_start3A_39 : memref<1x64xi32, #tpu.memory_space<vmem>> -> memref<64xi32, #tpu.memory_space<vmem>>
    %dma_start3A_41 = arith.constant 0 : i32
    %dma_start3A_42 = arith.constant 0 : i32
    %dma_start3A_43 = tpu.memref_slice %arg3[%dma_start3A_41, %dma_start3A_42] : memref<1000000x32xf32, #tpu.memory_space<hbm>> -> memref<1000000x32xf32, #tpu.memory_space<hbm>>
    %dma_start3A_44 = arith.constant -1 : i32
    tpu.enqueue_indirect_dma source(%dma_start3A_43 : memref<1000000x32xf32, #tpu.memory_space<hbm>>) target(%dma_start3A_37 : memref<64x32xf32, #tpu.memory_space<vmem>>) offsets(%dma_start3A_40 : memref<64xi32, #tpu.memory_space<vmem>>) offset_filter(%dma_start3A_44) semaphore(%arg13 : memref<!tpu.dma_semaphore, #tpu.memory_space<semaphore_mem>>)
    %dma_start3A_45 = arith.constant 2 : i32
    %dma_start3A_46 = arith.constant 2 : i32
    %dma_start3A_47 = arith.constant 0 : i32
    %dma_start3A_48 = arith.constant 0 : i32
    %dma_start3A_49 = tpu.memref_slice %arg7[%dma_start3A_46, %dma_start3A_47, %dma_start3A_48] : memref<16x64x32xf32, #tpu.memory_space<vmem>> -> memref<1x64x32xf32, #tpu.memory_space<vmem>>
    %dma_start3A_50 = tpu.memref_squeeze %dma_start3A_49 : memref<1x64x32xf32, #tpu.memory_space<vmem>> -> memref<64x32xf32, #tpu.memory_space<vmem>>
    %dma_start3A_51 = arith.constant 0 : i32
    %dma_start3A_52 = tpu.memref_slice %arg5[%dma_start3A_45, %dma_start3A_51] : memref<16x64xi32, #tpu.memory_space<vmem>> -> memref<1x64xi32, #tpu.memory_space<vmem>>
    %dma_start3A_53 = tpu.memref_squeeze %dma_start3A_52 : memref<1x64xi32, #tpu.memory_space<vmem>> -> memref<64xi32, #tpu.memory_space<vmem>>
    %dma_start3A_54 = arith.constant 0 : i32
    %dma_start3A_55 = arith.constant 0 : i32
    %dma_start3A_56 = tpu.memref_slice %arg3[%dma_start3A_54, %dma_start3A_55] : memref<1000000x32xf32, #tpu.memory_space<hbm>> -> memref<1000000x32xf32, #tpu.memory_space<hbm>>
    %dma_start3A_57 = arith.constant -1 : i32
    tpu.enqueue_indirect_dma source(%dma_start3A_56 : memref<1000000x32xf32, #tpu.memory_space<hbm>>) target(%dma_start3A_50 : memref<64x32xf32, #tpu.memory_space<vmem>>) offsets(%dma_start3A_53 : memref<64xi32, #tpu.memory_space<vmem>>) offset_filter(%dma_start3A_57) semaphore(%arg13 : memref<!tpu.dma_semaphore, #tpu.memory_space<semaphore_mem>>)
    %dma_start3A_58 = arith.constant 3 : i32
    %dma_start3A_59 = arith.constant 3 : i32
    %dma_start3A_60 = arith.constant 0 : i32
    %dma_start3A_61 = arith.constant 0 : i32
    %dma_start3A_62 = tpu.memref_slice %arg7[%dma_start3A_59, %dma_start3A_60, %dma_start3A_61] : memref<16x64x32xf32, #tpu.memory_space<vmem>> -> memref<1x64x32xf32, #tpu.memory_space<vmem>>
    %dma_start3A_63 = tpu.memref_squeeze %dma_start3A_62 : memref<1x64x32xf32, #tpu.memory_space<vmem>> -> memref<64x32xf32, #tpu.memory_space<vmem>>
    %dma_start3A_64 = arith.constant 0 : i32
    %dma_start3A_65 = tpu.memref_slice %arg5[%dma_start3A_58, %dma_start3A_64] : memref<16x64xi32, #tpu.memory_space<vmem>> -> memref<1x64xi32, #tpu.memory_space<vmem>>
    %dma_start3A_66 = tpu.memref_squeeze %dma_start3A_65 : memref<1x64xi32, #tpu.memory_space<vmem>> -> memref<64xi32, #tpu.memory_space<vmem>>
    %dma_start3A_67 = arith.constant 0 : i32
    %dma_start3A_68 = arith.constant 0 : i32
    %dma_start3A_69 = tpu.memref_slice %arg3[%dma_start3A_67, %dma_start3A_68] : memref<1000000x32xf32, #tpu.memory_space<hbm>> -> memref<1000000x32xf32, #tpu.memory_space<hbm>>
    %dma_start3A_70 = arith.constant -1 : i32
    tpu.enqueue_indirect_dma source(%dma_start3A_69 : memref<1000000x32xf32, #tpu.memory_space<hbm>>) target(%dma_start3A_63 : memref<64x32xf32, #tpu.memory_space<vmem>>) offsets(%dma_start3A_66 : memref<64xi32, #tpu.memory_space<vmem>>) offset_filter(%dma_start3A_70) semaphore(%arg13 : memref<!tpu.dma_semaphore, #tpu.memory_space<semaphore_mem>>)
    %dma_start3A_71 = arith.constant 4 : i32
    %dma_start3A_72 = arith.constant 4 : i32
    %dma_start3A_73 = arith.constant 0 : i32
    %dma_start3A_74 = arith.constant 0 : i32
    %dma_start3A_75 = tpu.memref_slice %arg7[%dma_start3A_72, %dma_start3A_73, %dma_start3A_74] : memref<16x64x32xf32, #tpu.memory_space<vmem>> -> memref<1x64x32xf32, #tpu.memory_space<vmem>>
    %dma_start3A_76 = tpu.memref_squeeze %dma_start3A_75 : memref<1x64x32xf32, #tpu.memory_space<vmem>> -> memref<64x32xf32, #tpu.memory_space<vmem>>
    %dma_start3A_77 = arith.constant 0 : i32
    %dma_start3A_78 = tpu.memref_slice %arg5[%dma_start3A_71, %dma_start3A_77] : memref<16x64xi32, #tpu.memory_space<vmem>> -> memref<1x64xi32, #tpu.memory_space<vmem>>
    %dma_start3A_79 = tpu.memref_squeeze %dma_start3A_78 : memref<1x64xi32, #tpu.memory_space<vmem>> -> memref<64xi32, #tpu.memory_space<vmem>>
    %dma_start3A_80 = arith.constant 0 : i32
    %dma_start3A_81 = arith.constant 0 : i32
    %dma_start3A_82 = tpu.memref_slice %arg3[%dma_start3A_80, %dma_start3A_81] : memref<1000000x32xf32, #tpu.memory_space<hbm>> -> memref<1000000x32xf32, #tpu.memory_space<hbm>>
    %dma_start3A_83 = arith.constant -1 : i32
    tpu.enqueue_indirect_dma source(%dma_start3A_82 : memref<1000000x32xf32, #tpu.memory_space<hbm>>) target(%dma_start3A_76 : memref<64x32xf32, #tpu.memory_space<vmem>>) offsets(%dma_start3A_79 : memref<64xi32, #tpu.memory_space<vmem>>) offset_filter(%dma_start3A_83) semaphore(%arg13 : memref<!tpu.dma_semaphore, #tpu.memory_space<semaphore_mem>>)
    %dma_start3A_84 = arith.constant 5 : i32
    %dma_start3A_85 = arith.constant 5 : i32
    %dma_start3A_86 = arith.constant 0 : i32
    %dma_start3A_87 = arith.constant 0 : i32
    %dma_start3A_88 = tpu.memref_slice %arg7[%dma_start3A_85, %dma_start3A_86, %dma_start3A_87] : memref<16x64x32xf32, #tpu.memory_space<vmem>> -> memref<1x64x32xf32, #tpu.memory_space<vmem>>
    %dma_start3A_89 = tpu.memref_squeeze %dma_start3A_88 : memref<1x64x32xf32, #tpu.memory_space<vmem>> -> memref<64x32xf32, #tpu.memory_space<vmem>>
    %dma_start3A_90 = arith.constant 0 : i32
    %dma_start3A_91 = tpu.memref_slice %arg5[%dma_start3A_84, %dma_start3A_90] : memref<16x64xi32, #tpu.memory_space<vmem>> -> memref<1x64xi32, #tpu.memory_space<vmem>>
    %dma_start3A_92 = tpu.memref_squeeze %dma_start3A_91 : memref<1x64xi32, #tpu.memory_space<vmem>> -> memref<64xi32, #tpu.memory_space<vmem>>
    %dma_start3A_93 = arith.constant 0 : i32
    %dma_start3A_94 = arith.constant 0 : i32
    %dma_start3A_95 = tpu.memref_slice %arg3[%dma_start3A_93, %dma_start3A_94] : memref<1000000x32xf32, #tpu.memory_space<hbm>> -> memref<1000000x32xf32, #tpu.memory_space<hbm>>
    %dma_start3A_96 = arith.constant -1 : i32
    tpu.enqueue_indirect_dma source(%dma_start3A_95 : memref<1000000x32xf32, #tpu.memory_space<hbm>>) target(%dma_start3A_89 : memref<64x32xf32, #tpu.memory_space<vmem>>) offsets(%dma_start3A_92 : memref<64xi32, #tpu.memory_space<vmem>>) offset_filter(%dma_start3A_96) semaphore(%arg13 : memref<!tpu.dma_semaphore, #tpu.memory_space<semaphore_mem>>)
    %dma_start3A_97 = arith.constant 6 : i32
    %dma_start3A_98 = arith.constant 6 : i32
    %dma_start3A_99 = arith.constant 0 : i32
    %dma_start3A_100 = arith.constant 0 : i32
    %dma_start3A_101 = tpu.memref_slice %arg7[%dma_start3A_98, %dma_start3A_99, %dma_start3A_100] : memref<16x64x32xf32, #tpu.memory_space<vmem>> -> memref<1x64x32xf32, #tpu.memory_space<vmem>>
    %dma_start3A_102 = tpu.memref_squeeze %dma_start3A_101 : memref<1x64x32xf32, #tpu.memory_space<vmem>> -> memref<64x32xf32, #tpu.memory_space<vmem>>
    %dma_start3A_103 = arith.constant 0 : i32
    %dma_start3A_104 = tpu.memref_slice %arg5[%dma_start3A_97, %dma_start3A_103] : memref<16x64xi32, #tpu.memory_space<vmem>> -> memref<1x64xi32, #tpu.memory_space<vmem>>
    %dma_start3A_105 = tpu.memref_squeeze %dma_start3A_104 : memref<1x64xi32, #tpu.memory_space<vmem>> -> memref<64xi32, #tpu.memory_space<vmem>>
    %dma_start3A_106 = arith.constant 0 : i32
    %dma_start3A_107 = arith.constant 0 : i32
    %dma_start3A_108 = tpu.memref_slice %arg3[%dma_start3A_106, %dma_start3A_107] : memref<1000000x32xf32, #tpu.memory_space<hbm>> -> memref<1000000x32xf32, #tpu.memory_space<hbm>>
    %dma_start3A_109 = arith.constant -1 : i32
    tpu.enqueue_indirect_dma source(%dma_start3A_108 : memref<1000000x32xf32, #tpu.memory_space<hbm>>) target(%dma_start3A_102 : memref<64x32xf32, #tpu.memory_space<vmem>>) offsets(%dma_start3A_105 : memref<64xi32, #tpu.memory_space<vmem>>) offset_filter(%dma_start3A_109) semaphore(%arg13 : memref<!tpu.dma_semaphore, #tpu.memory_space<semaphore_mem>>)
    %dma_start3A_110 = arith.constant 7 : i32
    %dma_start3A_111 = arith.constant 7 : i32
    %dma_start3A_112 = arith.constant 0 : i32
    %dma_start3A_113 = arith.constant 0 : i32
    %dma_start3A_114 = tpu.memref_slice %arg7[%dma_start3A_111, %dma_start3A_112, %dma_start3A_113] : memref<16x64x32xf32, #tpu.memory_space<vmem>> -> memref<1x64x32xf32, #tpu.memory_space<vmem>>
    %dma_start3A_115 = tpu.memref_squeeze %dma_start3A_114 : memref<1x64x32xf32, #tpu.memory_space<vmem>> -> memref<64x32xf32, #tpu.memory_space<vmem>>
    %dma_start3A_116 = arith.constant 0 : i32
    %dma_start3A_117 = tpu.memref_slice %arg5[%dma_start3A_110, %dma_start3A_116] : memref<16x64xi32, #tpu.memory_space<vmem>> -> memref<1x64xi32, #tpu.memory_space<vmem>>
    %dma_start3A_118 = tpu.memref_squeeze %dma_start3A_117 : memref<1x64xi32, #tpu.memory_space<vmem>> -> memref<64xi32, #tpu.memory_space<vmem>>
    %dma_start3A_119 = arith.constant 0 : i32
    %dma_start3A_120 = arith.constant 0 : i32
    %dma_start3A_121 = tpu.memref_slice %arg3[%dma_start3A_119, %dma_start3A_120] : memref<1000000x32xf32, #tpu.memory_space<hbm>> -> memref<1000000x32xf32, #tpu.memory_space<hbm>>
    %dma_start3A_122 = arith.constant -1 : i32
    tpu.enqueue_indirect_dma source(%dma_start3A_121 : memref<1000000x32xf32, #tpu.memory_space<hbm>>) target(%dma_start3A_115 : memref<64x32xf32, #tpu.memory_space<vmem>>) offsets(%dma_start3A_118 : memref<64xi32, #tpu.memory_space<vmem>>) offset_filter(%dma_start3A_122) semaphore(%arg13 : memref<!tpu.dma_semaphore, #tpu.memory_space<semaphore_mem>>)
    %dma_start3A_123 = arith.constant 8 : i32
    %dma_start3A_124 = arith.constant 8 : i32
    %dma_start3A_125 = arith.constant 0 : i32
    %dma_start3A_126 = arith.constant 0 : i32
    %dma_start3A_127 = tpu.memref_slice %arg7[%dma_start3A_124, %dma_start3A_125, %dma_start3A_126] : memref<16x64x32xf32, #tpu.memory_space<vmem>> -> memref<1x64x32xf32, #tpu.memory_space<vmem>>
    %dma_start3A_128 = tpu.memref_squeeze %dma_start3A_127 : memref<1x64x32xf32, #tpu.memory_space<vmem>> -> memref<64x32xf32, #tpu.memory_space<vmem>>
    %dma_start3A_129 = arith.constant 0 : i32
    %dma_start3A_130 = tpu.memref_slice %arg5[%dma_start3A_123, %dma_start3A_129] : memref<16x64xi32, #tpu.memory_space<vmem>> -> memref<1x64xi32, #tpu.memory_space<vmem>>
    %dma_start3A_131 = tpu.memref_squeeze %dma_start3A_130 : memref<1x64xi32, #tpu.memory_space<vmem>> -> memref<64xi32, #tpu.memory_space<vmem>>
    %dma_start3A_132 = arith.constant 0 : i32
    %dma_start3A_133 = arith.constant 0 : i32
    %dma_start3A_134 = tpu.memref_slice %arg3[%dma_start3A_132, %dma_start3A_133] : memref<1000000x32xf32, #tpu.memory_space<hbm>> -> memref<1000000x32xf32, #tpu.memory_space<hbm>>
    %dma_start3A_135 = arith.constant -1 : i32
    tpu.enqueue_indirect_dma source(%dma_start3A_134 : memref<1000000x32xf32, #tpu.memory_space<hbm>>) target(%dma_start3A_128 : memref<64x32xf32, #tpu.memory_space<vmem>>) offsets(%dma_start3A_131 : memref<64xi32, #tpu.memory_space<vmem>>) offset_filter(%dma_start3A_135) semaphore(%arg13 : memref<!tpu.dma_semaphore, #tpu.memory_space<semaphore_mem>>)
    %dma_start3A_136 = arith.constant 9 : i32
    %dma_start3A_137 = arith.constant 9 : i32
    %dma_start3A_138 = arith.constant 0 : i32
    %dma_start3A_139 = arith.constant 0 : i32
    %dma_start3A_140 = tpu.memref_slice %arg7[%dma_start3A_137, %dma_start3A_138, %dma_start3A_139] : memref<16x64x32xf32, #tpu.memory_space<vmem>> -> memref<1x64x32xf32, #tpu.memory_space<vmem>>
    %dma_start3A_141 = tpu.memref_squeeze %dma_start3A_140 : memref<1x64x32xf32, #tpu.memory_space<vmem>> -> memref<64x32xf32, #tpu.memory_space<vmem>>
    %dma_start3A_142 = arith.constant 0 : i32
    %dma_start3A_143 = tpu.memref_slice %arg5[%dma_start3A_136, %dma_start3A_142] : memref<16x64xi32, #tpu.memory_space<vmem>> -> memref<1x64xi32, #tpu.memory_space<vmem>>
    %dma_start3A_144 = tpu.memref_squeeze %dma_start3A_143 : memref<1x64xi32, #tpu.memory_space<vmem>> -> memref<64xi32, #tpu.memory_space<vmem>>
    %dma_start3A_145 = arith.constant 0 : i32
    %dma_start3A_146 = arith.constant 0 : i32
    %dma_start3A_147 = tpu.memref_slice %arg3[%dma_start3A_145, %dma_start3A_146] : memref<1000000x32xf32, #tpu.memory_space<hbm>> -> memref<1000000x32xf32, #tpu.memory_space<hbm>>
    %dma_start3A_148 = arith.constant -1 : i32
    tpu.enqueue_indirect_dma source(%dma_start3A_147 : memref<1000000x32xf32, #tpu.memory_space<hbm>>) target(%dma_start3A_141 : memref<64x32xf32, #tpu.memory_space<vmem>>) offsets(%dma_start3A_144 : memref<64xi32, #tpu.memory_space<vmem>>) offset_filter(%dma_start3A_148) semaphore(%arg13 : memref<!tpu.dma_semaphore, #tpu.memory_space<semaphore_mem>>)
    %dma_start3A_149 = arith.constant 10 : i32
    %dma_start3A_150 = arith.constant 10 : i32
    %dma_start3A_151 = arith.constant 0 : i32
    %dma_start3A_152 = arith.constant 0 : i32
    %dma_start3A_153 = tpu.memref_slice %arg7[%dma_start3A_150, %dma_start3A_151, %dma_start3A_152] : memref<16x64x32xf32, #tpu.memory_space<vmem>> -> memref<1x64x32xf32, #tpu.memory_space<vmem>>
    %dma_start3A_154 = tpu.memref_squeeze %dma_start3A_153 : memref<1x64x32xf32, #tpu.memory_space<vmem>> -> memref<64x32xf32, #tpu.memory_space<vmem>>
    %dma_start3A_155 = arith.constant 0 : i32
    %dma_start3A_156 = tpu.memref_slice %arg5[%dma_start3A_149, %dma_start3A_155] : memref<16x64xi32, #tpu.memory_space<vmem>> -> memref<1x64xi32, #tpu.memory_space<vmem>>
    %dma_start3A_157 = tpu.memref_squeeze %dma_start3A_156 : memref<1x64xi32, #tpu.memory_space<vmem>> -> memref<64xi32, #tpu.memory_space<vmem>>
    %dma_start3A_158 = arith.constant 0 : i32
    %dma_start3A_159 = arith.constant 0 : i32
    %dma_start3A_160 = tpu.memref_slice %arg3[%dma_start3A_158, %dma_start3A_159] : memref<1000000x32xf32, #tpu.memory_space<hbm>> -> memref<1000000x32xf32, #tpu.memory_space<hbm>>
    %dma_start3A_161 = arith.constant -1 : i32
    tpu.enqueue_indirect_dma source(%dma_start3A_160 : memref<1000000x32xf32, #tpu.memory_space<hbm>>) target(%dma_start3A_154 : memref<64x32xf32, #tpu.memory_space<vmem>>) offsets(%dma_start3A_157 : memref<64xi32, #tpu.memory_space<vmem>>) offset_filter(%dma_start3A_161) semaphore(%arg13 : memref<!tpu.dma_semaphore, #tpu.memory_space<semaphore_mem>>)
    %dma_start3A_162 = arith.constant 11 : i32
    %dma_start3A_163 = arith.constant 11 : i32
    %dma_start3A_164 = arith.constant 0 : i32
    %dma_start3A_165 = arith.constant 0 : i32
    %dma_start3A_166 = tpu.memref_slice %arg7[%dma_start3A_163, %dma_start3A_164, %dma_start3A_165] : memref<16x64x32xf32, #tpu.memory_space<vmem>> -> memref<1x64x32xf32, #tpu.memory_space<vmem>>
    %dma_start3A_167 = tpu.memref_squeeze %dma_start3A_166 : memref<1x64x32xf32, #tpu.memory_space<vmem>> -> memref<64x32xf32, #tpu.memory_space<vmem>>
    %dma_start3A_168 = arith.constant 0 : i32
    %dma_start3A_169 = tpu.memref_slice %arg5[%dma_start3A_162, %dma_start3A_168] : memref<16x64xi32, #tpu.memory_space<vmem>> -> memref<1x64xi32, #tpu.memory_space<vmem>>
    %dma_start3A_170 = tpu.memref_squeeze %dma_start3A_169 : memref<1x64xi32, #tpu.memory_space<vmem>> -> memref<64xi32, #tpu.memory_space<vmem>>
    %dma_start3A_171 = arith.constant 0 : i32
    %dma_start3A_172 = arith.constant 0 : i32
    %dma_start3A_173 = tpu.memref_slice %arg3[%dma_start3A_171, %dma_start3A_172] : memref<1000000x32xf32, #tpu.memory_space<hbm>> -> memref<1000000x32xf32, #tpu.memory_space<hbm>>
    %dma_start3A_174 = arith.constant -1 : i32
    tpu.enqueue_indirect_dma source(%dma_start3A_173 : memref<1000000x32xf32, #tpu.memory_space<hbm>>) target(%dma_start3A_167 : memref<64x32xf32, #tpu.memory_space<vmem>>) offsets(%dma_start3A_170 : memref<64xi32, #tpu.memory_space<vmem>>) offset_filter(%dma_start3A_174) semaphore(%arg13 : memref<!tpu.dma_semaphore, #tpu.memory_space<semaphore_mem>>)
    %dma_start3A_175 = arith.constant 12 : i32
    %dma_start3A_176 = arith.constant 12 : i32
    %dma_start3A_177 = arith.constant 0 : i32
    %dma_start3A_178 = arith.constant 0 : i32
    %dma_start3A_179 = tpu.memref_slice %arg7[%dma_start3A_176, %dma_start3A_177, %dma_start3A_178] : memref<16x64x32xf32, #tpu.memory_space<vmem>> -> memref<1x64x32xf32, #tpu.memory_space<vmem>>
    %dma_start3A_180 = tpu.memref_squeeze %dma_start3A_179 : memref<1x64x32xf32, #tpu.memory_space<vmem>> -> memref<64x32xf32, #tpu.memory_space<vmem>>
    %dma_start3A_181 = arith.constant 0 : i32
    %dma_start3A_182 = tpu.memref_slice %arg5[%dma_start3A_175, %dma_start3A_181] : memref<16x64xi32, #tpu.memory_space<vmem>> -> memref<1x64xi32, #tpu.memory_space<vmem>>
    %dma_start3A_183 = tpu.memref_squeeze %dma_start3A_182 : memref<1x64xi32, #tpu.memory_space<vmem>> -> memref<64xi32, #tpu.memory_space<vmem>>
    %dma_start3A_184 = arith.constant 0 : i32
    %dma_start3A_185 = arith.constant 0 : i32
    %dma_start3A_186 = tpu.memref_slice %arg3[%dma_start3A_184, %dma_start3A_185] : memref<1000000x32xf32, #tpu.memory_space<hbm>> -> memref<1000000x32xf32, #tpu.memory_space<hbm>>
    %dma_start3A_187 = arith.constant -1 : i32
    tpu.enqueue_indirect_dma source(%dma_start3A_186 : memref<1000000x32xf32, #tpu.memory_space<hbm>>) target(%dma_start3A_180 : memref<64x32xf32, #tpu.memory_space<vmem>>) offsets(%dma_start3A_183 : memref<64xi32, #tpu.memory_space<vmem>>) offset_filter(%dma_start3A_187) semaphore(%arg13 : memref<!tpu.dma_semaphore, #tpu.memory_space<semaphore_mem>>)
    %dma_start3A_188 = arith.constant 13 : i32
    %dma_start3A_189 = arith.constant 13 : i32
    %dma_start3A_190 = arith.constant 0 : i32
    %dma_start3A_191 = arith.constant 0 : i32
    %dma_start3A_192 = tpu.memref_slice %arg7[%dma_start3A_189, %dma_start3A_190, %dma_start3A_191] : memref<16x64x32xf32, #tpu.memory_space<vmem>> -> memref<1x64x32xf32, #tpu.memory_space<vmem>>
    %dma_start3A_193 = tpu.memref_squeeze %dma_start3A_192 : memref<1x64x32xf32, #tpu.memory_space<vmem>> -> memref<64x32xf32, #tpu.memory_space<vmem>>
    %dma_start3A_194 = arith.constant 0 : i32
    %dma_start3A_195 = tpu.memref_slice %arg5[%dma_start3A_188, %dma_start3A_194] : memref<16x64xi32, #tpu.memory_space<vmem>> -> memref<1x64xi32, #tpu.memory_space<vmem>>
    %dma_start3A_196 = tpu.memref_squeeze %dma_start3A_195 : memref<1x64xi32, #tpu.memory_space<vmem>> -> memref<64xi32, #tpu.memory_space<vmem>>
    %dma_start3A_197 = arith.constant 0 : i32
    %dma_start3A_198 = arith.constant 0 : i32
    %dma_start3A_199 = tpu.memref_slice %arg3[%dma_start3A_197, %dma_start3A_198] : memref<1000000x32xf32, #tpu.memory_space<hbm>> -> memref<1000000x32xf32, #tpu.memory_space<hbm>>
    %dma_start3A_200 = arith.constant -1 : i32
    tpu.enqueue_indirect_dma source(%dma_start3A_199 : memref<1000000x32xf32, #tpu.memory_space<hbm>>) target(%dma_start3A_193 : memref<64x32xf32, #tpu.memory_space<vmem>>) offsets(%dma_start3A_196 : memref<64xi32, #tpu.memory_space<vmem>>) offset_filter(%dma_start3A_200) semaphore(%arg13 : memref<!tpu.dma_semaphore, #tpu.memory_space<semaphore_mem>>)
    %dma_start3A_201 = arith.constant 14 : i32
    %dma_start3A_202 = arith.constant 14 : i32
    %dma_start3A_203 = arith.constant 0 : i32
    %dma_start3A_204 = arith.constant 0 : i32
    %dma_start3A_205 = tpu.memref_slice %arg7[%dma_start3A_202, %dma_start3A_203, %dma_start3A_204] : memref<16x64x32xf32, #tpu.memory_space<vmem>> -> memref<1x64x32xf32, #tpu.memory_space<vmem>>
    %dma_start3A_206 = tpu.memref_squeeze %dma_start3A_205 : memref<1x64x32xf32, #tpu.memory_space<vmem>> -> memref<64x32xf32, #tpu.memory_space<vmem>>
    %dma_start3A_207 = arith.constant 0 : i32
    %dma_start3A_208 = tpu.memref_slice %arg5[%dma_start3A_201, %dma_start3A_207] : memref<16x64xi32, #tpu.memory_space<vmem>> -> memref<1x64xi32, #tpu.memory_space<vmem>>
    %dma_start3A_209 = tpu.memref_squeeze %dma_start3A_208 : memref<1x64xi32, #tpu.memory_space<vmem>> -> memref<64xi32, #tpu.memory_space<vmem>>
    %dma_start3A_210 = arith.constant 0 : i32
    %dma_start3A_211 = arith.constant 0 : i32
    %dma_start3A_212 = tpu.memref_slice %arg3[%dma_start3A_210, %dma_start3A_211] : memref<1000000x32xf32, #tpu.memory_space<hbm>> -> memref<1000000x32xf32, #tpu.memory_space<hbm>>
    %dma_start3A_213 = arith.constant -1 : i32
    tpu.enqueue_indirect_dma source(%dma_start3A_212 : memref<1000000x32xf32, #tpu.memory_space<hbm>>) target(%dma_start3A_206 : memref<64x32xf32, #tpu.memory_space<vmem>>) offsets(%dma_start3A_209 : memref<64xi32, #tpu.memory_space<vmem>>) offset_filter(%dma_start3A_213) semaphore(%arg13 : memref<!tpu.dma_semaphore, #tpu.memory_space<semaphore_mem>>)
    %dma_start3A_214 = arith.constant 15 : i32
    %dma_start3A_215 = arith.constant 15 : i32
    %dma_start3A_216 = arith.constant 0 : i32
    %dma_start3A_217 = arith.constant 0 : i32
    %dma_start3A_218 = tpu.memref_slice %arg7[%dma_start3A_215, %dma_start3A_216, %dma_start3A_217] : memref<16x64x32xf32, #tpu.memory_space<vmem>> -> memref<1x64x32xf32, #tpu.memory_space<vmem>>
    %dma_start3A_219 = tpu.memref_squeeze %dma_start3A_218 : memref<1x64x32xf32, #tpu.memory_space<vmem>> -> memref<64x32xf32, #tpu.memory_space<vmem>>
    %dma_start3A_220 = arith.constant 0 : i32
    %dma_start3A_221 = tpu.memref_slice %arg5[%dma_start3A_214, %dma_start3A_220] : memref<16x64xi32, #tpu.memory_space<vmem>> -> memref<1x64xi32, #tpu.memory_space<vmem>>
    %dma_start3A_222 = tpu.memref_squeeze %dma_start3A_221 : memref<1x64xi32, #tpu.memory_space<vmem>> -> memref<64xi32, #tpu.memory_space<vmem>>
    %dma_start3A_223 = arith.constant 0 : i32
    %dma_start3A_224 = arith.constant 0 : i32
    %dma_start3A_225 = tpu.memref_slice %arg3[%dma_start3A_223, %dma_start3A_224] : memref<1000000x32xf32, #tpu.memory_space<hbm>> -> memref<1000000x32xf32, #tpu.memory_space<hbm>>
    %dma_start3A_226 = arith.constant -1 : i32
    tpu.enqueue_indirect_dma source(%dma_start3A_225 : memref<1000000x32xf32, #tpu.memory_space<hbm>>) target(%dma_start3A_219 : memref<64x32xf32, #tpu.memory_space<vmem>>) offsets(%dma_start3A_222 : memref<64xi32, #tpu.memory_space<vmem>>) offset_filter(%dma_start3A_226) semaphore(%arg13 : memref<!tpu.dma_semaphore, #tpu.memory_space<semaphore_mem>>)
    %add3A_227 = arith.constant 16 : i32
    %add3A_228 = arith.addi %mul3A_2, %add3A_227 : i32
    %dma_wait3A_229 = arith.constant 0 : i32
    %dma_wait3A_230 = tpu.memref_slice %arg2[%add3A_228, %dma_wait3A_229] : memref<16384x64xi32, #tpu.memory_space<hbm>> -> memref<16x64xi32, #tpu.memory_space<hbm>>
    %dma_wait3A_231 = arith.constant 0 : i32
    %dma_wait3A_232 = tpu.memref_slice %arg2[%add3A_228, %dma_wait3A_231] : memref<16384x64xi32, #tpu.memory_space<hbm>> -> memref<16x64xi32, #tpu.memory_space<hbm>>
    tpu.wait_dma2 semaphore(%arg12 : memref<!tpu.dma_semaphore, #tpu.memory_space<semaphore_mem>>) src(%dma_wait3A_232 : memref<16x64xi32, #tpu.memory_space<hbm>>) dst(%arg6 : memref<16x64xi32, #tpu.memory_space<vmem>>)
    %dma_start3A_233 = arith.constant 0 : i32
    %dma_start3A_234 = arith.constant 0 : i32
    %dma_start3A_235 = arith.constant 0 : i32
    %dma_start3A_236 = arith.constant 0 : i32
    %dma_start3A_237 = tpu.memref_slice %arg8[%dma_start3A_234, %dma_start3A_235, %dma_start3A_236] : memref<16x64x32xf32, #tpu.memory_space<vmem>> -> memref<1x64x32xf32, #tpu.memory_space<vmem>>
    %dma_start3A_238 = tpu.memref_squeeze %dma_start3A_237 : memref<1x64x32xf32, #tpu.memory_space<vmem>> -> memref<64x32xf32, #tpu.memory_space<vmem>>
    %dma_start3A_239 = arith.constant 0 : i32
    %dma_start3A_240 = tpu.memref_slice %arg6[%dma_start3A_233, %dma_start3A_239] : memref<16x64xi32, #tpu.memory_space<vmem>> -> memref<1x64xi32, #tpu.memory_space<vmem>>
    %dma_start3A_241 = tpu.memref_squeeze %dma_start3A_240 : memref<1x64xi32, #tpu.memory_space<vmem>> -> memref<64xi32, #tpu.memory_space<vmem>>
    %dma_start3A_242 = arith.constant 0 : i32
    %dma_start3A_243 = arith.constant 0 : i32
    %dma_start3A_244 = tpu.memref_slice %arg3[%dma_start3A_242, %dma_start3A_243] : memref<1000000x32xf32, #tpu.memory_space<hbm>> -> memref<1000000x32xf32, #tpu.memory_space<hbm>>
    %dma_start3A_245 = arith.constant -1 : i32
    tpu.enqueue_indirect_dma source(%dma_start3A_244 : memref<1000000x32xf32, #tpu.memory_space<hbm>>) target(%dma_start3A_238 : memref<64x32xf32, #tpu.memory_space<vmem>>) offsets(%dma_start3A_241 : memref<64xi32, #tpu.memory_space<vmem>>) offset_filter(%dma_start3A_245) semaphore(%arg14 : memref<!tpu.dma_semaphore, #tpu.memory_space<semaphore_mem>>)
    %dma_start3A_246 = arith.constant 1 : i32
    %dma_start3A_247 = arith.constant 1 : i32
    %dma_start3A_248 = arith.constant 0 : i32
    %dma_start3A_249 = arith.constant 0 : i32
    %dma_start3A_250 = tpu.memref_slice %arg8[%dma_start3A_247, %dma_start3A_248, %dma_start3A_249] : memref<16x64x32xf32, #tpu.memory_space<vmem>> -> memref<1x64x32xf32, #tpu.memory_space<vmem>>
    %dma_start3A_251 = tpu.memref_squeeze %dma_start3A_250 : memref<1x64x32xf32, #tpu.memory_space<vmem>> -> memref<64x32xf32, #tpu.memory_space<vmem>>
    %dma_start3A_252 = arith.constant 0 : i32
    %dma_start3A_253 = tpu.memref_slice %arg6[%dma_start3A_246, %dma_start3A_252] : memref<16x64xi32, #tpu.memory_space<vmem>> -> memref<1x64xi32, #tpu.memory_space<vmem>>
    %dma_start3A_254 = tpu.memref_squeeze %dma_start3A_253 : memref<1x64xi32, #tpu.memory_space<vmem>> -> memref<64xi32, #tpu.memory_space<vmem>>
    %dma_start3A_255 = arith.constant 0 : i32
    %dma_start3A_256 = arith.constant 0 : i32
    %dma_start3A_257 = tpu.memref_slice %arg3[%dma_start3A_255, %dma_start3A_256] : memref<1000000x32xf32, #tpu.memory_space<hbm>> -> memref<1000000x32xf32, #tpu.memory_space<hbm>>
    %dma_start3A_258 = arith.constant -1 : i32
    tpu.enqueue_indirect_dma source(%dma_start3A_257 : memref<1000000x32xf32, #tpu.memory_space<hbm>>) target(%dma_start3A_251 : memref<64x32xf32, #tpu.memory_space<vmem>>) offsets(%dma_start3A_254 : memref<64xi32, #tpu.memory_space<vmem>>) offset_filter(%dma_start3A_258) semaphore(%arg14 : memref<!tpu.dma_semaphore, #tpu.memory_space<semaphore_mem>>)
    %dma_start3A_259 = arith.constant 2 : i32
    %dma_start3A_260 = arith.constant 2 : i32
    %dma_start3A_261 = arith.constant 0 : i32
    %dma_start3A_262 = arith.constant 0 : i32
    %dma_start3A_263 = tpu.memref_slice %arg8[%dma_start3A_260, %dma_start3A_261, %dma_start3A_262] : memref<16x64x32xf32, #tpu.memory_space<vmem>> -> memref<1x64x32xf32, #tpu.memory_space<vmem>>
    %dma_start3A_264 = tpu.memref_squeeze %dma_start3A_263 : memref<1x64x32xf32, #tpu.memory_space<vmem>> -> memref<64x32xf32, #tpu.memory_space<vmem>>
    %dma_start3A_265 = arith.constant 0 : i32
    %dma_start3A_266 = tpu.memref_slice %arg6[%dma_start3A_259, %dma_start3A_265] : memref<16x64xi32, #tpu.memory_space<vmem>> -> memref<1x64xi32, #tpu.memory_space<vmem>>
    %dma_start3A_267 = tpu.memref_squeeze %dma_start3A_266 : memref<1x64xi32, #tpu.memory_space<vmem>> -> memref<64xi32, #tpu.memory_space<vmem>>
    %dma_start3A_268 = arith.constant 0 : i32
    %dma_start3A_269 = arith.constant 0 : i32
    %dma_start3A_270 = tpu.memref_slice %arg3[%dma_start3A_268, %dma_start3A_269] : memref<1000000x32xf32, #tpu.memory_space<hbm>> -> memref<1000000x32xf32, #tpu.memory_space<hbm>>
    %dma_start3A_271 = arith.constant -1 : i32
    tpu.enqueue_indirect_dma source(%dma_start3A_270 : memref<1000000x32xf32, #tpu.memory_space<hbm>>) target(%dma_start3A_264 : memref<64x32xf32, #tpu.memory_space<vmem>>) offsets(%dma_start3A_267 : memref<64xi32, #tpu.memory_space<vmem>>) offset_filter(%dma_start3A_271) semaphore(%arg14 : memref<!tpu.dma_semaphore, #tpu.memory_space<semaphore_mem>>)
    %dma_start3A_272 = arith.constant 3 : i32
    %dma_start3A_273 = arith.constant 3 : i32
    %dma_start3A_274 = arith.constant 0 : i32
    %dma_start3A_275 = arith.constant 0 : i32
    %dma_start3A_276 = tpu.memref_slice %arg8[%dma_start3A_273, %dma_start3A_274, %dma_start3A_275] : memref<16x64x32xf32, #tpu.memory_space<vmem>> -> memref<1x64x32xf32, #tpu.memory_space<vmem>>
    %dma_start3A_277 = tpu.memref_squeeze %dma_start3A_276 : memref<1x64x32xf32, #tpu.memory_space<vmem>> -> memref<64x32xf32, #tpu.memory_space<vmem>>
    %dma_start3A_278 = arith.constant 0 : i32
    %dma_start3A_279 = tpu.memref_slice %arg6[%dma_start3A_272, %dma_start3A_278] : memref<16x64xi32, #tpu.memory_space<vmem>> -> memref<1x64xi32, #tpu.memory_space<vmem>>
    %dma_start3A_280 = tpu.memref_squeeze %dma_start3A_279 : memref<1x64xi32, #tpu.memory_space<vmem>> -> memref<64xi32, #tpu.memory_space<vmem>>
    %dma_start3A_281 = arith.constant 0 : i32
    %dma_start3A_282 = arith.constant 0 : i32
    %dma_start3A_283 = tpu.memref_slice %arg3[%dma_start3A_281, %dma_start3A_282] : memref<1000000x32xf32, #tpu.memory_space<hbm>> -> memref<1000000x32xf32, #tpu.memory_space<hbm>>
    %dma_start3A_284 = arith.constant -1 : i32
    tpu.enqueue_indirect_dma source(%dma_start3A_283 : memref<1000000x32xf32, #tpu.memory_space<hbm>>) target(%dma_start3A_277 : memref<64x32xf32, #tpu.memory_space<vmem>>) offsets(%dma_start3A_280 : memref<64xi32, #tpu.memory_space<vmem>>) offset_filter(%dma_start3A_284) semaphore(%arg14 : memref<!tpu.dma_semaphore, #tpu.memory_space<semaphore_mem>>)
    %dma_start3A_285 = arith.constant 4 : i32
    %dma_start3A_286 = arith.constant 4 : i32
    %dma_start3A_287 = arith.constant 0 : i32
    %dma_start3A_288 = arith.constant 0 : i32
    %dma_start3A_289 = tpu.memref_slice %arg8[%dma_start3A_286, %dma_start3A_287, %dma_start3A_288] : memref<16x64x32xf32, #tpu.memory_space<vmem>> -> memref<1x64x32xf32, #tpu.memory_space<vmem>>
    %dma_start3A_290 = tpu.memref_squeeze %dma_start3A_289 : memref<1x64x32xf32, #tpu.memory_space<vmem>> -> memref<64x32xf32, #tpu.memory_space<vmem>>
    %dma_start3A_291 = arith.constant 0 : i32
    %dma_start3A_292 = tpu.memref_slice %arg6[%dma_start3A_285, %dma_start3A_291] : memref<16x64xi32, #tpu.memory_space<vmem>> -> memref<1x64xi32, #tpu.memory_space<vmem>>
    %dma_start3A_293 = tpu.memref_squeeze %dma_start3A_292 : memref<1x64xi32, #tpu.memory_space<vmem>> -> memref<64xi32, #tpu.memory_space<vmem>>
    %dma_start3A_294 = arith.constant 0 : i32
    %dma_start3A_295 = arith.constant 0 : i32
    %dma_start3A_296 = tpu.memref_slice %arg3[%dma_start3A_294, %dma_start3A_295] : memref<1000000x32xf32, #tpu.memory_space<hbm>> -> memref<1000000x32xf32, #tpu.memory_space<hbm>>
    %dma_start3A_297 = arith.constant -1 : i32
    tpu.enqueue_indirect_dma source(%dma_start3A_296 : memref<1000000x32xf32, #tpu.memory_space<hbm>>) target(%dma_start3A_290 : memref<64x32xf32, #tpu.memory_space<vmem>>) offsets(%dma_start3A_293 : memref<64xi32, #tpu.memory_space<vmem>>) offset_filter(%dma_start3A_297) semaphore(%arg14 : memref<!tpu.dma_semaphore, #tpu.memory_space<semaphore_mem>>)
    %dma_start3A_298 = arith.constant 5 : i32
    %dma_start3A_299 = arith.constant 5 : i32
    %dma_start3A_300 = arith.constant 0 : i32
    %dma_start3A_301 = arith.constant 0 : i32
    %dma_start3A_302 = tpu.memref_slice %arg8[%dma_start3A_299, %dma_start3A_300, %dma_start3A_301] : memref<16x64x32xf32, #tpu.memory_space<vmem>> -> memref<1x64x32xf32, #tpu.memory_space<vmem>>
    %dma_start3A_303 = tpu.memref_squeeze %dma_start3A_302 : memref<1x64x32xf32, #tpu.memory_space<vmem>> -> memref<64x32xf32, #tpu.memory_space<vmem>>
    %dma_start3A_304 = arith.constant 0 : i32
    %dma_start3A_305 = tpu.memref_slice %arg6[%dma_start3A_298, %dma_start3A_304] : memref<16x64xi32, #tpu.memory_space<vmem>> -> memref<1x64xi32, #tpu.memory_space<vmem>>
    %dma_start3A_306 = tpu.memref_squeeze %dma_start3A_305 : memref<1x64xi32, #tpu.memory_space<vmem>> -> memref<64xi32, #tpu.memory_space<vmem>>
    %dma_start3A_307 = arith.constant 0 : i32
    %dma_start3A_308 = arith.constant 0 : i32
    %dma_start3A_309 = tpu.memref_slice %arg3[%dma_start3A_307, %dma_start3A_308] : memref<1000000x32xf32, #tpu.memory_space<hbm>> -> memref<1000000x32xf32, #tpu.memory_space<hbm>>
    %dma_start3A_310 = arith.constant -1 : i32
    tpu.enqueue_indirect_dma source(%dma_start3A_309 : memref<1000000x32xf32, #tpu.memory_space<hbm>>) target(%dma_start3A_303 : memref<64x32xf32, #tpu.memory_space<vmem>>) offsets(%dma_start3A_306 : memref<64xi32, #tpu.memory_space<vmem>>) offset_filter(%dma_start3A_310) semaphore(%arg14 : memref<!tpu.dma_semaphore, #tpu.memory_space<semaphore_mem>>)
    %dma_start3A_311 = arith.constant 6 : i32
    %dma_start3A_312 = arith.constant 6 : i32
    %dma_start3A_313 = arith.constant 0 : i32
    %dma_start3A_314 = arith.constant 0 : i32
    %dma_start3A_315 = tpu.memref_slice %arg8[%dma_start3A_312, %dma_start3A_313, %dma_start3A_314] : memref<16x64x32xf32, #tpu.memory_space<vmem>> -> memref<1x64x32xf32, #tpu.memory_space<vmem>>
    %dma_start3A_316 = tpu.memref_squeeze %dma_start3A_315 : memref<1x64x32xf32, #tpu.memory_space<vmem>> -> memref<64x32xf32, #tpu.memory_space<vmem>>
    %dma_start3A_317 = arith.constant 0 : i32
    %dma_start3A_318 = tpu.memref_slice %arg6[%dma_start3A_311, %dma_start3A_317] : memref<16x64xi32, #tpu.memory_space<vmem>> -> memref<1x64xi32, #tpu.memory_space<vmem>>
    %dma_start3A_319 = tpu.memref_squeeze %dma_start3A_318 : memref<1x64xi32, #tpu.memory_space<vmem>> -> memref<64xi32, #tpu.memory_space<vmem>>
    %dma_start3A_320 = arith.constant 0 : i32
    %dma_start3A_321 = arith.constant 0 : i32
    %dma_start3A_322 = tpu.memref_slice %arg3[%dma_start3A_320, %dma_start3A_321] : memref<1000000x32xf32, #tpu.memory_space<hbm>> -> memref<1000000x32xf32, #tpu.memory_space<hbm>>
    %dma_start3A_323 = arith.constant -1 : i32
    tpu.enqueue_indirect_dma source(%dma_start3A_322 : memref<1000000x32xf32, #tpu.memory_space<hbm>>) target(%dma_start3A_316 : memref<64x32xf32, #tpu.memory_space<vmem>>) offsets(%dma_start3A_319 : memref<64xi32, #tpu.memory_space<vmem>>) offset_filter(%dma_start3A_323) semaphore(%arg14 : memref<!tpu.dma_semaphore, #tpu.memory_space<semaphore_mem>>)
    %dma_start3A_324 = arith.constant 7 : i32
    %dma_start3A_325 = arith.constant 7 : i32
    %dma_start3A_326 = arith.constant 0 : i32
    %dma_start3A_327 = arith.constant 0 : i32
    %dma_start3A_328 = tpu.memref_slice %arg8[%dma_start3A_325, %dma_start3A_326, %dma_start3A_327] : memref<16x64x32xf32, #tpu.memory_space<vmem>> -> memref<1x64x32xf32, #tpu.memory_space<vmem>>
    %dma_start3A_329 = tpu.memref_squeeze %dma_start3A_328 : memref<1x64x32xf32, #tpu.memory_space<vmem>> -> memref<64x32xf32, #tpu.memory_space<vmem>>
    %dma_start3A_330 = arith.constant 0 : i32
    %dma_start3A_331 = tpu.memref_slice %arg6[%dma_start3A_324, %dma_start3A_330] : memref<16x64xi32, #tpu.memory_space<vmem>> -> memref<1x64xi32, #tpu.memory_space<vmem>>
    %dma_start3A_332 = tpu.memref_squeeze %dma_start3A_331 : memref<1x64xi32, #tpu.memory_space<vmem>> -> memref<64xi32, #tpu.memory_space<vmem>>
    %dma_start3A_333 = arith.constant 0 : i32
    %dma_start3A_334 = arith.constant 0 : i32
    %dma_start3A_335 = tpu.memref_slice %arg3[%dma_start3A_333, %dma_start3A_334] : memref<1000000x32xf32, #tpu.memory_space<hbm>> -> memref<1000000x32xf32, #tpu.memory_space<hbm>>
    %dma_start3A_336 = arith.constant -1 : i32
    tpu.enqueue_indirect_dma source(%dma_start3A_335 : memref<1000000x32xf32, #tpu.memory_space<hbm>>) target(%dma_start3A_329 : memref<64x32xf32, #tpu.memory_space<vmem>>) offsets(%dma_start3A_332 : memref<64xi32, #tpu.memory_space<vmem>>) offset_filter(%dma_start3A_336) semaphore(%arg14 : memref<!tpu.dma_semaphore, #tpu.memory_space<semaphore_mem>>)
    %dma_start3A_337 = arith.constant 8 : i32
    %dma_start3A_338 = arith.constant 8 : i32
    %dma_start3A_339 = arith.constant 0 : i32
    %dma_start3A_340 = arith.constant 0 : i32
    %dma_start3A_341 = tpu.memref_slice %arg8[%dma_start3A_338, %dma_start3A_339, %dma_start3A_340] : memref<16x64x32xf32, #tpu.memory_space<vmem>> -> memref<1x64x32xf32, #tpu.memory_space<vmem>>
    %dma_start3A_342 = tpu.memref_squeeze %dma_start3A_341 : memref<1x64x32xf32, #tpu.memory_space<vmem>> -> memref<64x32xf32, #tpu.memory_space<vmem>>
    %dma_start3A_343 = arith.constant 0 : i32
    %dma_start3A_344 = tpu.memref_slice %arg6[%dma_start3A_337, %dma_start3A_343] : memref<16x64xi32, #tpu.memory_space<vmem>> -> memref<1x64xi32, #tpu.memory_space<vmem>>
    %dma_start3A_345 = tpu.memref_squeeze %dma_start3A_344 : memref<1x64xi32, #tpu.memory_space<vmem>> -> memref<64xi32, #tpu.memory_space<vmem>>
    %dma_start3A_346 = arith.constant 0 : i32
    %dma_start3A_347 = arith.constant 0 : i32
    %dma_start3A_348 = tpu.memref_slice %arg3[%dma_start3A_346, %dma_start3A_347] : memref<1000000x32xf32, #tpu.memory_space<hbm>> -> memref<1000000x32xf32, #tpu.memory_space<hbm>>
    %dma_start3A_349 = arith.constant -1 : i32
    tpu.enqueue_indirect_dma source(%dma_start3A_348 : memref<1000000x32xf32, #tpu.memory_space<hbm>>) target(%dma_start3A_342 : memref<64x32xf32, #tpu.memory_space<vmem>>) offsets(%dma_start3A_345 : memref<64xi32, #tpu.memory_space<vmem>>) offset_filter(%dma_start3A_349) semaphore(%arg14 : memref<!tpu.dma_semaphore, #tpu.memory_space<semaphore_mem>>)
    %dma_start3A_350 = arith.constant 9 : i32
    %dma_start3A_351 = arith.constant 9 : i32
    %dma_start3A_352 = arith.constant 0 : i32
    %dma_start3A_353 = arith.constant 0 : i32
    %dma_start3A_354 = tpu.memref_slice %arg8[%dma_start3A_351, %dma_start3A_352, %dma_start3A_353] : memref<16x64x32xf32, #tpu.memory_space<vmem>> -> memref<1x64x32xf32, #tpu.memory_space<vmem>>
    %dma_start3A_355 = tpu.memref_squeeze %dma_start3A_354 : memref<1x64x32xf32, #tpu.memory_space<vmem>> -> memref<64x32xf32, #tpu.memory_space<vmem>>
    %dma_start3A_356 = arith.constant 0 : i32
    %dma_start3A_357 = tpu.memref_slice %arg6[%dma_start3A_350, %dma_start3A_356] : memref<16x64xi32, #tpu.memory_space<vmem>> -> memref<1x64xi32, #tpu.memory_space<vmem>>
    %dma_start3A_358 = tpu.memref_squeeze %dma_start3A_357 : memref<1x64xi32, #tpu.memory_space<vmem>> -> memref<64xi32, #tpu.memory_space<vmem>>
    %dma_start3A_359 = arith.constant 0 : i32
    %dma_start3A_360 = arith.constant 0 : i32
    %dma_start3A_361 = tpu.memref_slice %arg3[%dma_start3A_359, %dma_start3A_360] : memref<1000000x32xf32, #tpu.memory_space<hbm>> -> memref<1000000x32xf32, #tpu.memory_space<hbm>>
    %dma_start3A_362 = arith.constant -1 : i32
    tpu.enqueue_indirect_dma source(%dma_start3A_361 : memref<1000000x32xf32, #tpu.memory_space<hbm>>) target(%dma_start3A_355 : memref<64x32xf32, #tpu.memory_space<vmem>>) offsets(%dma_start3A_358 : memref<64xi32, #tpu.memory_space<vmem>>) offset_filter(%dma_start3A_362) semaphore(%arg14 : memref<!tpu.dma_semaphore, #tpu.memory_space<semaphore_mem>>)
    %dma_start3A_363 = arith.constant 10 : i32
    %dma_start3A_364 = arith.constant 10 : i32
    %dma_start3A_365 = arith.constant 0 : i32
    %dma_start3A_366 = arith.constant 0 : i32
    %dma_start3A_367 = tpu.memref_slice %arg8[%dma_start3A_364, %dma_start3A_365, %dma_start3A_366] : memref<16x64x32xf32, #tpu.memory_space<vmem>> -> memref<1x64x32xf32, #tpu.memory_space<vmem>>
    %dma_start3A_368 = tpu.memref_squeeze %dma_start3A_367 : memref<1x64x32xf32, #tpu.memory_space<vmem>> -> memref<64x32xf32, #tpu.memory_space<vmem>>
    %dma_start3A_369 = arith.constant 0 : i32
    %dma_start3A_370 = tpu.memref_slice %arg6[%dma_start3A_363, %dma_start3A_369] : memref<16x64xi32, #tpu.memory_space<vmem>> -> memref<1x64xi32, #tpu.memory_space<vmem>>
    %dma_start3A_371 = tpu.memref_squeeze %dma_start3A_370 : memref<1x64xi32, #tpu.memory_space<vmem>> -> memref<64xi32, #tpu.memory_space<vmem>>
    %dma_start3A_372 = arith.constant 0 : i32
    %dma_start3A_373 = arith.constant 0 : i32
    %dma_start3A_374 = tpu.memref_slice %arg3[%dma_start3A_372, %dma_start3A_373] : memref<1000000x32xf32, #tpu.memory_space<hbm>> -> memref<1000000x32xf32, #tpu.memory_space<hbm>>
    %dma_start3A_375 = arith.constant -1 : i32
    tpu.enqueue_indirect_dma source(%dma_start3A_374 : memref<1000000x32xf32, #tpu.memory_space<hbm>>) target(%dma_start3A_368 : memref<64x32xf32, #tpu.memory_space<vmem>>) offsets(%dma_start3A_371 : memref<64xi32, #tpu.memory_space<vmem>>) offset_filter(%dma_start3A_375) semaphore(%arg14 : memref<!tpu.dma_semaphore, #tpu.memory_space<semaphore_mem>>)
    %dma_start3A_376 = arith.constant 11 : i32
    %dma_start3A_377 = arith.constant 11 : i32
    %dma_start3A_378 = arith.constant 0 : i32
    %dma_start3A_379 = arith.constant 0 : i32
    %dma_start3A_380 = tpu.memref_slice %arg8[%dma_start3A_377, %dma_start3A_378, %dma_start3A_379] : memref<16x64x32xf32, #tpu.memory_space<vmem>> -> memref<1x64x32xf32, #tpu.memory_space<vmem>>
    %dma_start3A_381 = tpu.memref_squeeze %dma_start3A_380 : memref<1x64x32xf32, #tpu.memory_space<vmem>> -> memref<64x32xf32, #tpu.memory_space<vmem>>
    %dma_start3A_382 = arith.constant 0 : i32
    %dma_start3A_383 = tpu.memref_slice %arg6[%dma_start3A_376, %dma_start3A_382] : memref<16x64xi32, #tpu.memory_space<vmem>> -> memref<1x64xi32, #tpu.memory_space<vmem>>
    %dma_start3A_384 = tpu.memref_squeeze %dma_start3A_383 : memref<1x64xi32, #tpu.memory_space<vmem>> -> memref<64xi32, #tpu.memory_space<vmem>>
    %dma_start3A_385 = arith.constant 0 : i32
    %dma_start3A_386 = arith.constant 0 : i32
    %dma_start3A_387 = tpu.memref_slice %arg3[%dma_start3A_385, %dma_start3A_386] : memref<1000000x32xf32, #tpu.memory_space<hbm>> -> memref<1000000x32xf32, #tpu.memory_space<hbm>>
    %dma_start3A_388 = arith.constant -1 : i32
    tpu.enqueue_indirect_dma source(%dma_start3A_387 : memref<1000000x32xf32, #tpu.memory_space<hbm>>) target(%dma_start3A_381 : memref<64x32xf32, #tpu.memory_space<vmem>>) offsets(%dma_start3A_384 : memref<64xi32, #tpu.memory_space<vmem>>) offset_filter(%dma_start3A_388) semaphore(%arg14 : memref<!tpu.dma_semaphore, #tpu.memory_space<semaphore_mem>>)
    %dma_start3A_389 = arith.constant 12 : i32
    %dma_start3A_390 = arith.constant 12 : i32
    %dma_start3A_391 = arith.constant 0 : i32
    %dma_start3A_392 = arith.constant 0 : i32
    %dma_start3A_393 = tpu.memref_slice %arg8[%dma_start3A_390, %dma_start3A_391, %dma_start3A_392] : memref<16x64x32xf32, #tpu.memory_space<vmem>> -> memref<1x64x32xf32, #tpu.memory_space<vmem>>
    %dma_start3A_394 = tpu.memref_squeeze %dma_start3A_393 : memref<1x64x32xf32, #tpu.memory_space<vmem>> -> memref<64x32xf32, #tpu.memory_space<vmem>>
    %dma_start3A_395 = arith.constant 0 : i32
    %dma_start3A_396 = tpu.memref_slice %arg6[%dma_start3A_389, %dma_start3A_395] : memref<16x64xi32, #tpu.memory_space<vmem>> -> memref<1x64xi32, #tpu.memory_space<vmem>>
    %dma_start3A_397 = tpu.memref_squeeze %dma_start3A_396 : memref<1x64xi32, #tpu.memory_space<vmem>> -> memref<64xi32, #tpu.memory_space<vmem>>
    %dma_start3A_398 = arith.constant 0 : i32
    %dma_start3A_399 = arith.constant 0 : i32
    %dma_start3A_400 = tpu.memref_slice %arg3[%dma_start3A_398, %dma_start3A_399] : memref<1000000x32xf32, #tpu.memory_space<hbm>> -> memref<1000000x32xf32, #tpu.memory_space<hbm>>
    %dma_start3A_401 = arith.constant -1 : i32
    tpu.enqueue_indirect_dma source(%dma_start3A_400 : memref<1000000x32xf32, #tpu.memory_space<hbm>>) target(%dma_start3A_394 : memref<64x32xf32, #tpu.memory_space<vmem>>) offsets(%dma_start3A_397 : memref<64xi32, #tpu.memory_space<vmem>>) offset_filter(%dma_start3A_401) semaphore(%arg14 : memref<!tpu.dma_semaphore, #tpu.memory_space<semaphore_mem>>)
    %dma_start3A_402 = arith.constant 13 : i32
    %dma_start3A_403 = arith.constant 13 : i32
    %dma_start3A_404 = arith.constant 0 : i32
    %dma_start3A_405 = arith.constant 0 : i32
    %dma_start3A_406 = tpu.memref_slice %arg8[%dma_start3A_403, %dma_start3A_404, %dma_start3A_405] : memref<16x64x32xf32, #tpu.memory_space<vmem>> -> memref<1x64x32xf32, #tpu.memory_space<vmem>>
    %dma_start3A_407 = tpu.memref_squeeze %dma_start3A_406 : memref<1x64x32xf32, #tpu.memory_space<vmem>> -> memref<64x32xf32, #tpu.memory_space<vmem>>
    %dma_start3A_408 = arith.constant 0 : i32
    %dma_start3A_409 = tpu.memref_slice %arg6[%dma_start3A_402, %dma_start3A_408] : memref<16x64xi32, #tpu.memory_space<vmem>> -> memref<1x64xi32, #tpu.memory_space<vmem>>
    %dma_start3A_410 = tpu.memref_squeeze %dma_start3A_409 : memref<1x64xi32, #tpu.memory_space<vmem>> -> memref<64xi32, #tpu.memory_space<vmem>>
    %dma_start3A_411 = arith.constant 0 : i32
    %dma_start3A_412 = arith.constant 0 : i32
    %dma_start3A_413 = tpu.memref_slice %arg3[%dma_start3A_411, %dma_start3A_412] : memref<1000000x32xf32, #tpu.memory_space<hbm>> -> memref<1000000x32xf32, #tpu.memory_space<hbm>>
    %dma_start3A_414 = arith.constant -1 : i32
    tpu.enqueue_indirect_dma source(%dma_start3A_413 : memref<1000000x32xf32, #tpu.memory_space<hbm>>) target(%dma_start3A_407 : memref<64x32xf32, #tpu.memory_space<vmem>>) offsets(%dma_start3A_410 : memref<64xi32, #tpu.memory_space<vmem>>) offset_filter(%dma_start3A_414) semaphore(%arg14 : memref<!tpu.dma_semaphore, #tpu.memory_space<semaphore_mem>>)
    %dma_start3A_415 = arith.constant 14 : i32
    %dma_start3A_416 = arith.constant 14 : i32
    %dma_start3A_417 = arith.constant 0 : i32
    %dma_start3A_418 = arith.constant 0 : i32
    %dma_start3A_419 = tpu.memref_slice %arg8[%dma_start3A_416, %dma_start3A_417, %dma_start3A_418] : memref<16x64x32xf32, #tpu.memory_space<vmem>> -> memref<1x64x32xf32, #tpu.memory_space<vmem>>
    %dma_start3A_420 = tpu.memref_squeeze %dma_start3A_419 : memref<1x64x32xf32, #tpu.memory_space<vmem>> -> memref<64x32xf32, #tpu.memory_space<vmem>>
    %dma_start3A_421 = arith.constant 0 : i32
    %dma_start3A_422 = tpu.memref_slice %arg6[%dma_start3A_415, %dma_start3A_421] : memref<16x64xi32, #tpu.memory_space<vmem>> -> memref<1x64xi32, #tpu.memory_space<vmem>>
    %dma_start3A_423 = tpu.memref_squeeze %dma_start3A_422 : memref<1x64xi32, #tpu.memory_space<vmem>> -> memref<64xi32, #tpu.memory_space<vmem>>
    %dma_start3A_424 = arith.constant 0 : i32
    %dma_start3A_425 = arith.constant 0 : i32
    %dma_start3A_426 = tpu.memref_slice %arg3[%dma_start3A_424, %dma_start3A_425] : memref<1000000x32xf32, #tpu.memory_space<hbm>> -> memref<1000000x32xf32, #tpu.memory_space<hbm>>
    %dma_start3A_427 = arith.constant -1 : i32
    tpu.enqueue_indirect_dma source(%dma_start3A_426 : memref<1000000x32xf32, #tpu.memory_space<hbm>>) target(%dma_start3A_420 : memref<64x32xf32, #tpu.memory_space<vmem>>) offsets(%dma_start3A_423 : memref<64xi32, #tpu.memory_space<vmem>>) offset_filter(%dma_start3A_427) semaphore(%arg14 : memref<!tpu.dma_semaphore, #tpu.memory_space<semaphore_mem>>)
    %dma_start3A_428 = arith.constant 15 : i32
    %dma_start3A_429 = arith.constant 15 : i32
    %dma_start3A_430 = arith.constant 0 : i32
    %dma_start3A_431 = arith.constant 0 : i32
    %dma_start3A_432 = tpu.memref_slice %arg8[%dma_start3A_429, %dma_start3A_430, %dma_start3A_431] : memref<16x64x32xf32, #tpu.memory_space<vmem>> -> memref<1x64x32xf32, #tpu.memory_space<vmem>>
    %dma_start3A_433 = tpu.memref_squeeze %dma_start3A_432 : memref<1x64x32xf32, #tpu.memory_space<vmem>> -> memref<64x32xf32, #tpu.memory_space<vmem>>
    %dma_start3A_434 = arith.constant 0 : i32
    %dma_start3A_435 = tpu.memref_slice %arg6[%dma_start3A_428, %dma_start3A_434] : memref<16x64xi32, #tpu.memory_space<vmem>> -> memref<1x64xi32, #tpu.memory_space<vmem>>
    %dma_start3A_436 = tpu.memref_squeeze %dma_start3A_435 : memref<1x64xi32, #tpu.memory_space<vmem>> -> memref<64xi32, #tpu.memory_space<vmem>>
    %dma_start3A_437 = arith.constant 0 : i32
    %dma_start3A_438 = arith.constant 0 : i32
    %dma_start3A_439 = tpu.memref_slice %arg3[%dma_start3A_437, %dma_start3A_438] : memref<1000000x32xf32, #tpu.memory_space<hbm>> -> memref<1000000x32xf32, #tpu.memory_space<hbm>>
    %dma_start3A_440 = arith.constant -1 : i32
    tpu.enqueue_indirect_dma source(%dma_start3A_439 : memref<1000000x32xf32, #tpu.memory_space<hbm>>) target(%dma_start3A_433 : memref<64x32xf32, #tpu.memory_space<vmem>>) offsets(%dma_start3A_436 : memref<64xi32, #tpu.memory_space<vmem>>) offset_filter(%dma_start3A_440) semaphore(%arg14 : memref<!tpu.dma_semaphore, #tpu.memory_space<semaphore_mem>>)
    %scan3A = arith.constant 0 : i32
    %scan3A_441 = arith.constant 0 : i32
    %scan3A_442 = arith.constant 16 : i32
    %scan3A_443 = arith.addi %scan3A_441, %scan3A_442 : i32
    %scan3A_444 = arith.constant 1 : i32
    scf.for %scan3A_458 = %scan3A_441 to %scan3A_443 step %scan3A_444  : i32 {
      %mul3A_459 = arith.constant 2 : i32
      %mul3A_460 = arith.muli %scan3A_458, %mul3A_459 : i32
      %add3A_461 = arith.constant 0 : i32
      %add3A_462 = arith.addi %mul3A_460, %add3A_461 : i32
      %dma_wait3A_463 = arith.constant 0 : i32
      %dma_wait3A_464 = arith.constant 0 : i32
      %dma_wait3A_465 = arith.constant 0 : i32
      %dma_wait3A_466 = arith.constant 0 : i32
      %dma_wait3A_467 = tpu.memref_slice %arg7[%dma_wait3A_464, %dma_wait3A_465, %dma_wait3A_466] : memref<16x64x32xf32, #tpu.memory_space<vmem>> -> memref<1x64x32xf32, #tpu.memory_space<vmem>>
      %dma_wait3A_468 = tpu.memref_squeeze %dma_wait3A_467 : memref<1x64x32xf32, #tpu.memory_space<vmem>> -> memref<64x32xf32, #tpu.memory_space<vmem>>
      %dma_wait3A_469 = arith.constant 0 : i32
      %dma_wait3A_470 = tpu.memref_slice %arg5[%dma_wait3A_463, %dma_wait3A_469] : memref<16x64xi32, #tpu.memory_space<vmem>> -> memref<1x64xi32, #tpu.memory_space<vmem>>
      %dma_wait3A_471 = tpu.memref_squeeze %dma_wait3A_470 : memref<1x64xi32, #tpu.memory_space<vmem>> -> memref<64xi32, #tpu.memory_space<vmem>>
      %dma_wait3A_472 = arith.constant 0 : i32
      %dma_wait3A_473 = arith.constant 0 : i32
      %dma_wait3A_474 = tpu.memref_slice %arg3[%dma_wait3A_472, %dma_wait3A_473] : memref<1000000x32xf32, #tpu.memory_space<hbm>> -> memref<1000000x32xf32, #tpu.memory_space<hbm>>
      tpu.wait_indirect_dma semaphore(%arg13 : memref<!tpu.dma_semaphore, #tpu.memory_space<semaphore_mem>>) src(%dma_wait3A_474 : memref<1000000x32xf32, #tpu.memory_space<hbm>>) dst(%dma_wait3A_468 : memref<64x32xf32, #tpu.memory_space<vmem>>)
      %dma_wait3A_475 = arith.constant 1 : i32
      %dma_wait3A_476 = arith.constant 1 : i32
      %dma_wait3A_477 = arith.constant 0 : i32
      %dma_wait3A_478 = arith.constant 0 : i32
      %dma_wait3A_479 = tpu.memref_slice %arg7[%dma_wait3A_476, %dma_wait3A_477, %dma_wait3A_478] : memref<16x64x32xf32, #tpu.memory_space<vmem>> -> memref<1x64x32xf32, #tpu.memory_space<vmem>>
      %dma_wait3A_480 = tpu.memref_squeeze %dma_wait3A_479 : memref<1x64x32xf32, #tpu.memory_space<vmem>> -> memref<64x32xf32, #tpu.memory_space<vmem>>
      %dma_wait3A_481 = arith.constant 0 : i32
      %dma_wait3A_482 = tpu.memref_slice %arg5[%dma_wait3A_475, %dma_wait3A_481] : memref<16x64xi32, #tpu.memory_space<vmem>> -> memref<1x64xi32, #tpu.memory_space<vmem>>
      %dma_wait3A_483 = tpu.memref_squeeze %dma_wait3A_482 : memref<1x64xi32, #tpu.memory_space<vmem>> -> memref<64xi32, #tpu.memory_space<vmem>>
      %dma_wait3A_484 = arith.constant 0 : i32
      %dma_wait3A_485 = arith.constant 0 : i32
      %dma_wait3A_486 = tpu.memref_slice %arg3[%dma_wait3A_484, %dma_wait3A_485] : memref<1000000x32xf32, #tpu.memory_space<hbm>> -> memref<1000000x32xf32, #tpu.memory_space<hbm>>
      tpu.wait_indirect_dma semaphore(%arg13 : memref<!tpu.dma_semaphore, #tpu.memory_space<semaphore_mem>>) src(%dma_wait3A_486 : memref<1000000x32xf32, #tpu.memory_space<hbm>>) dst(%dma_wait3A_480 : memref<64x32xf32, #tpu.memory_space<vmem>>)
      %dma_wait3A_487 = arith.constant 2 : i32
      %dma_wait3A_488 = arith.constant 2 : i32
      %dma_wait3A_489 = arith.constant 0 : i32
      %dma_wait3A_490 = arith.constant 0 : i32
      %dma_wait3A_491 = tpu.memref_slice %arg7[%dma_wait3A_488, %dma_wait3A_489, %dma_wait3A_490] : memref<16x64x32xf32, #tpu.memory_space<vmem>> -> memref<1x64x32xf32, #tpu.memory_space<vmem>>
      %dma_wait3A_492 = tpu.memref_squeeze %dma_wait3A_491 : memref<1x64x32xf32, #tpu.memory_space<vmem>> -> memref<64x32xf32, #tpu.memory_space<vmem>>
      %dma_wait3A_493 = arith.constant 0 : i32
      %dma_wait3A_494 = tpu.memref_slice %arg5[%dma_wait3A_487, %dma_wait3A_493] : memref<16x64xi32, #tpu.memory_space<vmem>> -> memref<1x64xi32, #tpu.memory_space<vmem>>
      %dma_wait3A_495 = tpu.memref_squeeze %dma_wait3A_494 : memref<1x64xi32, #tpu.memory_space<vmem>> -> memref<64xi32, #tpu.memory_space<vmem>>
      %dma_wait3A_496 = arith.constant 0 : i32
      %dma_wait3A_497 = arith.constant 0 : i32
      %dma_wait3A_498 = tpu.memref_slice %arg3[%dma_wait3A_496, %dma_wait3A_497] : memref<1000000x32xf32, #tpu.memory_space<hbm>> -> memref<1000000x32xf32, #tpu.memory_space<hbm>>
      tpu.wait_indirect_dma semaphore(%arg13 : memref<!tpu.dma_semaphore, #tpu.memory_space<semaphore_mem>>) src(%dma_wait3A_498 : memref<1000000x32xf32, #tpu.memory_space<hbm>>) dst(%dma_wait3A_492 : memref<64x32xf32, #tpu.memory_space<vmem>>)
      %dma_wait3A_499 = arith.constant 3 : i32
      %dma_wait3A_500 = arith.constant 3 : i32
      %dma_wait3A_501 = arith.constant 0 : i32
      %dma_wait3A_502 = arith.constant 0 : i32
      %dma_wait3A_503 = tpu.memref_slice %arg7[%dma_wait3A_500, %dma_wait3A_501, %dma_wait3A_502] : memref<16x64x32xf32, #tpu.memory_space<vmem>> -> memref<1x64x32xf32, #tpu.memory_space<vmem>>
      %dma_wait3A_504 = tpu.memref_squeeze %dma_wait3A_503 : memref<1x64x32xf32, #tpu.memory_space<vmem>> -> memref<64x32xf32, #tpu.memory_space<vmem>>
      %dma_wait3A_505 = arith.constant 0 : i32
      %dma_wait3A_506 = tpu.memref_slice %arg5[%dma_wait3A_499, %dma_wait3A_505] : memref<16x64xi32, #tpu.memory_space<vmem>> -> memref<1x64xi32, #tpu.memory_space<vmem>>
      %dma_wait3A_507 = tpu.memref_squeeze %dma_wait3A_506 : memref<1x64xi32, #tpu.memory_space<vmem>> -> memref<64xi32, #tpu.memory_space<vmem>>
      %dma_wait3A_508 = arith.constant 0 : i32
      %dma_wait3A_509 = arith.constant 0 : i32
      %dma_wait3A_510 = tpu.memref_slice %arg3[%dma_wait3A_508, %dma_wait3A_509] : memref<1000000x32xf32, #tpu.memory_space<hbm>> -> memref<1000000x32xf32, #tpu.memory_space<hbm>>
      tpu.wait_indirect_dma semaphore(%arg13 : memref<!tpu.dma_semaphore, #tpu.memory_space<semaphore_mem>>) src(%dma_wait3A_510 : memref<1000000x32xf32, #tpu.memory_space<hbm>>) dst(%dma_wait3A_504 : memref<64x32xf32, #tpu.memory_space<vmem>>)
      %dma_wait3A_511 = arith.constant 4 : i32
      %dma_wait3A_512 = arith.constant 4 : i32
      %dma_wait3A_513 = arith.constant 0 : i32
      %dma_wait3A_514 = arith.constant 0 : i32
      %dma_wait3A_515 = tpu.memref_slice %arg7[%dma_wait3A_512, %dma_wait3A_513, %dma_wait3A_514] : memref<16x64x32xf32, #tpu.memory_space<vmem>> -> memref<1x64x32xf32, #tpu.memory_space<vmem>>
      %dma_wait3A_516 = tpu.memref_squeeze %dma_wait3A_515 : memref<1x64x32xf32, #tpu.memory_space<vmem>> -> memref<64x32xf32, #tpu.memory_space<vmem>>
      %dma_wait3A_517 = arith.constant 0 : i32
      %dma_wait3A_518 = tpu.memref_slice %arg5[%dma_wait3A_511, %dma_wait3A_517] : memref<16x64xi32, #tpu.memory_space<vmem>> -> memref<1x64xi32, #tpu.memory_space<vmem>>
      %dma_wait3A_519 = tpu.memref_squeeze %dma_wait3A_518 : memref<1x64xi32, #tpu.memory_space<vmem>> -> memref<64xi32, #tpu.memory_space<vmem>>
      %dma_wait3A_520 = arith.constant 0 : i32
      %dma_wait3A_521 = arith.constant 0 : i32
      %dma_wait3A_522 = tpu.memref_slice %arg3[%dma_wait3A_520, %dma_wait3A_521] : memref<1000000x32xf32, #tpu.memory_space<hbm>> -> memref<1000000x32xf32, #tpu.memory_space<hbm>>
      tpu.wait_indirect_dma semaphore(%arg13 : memref<!tpu.dma_semaphore, #tpu.memory_space<semaphore_mem>>) src(%dma_wait3A_522 : memref<1000000x32xf32, #tpu.memory_space<hbm>>) dst(%dma_wait3A_516 : memref<64x32xf32, #tpu.memory_space<vmem>>)
      %dma_wait3A_523 = arith.constant 5 : i32
      %dma_wait3A_524 = arith.constant 5 : i32
      %dma_wait3A_525 = arith.constant 0 : i32
      %dma_wait3A_526 = arith.constant 0 : i32
      %dma_wait3A_527 = tpu.memref_slice %arg7[%dma_wait3A_524, %dma_wait3A_525, %dma_wait3A_526] : memref<16x64x32xf32, #tpu.memory_space<vmem>> -> memref<1x64x32xf32, #tpu.memory_space<vmem>>
      %dma_wait3A_528 = tpu.memref_squeeze %dma_wait3A_527 : memref<1x64x32xf32, #tpu.memory_space<vmem>> -> memref<64x32xf32, #tpu.memory_space<vmem>>
      %dma_wait3A_529 = arith.constant 0 : i32
      %dma_wait3A_530 = tpu.memref_slice %arg5[%dma_wait3A_523, %dma_wait3A_529] : memref<16x64xi32, #tpu.memory_space<vmem>> -> memref<1x64xi32, #tpu.memory_space<vmem>>
      %dma_wait3A_531 = tpu.memref_squeeze %dma_wait3A_530 : memref<1x64xi32, #tpu.memory_space<vmem>> -> memref<64xi32, #tpu.memory_space<vmem>>
      %dma_wait3A_532 = arith.constant 0 : i32
      %dma_wait3A_533 = arith.constant 0 : i32
      %dma_wait3A_534 = tpu.memref_slice %arg3[%dma_wait3A_532, %dma_wait3A_533] : memref<1000000x32xf32, #tpu.memory_space<hbm>> -> memref<1000000x32xf32, #tpu.memory_space<hbm>>
      tpu.wait_indirect_dma semaphore(%arg13 : memref<!tpu.dma_semaphore, #tpu.memory_space<semaphore_mem>>) src(%dma_wait3A_534 : memref<1000000x32xf32, #tpu.memory_space<hbm>>) dst(%dma_wait3A_528 : memref<64x32xf32, #tpu.memory_space<vmem>>)
      %dma_wait3A_535 = arith.constant 6 : i32
      %dma_wait3A_536 = arith.constant 6 : i32
      %dma_wait3A_537 = arith.constant 0 : i32
      %dma_wait3A_538 = arith.constant 0 : i32
      %dma_wait3A_539 = tpu.memref_slice %arg7[%dma_wait3A_536, %dma_wait3A_537, %dma_wait3A_538] : memref<16x64x32xf32, #tpu.memory_space<vmem>> -> memref<1x64x32xf32, #tpu.memory_space<vmem>>
      %dma_wait3A_540 = tpu.memref_squeeze %dma_wait3A_539 : memref<1x64x32xf32, #tpu.memory_space<vmem>> -> memref<64x32xf32, #tpu.memory_space<vmem>>
      %dma_wait3A_541 = arith.constant 0 : i32
      %dma_wait3A_542 = tpu.memref_slice %arg5[%dma_wait3A_535, %dma_wait3A_541] : memref<16x64xi32, #tpu.memory_space<vmem>> -> memref<1x64xi32, #tpu.memory_space<vmem>>
      %dma_wait3A_543 = tpu.memref_squeeze %dma_wait3A_542 : memref<1x64xi32, #tpu.memory_space<vmem>> -> memref<64xi32, #tpu.memory_space<vmem>>
      %dma_wait3A_544 = arith.constant 0 : i32
      %dma_wait3A_545 = arith.constant 0 : i32
      %dma_wait3A_546 = tpu.memref_slice %arg3[%dma_wait3A_544, %dma_wait3A_545] : memref<1000000x32xf32, #tpu.memory_space<hbm>> -> memref<1000000x32xf32, #tpu.memory_space<hbm>>
      tpu.wait_indirect_dma semaphore(%arg13 : memref<!tpu.dma_semaphore, #tpu.memory_space<semaphore_mem>>) src(%dma_wait3A_546 : memref<1000000x32xf32, #tpu.memory_space<hbm>>) dst(%dma_wait3A_540 : memref<64x32xf32, #tpu.memory_space<vmem>>)
      %dma_wait3A_547 = arith.constant 7 : i32
      %dma_wait3A_548 = arith.constant 7 : i32
      %dma_wait3A_549 = arith.constant 0 : i32
      %dma_wait3A_550 = arith.constant 0 : i32
      %dma_wait3A_551 = tpu.memref_slice %arg7[%dma_wait3A_548, %dma_wait3A_549, %dma_wait3A_550] : memref<16x64x32xf32, #tpu.memory_space<vmem>> -> memref<1x64x32xf32, #tpu.memory_space<vmem>>
      %dma_wait3A_552 = tpu.memref_squeeze %dma_wait3A_551 : memref<1x64x32xf32, #tpu.memory_space<vmem>> -> memref<64x32xf32, #tpu.memory_space<vmem>>
      %dma_wait3A_553 = arith.constant 0 : i32
      %dma_wait3A_554 = tpu.memref_slice %arg5[%dma_wait3A_547, %dma_wait3A_553] : memref<16x64xi32, #tpu.memory_space<vmem>> -> memref<1x64xi32, #tpu.memory_space<vmem>>
      %dma_wait3A_555 = tpu.memref_squeeze %dma_wait3A_554 : memref<1x64xi32, #tpu.memory_space<vmem>> -> memref<64xi32, #tpu.memory_space<vmem>>
      %dma_wait3A_556 = arith.constant 0 : i32
      %dma_wait3A_557 = arith.constant 0 : i32
      %dma_wait3A_558 = tpu.memref_slice %arg3[%dma_wait3A_556, %dma_wait3A_557] : memref<1000000x32xf32, #tpu.memory_space<hbm>> -> memref<1000000x32xf32, #tpu.memory_space<hbm>>
      tpu.wait_indirect_dma semaphore(%arg13 : memref<!tpu.dma_semaphore, #tpu.memory_space<semaphore_mem>>) src(%dma_wait3A_558 : memref<1000000x32xf32, #tpu.memory_space<hbm>>) dst(%dma_wait3A_552 : memref<64x32xf32, #tpu.memory_space<vmem>>)
      %dma_wait3A_559 = arith.constant 8 : i32
      %dma_wait3A_560 = arith.constant 8 : i32
      %dma_wait3A_561 = arith.constant 0 : i32
      %dma_wait3A_562 = arith.constant 0 : i32
      %dma_wait3A_563 = tpu.memref_slice %arg7[%dma_wait3A_560, %dma_wait3A_561, %dma_wait3A_562] : memref<16x64x32xf32, #tpu.memory_space<vmem>> -> memref<1x64x32xf32, #tpu.memory_space<vmem>>
      %dma_wait3A_564 = tpu.memref_squeeze %dma_wait3A_563 : memref<1x64x32xf32, #tpu.memory_space<vmem>> -> memref<64x32xf32, #tpu.memory_space<vmem>>
      %dma_wait3A_565 = arith.constant 0 : i32
      %dma_wait3A_566 = tpu.memref_slice %arg5[%dma_wait3A_559, %dma_wait3A_565] : memref<16x64xi32, #tpu.memory_space<vmem>> -> memref<1x64xi32, #tpu.memory_space<vmem>>
      %dma_wait3A_567 = tpu.memref_squeeze %dma_wait3A_566 : memref<1x64xi32, #tpu.memory_space<vmem>> -> memref<64xi32, #tpu.memory_space<vmem>>
      %dma_wait3A_568 = arith.constant 0 : i32
      %dma_wait3A_569 = arith.constant 0 : i32
      %dma_wait3A_570 = tpu.memref_slice %arg3[%dma_wait3A_568, %dma_wait3A_569] : memref<1000000x32xf32, #tpu.memory_space<hbm>> -> memref<1000000x32xf32, #tpu.memory_space<hbm>>
      tpu.wait_indirect_dma semaphore(%arg13 : memref<!tpu.dma_semaphore, #tpu.memory_space<semaphore_mem>>) src(%dma_wait3A_570 : memref<1000000x32xf32, #tpu.memory_space<hbm>>) dst(%dma_wait3A_564 : memref<64x32xf32, #tpu.memory_space<vmem>>)
      %dma_wait3A_571 = arith.constant 9 : i32
      %dma_wait3A_572 = arith.constant 9 : i32
      %dma_wait3A_573 = arith.constant 0 : i32
      %dma_wait3A_574 = arith.constant 0 : i32
      %dma_wait3A_575 = tpu.memref_slice %arg7[%dma_wait3A_572, %dma_wait3A_573, %dma_wait3A_574] : memref<16x64x32xf32, #tpu.memory_space<vmem>> -> memref<1x64x32xf32, #tpu.memory_space<vmem>>
      %dma_wait3A_576 = tpu.memref_squeeze %dma_wait3A_575 : memref<1x64x32xf32, #tpu.memory_space<vmem>> -> memref<64x32xf32, #tpu.memory_space<vmem>>
      %dma_wait3A_577 = arith.constant 0 : i32
      %dma_wait3A_578 = tpu.memref_slice %arg5[%dma_wait3A_571, %dma_wait3A_577] : memref<16x64xi32, #tpu.memory_space<vmem>> -> memref<1x64xi32, #tpu.memory_space<vmem>>
      %dma_wait3A_579 = tpu.memref_squeeze %dma_wait3A_578 : memref<1x64xi32, #tpu.memory_space<vmem>> -> memref<64xi32, #tpu.memory_space<vmem>>
      %dma_wait3A_580 = arith.constant 0 : i32
      %dma_wait3A_581 = arith.constant 0 : i32
      %dma_wait3A_582 = tpu.memref_slice %arg3[%dma_wait3A_580, %dma_wait3A_581] : memref<1000000x32xf32, #tpu.memory_space<hbm>> -> memref<1000000x32xf32, #tpu.memory_space<hbm>>
      tpu.wait_indirect_dma semaphore(%arg13 : memref<!tpu.dma_semaphore, #tpu.memory_space<semaphore_mem>>) src(%dma_wait3A_582 : memref<1000000x32xf32, #tpu.memory_space<hbm>>) dst(%dma_wait3A_576 : memref<64x32xf32, #tpu.memory_space<vmem>>)
      %dma_wait3A_583 = arith.constant 10 : i32
      %dma_wait3A_584 = arith.constant 10 : i32
      %dma_wait3A_585 = arith.constant 0 : i32
      %dma_wait3A_586 = arith.constant 0 : i32
      %dma_wait3A_587 = tpu.memref_slice %arg7[%dma_wait3A_584, %dma_wait3A_585, %dma_wait3A_586] : memref<16x64x32xf32, #tpu.memory_space<vmem>> -> memref<1x64x32xf32, #tpu.memory_space<vmem>>
      %dma_wait3A_588 = tpu.memref_squeeze %dma_wait3A_587 : memref<1x64x32xf32, #tpu.memory_space<vmem>> -> memref<64x32xf32, #tpu.memory_space<vmem>>
      %dma_wait3A_589 = arith.constant 0 : i32
      %dma_wait3A_590 = tpu.memref_slice %arg5[%dma_wait3A_583, %dma_wait3A_589] : memref<16x64xi32, #tpu.memory_space<vmem>> -> memref<1x64xi32, #tpu.memory_space<vmem>>
      %dma_wait3A_591 = tpu.memref_squeeze %dma_wait3A_590 : memref<1x64xi32, #tpu.memory_space<vmem>> -> memref<64xi32, #tpu.memory_space<vmem>>
      %dma_wait3A_592 = arith.constant 0 : i32
      %dma_wait3A_593 = arith.constant 0 : i32
      %dma_wait3A_594 = tpu.memref_slice %arg3[%dma_wait3A_592, %dma_wait3A_593] : memref<1000000x32xf32, #tpu.memory_space<hbm>> -> memref<1000000x32xf32, #tpu.memory_space<hbm>>
      tpu.wait_indirect_dma semaphore(%arg13 : memref<!tpu.dma_semaphore, #tpu.memory_space<semaphore_mem>>) src(%dma_wait3A_594 : memref<1000000x32xf32, #tpu.memory_space<hbm>>) dst(%dma_wait3A_588 : memref<64x32xf32, #tpu.memory_space<vmem>>)
      %dma_wait3A_595 = arith.constant 11 : i32
      %dma_wait3A_596 = arith.constant 11 : i32
      %dma_wait3A_597 = arith.constant 0 : i32
      %dma_wait3A_598 = arith.constant 0 : i32
      %dma_wait3A_599 = tpu.memref_slice %arg7[%dma_wait3A_596, %dma_wait3A_597, %dma_wait3A_598] : memref<16x64x32xf32, #tpu.memory_space<vmem>> -> memref<1x64x32xf32, #tpu.memory_space<vmem>>
      %dma_wait3A_600 = tpu.memref_squeeze %dma_wait3A_599 : memref<1x64x32xf32, #tpu.memory_space<vmem>> -> memref<64x32xf32, #tpu.memory_space<vmem>>
      %dma_wait3A_601 = arith.constant 0 : i32
      %dma_wait3A_602 = tpu.memref_slice %arg5[%dma_wait3A_595, %dma_wait3A_601] : memref<16x64xi32, #tpu.memory_space<vmem>> -> memref<1x64xi32, #tpu.memory_space<vmem>>
      %dma_wait3A_603 = tpu.memref_squeeze %dma_wait3A_602 : memref<1x64xi32, #tpu.memory_space<vmem>> -> memref<64xi32, #tpu.memory_space<vmem>>
      %dma_wait3A_604 = arith.constant 0 : i32
      %dma_wait3A_605 = arith.constant 0 : i32
      %dma_wait3A_606 = tpu.memref_slice %arg3[%dma_wait3A_604, %dma_wait3A_605] : memref<1000000x32xf32, #tpu.memory_space<hbm>> -> memref<1000000x32xf32, #tpu.memory_space<hbm>>
      tpu.wait_indirect_dma semaphore(%arg13 : memref<!tpu.dma_semaphore, #tpu.memory_space<semaphore_mem>>) src(%dma_wait3A_606 : memref<1000000x32xf32, #tpu.memory_space<hbm>>) dst(%dma_wait3A_600 : memref<64x32xf32, #tpu.memory_space<vmem>>)
      %dma_wait3A_607 = arith.constant 12 : i32
      %dma_wait3A_608 = arith.constant 12 : i32
      %dma_wait3A_609 = arith.constant 0 : i32
      %dma_wait3A_610 = arith.constant 0 : i32
      %dma_wait3A_611 = tpu.memref_slice %arg7[%dma_wait3A_608, %dma_wait3A_609, %dma_wait3A_610] : memref<16x64x32xf32, #tpu.memory_space<vmem>> -> memref<1x64x32xf32, #tpu.memory_space<vmem>>
      %dma_wait3A_612 = tpu.memref_squeeze %dma_wait3A_611 : memref<1x64x32xf32, #tpu.memory_space<vmem>> -> memref<64x32xf32, #tpu.memory_space<vmem>>
      %dma_wait3A_613 = arith.constant 0 : i32
      %dma_wait3A_614 = tpu.memref_slice %arg5[%dma_wait3A_607, %dma_wait3A_613] : memref<16x64xi32, #tpu.memory_space<vmem>> -> memref<1x64xi32, #tpu.memory_space<vmem>>
      %dma_wait3A_615 = tpu.memref_squeeze %dma_wait3A_614 : memref<1x64xi32, #tpu.memory_space<vmem>> -> memref<64xi32, #tpu.memory_space<vmem>>
      %dma_wait3A_616 = arith.constant 0 : i32
      %dma_wait3A_617 = arith.constant 0 : i32
      %dma_wait3A_618 = tpu.memref_slice %arg3[%dma_wait3A_616, %dma_wait3A_617] : memref<1000000x32xf32, #tpu.memory_space<hbm>> -> memref<1000000x32xf32, #tpu.memory_space<hbm>>
      tpu.wait_indirect_dma semaphore(%arg13 : memref<!tpu.dma_semaphore, #tpu.memory_space<semaphore_mem>>) src(%dma_wait3A_618 : memref<1000000x32xf32, #tpu.memory_space<hbm>>) dst(%dma_wait3A_612 : memref<64x32xf32, #tpu.memory_space<vmem>>)
      %dma_wait3A_619 = arith.constant 13 : i32
      %dma_wait3A_620 = arith.constant 13 : i32
      %dma_wait3A_621 = arith.constant 0 : i32
      %dma_wait3A_622 = arith.constant 0 : i32
      %dma_wait3A_623 = tpu.memref_slice %arg7[%dma_wait3A_620, %dma_wait3A_621, %dma_wait3A_622] : memref<16x64x32xf32, #tpu.memory_space<vmem>> -> memref<1x64x32xf32, #tpu.memory_space<vmem>>
      %dma_wait3A_624 = tpu.memref_squeeze %dma_wait3A_623 : memref<1x64x32xf32, #tpu.memory_space<vmem>> -> memref<64x32xf32, #tpu.memory_space<vmem>>
      %dma_wait3A_625 = arith.constant 0 : i32
      %dma_wait3A_626 = tpu.memref_slice %arg5[%dma_wait3A_619, %dma_wait3A_625] : memref<16x64xi32, #tpu.memory_space<vmem>> -> memref<1x64xi32, #tpu.memory_space<vmem>>
      %dma_wait3A_627 = tpu.memref_squeeze %dma_wait3A_626 : memref<1x64xi32, #tpu.memory_space<vmem>> -> memref<64xi32, #tpu.memory_space<vmem>>
      %dma_wait3A_628 = arith.constant 0 : i32
      %dma_wait3A_629 = arith.constant 0 : i32
      %dma_wait3A_630 = tpu.memref_slice %arg3[%dma_wait3A_628, %dma_wait3A_629] : memref<1000000x32xf32, #tpu.memory_space<hbm>> -> memref<1000000x32xf32, #tpu.memory_space<hbm>>
      tpu.wait_indirect_dma semaphore(%arg13 : memref<!tpu.dma_semaphore, #tpu.memory_space<semaphore_mem>>) src(%dma_wait3A_630 : memref<1000000x32xf32, #tpu.memory_space<hbm>>) dst(%dma_wait3A_624 : memref<64x32xf32, #tpu.memory_space<vmem>>)
      %dma_wait3A_631 = arith.constant 14 : i32
      %dma_wait3A_632 = arith.constant 14 : i32
      %dma_wait3A_633 = arith.constant 0 : i32
      %dma_wait3A_634 = arith.constant 0 : i32
      %dma_wait3A_635 = tpu.memref_slice %arg7[%dma_wait3A_632, %dma_wait3A_633, %dma_wait3A_634] : memref<16x64x32xf32, #tpu.memory_space<vmem>> -> memref<1x64x32xf32, #tpu.memory_space<vmem>>
      %dma_wait3A_636 = tpu.memref_squeeze %dma_wait3A_635 : memref<1x64x32xf32, #tpu.memory_space<vmem>> -> memref<64x32xf32, #tpu.memory_space<vmem>>
      %dma_wait3A_637 = arith.constant 0 : i32
      %dma_wait3A_638 = tpu.memref_slice %arg5[%dma_wait3A_631, %dma_wait3A_637] : memref<16x64xi32, #tpu.memory_space<vmem>> -> memref<1x64xi32, #tpu.memory_space<vmem>>
      %dma_wait3A_639 = tpu.memref_squeeze %dma_wait3A_638 : memref<1x64xi32, #tpu.memory_space<vmem>> -> memref<64xi32, #tpu.memory_space<vmem>>
      %dma_wait3A_640 = arith.constant 0 : i32
      %dma_wait3A_641 = arith.constant 0 : i32
      %dma_wait3A_642 = tpu.memref_slice %arg3[%dma_wait3A_640, %dma_wait3A_641] : memref<1000000x32xf32, #tpu.memory_space<hbm>> -> memref<1000000x32xf32, #tpu.memory_space<hbm>>
      tpu.wait_indirect_dma semaphore(%arg13 : memref<!tpu.dma_semaphore, #tpu.memory_space<semaphore_mem>>) src(%dma_wait3A_642 : memref<1000000x32xf32, #tpu.memory_space<hbm>>) dst(%dma_wait3A_636 : memref<64x32xf32, #tpu.memory_space<vmem>>)
      %dma_wait3A_643 = arith.constant 15 : i32
      %dma_wait3A_644 = arith.constant 15 : i32
      %dma_wait3A_645 = arith.constant 0 : i32
      %dma_wait3A_646 = arith.constant 0 : i32
      %dma_wait3A_647 = tpu.memref_slice %arg7[%dma_wait3A_644, %dma_wait3A_645, %dma_wait3A_646] : memref<16x64x32xf32, #tpu.memory_space<vmem>> -> memref<1x64x32xf32, #tpu.memory_space<vmem>>
      %dma_wait3A_648 = tpu.memref_squeeze %dma_wait3A_647 : memref<1x64x32xf32, #tpu.memory_space<vmem>> -> memref<64x32xf32, #tpu.memory_space<vmem>>
      %dma_wait3A_649 = arith.constant 0 : i32
      %dma_wait3A_650 = tpu.memref_slice %arg5[%dma_wait3A_643, %dma_wait3A_649] : memref<16x64xi32, #tpu.memory_space<vmem>> -> memref<1x64xi32, #tpu.memory_space<vmem>>
      %dma_wait3A_651 = tpu.memref_squeeze %dma_wait3A_650 : memref<1x64xi32, #tpu.memory_space<vmem>> -> memref<64xi32, #tpu.memory_space<vmem>>
      %dma_wait3A_652 = arith.constant 0 : i32
      %dma_wait3A_653 = arith.constant 0 : i32
      %dma_wait3A_654 = tpu.memref_slice %arg3[%dma_wait3A_652, %dma_wait3A_653] : memref<1000000x32xf32, #tpu.memory_space<hbm>> -> memref<1000000x32xf32, #tpu.memory_space<hbm>>
      tpu.wait_indirect_dma semaphore(%arg13 : memref<!tpu.dma_semaphore, #tpu.memory_space<semaphore_mem>>) src(%dma_wait3A_654 : memref<1000000x32xf32, #tpu.memory_space<hbm>>) dst(%dma_wait3A_648 : memref<64x32xf32, #tpu.memory_space<vmem>>)
      %add3A_655 = arith.constant 2 : i32
      %add3A_656 = arith.addi %add3A_462, %add3A_655 : i32
      %lt3A = arith.constant 32 : i32
      %lt3A_657 = arith.cmpi slt, %add3A_656, %lt3A : i32
      %convert_element_type3A = arith.extui %lt3A_657 : i1 to i32
      %cond3A = arith.constant 0 : i32
      %cond3A_658 = arith.cmpi ne, %convert_element_type3A, %cond3A : i32
      scf.if %cond3A_658 {
        %add3A_911 = arith.constant 2 : i32
        %add3A_912 = arith.addi %add3A_462, %add3A_911 : i32
        %mul3A_913 = arith.constant 16 : i32
        %mul3A_914 = arith.muli %add3A_912, %mul3A_913 : i32
        %add3A_915 = arith.addi %mul3A_2, %mul3A_914 : i32
        %dma_start3A_916 = arith.constant 0 : i32
        %dma_start3A_917 = tpu.memref_slice %arg2[%add3A_915, %dma_start3A_916] : memref<16384x64xi32, #tpu.memory_space<hbm>> -> memref<16x64xi32, #tpu.memory_space<hbm>>
        %dma_start3A_918 = arith.constant 0 : i32
        %dma_start3A_919 = tpu.memref_slice %arg2[%add3A_915, %dma_start3A_918] : memref<16384x64xi32, #tpu.memory_space<hbm>> -> memref<16x64xi32, #tpu.memory_space<hbm>>
        tpu.enqueue_dma source(%dma_start3A_919 : memref<16x64xi32, #tpu.memory_space<hbm>>) target(%arg5 : memref<16x64xi32, #tpu.memory_space<vmem>>) target_semaphore(%arg11 : memref<!tpu.dma_semaphore, #tpu.memory_space<semaphore_mem>>)
      } else {
      }
      %ge3A = arith.constant 2 : i32
      %ge3A_659 = arith.cmpi sge, %add3A_462, %ge3A : i32
      %convert_element_type3A_660 = arith.extui %ge3A_659 : i1 to i32
      %cond3A_661 = arith.constant 0 : i32
      %cond3A_662 = arith.cmpi ne, %convert_element_type3A_660, %cond3A_661 : i32
      scf.if %cond3A_662 {
        %sub3A = arith.constant 2 : i32
        %sub3A_911 = arith.subi %add3A_462, %sub3A : i32
        %mul3A_912 = arith.constant 16 : i32
        %mul3A_913 = arith.muli %sub3A_911, %mul3A_912 : i32
        %add3A_914 = arith.addi %mul3A_2, %mul3A_913 : i32
        %dma_wait3A_915 = arith.constant 0 : i32
        %dma_wait3A_916 = tpu.memref_slice %arg4[%add3A_914, %dma_wait3A_915] : memref<16384x32xf32, #tpu.memory_space<hbm>> -> memref<16x32xf32, #tpu.memory_space<hbm>>
        %dma_wait3A_917 = arith.constant 0 : i32
        %dma_wait3A_918 = tpu.memref_slice %arg4[%add3A_914, %dma_wait3A_917] : memref<16384x32xf32, #tpu.memory_space<hbm>> -> memref<16x32xf32, #tpu.memory_space<hbm>>
        tpu.wait_dma2 semaphore(%arg15 : memref<!tpu.dma_semaphore, #tpu.memory_space<semaphore_mem>>) src(%arg9 : memref<16x32xf32, #tpu.memory_space<vmem>>) dst(%dma_wait3A_918 : memref<16x32xf32, #tpu.memory_space<hbm>>)
      } else {
      }
      %scan3A_663 = arith.constant 0 : i32
      %scan3A_664 = arith.constant 0 : i32
      %scan3A_665 = arith.constant 16 : i32
      %scan3A_666 = arith.addi %scan3A_664, %scan3A_665 : i32
      %scan3A_667 = arith.constant 1 : i32
      scf.for %scan3A_911 = %scan3A_664 to %scan3A_666 step %scan3A_667  : i32 {
        %get3A = arith.constant 0 : i32
        %get3A_912 = arith.index_cast %scan3A_911 : i32 to index
        %get3A_913 = arith.index_cast %get3A : i32 to index
        %get3A_914 = arith.constant 0 : index
        %get3A_915 = tpu.vector_load %arg7[%get3A_912, %get3A_913, %get3A_914] {strides = array<i32>} : memref<16x64x32xf32, #tpu.memory_space<vmem>>, vector<1x1x16xf32>,
        %get3A_916 = vector.shape_cast %get3A_915 : vector<1x1x16xf32> to vector<16xf32>
        %get3A_917 = arith.constant 0 : i32
        %get3A_918 = arith.index_cast %scan3A_911 : i32 to index
        %get3A_919 = arith.index_cast %get3A_917 : i32 to index
        %get3A_920 = arith.constant 16 : index
        %get3A_921 = tpu.vector_load %arg7[%get3A_918, %get3A_919, %get3A_920] {strides = array<i32>} : memref<16x64x32xf32, #tpu.memory_space<vmem>>, vector<1x1x16xf32>,
        %get3A_922 = vector.shape_cast %get3A_921 : vector<1x1x16xf32> to vector<16xf32>
        %get3A_923 = arith.constant 1 : i32
        %get3A_924 = arith.index_cast %scan3A_911 : i32 to index
        %get3A_925 = arith.index_cast %get3A_923 : i32 to index
        %get3A_926 = arith.constant 0 : index
        %get3A_927 = tpu.vector_load %arg7[%get3A_924, %get3A_925, %get3A_926] {strides = array<i32>} : memref<16x64x32xf32, #tpu.memory_space<vmem>>, vector<1x1x16xf32>,
        %get3A_928 = vector.shape_cast %get3A_927 : vector<1x1x16xf32> to vector<16xf32>
        %add3A_929 = arith.addf %get3A_916, %get3A_928 : vector<16xf32>
        %get3A_930 = arith.constant 1 : i32
        %get3A_931 = arith.index_cast %scan3A_911 : i32 to index
        %get3A_932 = arith.index_cast %get3A_930 : i32 to index
        %get3A_933 = arith.constant 16 : index
        %get3A_934 = tpu.vector_load %arg7[%get3A_931, %get3A_932, %get3A_933] {strides = array<i32>} : memref<16x64x32xf32, #tpu.memory_space<vmem>>, vector<1x1x16xf32>,
        %get3A_935 = vector.shape_cast %get3A_934 : vector<1x1x16xf32> to vector<16xf32>
        %add3A_936 = arith.addf %get3A_922, %get3A_935 : vector<16xf32>
        %get3A_937 = arith.constant 2 : i32
        %get3A_938 = arith.index_cast %scan3A_911 : i32 to index
        %get3A_939 = arith.index_cast %get3A_937 : i32 to index
        %get3A_940 = arith.constant 0 : index
        %get3A_941 = tpu.vector_load %arg7[%get3A_938, %get3A_939, %get3A_940] {strides = array<i32>} : memref<16x64x32xf32, #tpu.memory_space<vmem>>, vector<1x1x16xf32>,
        %get3A_942 = vector.shape_cast %get3A_941 : vector<1x1x16xf32> to vector<16xf32>
        %add3A_943 = arith.addf %add3A_929, %get3A_942 : vector<16xf32>
        %get3A_944 = arith.constant 2 : i32
        %get3A_945 = arith.index_cast %scan3A_911 : i32 to index
        %get3A_946 = arith.index_cast %get3A_944 : i32 to index
        %get3A_947 = arith.constant 16 : index
        %get3A_948 = tpu.vector_load %arg7[%get3A_945, %get3A_946, %get3A_947] {strides = array<i32>} : memref<16x64x32xf32, #tpu.memory_space<vmem>>, vector<1x1x16xf32>,
        %get3A_949 = vector.shape_cast %get3A_948 : vector<1x1x16xf32> to vector<16xf32>
        %add3A_950 = arith.addf %add3A_936, %get3A_949 : vector<16xf32>
        %get3A_951 = arith.constant 3 : i32
        %get3A_952 = arith.index_cast %scan3A_911 : i32 to index
        %get3A_953 = arith.index_cast %get3A_951 : i32 to index
        %get3A_954 = arith.constant 0 : index
        %get3A_955 = tpu.vector_load %arg7[%get3A_952, %get3A_953, %get3A_954] {strides = array<i32>} : memref<16x64x32xf32, #tpu.memory_space<vmem>>, vector<1x1x16xf32>,
        %get3A_956 = vector.shape_cast %get3A_955 : vector<1x1x16xf32> to vector<16xf32>
        %add3A_957 = arith.addf %add3A_943, %get3A_956 : vector<16xf32>
        %get3A_958 = arith.constant 3 : i32
        %get3A_959 = arith.index_cast %scan3A_911 : i32 to index
        %get3A_960 = arith.index_cast %get3A_958 : i32 to index
        %get3A_961 = arith.constant 16 : index
        %get3A_962 = tpu.vector_load %arg7[%get3A_959, %get3A_960, %get3A_961] {strides = array<i32>} : memref<16x64x32xf32, #tpu.memory_space<vmem>>, vector<1x1x16xf32>,
        %get3A_963 = vector.shape_cast %get3A_962 : vector<1x1x16xf32> to vector<16xf32>
        %add3A_964 = arith.addf %add3A_950, %get3A_963 : vector<16xf32>
        %get3A_965 = arith.constant 4 : i32
        %get3A_966 = arith.index_cast %scan3A_911 : i32 to index
        %get3A_967 = arith.index_cast %get3A_965 : i32 to index
        %get3A_968 = arith.constant 0 : index
        %get3A_969 = tpu.vector_load %arg7[%get3A_966, %get3A_967, %get3A_968] {strides = array<i32>} : memref<16x64x32xf32, #tpu.memory_space<vmem>>, vector<1x1x16xf32>,
        %get3A_970 = vector.shape_cast %get3A_969 : vector<1x1x16xf32> to vector<16xf32>
        %add3A_971 = arith.addf %add3A_957, %get3A_970 : vector<16xf32>
        %get3A_972 = arith.constant 4 : i32
        %get3A_973 = arith.index_cast %scan3A_911 : i32 to index
        %get3A_974 = arith.index_cast %get3A_972 : i32 to index
        %get3A_975 = arith.constant 16 : index
        %get3A_976 = tpu.vector_load %arg7[%get3A_973, %get3A_974, %get3A_975] {strides = array<i32>} : memref<16x64x32xf32, #tpu.memory_space<vmem>>, vector<1x1x16xf32>,
        %get3A_977 = vector.shape_cast %get3A_976 : vector<1x1x16xf32> to vector<16xf32>
        %add3A_978 = arith.addf %add3A_964, %get3A_977 : vector<16xf32>
        %get3A_979 = arith.constant 5 : i32
        %get3A_980 = arith.index_cast %scan3A_911 : i32 to index
        %get3A_981 = arith.index_cast %get3A_979 : i32 to index
        %get3A_982 = arith.constant 0 : index
        %get3A_983 = tpu.vector_load %arg7[%get3A_980, %get3A_981, %get3A_982] {strides = array<i32>} : memref<16x64x32xf32, #tpu.memory_space<vmem>>, vector<1x1x16xf32>,
        %get3A_984 = vector.shape_cast %get3A_983 : vector<1x1x16xf32> to vector<16xf32>
        %add3A_985 = arith.addf %add3A_971, %get3A_984 : vector<16xf32>
        %get3A_986 = arith.constant 5 : i32
        %get3A_987 = arith.index_cast %scan3A_911 : i32 to index
        %get3A_988 = arith.index_cast %get3A_986 : i32 to index
        %get3A_989 = arith.constant 16 : index
        %get3A_990 = tpu.vector_load %arg7[%get3A_987, %get3A_988, %get3A_989] {strides = array<i32>} : memref<16x64x32xf32, #tpu.memory_space<vmem>>, vector<1x1x16xf32>,
        %get3A_991 = vector.shape_cast %get3A_990 : vector<1x1x16xf32> to vector<16xf32>
        %add3A_992 = arith.addf %add3A_978, %get3A_991 : vector<16xf32>
        %get3A_993 = arith.constant 6 : i32
        %get3A_994 = arith.index_cast %scan3A_911 : i32 to index
        %get3A_995 = arith.index_cast %get3A_993 : i32 to index
        %get3A_996 = arith.constant 0 : index
        %get3A_997 = tpu.vector_load %arg7[%get3A_994, %get3A_995, %get3A_996] {strides = array<i32>} : memref<16x64x32xf32, #tpu.memory_space<vmem>>, vector<1x1x16xf32>,
        %get3A_998 = vector.shape_cast %get3A_997 : vector<1x1x16xf32> to vector<16xf32>
        %add3A_999 = arith.addf %add3A_985, %get3A_998 : vector<16xf32>
        %get3A_1000 = arith.constant 6 : i32
        %get3A_1001 = arith.index_cast %scan3A_911 : i32 to index
        %get3A_1002 = arith.index_cast %get3A_1000 : i32 to index
        %get3A_1003 = arith.constant 16 : index
        %get3A_1004 = tpu.vector_load %arg7[%get3A_1001, %get3A_1002, %get3A_1003] {strides = array<i32>} : memref<16x64x32xf32, #tpu.memory_space<vmem>>, vector<1x1x16xf32>,
        %get3A_1005 = vector.shape_cast %get3A_1004 : vector<1x1x16xf32> to vector<16xf32>
        %add3A_1006 = arith.addf %add3A_992, %get3A_1005 : vector<16xf32>
        %get3A_1007 = arith.constant 7 : i32
        %get3A_1008 = arith.index_cast %scan3A_911 : i32 to index
        %get3A_1009 = arith.index_cast %get3A_1007 : i32 to index
        %get3A_1010 = arith.constant 0 : index
        %get3A_1011 = tpu.vector_load %arg7[%get3A_1008, %get3A_1009, %get3A_1010] {strides = array<i32>} : memref<16x64x32xf32, #tpu.memory_space<vmem>>, vector<1x1x16xf32>,
        %get3A_1012 = vector.shape_cast %get3A_1011 : vector<1x1x16xf32> to vector<16xf32>
        %add3A_1013 = arith.addf %add3A_999, %get3A_1012 : vector<16xf32>
        %get3A_1014 = arith.constant 7 : i32
        %get3A_1015 = arith.index_cast %scan3A_911 : i32 to index
        %get3A_1016 = arith.index_cast %get3A_1014 : i32 to index
        %get3A_1017 = arith.constant 16 : index
        %get3A_1018 = tpu.vector_load %arg7[%get3A_1015, %get3A_1016, %get3A_1017] {strides = array<i32>} : memref<16x64x32xf32, #tpu.memory_space<vmem>>, vector<1x1x16xf32>,
        %get3A_1019 = vector.shape_cast %get3A_1018 : vector<1x1x16xf32> to vector<16xf32>
        %add3A_1020 = arith.addf %add3A_1006, %get3A_1019 : vector<16xf32>
        %get3A_1021 = arith.constant 8 : i32
        %get3A_1022 = arith.index_cast %scan3A_911 : i32 to index
        %get3A_1023 = arith.index_cast %get3A_1021 : i32 to index
        %get3A_1024 = arith.constant 0 : index
        %get3A_1025 = tpu.vector_load %arg7[%get3A_1022, %get3A_1023, %get3A_1024] {strides = array<i32>} : memref<16x64x32xf32, #tpu.memory_space<vmem>>, vector<1x1x16xf32>,
        %get3A_1026 = vector.shape_cast %get3A_1025 : vector<1x1x16xf32> to vector<16xf32>
        %add3A_1027 = arith.addf %add3A_1013, %get3A_1026 : vector<16xf32>
        %get3A_1028 = arith.constant 8 : i32
        %get3A_1029 = arith.index_cast %scan3A_911 : i32 to index
        %get3A_1030 = arith.index_cast %get3A_1028 : i32 to index
        %get3A_1031 = arith.constant 16 : index
        %get3A_1032 = tpu.vector_load %arg7[%get3A_1029, %get3A_1030, %get3A_1031] {strides = array<i32>} : memref<16x64x32xf32, #tpu.memory_space<vmem>>, vector<1x1x16xf32>,
        %get3A_1033 = vector.shape_cast %get3A_1032 : vector<1x1x16xf32> to vector<16xf32>
        %add3A_1034 = arith.addf %add3A_1020, %get3A_1033 : vector<16xf32>
        %get3A_1035 = arith.constant 9 : i32
        %get3A_1036 = arith.index_cast %scan3A_911 : i32 to index
        %get3A_1037 = arith.index_cast %get3A_1035 : i32 to index
        %get3A_1038 = arith.constant 0 : index
        %get3A_1039 = tpu.vector_load %arg7[%get3A_1036, %get3A_1037, %get3A_1038] {strides = array<i32>} : memref<16x64x32xf32, #tpu.memory_space<vmem>>, vector<1x1x16xf32>,
        %get3A_1040 = vector.shape_cast %get3A_1039 : vector<1x1x16xf32> to vector<16xf32>
        %add3A_1041 = arith.addf %add3A_1027, %get3A_1040 : vector<16xf32>
        %get3A_1042 = arith.constant 9 : i32
        %get3A_1043 = arith.index_cast %scan3A_911 : i32 to index
        %get3A_1044 = arith.index_cast %get3A_1042 : i32 to index
        %get3A_1045 = arith.constant 16 : index
        %get3A_1046 = tpu.vector_load %arg7[%get3A_1043, %get3A_1044, %get3A_1045] {strides = array<i32>} : memref<16x64x32xf32, #tpu.memory_space<vmem>>, vector<1x1x16xf32>,
        %get3A_1047 = vector.shape_cast %get3A_1046 : vector<1x1x16xf32> to vector<16xf32>
        %add3A_1048 = arith.addf %add3A_1034, %get3A_1047 : vector<16xf32>
        %get3A_1049 = arith.constant 10 : i32
        %get3A_1050 = arith.index_cast %scan3A_911 : i32 to index
        %get3A_1051 = arith.index_cast %get3A_1049 : i32 to index
        %get3A_1052 = arith.constant 0 : index
        %get3A_1053 = tpu.vector_load %arg7[%get3A_1050, %get3A_1051, %get3A_1052] {strides = array<i32>} : memref<16x64x32xf32, #tpu.memory_space<vmem>>, vector<1x1x16xf32>,
        %get3A_1054 = vector.shape_cast %get3A_1053 : vector<1x1x16xf32> to vector<16xf32>
        %add3A_1055 = arith.addf %add3A_1041, %get3A_1054 : vector<16xf32>
        %get3A_1056 = arith.constant 10 : i32
        %get3A_1057 = arith.index_cast %scan3A_911 : i32 to index
        %get3A_1058 = arith.index_cast %get3A_1056 : i32 to index
        %get3A_1059 = arith.constant 16 : index
        %get3A_1060 = tpu.vector_load %arg7[%get3A_1057, %get3A_1058, %get3A_1059] {strides = array<i32>} : memref<16x64x32xf32, #tpu.memory_space<vmem>>, vector<1x1x16xf32>,
        %get3A_1061 = vector.shape_cast %get3A_1060 : vector<1x1x16xf32> to vector<16xf32>
        %add3A_1062 = arith.addf %add3A_1048, %get3A_1061 : vector<16xf32>
        %get3A_1063 = arith.constant 11 : i32
        %get3A_1064 = arith.index_cast %scan3A_911 : i32 to index
        %get3A_1065 = arith.index_cast %get3A_1063 : i32 to index
        %get3A_1066 = arith.constant 0 : index
        %get3A_1067 = tpu.vector_load %arg7[%get3A_1064, %get3A_1065, %get3A_1066] {strides = array<i32>} : memref<16x64x32xf32, #tpu.memory_space<vmem>>, vector<1x1x16xf32>,
        %get3A_1068 = vector.shape_cast %get3A_1067 : vector<1x1x16xf32> to vector<16xf32>
        %add3A_1069 = arith.addf %add3A_1055, %get3A_1068 : vector<16xf32>
        %get3A_1070 = arith.constant 11 : i32
        %get3A_1071 = arith.index_cast %scan3A_911 : i32 to index
        %get3A_1072 = arith.index_cast %get3A_1070 : i32 to index
        %get3A_1073 = arith.constant 16 : index
        %get3A_1074 = tpu.vector_load %arg7[%get3A_1071, %get3A_1072, %get3A_1073] {strides = array<i32>} : memref<16x64x32xf32, #tpu.memory_space<vmem>>, vector<1x1x16xf32>,
        %get3A_1075 = vector.shape_cast %get3A_1074 : vector<1x1x16xf32> to vector<16xf32>
        %add3A_1076 = arith.addf %add3A_1062, %get3A_1075 : vector<16xf32>
        %get3A_1077 = arith.constant 12 : i32
        %get3A_1078 = arith.index_cast %scan3A_911 : i32 to index
        %get3A_1079 = arith.index_cast %get3A_1077 : i32 to index
        %get3A_1080 = arith.constant 0 : index
        %get3A_1081 = tpu.vector_load %arg7[%get3A_1078, %get3A_1079, %get3A_1080] {strides = array<i32>} : memref<16x64x32xf32, #tpu.memory_space<vmem>>, vector<1x1x16xf32>,
        %get3A_1082 = vector.shape_cast %get3A_1081 : vector<1x1x16xf32> to vector<16xf32>
        %add3A_1083 = arith.addf %add3A_1069, %get3A_1082 : vector<16xf32>
        %get3A_1084 = arith.constant 12 : i32
        %get3A_1085 = arith.index_cast %scan3A_911 : i32 to index
        %get3A_1086 = arith.index_cast %get3A_1084 : i32 to index
        %get3A_1087 = arith.constant 16 : index
        %get3A_1088 = tpu.vector_load %arg7[%get3A_1085, %get3A_1086, %get3A_1087] {strides = array<i32>} : memref<16x64x32xf32, #tpu.memory_space<vmem>>, vector<1x1x16xf32>,
        %get3A_1089 = vector.shape_cast %get3A_1088 : vector<1x1x16xf32> to vector<16xf32>
        %add3A_1090 = arith.addf %add3A_1076, %get3A_1089 : vector<16xf32>
        %get3A_1091 = arith.constant 13 : i32
        %get3A_1092 = arith.index_cast %scan3A_911 : i32 to index
        %get3A_1093 = arith.index_cast %get3A_1091 : i32 to index
        %get3A_1094 = arith.constant 0 : index
        %get3A_1095 = tpu.vector_load %arg7[%get3A_1092, %get3A_1093, %get3A_1094] {strides = array<i32>} : memref<16x64x32xf32, #tpu.memory_space<vmem>>, vector<1x1x16xf32>,
        %get3A_1096 = vector.shape_cast %get3A_1095 : vector<1x1x16xf32> to vector<16xf32>
        %add3A_1097 = arith.addf %add3A_1083, %get3A_1096 : vector<16xf32>
        %get3A_1098 = arith.constant 13 : i32
        %get3A_1099 = arith.index_cast %scan3A_911 : i32 to index
        %get3A_1100 = arith.index_cast %get3A_1098 : i32 to index
        %get3A_1101 = arith.constant 16 : index
        %get3A_1102 = tpu.vector_load %arg7[%get3A_1099, %get3A_1100, %get3A_1101] {strides = array<i32>} : memref<16x64x32xf32, #tpu.memory_space<vmem>>, vector<1x1x16xf32>,
        %get3A_1103 = vector.shape_cast %get3A_1102 : vector<1x1x16xf32> to vector<16xf32>
        %add3A_1104 = arith.addf %add3A_1090, %get3A_1103 : vector<16xf32>
        %get3A_1105 = arith.constant 14 : i32
        %get3A_1106 = arith.index_cast %scan3A_911 : i32 to index
        %get3A_1107 = arith.index_cast %get3A_1105 : i32 to index
        %get3A_1108 = arith.constant 0 : index
        %get3A_1109 = tpu.vector_load %arg7[%get3A_1106, %get3A_1107, %get3A_1108] {strides = array<i32>} : memref<16x64x32xf32, #tpu.memory_space<vmem>>, vector<1x1x16xf32>,
        %get3A_1110 = vector.shape_cast %get3A_1109 : vector<1x1x16xf32> to vector<16xf32>
        %add3A_1111 = arith.addf %add3A_1097, %get3A_1110 : vector<16xf32>
        %get3A_1112 = arith.constant 14 : i32
        %get3A_1113 = arith.index_cast %scan3A_911 : i32 to index
        %get3A_1114 = arith.index_cast %get3A_1112 : i32 to index
        %get3A_1115 = arith.constant 16 : index
        %get3A_1116 = tpu.vector_load %arg7[%get3A_1113, %get3A_1114, %get3A_1115] {strides = array<i32>} : memref<16x64x32xf32, #tpu.memory_space<vmem>>, vector<1x1x16xf32>,
        %get3A_1117 = vector.shape_cast %get3A_1116 : vector<1x1x16xf32> to vector<16xf32>
        %add3A_1118 = arith.addf %add3A_1104, %get3A_1117 : vector<16xf32>
        %get3A_1119 = arith.constant 15 : i32
        %get3A_1120 = arith.index_cast %scan3A_911 : i32 to index
        %get3A_1121 = arith.index_cast %get3A_1119 : i32 to index
        %get3A_1122 = arith.constant 0 : index
        %get3A_1123 = tpu.vector_load %arg7[%get3A_1120, %get3A_1121, %get3A_1122] {strides = array<i32>} : memref<16x64x32xf32, #tpu.memory_space<vmem>>, vector<1x1x16xf32>,
        %get3A_1124 = vector.shape_cast %get3A_1123 : vector<1x1x16xf32> to vector<16xf32>
        %add3A_1125 = arith.addf %add3A_1111, %get3A_1124 : vector<16xf32>
        %get3A_1126 = arith.constant 15 : i32
        %get3A_1127 = arith.index_cast %scan3A_911 : i32 to index
        %get3A_1128 = arith.index_cast %get3A_1126 : i32 to index
        %get3A_1129 = arith.constant 16 : index
        %get3A_1130 = tpu.vector_load %arg7[%get3A_1127, %get3A_1128, %get3A_1129] {strides = array<i32>} : memref<16x64x32xf32, #tpu.memory_space<vmem>>, vector<1x1x16xf32>,
        %get3A_1131 = vector.shape_cast %get3A_1130 : vector<1x1x16xf32> to vector<16xf32>
        %add3A_1132 = arith.addf %add3A_1118, %get3A_1131 : vector<16xf32>
        %get3A_1133 = arith.constant 16 : i32
        %get3A_1134 = arith.index_cast %scan3A_911 : i32 to index
        %get3A_1135 = arith.index_cast %get3A_1133 : i32 to index
        %get3A_1136 = arith.constant 0 : index
        %get3A_1137 = tpu.vector_load %arg7[%get3A_1134, %get3A_1135, %get3A_1136] {strides = array<i32>} : memref<16x64x32xf32, #tpu.memory_space<vmem>>, vector<1x1x16xf32>,
        %get3A_1138 = vector.shape_cast %get3A_1137 : vector<1x1x16xf32> to vector<16xf32>
        %add3A_1139 = arith.addf %add3A_1125, %get3A_1138 : vector<16xf32>
        %get3A_1140 = arith.constant 16 : i32
        %get3A_1141 = arith.index_cast %scan3A_911 : i32 to index
        %get3A_1142 = arith.index_cast %get3A_1140 : i32 to index
        %get3A_1143 = arith.constant 16 : index
        %get3A_1144 = tpu.vector_load %arg7[%get3A_1141, %get3A_1142, %get3A_1143] {strides = array<i32>} : memref<16x64x32xf32, #tpu.memory_space<vmem>>, vector<1x1x16xf32>,
        %get3A_1145 = vector.shape_cast %get3A_1144 : vector<1x1x16xf32> to vector<16xf32>
        %add3A_1146 = arith.addf %add3A_1132, %get3A_1145 : vector<16xf32>
        %get3A_1147 = arith.constant 17 : i32
        %get3A_1148 = arith.index_cast %scan3A_911 : i32 to index
        %get3A_1149 = arith.index_cast %get3A_1147 : i32 to index
        %get3A_1150 = arith.constant 0 : index
        %get3A_1151 = tpu.vector_load %arg7[%get3A_1148, %get3A_1149, %get3A_1150] {strides = array<i32>} : memref<16x64x32xf32, #tpu.memory_space<vmem>>, vector<1x1x16xf32>,
        %get3A_1152 = vector.shape_cast %get3A_1151 : vector<1x1x16xf32> to vector<16xf32>
        %add3A_1153 = arith.addf %add3A_1139, %get3A_1152 : vector<16xf32>
        %get3A_1154 = arith.constant 17 : i32
        %get3A_1155 = arith.index_cast %scan3A_911 : i32 to index
        %get3A_1156 = arith.index_cast %get3A_1154 : i32 to index
        %get3A_1157 = arith.constant 16 : index
        %get3A_1158 = tpu.vector_load %arg7[%get3A_1155, %get3A_1156, %get3A_1157] {strides = array<i32>} : memref<16x64x32xf32, #tpu.memory_space<vmem>>, vector<1x1x16xf32>,
        %get3A_1159 = vector.shape_cast %get3A_1158 : vector<1x1x16xf32> to vector<16xf32>
        %add3A_1160 = arith.addf %add3A_1146, %get3A_1159 : vector<16xf32>
        %get3A_1161 = arith.constant 18 : i32
        %get3A_1162 = arith.index_cast %scan3A_911 : i32 to index
        %get3A_1163 = arith.index_cast %get3A_1161 : i32 to index
        %get3A_1164 = arith.constant 0 : index
        %get3A_1165 = tpu.vector_load %arg7[%get3A_1162, %get3A_1163, %get3A_1164] {strides = array<i32>} : memref<16x64x32xf32, #tpu.memory_space<vmem>>, vector<1x1x16xf32>,
        %get3A_1166 = vector.shape_cast %get3A_1165 : vector<1x1x16xf32> to vector<16xf32>
        %add3A_1167 = arith.addf %add3A_1153, %get3A_1166 : vector<16xf32>
        %get3A_1168 = arith.constant 18 : i32
        %get3A_1169 = arith.index_cast %scan3A_911 : i32 to index
        %get3A_1170 = arith.index_cast %get3A_1168 : i32 to index
        %get3A_1171 = arith.constant 16 : index
        %get3A_1172 = tpu.vector_load %arg7[%get3A_1169, %get3A_1170, %get3A_1171] {strides = array<i32>} : memref<16x64x32xf32, #tpu.memory_space<vmem>>, vector<1x1x16xf32>,
        %get3A_1173 = vector.shape_cast %get3A_1172 : vector<1x1x16xf32> to vector<16xf32>
        %add3A_1174 = arith.addf %add3A_1160, %get3A_1173 : vector<16xf32>
        %get3A_1175 = arith.constant 19 : i32
        %get3A_1176 = arith.index_cast %scan3A_911 : i32 to index
        %get3A_1177 = arith.index_cast %get3A_1175 : i32 to index
        %get3A_1178 = arith.constant 0 : index
        %get3A_1179 = tpu.vector_load %arg7[%get3A_1176, %get3A_1177, %get3A_1178] {strides = array<i32>} : memref<16x64x32xf32, #tpu.memory_space<vmem>>, vector<1x1x16xf32>,
        %get3A_1180 = vector.shape_cast %get3A_1179 : vector<1x1x16xf32> to vector<16xf32>
        %add3A_1181 = arith.addf %add3A_1167, %get3A_1180 : vector<16xf32>
        %get3A_1182 = arith.constant 19 : i32
        %get3A_1183 = arith.index_cast %scan3A_911 : i32 to index
        %get3A_1184 = arith.index_cast %get3A_1182 : i32 to index
        %get3A_1185 = arith.constant 16 : index
        %get3A_1186 = tpu.vector_load %arg7[%get3A_1183, %get3A_1184, %get3A_1185] {strides = array<i32>} : memref<16x64x32xf32, #tpu.memory_space<vmem>>, vector<1x1x16xf32>,
        %get3A_1187 = vector.shape_cast %get3A_1186 : vector<1x1x16xf32> to vector<16xf32>
        %add3A_1188 = arith.addf %add3A_1174, %get3A_1187 : vector<16xf32>
        %get3A_1189 = arith.constant 20 : i32
        %get3A_1190 = arith.index_cast %scan3A_911 : i32 to index
        %get3A_1191 = arith.index_cast %get3A_1189 : i32 to index
        %get3A_1192 = arith.constant 0 : index
        %get3A_1193 = tpu.vector_load %arg7[%get3A_1190, %get3A_1191, %get3A_1192] {strides = array<i32>} : memref<16x64x32xf32, #tpu.memory_space<vmem>>, vector<1x1x16xf32>,
        %get3A_1194 = vector.shape_cast %get3A_1193 : vector<1x1x16xf32> to vector<16xf32>
        %add3A_1195 = arith.addf %add3A_1181, %get3A_1194 : vector<16xf32>
        %get3A_1196 = arith.constant 20 : i32
        %get3A_1197 = arith.index_cast %scan3A_911 : i32 to index
        %get3A_1198 = arith.index_cast %get3A_1196 : i32 to index
        %get3A_1199 = arith.constant 16 : index
        %get3A_1200 = tpu.vector_load %arg7[%get3A_1197, %get3A_1198, %get3A_1199] {strides = array<i32>} : memref<16x64x32xf32, #tpu.memory_space<vmem>>, vector<1x1x16xf32>,
        %get3A_1201 = vector.shape_cast %get3A_1200 : vector<1x1x16xf32> to vector<16xf32>
        %add3A_1202 = arith.addf %add3A_1188, %get3A_1201 : vector<16xf32>
        %get3A_1203 = arith.constant 21 : i32
        %get3A_1204 = arith.index_cast %scan3A_911 : i32 to index
        %get3A_1205 = arith.index_cast %get3A_1203 : i32 to index
        %get3A_1206 = arith.constant 0 : index
        %get3A_1207 = tpu.vector_load %arg7[%get3A_1204, %get3A_1205, %get3A_1206] {strides = array<i32>} : memref<16x64x32xf32, #tpu.memory_space<vmem>>, vector<1x1x16xf32>,
        %get3A_1208 = vector.shape_cast %get3A_1207 : vector<1x1x16xf32> to vector<16xf32>
        %add3A_1209 = arith.addf %add3A_1195, %get3A_1208 : vector<16xf32>
        %get3A_1210 = arith.constant 21 : i32
        %get3A_1211 = arith.index_cast %scan3A_911 : i32 to index
        %get3A_1212 = arith.index_cast %get3A_1210 : i32 to index
        %get3A_1213 = arith.constant 16 : index
        %get3A_1214 = tpu.vector_load %arg7[%get3A_1211, %get3A_1212, %get3A_1213] {strides = array<i32>} : memref<16x64x32xf32, #tpu.memory_space<vmem>>, vector<1x1x16xf32>,
        %get3A_1215 = vector.shape_cast %get3A_1214 : vector<1x1x16xf32> to vector<16xf32>
        %add3A_1216 = arith.addf %add3A_1202, %get3A_1215 : vector<16xf32>
        %get3A_1217 = arith.constant 22 : i32
        %get3A_1218 = arith.index_cast %scan3A_911 : i32 to index
        %get3A_1219 = arith.index_cast %get3A_1217 : i32 to index
        %get3A_1220 = arith.constant 0 : index
        %get3A_1221 = tpu.vector_load %arg7[%get3A_1218, %get3A_1219, %get3A_1220] {strides = array<i32>} : memref<16x64x32xf32, #tpu.memory_space<vmem>>, vector<1x1x16xf32>,
        %get3A_1222 = vector.shape_cast %get3A_1221 : vector<1x1x16xf32> to vector<16xf32>
        %add3A_1223 = arith.addf %add3A_1209, %get3A_1222 : vector<16xf32>
        %get3A_1224 = arith.constant 22 : i32
        %get3A_1225 = arith.index_cast %scan3A_911 : i32 to index
        %get3A_1226 = arith.index_cast %get3A_1224 : i32 to index
        %get3A_1227 = arith.constant 16 : index
        %get3A_1228 = tpu.vector_load %arg7[%get3A_1225, %get3A_1226, %get3A_1227] {strides = array<i32>} : memref<16x64x32xf32, #tpu.memory_space<vmem>>, vector<1x1x16xf32>,
        %get3A_1229 = vector.shape_cast %get3A_1228 : vector<1x1x16xf32> to vector<16xf32>
        %add3A_1230 = arith.addf %add3A_1216, %get3A_1229 : vector<16xf32>
        %get3A_1231 = arith.constant 23 : i32
        %get3A_1232 = arith.index_cast %scan3A_911 : i32 to index
        %get3A_1233 = arith.index_cast %get3A_1231 : i32 to index
        %get3A_1234 = arith.constant 0 : index
        %get3A_1235 = tpu.vector_load %arg7[%get3A_1232, %get3A_1233, %get3A_1234] {strides = array<i32>} : memref<16x64x32xf32, #tpu.memory_space<vmem>>, vector<1x1x16xf32>,
        %get3A_1236 = vector.shape_cast %get3A_1235 : vector<1x1x16xf32> to vector<16xf32>
        %add3A_1237 = arith.addf %add3A_1223, %get3A_1236 : vector<16xf32>
        %get3A_1238 = arith.constant 23 : i32
        %get3A_1239 = arith.index_cast %scan3A_911 : i32 to index
        %get3A_1240 = arith.index_cast %get3A_1238 : i32 to index
        %get3A_1241 = arith.constant 16 : index
        %get3A_1242 = tpu.vector_load %arg7[%get3A_1239, %get3A_1240, %get3A_1241] {strides = array<i32>} : memref<16x64x32xf32, #tpu.memory_space<vmem>>, vector<1x1x16xf32>,
        %get3A_1243 = vector.shape_cast %get3A_1242 : vector<1x1x16xf32> to vector<16xf32>
        %add3A_1244 = arith.addf %add3A_1230, %get3A_1243 : vector<16xf32>
        %get3A_1245 = arith.constant 24 : i32
        %get3A_1246 = arith.index_cast %scan3A_911 : i32 to index
        %get3A_1247 = arith.index_cast %get3A_1245 : i32 to index
        %get3A_1248 = arith.constant 0 : index
        %get3A_1249 = tpu.vector_load %arg7[%get3A_1246, %get3A_1247, %get3A_1248] {strides = array<i32>} : memref<16x64x32xf32, #tpu.memory_space<vmem>>, vector<1x1x16xf32>,
        %get3A_1250 = vector.shape_cast %get3A_1249 : vector<1x1x16xf32> to vector<16xf32>
        %add3A_1251 = arith.addf %add3A_1237, %get3A_1250 : vector<16xf32>
        %get3A_1252 = arith.constant 24 : i32
        %get3A_1253 = arith.index_cast %scan3A_911 : i32 to index
        %get3A_1254 = arith.index_cast %get3A_1252 : i32 to index
        %get3A_1255 = arith.constant 16 : index
        %get3A_1256 = tpu.vector_load %arg7[%get3A_1253, %get3A_1254, %get3A_1255] {strides = array<i32>} : memref<16x64x32xf32, #tpu.memory_space<vmem>>, vector<1x1x16xf32>,
        %get3A_1257 = vector.shape_cast %get3A_1256 : vector<1x1x16xf32> to vector<16xf32>
        %add3A_1258 = arith.addf %add3A_1244, %get3A_1257 : vector<16xf32>
        %get3A_1259 = arith.constant 25 : i32
        %get3A_1260 = arith.index_cast %scan3A_911 : i32 to index
        %get3A_1261 = arith.index_cast %get3A_1259 : i32 to index
        %get3A_1262 = arith.constant 0 : index
        %get3A_1263 = tpu.vector_load %arg7[%get3A_1260, %get3A_1261, %get3A_1262] {strides = array<i32>} : memref<16x64x32xf32, #tpu.memory_space<vmem>>, vector<1x1x16xf32>,
        %get3A_1264 = vector.shape_cast %get3A_1263 : vector<1x1x16xf32> to vector<16xf32>
        %add3A_1265 = arith.addf %add3A_1251, %get3A_1264 : vector<16xf32>
        %get3A_1266 = arith.constant 25 : i32
        %get3A_1267 = arith.index_cast %scan3A_911 : i32 to index
        %get3A_1268 = arith.index_cast %get3A_1266 : i32 to index
        %get3A_1269 = arith.constant 16 : index
        %get3A_1270 = tpu.vector_load %arg7[%get3A_1267, %get3A_1268, %get3A_1269] {strides = array<i32>} : memref<16x64x32xf32, #tpu.memory_space<vmem>>, vector<1x1x16xf32>,
        %get3A_1271 = vector.shape_cast %get3A_1270 : vector<1x1x16xf32> to vector<16xf32>
        %add3A_1272 = arith.addf %add3A_1258, %get3A_1271 : vector<16xf32>
        %get3A_1273 = arith.constant 26 : i32
        %get3A_1274 = arith.index_cast %scan3A_911 : i32 to index
        %get3A_1275 = arith.index_cast %get3A_1273 : i32 to index
        %get3A_1276 = arith.constant 0 : index
        %get3A_1277 = tpu.vector_load %arg7[%get3A_1274, %get3A_1275, %get3A_1276] {strides = array<i32>} : memref<16x64x32xf32, #tpu.memory_space<vmem>>, vector<1x1x16xf32>,
        %get3A_1278 = vector.shape_cast %get3A_1277 : vector<1x1x16xf32> to vector<16xf32>
        %add3A_1279 = arith.addf %add3A_1265, %get3A_1278 : vector<16xf32>
        %get3A_1280 = arith.constant 26 : i32
        %get3A_1281 = arith.index_cast %scan3A_911 : i32 to index
        %get3A_1282 = arith.index_cast %get3A_1280 : i32 to index
        %get3A_1283 = arith.constant 16 : index
        %get3A_1284 = tpu.vector_load %arg7[%get3A_1281, %get3A_1282, %get3A_1283] {strides = array<i32>} : memref<16x64x32xf32, #tpu.memory_space<vmem>>, vector<1x1x16xf32>,
        %get3A_1285 = vector.shape_cast %get3A_1284 : vector<1x1x16xf32> to vector<16xf32>
        %add3A_1286 = arith.addf %add3A_1272, %get3A_1285 : vector<16xf32>
        %get3A_1287 = arith.constant 27 : i32
        %get3A_1288 = arith.index_cast %scan3A_911 : i32 to index
        %get3A_1289 = arith.index_cast %get3A_1287 : i32 to index
        %get3A_1290 = arith.constant 0 : index
        %get3A_1291 = tpu.vector_load %arg7[%get3A_1288, %get3A_1289, %get3A_1290] {strides = array<i32>} : memref<16x64x32xf32, #tpu.memory_space<vmem>>, vector<1x1x16xf32>,
        %get3A_1292 = vector.shape_cast %get3A_1291 : vector<1x1x16xf32> to vector<16xf32>
        %add3A_1293 = arith.addf %add3A_1279, %get3A_1292 : vector<16xf32>
        %get3A_1294 = arith.constant 27 : i32
        %get3A_1295 = arith.index_cast %scan3A_911 : i32 to index
        %get3A_1296 = arith.index_cast %get3A_1294 : i32 to index
        %get3A_1297 = arith.constant 16 : index
        %get3A_1298 = tpu.vector_load %arg7[%get3A_1295, %get3A_1296, %get3A_1297] {strides = array<i32>} : memref<16x64x32xf32, #tpu.memory_space<vmem>>, vector<1x1x16xf32>,
        %get3A_1299 = vector.shape_cast %get3A_1298 : vector<1x1x16xf32> to vector<16xf32>
        %add3A_1300 = arith.addf %add3A_1286, %get3A_1299 : vector<16xf32>
        %get3A_1301 = arith.constant 28 : i32
        %get3A_1302 = arith.index_cast %scan3A_911 : i32 to index
        %get3A_1303 = arith.index_cast %get3A_1301 : i32 to index
        %get3A_1304 = arith.constant 0 : index
        %get3A_1305 = tpu.vector_load %arg7[%get3A_1302, %get3A_1303, %get3A_1304] {strides = array<i32>} : memref<16x64x32xf32, #tpu.memory_space<vmem>>, vector<1x1x16xf32>,
        %get3A_1306 = vector.shape_cast %get3A_1305 : vector<1x1x16xf32> to vector<16xf32>
        %add3A_1307 = arith.addf %add3A_1293, %get3A_1306 : vector<16xf32>
        %get3A_1308 = arith.constant 28 : i32
        %get3A_1309 = arith.index_cast %scan3A_911 : i32 to index
        %get3A_1310 = arith.index_cast %get3A_1308 : i32 to index
        %get3A_1311 = arith.constant 16 : index
        %get3A_1312 = tpu.vector_load %arg7[%get3A_1309, %get3A_1310, %get3A_1311] {strides = array<i32>} : memref<16x64x32xf32, #tpu.memory_space<vmem>>, vector<1x1x16xf32>,
        %get3A_1313 = vector.shape_cast %get3A_1312 : vector<1x1x16xf32> to vector<16xf32>
        %add3A_1314 = arith.addf %add3A_1300, %get3A_1313 : vector<16xf32>
        %get3A_1315 = arith.constant 29 : i32
        %get3A_1316 = arith.index_cast %scan3A_911 : i32 to index
        %get3A_1317 = arith.index_cast %get3A_1315 : i32 to index
        %get3A_1318 = arith.constant 0 : index
        %get3A_1319 = tpu.vector_load %arg7[%get3A_1316, %get3A_1317, %get3A_1318] {strides = array<i32>} : memref<16x64x32xf32, #tpu.memory_space<vmem>>, vector<1x1x16xf32>,
        %get3A_1320 = vector.shape_cast %get3A_1319 : vector<1x1x16xf32> to vector<16xf32>
        %add3A_1321 = arith.addf %add3A_1307, %get3A_1320 : vector<16xf32>
        %get3A_1322 = arith.constant 29 : i32
        %get3A_1323 = arith.index_cast %scan3A_911 : i32 to index
        %get3A_1324 = arith.index_cast %get3A_1322 : i32 to index
        %get3A_1325 = arith.constant 16 : index
        %get3A_1326 = tpu.vector_load %arg7[%get3A_1323, %get3A_1324, %get3A_1325] {strides = array<i32>} : memref<16x64x32xf32, #tpu.memory_space<vmem>>, vector<1x1x16xf32>,
        %get3A_1327 = vector.shape_cast %get3A_1326 : vector<1x1x16xf32> to vector<16xf32>
        %add3A_1328 = arith.addf %add3A_1314, %get3A_1327 : vector<16xf32>
        %get3A_1329 = arith.constant 30 : i32
        %get3A_1330 = arith.index_cast %scan3A_911 : i32 to index
        %get3A_1331 = arith.index_cast %get3A_1329 : i32 to index
        %get3A_1332 = arith.constant 0 : index
        %get3A_1333 = tpu.vector_load %arg7[%get3A_1330, %get3A_1331, %get3A_1332] {strides = array<i32>} : memref<16x64x32xf32, #tpu.memory_space<vmem>>, vector<1x1x16xf32>,
        %get3A_1334 = vector.shape_cast %get3A_1333 : vector<1x1x16xf32> to vector<16xf32>
        %add3A_1335 = arith.addf %add3A_1321, %get3A_1334 : vector<16xf32>
        %get3A_1336 = arith.constant 30 : i32
        %get3A_1337 = arith.index_cast %scan3A_911 : i32 to index
        %get3A_1338 = arith.index_cast %get3A_1336 : i32 to index
        %get3A_1339 = arith.constant 16 : index
        %get3A_1340 = tpu.vector_load %arg7[%get3A_1337, %get3A_1338, %get3A_1339] {strides = array<i32>} : memref<16x64x32xf32, #tpu.memory_space<vmem>>, vector<1x1x16xf32>,
        %get3A_1341 = vector.shape_cast %get3A_1340 : vector<1x1x16xf32> to vector<16xf32>
        %add3A_1342 = arith.addf %add3A_1328, %get3A_1341 : vector<16xf32>
        %get3A_1343 = arith.constant 31 : i32
        %get3A_1344 = arith.index_cast %scan3A_911 : i32 to index
        %get3A_1345 = arith.index_cast %get3A_1343 : i32 to index
        %get3A_1346 = arith.constant 0 : index
        %get3A_1347 = tpu.vector_load %arg7[%get3A_1344, %get3A_1345, %get3A_1346] {strides = array<i32>} : memref<16x64x32xf32, #tpu.memory_space<vmem>>, vector<1x1x16xf32>,
        %get3A_1348 = vector.shape_cast %get3A_1347 : vector<1x1x16xf32> to vector<16xf32>
        %add3A_1349 = arith.addf %add3A_1335, %get3A_1348 : vector<16xf32>
        %get3A_1350 = arith.constant 31 : i32
        %get3A_1351 = arith.index_cast %scan3A_911 : i32 to index
        %get3A_1352 = arith.index_cast %get3A_1350 : i32 to index
        %get3A_1353 = arith.constant 16 : index
        %get3A_1354 = tpu.vector_load %arg7[%get3A_1351, %get3A_1352, %get3A_1353] {strides = array<i32>} : memref<16x64x32xf32, #tpu.memory_space<vmem>>, vector<1x1x16xf32>,
        %get3A_1355 = vector.shape_cast %get3A_1354 : vector<1x1x16xf32> to vector<16xf32>
        %add3A_1356 = arith.addf %add3A_1342, %get3A_1355 : vector<16xf32>
        %get3A_1357 = arith.constant 32 : i32
        %get3A_1358 = arith.index_cast %scan3A_911 : i32 to index
        %get3A_1359 = arith.index_cast %get3A_1357 : i32 to index
        %get3A_1360 = arith.constant 0 : index
        %get3A_1361 = tpu.vector_load %arg7[%get3A_1358, %get3A_1359, %get3A_1360] {strides = array<i32>} : memref<16x64x32xf32, #tpu.memory_space<vmem>>, vector<1x1x16xf32>,
        %get3A_1362 = vector.shape_cast %get3A_1361 : vector<1x1x16xf32> to vector<16xf32>
        %add3A_1363 = arith.addf %add3A_1349, %get3A_1362 : vector<16xf32>
        %get3A_1364 = arith.constant 32 : i32
        %get3A_1365 = arith.index_cast %scan3A_911 : i32 to index
        %get3A_1366 = arith.index_cast %get3A_1364 : i32 to index
        %get3A_1367 = arith.constant 16 : index
        %get3A_1368 = tpu.vector_load %arg7[%get3A_1365, %get3A_1366, %get3A_1367] {strides = array<i32>} : memref<16x64x32xf32, #tpu.memory_space<vmem>>, vector<1x1x16xf32>,
        %get3A_1369 = vector.shape_cast %get3A_1368 : vector<1x1x16xf32> to vector<16xf32>
        %add3A_1370 = arith.addf %add3A_1356, %get3A_1369 : vector<16xf32>
        %get3A_1371 = arith.constant 33 : i32
        %get3A_1372 = arith.index_cast %scan3A_911 : i32 to index
        %get3A_1373 = arith.index_cast %get3A_1371 : i32 to index
        %get3A_1374 = arith.constant 0 : index
        %get3A_1375 = tpu.vector_load %arg7[%get3A_1372, %get3A_1373, %get3A_1374] {strides = array<i32>} : memref<16x64x32xf32, #tpu.memory_space<vmem>>, vector<1x1x16xf32>,
        %get3A_1376 = vector.shape_cast %get3A_1375 : vector<1x1x16xf32> to vector<16xf32>
        %add3A_1377 = arith.addf %add3A_1363, %get3A_1376 : vector<16xf32>
        %get3A_1378 = arith.constant 33 : i32
        %get3A_1379 = arith.index_cast %scan3A_911 : i32 to index
        %get3A_1380 = arith.index_cast %get3A_1378 : i32 to index
        %get3A_1381 = arith.constant 16 : index
        %get3A_1382 = tpu.vector_load %arg7[%get3A_1379, %get3A_1380, %get3A_1381] {strides = array<i32>} : memref<16x64x32xf32, #tpu.memory_space<vmem>>, vector<1x1x16xf32>,
        %get3A_1383 = vector.shape_cast %get3A_1382 : vector<1x1x16xf32> to vector<16xf32>
        %add3A_1384 = arith.addf %add3A_1370, %get3A_1383 : vector<16xf32>
        %get3A_1385 = arith.constant 34 : i32
        %get3A_1386 = arith.index_cast %scan3A_911 : i32 to index
        %get3A_1387 = arith.index_cast %get3A_1385 : i32 to index
        %get3A_1388 = arith.constant 0 : index
        %get3A_1389 = tpu.vector_load %arg7[%get3A_1386, %get3A_1387, %get3A_1388] {strides = array<i32>} : memref<16x64x32xf32, #tpu.memory_space<vmem>>, vector<1x1x16xf32>,
        %get3A_1390 = vector.shape_cast %get3A_1389 : vector<1x1x16xf32> to vector<16xf32>
        %add3A_1391 = arith.addf %add3A_1377, %get3A_1390 : vector<16xf32>
        %get3A_1392 = arith.constant 34 : i32
        %get3A_1393 = arith.index_cast %scan3A_911 : i32 to index
        %get3A_1394 = arith.index_cast %get3A_1392 : i32 to index
        %get3A_1395 = arith.constant 16 : index
        %get3A_1396 = tpu.vector_load %arg7[%get3A_1393, %get3A_1394, %get3A_1395] {strides = array<i32>} : memref<16x64x32xf32, #tpu.memory_space<vmem>>, vector<1x1x16xf32>,
        %get3A_1397 = vector.shape_cast %get3A_1396 : vector<1x1x16xf32> to vector<16xf32>
        %add3A_1398 = arith.addf %add3A_1384, %get3A_1397 : vector<16xf32>
        %get3A_1399 = arith.constant 35 : i32
        %get3A_1400 = arith.index_cast %scan3A_911 : i32 to index
        %get3A_1401 = arith.index_cast %get3A_1399 : i32 to index
        %get3A_1402 = arith.constant 0 : index
        %get3A_1403 = tpu.vector_load %arg7[%get3A_1400, %get3A_1401, %get3A_1402] {strides = array<i32>} : memref<16x64x32xf32, #tpu.memory_space<vmem>>, vector<1x1x16xf32>,
        %get3A_1404 = vector.shape_cast %get3A_1403 : vector<1x1x16xf32> to vector<16xf32>
        %add3A_1405 = arith.addf %add3A_1391, %get3A_1404 : vector<16xf32>
        %get3A_1406 = arith.constant 35 : i32
        %get3A_1407 = arith.index_cast %scan3A_911 : i32 to index
        %get3A_1408 = arith.index_cast %get3A_1406 : i32 to index
        %get3A_1409 = arith.constant 16 : index
        %get3A_1410 = tpu.vector_load %arg7[%get3A_1407, %get3A_1408, %get3A_1409] {strides = array<i32>} : memref<16x64x32xf32, #tpu.memory_space<vmem>>, vector<1x1x16xf32>,
        %get3A_1411 = vector.shape_cast %get3A_1410 : vector<1x1x16xf32> to vector<16xf32>
        %add3A_1412 = arith.addf %add3A_1398, %get3A_1411 : vector<16xf32>
        %get3A_1413 = arith.constant 36 : i32
        %get3A_1414 = arith.index_cast %scan3A_911 : i32 to index
        %get3A_1415 = arith.index_cast %get3A_1413 : i32 to index
        %get3A_1416 = arith.constant 0 : index
        %get3A_1417 = tpu.vector_load %arg7[%get3A_1414, %get3A_1415, %get3A_1416] {strides = array<i32>} : memref<16x64x32xf32, #tpu.memory_space<vmem>>, vector<1x1x16xf32>,
        %get3A_1418 = vector.shape_cast %get3A_1417 : vector<1x1x16xf32> to vector<16xf32>
        %add3A_1419 = arith.addf %add3A_1405, %get3A_1418 : vector<16xf32>
        %get3A_1420 = arith.constant 36 : i32
        %get3A_1421 = arith.index_cast %scan3A_911 : i32 to index
        %get3A_1422 = arith.index_cast %get3A_1420 : i32 to index
        %get3A_1423 = arith.constant 16 : index
        %get3A_1424 = tpu.vector_load %arg7[%get3A_1421, %get3A_1422, %get3A_1423] {strides = array<i32>} : memref<16x64x32xf32, #tpu.memory_space<vmem>>, vector<1x1x16xf32>,
        %get3A_1425 = vector.shape_cast %get3A_1424 : vector<1x1x16xf32> to vector<16xf32>
        %add3A_1426 = arith.addf %add3A_1412, %get3A_1425 : vector<16xf32>
        %get3A_1427 = arith.constant 37 : i32
        %get3A_1428 = arith.index_cast %scan3A_911 : i32 to index
        %get3A_1429 = arith.index_cast %get3A_1427 : i32 to index
        %get3A_1430 = arith.constant 0 : index
        %get3A_1431 = tpu.vector_load %arg7[%get3A_1428, %get3A_1429, %get3A_1430] {strides = array<i32>} : memref<16x64x32xf32, #tpu.memory_space<vmem>>, vector<1x1x16xf32>,
        %get3A_1432 = vector.shape_cast %get3A_1431 : vector<1x1x16xf32> to vector<16xf32>
        %add3A_1433 = arith.addf %add3A_1419, %get3A_1432 : vector<16xf32>
        %get3A_1434 = arith.constant 37 : i32
        %get3A_1435 = arith.index_cast %scan3A_911 : i32 to index
        %get3A_1436 = arith.index_cast %get3A_1434 : i32 to index
        %get3A_1437 = arith.constant 16 : index
        %get3A_1438 = tpu.vector_load %arg7[%get3A_1435, %get3A_1436, %get3A_1437] {strides = array<i32>} : memref<16x64x32xf32, #tpu.memory_space<vmem>>, vector<1x1x16xf32>,
        %get3A_1439 = vector.shape_cast %get3A_1438 : vector<1x1x16xf32> to vector<16xf32>
        %add3A_1440 = arith.addf %add3A_1426, %get3A_1439 : vector<16xf32>
        %get3A_1441 = arith.constant 38 : i32
        %get3A_1442 = arith.index_cast %scan3A_911 : i32 to index
        %get3A_1443 = arith.index_cast %get3A_1441 : i32 to index
        %get3A_1444 = arith.constant 0 : index
        %get3A_1445 = tpu.vector_load %arg7[%get3A_1442, %get3A_1443, %get3A_1444] {strides = array<i32>} : memref<16x64x32xf32, #tpu.memory_space<vmem>>, vector<1x1x16xf32>,
        %get3A_1446 = vector.shape_cast %get3A_1445 : vector<1x1x16xf32> to vector<16xf32>
        %add3A_1447 = arith.addf %add3A_1433, %get3A_1446 : vector<16xf32>
        %get3A_1448 = arith.constant 38 : i32
        %get3A_1449 = arith.index_cast %scan3A_911 : i32 to index
        %get3A_1450 = arith.index_cast %get3A_1448 : i32 to index
        %get3A_1451 = arith.constant 16 : index
        %get3A_1452 = tpu.vector_load %arg7[%get3A_1449, %get3A_1450, %get3A_1451] {strides = array<i32>} : memref<16x64x32xf32, #tpu.memory_space<vmem>>, vector<1x1x16xf32>,
        %get3A_1453 = vector.shape_cast %get3A_1452 : vector<1x1x16xf32> to vector<16xf32>
        %add3A_1454 = arith.addf %add3A_1440, %get3A_1453 : vector<16xf32>
        %get3A_1455 = arith.constant 39 : i32
        %get3A_1456 = arith.index_cast %scan3A_911 : i32 to index
        %get3A_1457 = arith.index_cast %get3A_1455 : i32 to index
        %get3A_1458 = arith.constant 0 : index
        %get3A_1459 = tpu.vector_load %arg7[%get3A_1456, %get3A_1457, %get3A_1458] {strides = array<i32>} : memref<16x64x32xf32, #tpu.memory_space<vmem>>, vector<1x1x16xf32>,
        %get3A_1460 = vector.shape_cast %get3A_1459 : vector<1x1x16xf32> to vector<16xf32>
        %add3A_1461 = arith.addf %add3A_1447, %get3A_1460 : vector<16xf32>
        %get3A_1462 = arith.constant 39 : i32
        %get3A_1463 = arith.index_cast %scan3A_911 : i32 to index
        %get3A_1464 = arith.index_cast %get3A_1462 : i32 to index
        %get3A_1465 = arith.constant 16 : index
        %get3A_1466 = tpu.vector_load %arg7[%get3A_1463, %get3A_1464, %get3A_1465] {strides = array<i32>} : memref<16x64x32xf32, #tpu.memory_space<vmem>>, vector<1x1x16xf32>,
        %get3A_1467 = vector.shape_cast %get3A_1466 : vector<1x1x16xf32> to vector<16xf32>
        %add3A_1468 = arith.addf %add3A_1454, %get3A_1467 : vector<16xf32>
        %get3A_1469 = arith.constant 40 : i32
        %get3A_1470 = arith.index_cast %scan3A_911 : i32 to index
        %get3A_1471 = arith.index_cast %get3A_1469 : i32 to index
        %get3A_1472 = arith.constant 0 : index
        %get3A_1473 = tpu.vector_load %arg7[%get3A_1470, %get3A_1471, %get3A_1472] {strides = array<i32>} : memref<16x64x32xf32, #tpu.memory_space<vmem>>, vector<1x1x16xf32>,
        %get3A_1474 = vector.shape_cast %get3A_1473 : vector<1x1x16xf32> to vector<16xf32>
        %add3A_1475 = arith.addf %add3A_1461, %get3A_1474 : vector<16xf32>
        %get3A_1476 = arith.constant 40 : i32
        %get3A_1477 = arith.index_cast %scan3A_911 : i32 to index
        %get3A_1478 = arith.index_cast %get3A_1476 : i32 to index
        %get3A_1479 = arith.constant 16 : index
        %get3A_1480 = tpu.vector_load %arg7[%get3A_1477, %get3A_1478, %get3A_1479] {strides = array<i32>} : memref<16x64x32xf32, #tpu.memory_space<vmem>>, vector<1x1x16xf32>,
        %get3A_1481 = vector.shape_cast %get3A_1480 : vector<1x1x16xf32> to vector<16xf32>
        %add3A_1482 = arith.addf %add3A_1468, %get3A_1481 : vector<16xf32>
        %get3A_1483 = arith.constant 41 : i32
        %get3A_1484 = arith.index_cast %scan3A_911 : i32 to index
        %get3A_1485 = arith.index_cast %get3A_1483 : i32 to index
        %get3A_1486 = arith.constant 0 : index
        %get3A_1487 = tpu.vector_load %arg7[%get3A_1484, %get3A_1485, %get3A_1486] {strides = array<i32>} : memref<16x64x32xf32, #tpu.memory_space<vmem>>, vector<1x1x16xf32>,
        %get3A_1488 = vector.shape_cast %get3A_1487 : vector<1x1x16xf32> to vector<16xf32>
        %add3A_1489 = arith.addf %add3A_1475, %get3A_1488 : vector<16xf32>
        %get3A_1490 = arith.constant 41 : i32
        %get3A_1491 = arith.index_cast %scan3A_911 : i32 to index
        %get3A_1492 = arith.index_cast %get3A_1490 : i32 to index
        %get3A_1493 = arith.constant 16 : index
        %get3A_1494 = tpu.vector_load %arg7[%get3A_1491, %get3A_1492, %get3A_1493] {strides = array<i32>} : memref<16x64x32xf32, #tpu.memory_space<vmem>>, vector<1x1x16xf32>,
        %get3A_1495 = vector.shape_cast %get3A_1494 : vector<1x1x16xf32> to vector<16xf32>
        %add3A_1496 = arith.addf %add3A_1482, %get3A_1495 : vector<16xf32>
        %get3A_1497 = arith.constant 42 : i32
        %get3A_1498 = arith.index_cast %scan3A_911 : i32 to index
        %get3A_1499 = arith.index_cast %get3A_1497 : i32 to index
        %get3A_1500 = arith.constant 0 : index
        %get3A_1501 = tpu.vector_load %arg7[%get3A_1498, %get3A_1499, %get3A_1500] {strides = array<i32>} : memref<16x64x32xf32, #tpu.memory_space<vmem>>, vector<1x1x16xf32>,
        %get3A_1502 = vector.shape_cast %get3A_1501 : vector<1x1x16xf32> to vector<16xf32>
        %add3A_1503 = arith.addf %add3A_1489, %get3A_1502 : vector<16xf32>
        %get3A_1504 = arith.constant 42 : i32
        %get3A_1505 = arith.index_cast %scan3A_911 : i32 to index
        %get3A_1506 = arith.index_cast %get3A_1504 : i32 to index
        %get3A_1507 = arith.constant 16 : index
        %get3A_1508 = tpu.vector_load %arg7[%get3A_1505, %get3A_1506, %get3A_1507] {strides = array<i32>} : memref<16x64x32xf32, #tpu.memory_space<vmem>>, vector<1x1x16xf32>,
        %get3A_1509 = vector.shape_cast %get3A_1508 : vector<1x1x16xf32> to vector<16xf32>
        %add3A_1510 = arith.addf %add3A_1496, %get3A_1509 : vector<16xf32>
        %get3A_1511 = arith.constant 43 : i32
        %get3A_1512 = arith.index_cast %scan3A_911 : i32 to index
        %get3A_1513 = arith.index_cast %get3A_1511 : i32 to index
        %get3A_1514 = arith.constant 0 : index
        %get3A_1515 = tpu.vector_load %arg7[%get3A_1512, %get3A_1513, %get3A_1514] {strides = array<i32>} : memref<16x64x32xf32, #tpu.memory_space<vmem>>, vector<1x1x16xf32>,
        %get3A_1516 = vector.shape_cast %get3A_1515 : vector<1x1x16xf32> to vector<16xf32>
        %add3A_1517 = arith.addf %add3A_1503, %get3A_1516 : vector<16xf32>
        %get3A_1518 = arith.constant 43 : i32
        %get3A_1519 = arith.index_cast %scan3A_911 : i32 to index
        %get3A_1520 = arith.index_cast %get3A_1518 : i32 to index
        %get3A_1521 = arith.constant 16 : index
        %get3A_1522 = tpu.vector_load %arg7[%get3A_1519, %get3A_1520, %get3A_1521] {strides = array<i32>} : memref<16x64x32xf32, #tpu.memory_space<vmem>>, vector<1x1x16xf32>,
        %get3A_1523 = vector.shape_cast %get3A_1522 : vector<1x1x16xf32> to vector<16xf32>
        %add3A_1524 = arith.addf %add3A_1510, %get3A_1523 : vector<16xf32>
        %get3A_1525 = arith.constant 44 : i32
        %get3A_1526 = arith.index_cast %scan3A_911 : i32 to index
        %get3A_1527 = arith.index_cast %get3A_1525 : i32 to index
        %get3A_1528 = arith.constant 0 : index
        %get3A_1529 = tpu.vector_load %arg7[%get3A_1526, %get3A_1527, %get3A_1528] {strides = array<i32>} : memref<16x64x32xf32, #tpu.memory_space<vmem>>, vector<1x1x16xf32>,
        %get3A_1530 = vector.shape_cast %get3A_1529 : vector<1x1x16xf32> to vector<16xf32>
        %add3A_1531 = arith.addf %add3A_1517, %get3A_1530 : vector<16xf32>
        %get3A_1532 = arith.constant 44 : i32
        %get3A_1533 = arith.index_cast %scan3A_911 : i32 to index
        %get3A_1534 = arith.index_cast %get3A_1532 : i32 to index
        %get3A_1535 = arith.constant 16 : index
        %get3A_1536 = tpu.vector_load %arg7[%get3A_1533, %get3A_1534, %get3A_1535] {strides = array<i32>} : memref<16x64x32xf32, #tpu.memory_space<vmem>>, vector<1x1x16xf32>,
        %get3A_1537 = vector.shape_cast %get3A_1536 : vector<1x1x16xf32> to vector<16xf32>
        %add3A_1538 = arith.addf %add3A_1524, %get3A_1537 : vector<16xf32>
        %get3A_1539 = arith.constant 45 : i32
        %get3A_1540 = arith.index_cast %scan3A_911 : i32 to index
        %get3A_1541 = arith.index_cast %get3A_1539 : i32 to index
        %get3A_1542 = arith.constant 0 : index
        %get3A_1543 = tpu.vector_load %arg7[%get3A_1540, %get3A_1541, %get3A_1542] {strides = array<i32>} : memref<16x64x32xf32, #tpu.memory_space<vmem>>, vector<1x1x16xf32>,
        %get3A_1544 = vector.shape_cast %get3A_1543 : vector<1x1x16xf32> to vector<16xf32>
        %add3A_1545 = arith.addf %add3A_1531, %get3A_1544 : vector<16xf32>
        %get3A_1546 = arith.constant 45 : i32
        %get3A_1547 = arith.index_cast %scan3A_911 : i32 to index
        %get3A_1548 = arith.index_cast %get3A_1546 : i32 to index
        %get3A_1549 = arith.constant 16 : index
        %get3A_1550 = tpu.vector_load %arg7[%get3A_1547, %get3A_1548, %get3A_1549] {strides = array<i32>} : memref<16x64x32xf32, #tpu.memory_space<vmem>>, vector<1x1x16xf32>,
        %get3A_1551 = vector.shape_cast %get3A_1550 : vector<1x1x16xf32> to vector<16xf32>
        %add3A_1552 = arith.addf %add3A_1538, %get3A_1551 : vector<16xf32>
        %get3A_1553 = arith.constant 46 : i32
        %get3A_1554 = arith.index_cast %scan3A_911 : i32 to index
        %get3A_1555 = arith.index_cast %get3A_1553 : i32 to index
        %get3A_1556 = arith.constant 0 : index
        %get3A_1557 = tpu.vector_load %arg7[%get3A_1554, %get3A_1555, %get3A_1556] {strides = array<i32>} : memref<16x64x32xf32, #tpu.memory_space<vmem>>, vector<1x1x16xf32>,
        %get3A_1558 = vector.shape_cast %get3A_1557 : vector<1x1x16xf32> to vector<16xf32>
        %add3A_1559 = arith.addf %add3A_1545, %get3A_1558 : vector<16xf32>
        %get3A_1560 = arith.constant 46 : i32
        %get3A_1561 = arith.index_cast %scan3A_911 : i32 to index
        %get3A_1562 = arith.index_cast %get3A_1560 : i32 to index
        %get3A_1563 = arith.constant 16 : index
        %get3A_1564 = tpu.vector_load %arg7[%get3A_1561, %get3A_1562, %get3A_1563] {strides = array<i32>} : memref<16x64x32xf32, #tpu.memory_space<vmem>>, vector<1x1x16xf32>,
        %get3A_1565 = vector.shape_cast %get3A_1564 : vector<1x1x16xf32> to vector<16xf32>
        %add3A_1566 = arith.addf %add3A_1552, %get3A_1565 : vector<16xf32>
        %get3A_1567 = arith.constant 47 : i32
        %get3A_1568 = arith.index_cast %scan3A_911 : i32 to index
        %get3A_1569 = arith.index_cast %get3A_1567 : i32 to index
        %get3A_1570 = arith.constant 0 : index
        %get3A_1571 = tpu.vector_load %arg7[%get3A_1568, %get3A_1569, %get3A_1570] {strides = array<i32>} : memref<16x64x32xf32, #tpu.memory_space<vmem>>, vector<1x1x16xf32>,
        %get3A_1572 = vector.shape_cast %get3A_1571 : vector<1x1x16xf32> to vector<16xf32>
        %add3A_1573 = arith.addf %add3A_1559, %get3A_1572 : vector<16xf32>
        %get3A_1574 = arith.constant 47 : i32
        %get3A_1575 = arith.index_cast %scan3A_911 : i32 to index
        %get3A_1576 = arith.index_cast %get3A_1574 : i32 to index
        %get3A_1577 = arith.constant 16 : index
        %get3A_1578 = tpu.vector_load %arg7[%get3A_1575, %get3A_1576, %get3A_1577] {strides = array<i32>} : memref<16x64x32xf32, #tpu.memory_space<vmem>>, vector<1x1x16xf32>,
        %get3A_1579 = vector.shape_cast %get3A_1578 : vector<1x1x16xf32> to vector<16xf32>
        %add3A_1580 = arith.addf %add3A_1566, %get3A_1579 : vector<16xf32>
        %get3A_1581 = arith.constant 48 : i32
        %get3A_1582 = arith.index_cast %scan3A_911 : i32 to index
        %get3A_1583 = arith.index_cast %get3A_1581 : i32 to index
        %get3A_1584 = arith.constant 0 : index
        %get3A_1585 = tpu.vector_load %arg7[%get3A_1582, %get3A_1583, %get3A_1584] {strides = array<i32>} : memref<16x64x32xf32, #tpu.memory_space<vmem>>, vector<1x1x16xf32>,
        %get3A_1586 = vector.shape_cast %get3A_1585 : vector<1x1x16xf32> to vector<16xf32>
        %add3A_1587 = arith.addf %add3A_1573, %get3A_1586 : vector<16xf32>
        %get3A_1588 = arith.constant 48 : i32
        %get3A_1589 = arith.index_cast %scan3A_911 : i32 to index
        %get3A_1590 = arith.index_cast %get3A_1588 : i32 to index
        %get3A_1591 = arith.constant 16 : index
        %get3A_1592 = tpu.vector_load %arg7[%get3A_1589, %get3A_1590, %get3A_1591] {strides = array<i32>} : memref<16x64x32xf32, #tpu.memory_space<vmem>>, vector<1x1x16xf32>,
        %get3A_1593 = vector.shape_cast %get3A_1592 : vector<1x1x16xf32> to vector<16xf32>
        %add3A_1594 = arith.addf %add3A_1580, %get3A_1593 : vector<16xf32>
        %get3A_1595 = arith.constant 49 : i32
        %get3A_1596 = arith.index_cast %scan3A_911 : i32 to index
        %get3A_1597 = arith.index_cast %get3A_1595 : i32 to index
        %get3A_1598 = arith.constant 0 : index
        %get3A_1599 = tpu.vector_load %arg7[%get3A_1596, %get3A_1597, %get3A_1598] {strides = array<i32>} : memref<16x64x32xf32, #tpu.memory_space<vmem>>, vector<1x1x16xf32>,
        %get3A_1600 = vector.shape_cast %get3A_1599 : vector<1x1x16xf32> to vector<16xf32>
        %add3A_1601 = arith.addf %add3A_1587, %get3A_1600 : vector<16xf32>
        %get3A_1602 = arith.constant 49 : i32
        %get3A_1603 = arith.index_cast %scan3A_911 : i32 to index
        %get3A_1604 = arith.index_cast %get3A_1602 : i32 to index
        %get3A_1605 = arith.constant 16 : index
        %get3A_1606 = tpu.vector_load %arg7[%get3A_1603, %get3A_1604, %get3A_1605] {strides = array<i32>} : memref<16x64x32xf32, #tpu.memory_space<vmem>>, vector<1x1x16xf32>,
        %get3A_1607 = vector.shape_cast %get3A_1606 : vector<1x1x16xf32> to vector<16xf32>
        %add3A_1608 = arith.addf %add3A_1594, %get3A_1607 : vector<16xf32>
        %swap3A = arith.index_cast %scan3A_911 : i32 to index
        %swap3A_1609 = arith.constant 0 : index
        %swap3A_1610 = tpu.vector_load %arg9[%swap3A, %swap3A_1609] {strides = array<i32>} : memref<16x32xf32, #tpu.memory_space<vmem>>, vector<1x16xf32>,
        %swap3A_1611 = vector.shape_cast %swap3A_1610 : vector<1x16xf32> to vector<16xf32>
        %swap3A_1612 = vector.shape_cast %add3A_1601 : vector<16xf32> to vector<1x16xf32>
        tpu.vector_store %arg9[%swap3A, %swap3A_1609], %swap3A_1612 {strides = array<i32>} : memref<16x32xf32, #tpu.memory_space<vmem>>, vector<1x16xf32>,
        %swap3A_1613 = arith.index_cast %scan3A_911 : i32 to index
        %swap3A_1614 = arith.constant 16 : index
        %swap3A_1615 = tpu.vector_load %arg9[%swap3A_1613, %swap3A_1614] {strides = array<i32>} : memref<16x32xf32, #tpu.memory_space<vmem>>, vector<1x16xf32>,
        %swap3A_1616 = vector.shape_cast %swap3A_1615 : vector<1x16xf32> to vector<16xf32>
        %swap3A_1617 = vector.shape_cast %add3A_1608 : vector<16xf32> to vector<1x16xf32>
        tpu.vector_store %arg9[%swap3A_1613, %swap3A_1614], %swap3A_1617 {strides = array<i32>} : memref<16x32xf32, #tpu.memory_space<vmem>>, vector<1x16xf32>,
      }
      %scan3A_668 = arith.constant 16 : i32
      %mul3A_669 = arith.constant 16 : i32
      %mul3A_670 = arith.muli %add3A_462, %mul3A_669 : i32
      %add3A_671 = arith.addi %mul3A_2, %mul3A_670 : i32
      %dma_start3A_672 = arith.constant 0 : i32
      %dma_start3A_673 = tpu.memref_slice %arg4[%add3A_671, %dma_start3A_672] : memref<16384x32xf32, #tpu.memory_space<hbm>> -> memref<16x32xf32, #tpu.memory_space<hbm>>
      %dma_start3A_674 = arith.constant 0 : i32
      %dma_start3A_675 = tpu.memref_slice %arg4[%add3A_671, %dma_start3A_674] : memref<16384x32xf32, #tpu.memory_space<hbm>> -> memref<16x32xf32, #tpu.memory_space<hbm>>
      tpu.enqueue_dma source(%arg9 : memref<16x32xf32, #tpu.memory_space<vmem>>) target(%dma_start3A_675 : memref<16x32xf32, #tpu.memory_space<hbm>>) target_semaphore(%arg15 : memref<!tpu.dma_semaphore, #tpu.memory_space<semaphore_mem>>)
      %add3A_676 = arith.constant 2 : i32
      %add3A_677 = arith.addi %add3A_462, %add3A_676 : i32
      %lt3A_678 = arith.constant 32 : i32
      %lt3A_679 = arith.cmpi slt, %add3A_677, %lt3A_678 : i32
      %convert_element_type3A_680 = arith.extui %lt3A_679 : i1 to i32
      %cond3A_681 = arith.constant 0 : i32
      %cond3A_682 = arith.cmpi ne, %convert_element_type3A_680, %cond3A_681 : i32
      scf.if %cond3A_682 {
        %add3A_911 = arith.constant 2 : i32
        %add3A_912 = arith.addi %add3A_462, %add3A_911 : i32
        %mul3A_913 = arith.constant 16 : i32
        %mul3A_914 = arith.muli %add3A_912, %mul3A_913 : i32
        %add3A_915 = arith.addi %mul3A_2, %mul3A_914 : i32
        %dma_wait3A_916 = arith.constant 0 : i32
        %dma_wait3A_917 = tpu.memref_slice %arg2[%add3A_915, %dma_wait3A_916] : memref<16384x64xi32, #tpu.memory_space<hbm>> -> memref<16x64xi32, #tpu.memory_space<hbm>>
        %dma_wait3A_918 = arith.constant 0 : i32
        %dma_wait3A_919 = tpu.memref_slice %arg2[%add3A_915, %dma_wait3A_918] : memref<16384x64xi32, #tpu.memory_space<hbm>> -> memref<16x64xi32, #tpu.memory_space<hbm>>
        tpu.wait_dma2 semaphore(%arg11 : memref<!tpu.dma_semaphore, #tpu.memory_space<semaphore_mem>>) src(%dma_wait3A_919 : memref<16x64xi32, #tpu.memory_space<hbm>>) dst(%arg5 : memref<16x64xi32, #tpu.memory_space<vmem>>)
        %dma_start3A_920 = arith.constant 0 : i32
        %dma_start3A_921 = arith.constant 0 : i32
        %dma_start3A_922 = arith.constant 0 : i32
        %dma_start3A_923 = arith.constant 0 : i32
        %dma_start3A_924 = tpu.memref_slice %arg7[%dma_start3A_921, %dma_start3A_922, %dma_start3A_923] : memref<16x64x32xf32, #tpu.memory_space<vmem>> -> memref<1x64x32xf32, #tpu.memory_space<vmem>>
        %dma_start3A_925 = tpu.memref_squeeze %dma_start3A_924 : memref<1x64x32xf32, #tpu.memory_space<vmem>> -> memref<64x32xf32, #tpu.memory_space<vmem>>
        %dma_start3A_926 = arith.constant 0 : i32
        %dma_start3A_927 = tpu.memref_slice %arg5[%dma_start3A_920, %dma_start3A_926] : memref<16x64xi32, #tpu.memory_space<vmem>> -> memref<1x64xi32, #tpu.memory_space<vmem>>
        %dma_start3A_928 = tpu.memref_squeeze %dma_start3A_927 : memref<1x64xi32, #tpu.memory_space<vmem>> -> memref<64xi32, #tpu.memory_space<vmem>>
        %dma_start3A_929 = arith.constant 0 : i32
        %dma_start3A_930 = arith.constant 0 : i32
        %dma_start3A_931 = tpu.memref_slice %arg3[%dma_start3A_929, %dma_start3A_930] : memref<1000000x32xf32, #tpu.memory_space<hbm>> -> memref<1000000x32xf32, #tpu.memory_space<hbm>>
        %dma_start3A_932 = arith.constant -1 : i32
        tpu.enqueue_indirect_dma source(%dma_start3A_931 : memref<1000000x32xf32, #tpu.memory_space<hbm>>) target(%dma_start3A_925 : memref<64x32xf32, #tpu.memory_space<vmem>>) offsets(%dma_start3A_928 : memref<64xi32, #tpu.memory_space<vmem>>) offset_filter(%dma_start3A_932) semaphore(%arg13 : memref<!tpu.dma_semaphore, #tpu.memory_space<semaphore_mem>>)
        %dma_start3A_933 = arith.constant 1 : i32
        %dma_start3A_934 = arith.constant 1 : i32
        %dma_start3A_935 = arith.constant 0 : i32
        %dma_start3A_936 = arith.constant 0 : i32
        %dma_start3A_937 = tpu.memref_slice %arg7[%dma_start3A_934, %dma_start3A_935, %dma_start3A_936] : memref<16x64x32xf32, #tpu.memory_space<vmem>> -> memref<1x64x32xf32, #tpu.memory_space<vmem>>
        %dma_start3A_938 = tpu.memref_squeeze %dma_start3A_937 : memref<1x64x32xf32, #tpu.memory_space<vmem>> -> memref<64x32xf32, #tpu.memory_space<vmem>>
        %dma_start3A_939 = arith.constant 0 : i32
        %dma_start3A_940 = tpu.memref_slice %arg5[%dma_start3A_933, %dma_start3A_939] : memref<16x64xi32, #tpu.memory_space<vmem>> -> memref<1x64xi32, #tpu.memory_space<vmem>>
        %dma_start3A_941 = tpu.memref_squeeze %dma_start3A_940 : memref<1x64xi32, #tpu.memory_space<vmem>> -> memref<64xi32, #tpu.memory_space<vmem>>
        %dma_start3A_942 = arith.constant 0 : i32
        %dma_start3A_943 = arith.constant 0 : i32
        %dma_start3A_944 = tpu.memref_slice %arg3[%dma_start3A_942, %dma_start3A_943] : memref<1000000x32xf32, #tpu.memory_space<hbm>> -> memref<1000000x32xf32, #tpu.memory_space<hbm>>
        %dma_start3A_945 = arith.constant -1 : i32
        tpu.enqueue_indirect_dma source(%dma_start3A_944 : memref<1000000x32xf32, #tpu.memory_space<hbm>>) target(%dma_start3A_938 : memref<64x32xf32, #tpu.memory_space<vmem>>) offsets(%dma_start3A_941 : memref<64xi32, #tpu.memory_space<vmem>>) offset_filter(%dma_start3A_945) semaphore(%arg13 : memref<!tpu.dma_semaphore, #tpu.memory_space<semaphore_mem>>)
        %dma_start3A_946 = arith.constant 2 : i32
        %dma_start3A_947 = arith.constant 2 : i32
        %dma_start3A_948 = arith.constant 0 : i32
        %dma_start3A_949 = arith.constant 0 : i32
        %dma_start3A_950 = tpu.memref_slice %arg7[%dma_start3A_947, %dma_start3A_948, %dma_start3A_949] : memref<16x64x32xf32, #tpu.memory_space<vmem>> -> memref<1x64x32xf32, #tpu.memory_space<vmem>>
        %dma_start3A_951 = tpu.memref_squeeze %dma_start3A_950 : memref<1x64x32xf32, #tpu.memory_space<vmem>> -> memref<64x32xf32, #tpu.memory_space<vmem>>
        %dma_start3A_952 = arith.constant 0 : i32
        %dma_start3A_953 = tpu.memref_slice %arg5[%dma_start3A_946, %dma_start3A_952] : memref<16x64xi32, #tpu.memory_space<vmem>> -> memref<1x64xi32, #tpu.memory_space<vmem>>
        %dma_start3A_954 = tpu.memref_squeeze %dma_start3A_953 : memref<1x64xi32, #tpu.memory_space<vmem>> -> memref<64xi32, #tpu.memory_space<vmem>>
        %dma_start3A_955 = arith.constant 0 : i32
        %dma_start3A_956 = arith.constant 0 : i32
        %dma_start3A_957 = tpu.memref_slice %arg3[%dma_start3A_955, %dma_start3A_956] : memref<1000000x32xf32, #tpu.memory_space<hbm>> -> memref<1000000x32xf32, #tpu.memory_space<hbm>>
        %dma_start3A_958 = arith.constant -1 : i32
        tpu.enqueue_indirect_dma source(%dma_start3A_957 : memref<1000000x32xf32, #tpu.memory_space<hbm>>) target(%dma_start3A_951 : memref<64x32xf32, #tpu.memory_space<vmem>>) offsets(%dma_start3A_954 : memref<64xi32, #tpu.memory_space<vmem>>) offset_filter(%dma_start3A_958) semaphore(%arg13 : memref<!tpu.dma_semaphore, #tpu.memory_space<semaphore_mem>>)
        %dma_start3A_959 = arith.constant 3 : i32
        %dma_start3A_960 = arith.constant 3 : i32
        %dma_start3A_961 = arith.constant 0 : i32
        %dma_start3A_962 = arith.constant 0 : i32
        %dma_start3A_963 = tpu.memref_slice %arg7[%dma_start3A_960, %dma_start3A_961, %dma_start3A_962] : memref<16x64x32xf32, #tpu.memory_space<vmem>> -> memref<1x64x32xf32, #tpu.memory_space<vmem>>
        %dma_start3A_964 = tpu.memref_squeeze %dma_start3A_963 : memref<1x64x32xf32, #tpu.memory_space<vmem>> -> memref<64x32xf32, #tpu.memory_space<vmem>>
        %dma_start3A_965 = arith.constant 0 : i32
        %dma_start3A_966 = tpu.memref_slice %arg5[%dma_start3A_959, %dma_start3A_965] : memref<16x64xi32, #tpu.memory_space<vmem>> -> memref<1x64xi32, #tpu.memory_space<vmem>>
        %dma_start3A_967 = tpu.memref_squeeze %dma_start3A_966 : memref<1x64xi32, #tpu.memory_space<vmem>> -> memref<64xi32, #tpu.memory_space<vmem>>
        %dma_start3A_968 = arith.constant 0 : i32
        %dma_start3A_969 = arith.constant 0 : i32
        %dma_start3A_970 = tpu.memref_slice %arg3[%dma_start3A_968, %dma_start3A_969] : memref<1000000x32xf32, #tpu.memory_space<hbm>> -> memref<1000000x32xf32, #tpu.memory_space<hbm>>
        %dma_start3A_971 = arith.constant -1 : i32
        tpu.enqueue_indirect_dma source(%dma_start3A_970 : memref<1000000x32xf32, #tpu.memory_space<hbm>>) target(%dma_start3A_964 : memref<64x32xf32, #tpu.memory_space<vmem>>) offsets(%dma_start3A_967 : memref<64xi32, #tpu.memory_space<vmem>>) offset_filter(%dma_start3A_971) semaphore(%arg13 : memref<!tpu.dma_semaphore, #tpu.memory_space<semaphore_mem>>)
        %dma_start3A_972 = arith.constant 4 : i32
        %dma_start3A_973 = arith.constant 4 : i32
        %dma_start3A_974 = arith.constant 0 : i32
        %dma_start3A_975 = arith.constant 0 : i32
        %dma_start3A_976 = tpu.memref_slice %arg7[%dma_start3A_973, %dma_start3A_974, %dma_start3A_975] : memref<16x64x32xf32, #tpu.memory_space<vmem>> -> memref<1x64x32xf32, #tpu.memory_space<vmem>>
        %dma_start3A_977 = tpu.memref_squeeze %dma_start3A_976 : memref<1x64x32xf32, #tpu.memory_space<vmem>> -> memref<64x32xf32, #tpu.memory_space<vmem>>
        %dma_start3A_978 = arith.constant 0 : i32
        %dma_start3A_979 = tpu.memref_slice %arg5[%dma_start3A_972, %dma_start3A_978] : memref<16x64xi32, #tpu.memory_space<vmem>> -> memref<1x64xi32, #tpu.memory_space<vmem>>
        %dma_start3A_980 = tpu.memref_squeeze %dma_start3A_979 : memref<1x64xi32, #tpu.memory_space<vmem>> -> memref<64xi32, #tpu.memory_space<vmem>>
        %dma_start3A_981 = arith.constant 0 : i32
        %dma_start3A_982 = arith.constant 0 : i32
        %dma_start3A_983 = tpu.memref_slice %arg3[%dma_start3A_981, %dma_start3A_982] : memref<1000000x32xf32, #tpu.memory_space<hbm>> -> memref<1000000x32xf32, #tpu.memory_space<hbm>>
        %dma_start3A_984 = arith.constant -1 : i32
        tpu.enqueue_indirect_dma source(%dma_start3A_983 : memref<1000000x32xf32, #tpu.memory_space<hbm>>) target(%dma_start3A_977 : memref<64x32xf32, #tpu.memory_space<vmem>>) offsets(%dma_start3A_980 : memref<64xi32, #tpu.memory_space<vmem>>) offset_filter(%dma_start3A_984) semaphore(%arg13 : memref<!tpu.dma_semaphore, #tpu.memory_space<semaphore_mem>>)
        %dma_start3A_985 = arith.constant 5 : i32
        %dma_start3A_986 = arith.constant 5 : i32
        %dma_start3A_987 = arith.constant 0 : i32
        %dma_start3A_988 = arith.constant 0 : i32
        %dma_start3A_989 = tpu.memref_slice %arg7[%dma_start3A_986, %dma_start3A_987, %dma_start3A_988] : memref<16x64x32xf32, #tpu.memory_space<vmem>> -> memref<1x64x32xf32, #tpu.memory_space<vmem>>
        %dma_start3A_990 = tpu.memref_squeeze %dma_start3A_989 : memref<1x64x32xf32, #tpu.memory_space<vmem>> -> memref<64x32xf32, #tpu.memory_space<vmem>>
        %dma_start3A_991 = arith.constant 0 : i32
        %dma_start3A_992 = tpu.memref_slice %arg5[%dma_start3A_985, %dma_start3A_991] : memref<16x64xi32, #tpu.memory_space<vmem>> -> memref<1x64xi32, #tpu.memory_space<vmem>>
        %dma_start3A_993 = tpu.memref_squeeze %dma_start3A_992 : memref<1x64xi32, #tpu.memory_space<vmem>> -> memref<64xi32, #tpu.memory_space<vmem>>
        %dma_start3A_994 = arith.constant 0 : i32
        %dma_start3A_995 = arith.constant 0 : i32
        %dma_start3A_996 = tpu.memref_slice %arg3[%dma_start3A_994, %dma_start3A_995] : memref<1000000x32xf32, #tpu.memory_space<hbm>> -> memref<1000000x32xf32, #tpu.memory_space<hbm>>
        %dma_start3A_997 = arith.constant -1 : i32
        tpu.enqueue_indirect_dma source(%dma_start3A_996 : memref<1000000x32xf32, #tpu.memory_space<hbm>>) target(%dma_start3A_990 : memref<64x32xf32, #tpu.memory_space<vmem>>) offsets(%dma_start3A_993 : memref<64xi32, #tpu.memory_space<vmem>>) offset_filter(%dma_start3A_997) semaphore(%arg13 : memref<!tpu.dma_semaphore, #tpu.memory_space<semaphore_mem>>)
        %dma_start3A_998 = arith.constant 6 : i32
        %dma_start3A_999 = arith.constant 6 : i32
        %dma_start3A_1000 = arith.constant 0 : i32
        %dma_start3A_1001 = arith.constant 0 : i32
        %dma_start3A_1002 = tpu.memref_slice %arg7[%dma_start3A_999, %dma_start3A_1000, %dma_start3A_1001] : memref<16x64x32xf32, #tpu.memory_space<vmem>> -> memref<1x64x32xf32, #tpu.memory_space<vmem>>
        %dma_start3A_1003 = tpu.memref_squeeze %dma_start3A_1002 : memref<1x64x32xf32, #tpu.memory_space<vmem>> -> memref<64x32xf32, #tpu.memory_space<vmem>>
        %dma_start3A_1004 = arith.constant 0 : i32
        %dma_start3A_1005 = tpu.memref_slice %arg5[%dma_start3A_998, %dma_start3A_1004] : memref<16x64xi32, #tpu.memory_space<vmem>> -> memref<1x64xi32, #tpu.memory_space<vmem>>
        %dma_start3A_1006 = tpu.memref_squeeze %dma_start3A_1005 : memref<1x64xi32, #tpu.memory_space<vmem>> -> memref<64xi32, #tpu.memory_space<vmem>>
        %dma_start3A_1007 = arith.constant 0 : i32
        %dma_start3A_1008 = arith.constant 0 : i32
        %dma_start3A_1009 = tpu.memref_slice %arg3[%dma_start3A_1007, %dma_start3A_1008] : memref<1000000x32xf32, #tpu.memory_space<hbm>> -> memref<1000000x32xf32, #tpu.memory_space<hbm>>
        %dma_start3A_1010 = arith.constant -1 : i32
        tpu.enqueue_indirect_dma source(%dma_start3A_1009 : memref<1000000x32xf32, #tpu.memory_space<hbm>>) target(%dma_start3A_1003 : memref<64x32xf32, #tpu.memory_space<vmem>>) offsets(%dma_start3A_1006 : memref<64xi32, #tpu.memory_space<vmem>>) offset_filter(%dma_start3A_1010) semaphore(%arg13 : memref<!tpu.dma_semaphore, #tpu.memory_space<semaphore_mem>>)
        %dma_start3A_1011 = arith.constant 7 : i32
        %dma_start3A_1012 = arith.constant 7 : i32
        %dma_start3A_1013 = arith.constant 0 : i32
        %dma_start3A_1014 = arith.constant 0 : i32
        %dma_start3A_1015 = tpu.memref_slice %arg7[%dma_start3A_1012, %dma_start3A_1013, %dma_start3A_1014] : memref<16x64x32xf32, #tpu.memory_space<vmem>> -> memref<1x64x32xf32, #tpu.memory_space<vmem>>
        %dma_start3A_1016 = tpu.memref_squeeze %dma_start3A_1015 : memref<1x64x32xf32, #tpu.memory_space<vmem>> -> memref<64x32xf32, #tpu.memory_space<vmem>>
        %dma_start3A_1017 = arith.constant 0 : i32
        %dma_start3A_1018 = tpu.memref_slice %arg5[%dma_start3A_1011, %dma_start3A_1017] : memref<16x64xi32, #tpu.memory_space<vmem>> -> memref<1x64xi32, #tpu.memory_space<vmem>>
        %dma_start3A_1019 = tpu.memref_squeeze %dma_start3A_1018 : memref<1x64xi32, #tpu.memory_space<vmem>> -> memref<64xi32, #tpu.memory_space<vmem>>
        %dma_start3A_1020 = arith.constant 0 : i32
        %dma_start3A_1021 = arith.constant 0 : i32
        %dma_start3A_1022 = tpu.memref_slice %arg3[%dma_start3A_1020, %dma_start3A_1021] : memref<1000000x32xf32, #tpu.memory_space<hbm>> -> memref<1000000x32xf32, #tpu.memory_space<hbm>>
        %dma_start3A_1023 = arith.constant -1 : i32
        tpu.enqueue_indirect_dma source(%dma_start3A_1022 : memref<1000000x32xf32, #tpu.memory_space<hbm>>) target(%dma_start3A_1016 : memref<64x32xf32, #tpu.memory_space<vmem>>) offsets(%dma_start3A_1019 : memref<64xi32, #tpu.memory_space<vmem>>) offset_filter(%dma_start3A_1023) semaphore(%arg13 : memref<!tpu.dma_semaphore, #tpu.memory_space<semaphore_mem>>)
        %dma_start3A_1024 = arith.constant 8 : i32
        %dma_start3A_1025 = arith.constant 8 : i32
        %dma_start3A_1026 = arith.constant 0 : i32
        %dma_start3A_1027 = arith.constant 0 : i32
        %dma_start3A_1028 = tpu.memref_slice %arg7[%dma_start3A_1025, %dma_start3A_1026, %dma_start3A_1027] : memref<16x64x32xf32, #tpu.memory_space<vmem>> -> memref<1x64x32xf32, #tpu.memory_space<vmem>>
        %dma_start3A_1029 = tpu.memref_squeeze %dma_start3A_1028 : memref<1x64x32xf32, #tpu.memory_space<vmem>> -> memref<64x32xf32, #tpu.memory_space<vmem>>
        %dma_start3A_1030 = arith.constant 0 : i32
        %dma_start3A_1031 = tpu.memref_slice %arg5[%dma_start3A_1024, %dma_start3A_1030] : memref<16x64xi32, #tpu.memory_space<vmem>> -> memref<1x64xi32, #tpu.memory_space<vmem>>
        %dma_start3A_1032 = tpu.memref_squeeze %dma_start3A_1031 : memref<1x64xi32, #tpu.memory_space<vmem>> -> memref<64xi32, #tpu.memory_space<vmem>>
        %dma_start3A_1033 = arith.constant 0 : i32
        %dma_start3A_1034 = arith.constant 0 : i32
        %dma_start3A_1035 = tpu.memref_slice %arg3[%dma_start3A_1033, %dma_start3A_1034] : memref<1000000x32xf32, #tpu.memory_space<hbm>> -> memref<1000000x32xf32, #tpu.memory_space<hbm>>
        %dma_start3A_1036 = arith.constant -1 : i32
        tpu.enqueue_indirect_dma source(%dma_start3A_1035 : memref<1000000x32xf32, #tpu.memory_space<hbm>>) target(%dma_start3A_1029 : memref<64x32xf32, #tpu.memory_space<vmem>>) offsets(%dma_start3A_1032 : memref<64xi32, #tpu.memory_space<vmem>>) offset_filter(%dma_start3A_1036) semaphore(%arg13 : memref<!tpu.dma_semaphore, #tpu.memory_space<semaphore_mem>>)
        %dma_start3A_1037 = arith.constant 9 : i32
        %dma_start3A_1038 = arith.constant 9 : i32
        %dma_start3A_1039 = arith.constant 0 : i32
        %dma_start3A_1040 = arith.constant 0 : i32
        %dma_start3A_1041 = tpu.memref_slice %arg7[%dma_start3A_1038, %dma_start3A_1039, %dma_start3A_1040] : memref<16x64x32xf32, #tpu.memory_space<vmem>> -> memref<1x64x32xf32, #tpu.memory_space<vmem>>
        %dma_start3A_1042 = tpu.memref_squeeze %dma_start3A_1041 : memref<1x64x32xf32, #tpu.memory_space<vmem>> -> memref<64x32xf32, #tpu.memory_space<vmem>>
        %dma_start3A_1043 = arith.constant 0 : i32
        %dma_start3A_1044 = tpu.memref_slice %arg5[%dma_start3A_1037, %dma_start3A_1043] : memref<16x64xi32, #tpu.memory_space<vmem>> -> memref<1x64xi32, #tpu.memory_space<vmem>>
        %dma_start3A_1045 = tpu.memref_squeeze %dma_start3A_1044 : memref<1x64xi32, #tpu.memory_space<vmem>> -> memref<64xi32, #tpu.memory_space<vmem>>
        %dma_start3A_1046 = arith.constant 0 : i32
        %dma_start3A_1047 = arith.constant 0 : i32
        %dma_start3A_1048 = tpu.memref_slice %arg3[%dma_start3A_1046, %dma_start3A_1047] : memref<1000000x32xf32, #tpu.memory_space<hbm>> -> memref<1000000x32xf32, #tpu.memory_space<hbm>>
        %dma_start3A_1049 = arith.constant -1 : i32
        tpu.enqueue_indirect_dma source(%dma_start3A_1048 : memref<1000000x32xf32, #tpu.memory_space<hbm>>) target(%dma_start3A_1042 : memref<64x32xf32, #tpu.memory_space<vmem>>) offsets(%dma_start3A_1045 : memref<64xi32, #tpu.memory_space<vmem>>) offset_filter(%dma_start3A_1049) semaphore(%arg13 : memref<!tpu.dma_semaphore, #tpu.memory_space<semaphore_mem>>)
        %dma_start3A_1050 = arith.constant 10 : i32
        %dma_start3A_1051 = arith.constant 10 : i32
        %dma_start3A_1052 = arith.constant 0 : i32
        %dma_start3A_1053 = arith.constant 0 : i32
        %dma_start3A_1054 = tpu.memref_slice %arg7[%dma_start3A_1051, %dma_start3A_1052, %dma_start3A_1053] : memref<16x64x32xf32, #tpu.memory_space<vmem>> -> memref<1x64x32xf32, #tpu.memory_space<vmem>>
        %dma_start3A_1055 = tpu.memref_squeeze %dma_start3A_1054 : memref<1x64x32xf32, #tpu.memory_space<vmem>> -> memref<64x32xf32, #tpu.memory_space<vmem>>
        %dma_start3A_1056 = arith.constant 0 : i32
        %dma_start3A_1057 = tpu.memref_slice %arg5[%dma_start3A_1050, %dma_start3A_1056] : memref<16x64xi32, #tpu.memory_space<vmem>> -> memref<1x64xi32, #tpu.memory_space<vmem>>
        %dma_start3A_1058 = tpu.memref_squeeze %dma_start3A_1057 : memref<1x64xi32, #tpu.memory_space<vmem>> -> memref<64xi32, #tpu.memory_space<vmem>>
        %dma_start3A_1059 = arith.constant 0 : i32
        %dma_start3A_1060 = arith.constant 0 : i32
        %dma_start3A_1061 = tpu.memref_slice %arg3[%dma_start3A_1059, %dma_start3A_1060] : memref<1000000x32xf32, #tpu.memory_space<hbm>> -> memref<1000000x32xf32, #tpu.memory_space<hbm>>
        %dma_start3A_1062 = arith.constant -1 : i32
        tpu.enqueue_indirect_dma source(%dma_start3A_1061 : memref<1000000x32xf32, #tpu.memory_space<hbm>>) target(%dma_start3A_1055 : memref<64x32xf32, #tpu.memory_space<vmem>>) offsets(%dma_start3A_1058 : memref<64xi32, #tpu.memory_space<vmem>>) offset_filter(%dma_start3A_1062) semaphore(%arg13 : memref<!tpu.dma_semaphore, #tpu.memory_space<semaphore_mem>>)
        %dma_start3A_1063 = arith.constant 11 : i32
        %dma_start3A_1064 = arith.constant 11 : i32
        %dma_start3A_1065 = arith.constant 0 : i32
        %dma_start3A_1066 = arith.constant 0 : i32
        %dma_start3A_1067 = tpu.memref_slice %arg7[%dma_start3A_1064, %dma_start3A_1065, %dma_start3A_1066] : memref<16x64x32xf32, #tpu.memory_space<vmem>> -> memref<1x64x32xf32, #tpu.memory_space<vmem>>
        %dma_start3A_1068 = tpu.memref_squeeze %dma_start3A_1067 : memref<1x64x32xf32, #tpu.memory_space<vmem>> -> memref<64x32xf32, #tpu.memory_space<vmem>>
        %dma_start3A_1069 = arith.constant 0 : i32
        %dma_start3A_1070 = tpu.memref_slice %arg5[%dma_start3A_1063, %dma_start3A_1069] : memref<16x64xi32, #tpu.memory_space<vmem>> -> memref<1x64xi32, #tpu.memory_space<vmem>>
        %dma_start3A_1071 = tpu.memref_squeeze %dma_start3A_1070 : memref<1x64xi32, #tpu.memory_space<vmem>> -> memref<64xi32, #tpu.memory_space<vmem>>
        %dma_start3A_1072 = arith.constant 0 : i32
        %dma_start3A_1073 = arith.constant 0 : i32
        %dma_start3A_1074 = tpu.memref_slice %arg3[%dma_start3A_1072, %dma_start3A_1073] : memref<1000000x32xf32, #tpu.memory_space<hbm>> -> memref<1000000x32xf32, #tpu.memory_space<hbm>>
        %dma_start3A_1075 = arith.constant -1 : i32
        tpu.enqueue_indirect_dma source(%dma_start3A_1074 : memref<1000000x32xf32, #tpu.memory_space<hbm>>) target(%dma_start3A_1068 : memref<64x32xf32, #tpu.memory_space<vmem>>) offsets(%dma_start3A_1071 : memref<64xi32, #tpu.memory_space<vmem>>) offset_filter(%dma_start3A_1075) semaphore(%arg13 : memref<!tpu.dma_semaphore, #tpu.memory_space<semaphore_mem>>)
        %dma_start3A_1076 = arith.constant 12 : i32
        %dma_start3A_1077 = arith.constant 12 : i32
        %dma_start3A_1078 = arith.constant 0 : i32
        %dma_start3A_1079 = arith.constant 0 : i32
        %dma_start3A_1080 = tpu.memref_slice %arg7[%dma_start3A_1077, %dma_start3A_1078, %dma_start3A_1079] : memref<16x64x32xf32, #tpu.memory_space<vmem>> -> memref<1x64x32xf32, #tpu.memory_space<vmem>>
        %dma_start3A_1081 = tpu.memref_squeeze %dma_start3A_1080 : memref<1x64x32xf32, #tpu.memory_space<vmem>> -> memref<64x32xf32, #tpu.memory_space<vmem>>
        %dma_start3A_1082 = arith.constant 0 : i32
        %dma_start3A_1083 = tpu.memref_slice %arg5[%dma_start3A_1076, %dma_start3A_1082] : memref<16x64xi32, #tpu.memory_space<vmem>> -> memref<1x64xi32, #tpu.memory_space<vmem>>
        %dma_start3A_1084 = tpu.memref_squeeze %dma_start3A_1083 : memref<1x64xi32, #tpu.memory_space<vmem>> -> memref<64xi32, #tpu.memory_space<vmem>>
        %dma_start3A_1085 = arith.constant 0 : i32
        %dma_start3A_1086 = arith.constant 0 : i32
        %dma_start3A_1087 = tpu.memref_slice %arg3[%dma_start3A_1085, %dma_start3A_1086] : memref<1000000x32xf32, #tpu.memory_space<hbm>> -> memref<1000000x32xf32, #tpu.memory_space<hbm>>
        %dma_start3A_1088 = arith.constant -1 : i32
        tpu.enqueue_indirect_dma source(%dma_start3A_1087 : memref<1000000x32xf32, #tpu.memory_space<hbm>>) target(%dma_start3A_1081 : memref<64x32xf32, #tpu.memory_space<vmem>>) offsets(%dma_start3A_1084 : memref<64xi32, #tpu.memory_space<vmem>>) offset_filter(%dma_start3A_1088) semaphore(%arg13 : memref<!tpu.dma_semaphore, #tpu.memory_space<semaphore_mem>>)
        %dma_start3A_1089 = arith.constant 13 : i32
        %dma_start3A_1090 = arith.constant 13 : i32
        %dma_start3A_1091 = arith.constant 0 : i32
        %dma_start3A_1092 = arith.constant 0 : i32
        %dma_start3A_1093 = tpu.memref_slice %arg7[%dma_start3A_1090, %dma_start3A_1091, %dma_start3A_1092] : memref<16x64x32xf32, #tpu.memory_space<vmem>> -> memref<1x64x32xf32, #tpu.memory_space<vmem>>
        %dma_start3A_1094 = tpu.memref_squeeze %dma_start3A_1093 : memref<1x64x32xf32, #tpu.memory_space<vmem>> -> memref<64x32xf32, #tpu.memory_space<vmem>>
        %dma_start3A_1095 = arith.constant 0 : i32
        %dma_start3A_1096 = tpu.memref_slice %arg5[%dma_start3A_1089, %dma_start3A_1095] : memref<16x64xi32, #tpu.memory_space<vmem>> -> memref<1x64xi32, #tpu.memory_space<vmem>>
        %dma_start3A_1097 = tpu.memref_squeeze %dma_start3A_1096 : memref<1x64xi32, #tpu.memory_space<vmem>> -> memref<64xi32, #tpu.memory_space<vmem>>
        %dma_start3A_1098 = arith.constant 0 : i32
        %dma_start3A_1099 = arith.constant 0 : i32
        %dma_start3A_1100 = tpu.memref_slice %arg3[%dma_start3A_1098, %dma_start3A_1099] : memref<1000000x32xf32, #tpu.memory_space<hbm>> -> memref<1000000x32xf32, #tpu.memory_space<hbm>>
        %dma_start3A_1101 = arith.constant -1 : i32
        tpu.enqueue_indirect_dma source(%dma_start3A_1100 : memref<1000000x32xf32, #tpu.memory_space<hbm>>) target(%dma_start3A_1094 : memref<64x32xf32, #tpu.memory_space<vmem>>) offsets(%dma_start3A_1097 : memref<64xi32, #tpu.memory_space<vmem>>) offset_filter(%dma_start3A_1101) semaphore(%arg13 : memref<!tpu.dma_semaphore, #tpu.memory_space<semaphore_mem>>)
        %dma_start3A_1102 = arith.constant 14 : i32
        %dma_start3A_1103 = arith.constant 14 : i32
        %dma_start3A_1104 = arith.constant 0 : i32
        %dma_start3A_1105 = arith.constant 0 : i32
        %dma_start3A_1106 = tpu.memref_slice %arg7[%dma_start3A_1103, %dma_start3A_1104, %dma_start3A_1105] : memref<16x64x32xf32, #tpu.memory_space<vmem>> -> memref<1x64x32xf32, #tpu.memory_space<vmem>>
        %dma_start3A_1107 = tpu.memref_squeeze %dma_start3A_1106 : memref<1x64x32xf32, #tpu.memory_space<vmem>> -> memref<64x32xf32, #tpu.memory_space<vmem>>
        %dma_start3A_1108 = arith.constant 0 : i32
        %dma_start3A_1109 = tpu.memref_slice %arg5[%dma_start3A_1102, %dma_start3A_1108] : memref<16x64xi32, #tpu.memory_space<vmem>> -> memref<1x64xi32, #tpu.memory_space<vmem>>
        %dma_start3A_1110 = tpu.memref_squeeze %dma_start3A_1109 : memref<1x64xi32, #tpu.memory_space<vmem>> -> memref<64xi32, #tpu.memory_space<vmem>>
        %dma_start3A_1111 = arith.constant 0 : i32
        %dma_start3A_1112 = arith.constant 0 : i32
        %dma_start3A_1113 = tpu.memref_slice %arg3[%dma_start3A_1111, %dma_start3A_1112] : memref<1000000x32xf32, #tpu.memory_space<hbm>> -> memref<1000000x32xf32, #tpu.memory_space<hbm>>
        %dma_start3A_1114 = arith.constant -1 : i32
        tpu.enqueue_indirect_dma source(%dma_start3A_1113 : memref<1000000x32xf32, #tpu.memory_space<hbm>>) target(%dma_start3A_1107 : memref<64x32xf32, #tpu.memory_space<vmem>>) offsets(%dma_start3A_1110 : memref<64xi32, #tpu.memory_space<vmem>>) offset_filter(%dma_start3A_1114) semaphore(%arg13 : memref<!tpu.dma_semaphore, #tpu.memory_space<semaphore_mem>>)
        %dma_start3A_1115 = arith.constant 15 : i32
        %dma_start3A_1116 = arith.constant 15 : i32
        %dma_start3A_1117 = arith.constant 0 : i32
        %dma_start3A_1118 = arith.constant 0 : i32
        %dma_start3A_1119 = tpu.memref_slice %arg7[%dma_start3A_1116, %dma_start3A_1117, %dma_start3A_1118] : memref<16x64x32xf32, #tpu.memory_space<vmem>> -> memref<1x64x32xf32, #tpu.memory_space<vmem>>
        %dma_start3A_1120 = tpu.memref_squeeze %dma_start3A_1119 : memref<1x64x32xf32, #tpu.memory_space<vmem>> -> memref<64x32xf32, #tpu.memory_space<vmem>>
        %dma_start3A_1121 = arith.constant 0 : i32
        %dma_start3A_1122 = tpu.memref_slice %arg5[%dma_start3A_1115, %dma_start3A_1121] : memref<16x64xi32, #tpu.memory_space<vmem>> -> memref<1x64xi32, #tpu.memory_space<vmem>>
        %dma_start3A_1123 = tpu.memref_squeeze %dma_start3A_1122 : memref<1x64xi32, #tpu.memory_space<vmem>> -> memref<64xi32, #tpu.memory_space<vmem>>
        %dma_start3A_1124 = arith.constant 0 : i32
        %dma_start3A_1125 = arith.constant 0 : i32
        %dma_start3A_1126 = tpu.memref_slice %arg3[%dma_start3A_1124, %dma_start3A_1125] : memref<1000000x32xf32, #tpu.memory_space<hbm>> -> memref<1000000x32xf32, #tpu.memory_space<hbm>>
        %dma_start3A_1127 = arith.constant -1 : i32
        tpu.enqueue_indirect_dma source(%dma_start3A_1126 : memref<1000000x32xf32, #tpu.memory_space<hbm>>) target(%dma_start3A_1120 : memref<64x32xf32, #tpu.memory_space<vmem>>) offsets(%dma_start3A_1123 : memref<64xi32, #tpu.memory_space<vmem>>) offset_filter(%dma_start3A_1127) semaphore(%arg13 : memref<!tpu.dma_semaphore, #tpu.memory_space<semaphore_mem>>)
      } else {
      }
      %mul3A_683 = arith.constant 2 : i32
      %mul3A_684 = arith.muli %scan3A_458, %mul3A_683 : i32
      %add3A_685 = arith.constant 1 : i32
      %add3A_686 = arith.addi %mul3A_684, %add3A_685 : i32
      %dma_wait3A_687 = arith.constant 0 : i32
      %dma_wait3A_688 = arith.constant 0 : i32
      %dma_wait3A_689 = arith.constant 0 : i32
      %dma_wait3A_690 = arith.constant 0 : i32
      %dma_wait3A_691 = tpu.memref_slice %arg8[%dma_wait3A_688, %dma_wait3A_689, %dma_wait3A_690] : memref<16x64x32xf32, #tpu.memory_space<vmem>> -> memref<1x64x32xf32, #tpu.memory_space<vmem>>
      %dma_wait3A_692 = tpu.memref_squeeze %dma_wait3A_691 : memref<1x64x32xf32, #tpu.memory_space<vmem>> -> memref<64x32xf32, #tpu.memory_space<vmem>>
      %dma_wait3A_693 = arith.constant 0 : i32
      %dma_wait3A_694 = tpu.memref_slice %arg6[%dma_wait3A_687, %dma_wait3A_693] : memref<16x64xi32, #tpu.memory_space<vmem>> -> memref<1x64xi32, #tpu.memory_space<vmem>>
      %dma_wait3A_695 = tpu.memref_squeeze %dma_wait3A_694 : memref<1x64xi32, #tpu.memory_space<vmem>> -> memref<64xi32, #tpu.memory_space<vmem>>
      %dma_wait3A_696 = arith.constant 0 : i32
      %dma_wait3A_697 = arith.constant 0 : i32
      %dma_wait3A_698 = tpu.memref_slice %arg3[%dma_wait3A_696, %dma_wait3A_697] : memref<1000000x32xf32, #tpu.memory_space<hbm>> -> memref<1000000x32xf32, #tpu.memory_space<hbm>>
      tpu.wait_indirect_dma semaphore(%arg14 : memref<!tpu.dma_semaphore, #tpu.memory_space<semaphore_mem>>) src(%dma_wait3A_698 : memref<1000000x32xf32, #tpu.memory_space<hbm>>) dst(%dma_wait3A_692 : memref<64x32xf32, #tpu.memory_space<vmem>>)
      %dma_wait3A_699 = arith.constant 1 : i32
      %dma_wait3A_700 = arith.constant 1 : i32
      %dma_wait3A_701 = arith.constant 0 : i32
      %dma_wait3A_702 = arith.constant 0 : i32
      %dma_wait3A_703 = tpu.memref_slice %arg8[%dma_wait3A_700, %dma_wait3A_701, %dma_wait3A_702] : memref<16x64x32xf32, #tpu.memory_space<vmem>> -> memref<1x64x32xf32, #tpu.memory_space<vmem>>
      %dma_wait3A_704 = tpu.memref_squeeze %dma_wait3A_703 : memref<1x64x32xf32, #tpu.memory_space<vmem>> -> memref<64x32xf32, #tpu.memory_space<vmem>>
      %dma_wait3A_705 = arith.constant 0 : i32
      %dma_wait3A_706 = tpu.memref_slice %arg6[%dma_wait3A_699, %dma_wait3A_705] : memref<16x64xi32, #tpu.memory_space<vmem>> -> memref<1x64xi32, #tpu.memory_space<vmem>>
      %dma_wait3A_707 = tpu.memref_squeeze %dma_wait3A_706 : memref<1x64xi32, #tpu.memory_space<vmem>> -> memref<64xi32, #tpu.memory_space<vmem>>
      %dma_wait3A_708 = arith.constant 0 : i32
      %dma_wait3A_709 = arith.constant 0 : i32
      %dma_wait3A_710 = tpu.memref_slice %arg3[%dma_wait3A_708, %dma_wait3A_709] : memref<1000000x32xf32, #tpu.memory_space<hbm>> -> memref<1000000x32xf32, #tpu.memory_space<hbm>>
      tpu.wait_indirect_dma semaphore(%arg14 : memref<!tpu.dma_semaphore, #tpu.memory_space<semaphore_mem>>) src(%dma_wait3A_710 : memref<1000000x32xf32, #tpu.memory_space<hbm>>) dst(%dma_wait3A_704 : memref<64x32xf32, #tpu.memory_space<vmem>>)
      %dma_wait3A_711 = arith.constant 2 : i32
      %dma_wait3A_712 = arith.constant 2 : i32
      %dma_wait3A_713 = arith.constant 0 : i32
      %dma_wait3A_714 = arith.constant 0 : i32
      %dma_wait3A_715 = tpu.memref_slice %arg8[%dma_wait3A_712, %dma_wait3A_713, %dma_wait3A_714] : memref<16x64x32xf32, #tpu.memory_space<vmem>> -> memref<1x64x32xf32, #tpu.memory_space<vmem>>
      %dma_wait3A_716 = tpu.memref_squeeze %dma_wait3A_715 : memref<1x64x32xf32, #tpu.memory_space<vmem>> -> memref<64x32xf32, #tpu.memory_space<vmem>>
      %dma_wait3A_717 = arith.constant 0 : i32
      %dma_wait3A_718 = tpu.memref_slice %arg6[%dma_wait3A_711, %dma_wait3A_717] : memref<16x64xi32, #tpu.memory_space<vmem>> -> memref<1x64xi32, #tpu.memory_space<vmem>>
      %dma_wait3A_719 = tpu.memref_squeeze %dma_wait3A_718 : memref<1x64xi32, #tpu.memory_space<vmem>> -> memref<64xi32, #tpu.memory_space<vmem>>
      %dma_wait3A_720 = arith.constant 0 : i32
      %dma_wait3A_721 = arith.constant 0 : i32
      %dma_wait3A_722 = tpu.memref_slice %arg3[%dma_wait3A_720, %dma_wait3A_721] : memref<1000000x32xf32, #tpu.memory_space<hbm>> -> memref<1000000x32xf32, #tpu.memory_space<hbm>>
      tpu.wait_indirect_dma semaphore(%arg14 : memref<!tpu.dma_semaphore, #tpu.memory_space<semaphore_mem>>) src(%dma_wait3A_722 : memref<1000000x32xf32, #tpu.memory_space<hbm>>) dst(%dma_wait3A_716 : memref<64x32xf32, #tpu.memory_space<vmem>>)
      %dma_wait3A_723 = arith.constant 3 : i32
      %dma_wait3A_724 = arith.constant 3 : i32
      %dma_wait3A_725 = arith.constant 0 : i32
      %dma_wait3A_726 = arith.constant 0 : i32
      %dma_wait3A_727 = tpu.memref_slice %arg8[%dma_wait3A_724, %dma_wait3A_725, %dma_wait3A_726] : memref<16x64x32xf32, #tpu.memory_space<vmem>> -> memref<1x64x32xf32, #tpu.memory_space<vmem>>
      %dma_wait3A_728 = tpu.memref_squeeze %dma_wait3A_727 : memref<1x64x32xf32, #tpu.memory_space<vmem>> -> memref<64x32xf32, #tpu.memory_space<vmem>>
      %dma_wait3A_729 = arith.constant 0 : i32
      %dma_wait3A_730 = tpu.memref_slice %arg6[%dma_wait3A_723, %dma_wait3A_729] : memref<16x64xi32, #tpu.memory_space<vmem>> -> memref<1x64xi32, #tpu.memory_space<vmem>>
      %dma_wait3A_731 = tpu.memref_squeeze %dma_wait3A_730 : memref<1x64xi32, #tpu.memory_space<vmem>> -> memref<64xi32, #tpu.memory_space<vmem>>
      %dma_wait3A_732 = arith.constant 0 : i32
      %dma_wait3A_733 = arith.constant 0 : i32
      %dma_wait3A_734 = tpu.memref_slice %arg3[%dma_wait3A_732, %dma_wait3A_733] : memref<1000000x32xf32, #tpu.memory_space<hbm>> -> memref<1000000x32xf32, #tpu.memory_space<hbm>>
      tpu.wait_indirect_dma semaphore(%arg14 : memref<!tpu.dma_semaphore, #tpu.memory_space<semaphore_mem>>) src(%dma_wait3A_734 : memref<1000000x32xf32, #tpu.memory_space<hbm>>) dst(%dma_wait3A_728 : memref<64x32xf32, #tpu.memory_space<vmem>>)
      %dma_wait3A_735 = arith.constant 4 : i32
      %dma_wait3A_736 = arith.constant 4 : i32
      %dma_wait3A_737 = arith.constant 0 : i32
      %dma_wait3A_738 = arith.constant 0 : i32
      %dma_wait3A_739 = tpu.memref_slice %arg8[%dma_wait3A_736, %dma_wait3A_737, %dma_wait3A_738] : memref<16x64x32xf32, #tpu.memory_space<vmem>> -> memref<1x64x32xf32, #tpu.memory_space<vmem>>
      %dma_wait3A_740 = tpu.memref_squeeze %dma_wait3A_739 : memref<1x64x32xf32, #tpu.memory_space<vmem>> -> memref<64x32xf32, #tpu.memory_space<vmem>>
      %dma_wait3A_741 = arith.constant 0 : i32
      %dma_wait3A_742 = tpu.memref_slice %arg6[%dma_wait3A_735, %dma_wait3A_741] : memref<16x64xi32, #tpu.memory_space<vmem>> -> memref<1x64xi32, #tpu.memory_space<vmem>>
      %dma_wait3A_743 = tpu.memref_squeeze %dma_wait3A_742 : memref<1x64xi32, #tpu.memory_space<vmem>> -> memref<64xi32, #tpu.memory_space<vmem>>
      %dma_wait3A_744 = arith.constant 0 : i32
      %dma_wait3A_745 = arith.constant 0 : i32
      %dma_wait3A_746 = tpu.memref_slice %arg3[%dma_wait3A_744, %dma_wait3A_745] : memref<1000000x32xf32, #tpu.memory_space<hbm>> -> memref<1000000x32xf32, #tpu.memory_space<hbm>>
      tpu.wait_indirect_dma semaphore(%arg14 : memref<!tpu.dma_semaphore, #tpu.memory_space<semaphore_mem>>) src(%dma_wait3A_746 : memref<1000000x32xf32, #tpu.memory_space<hbm>>) dst(%dma_wait3A_740 : memref<64x32xf32, #tpu.memory_space<vmem>>)
      %dma_wait3A_747 = arith.constant 5 : i32
      %dma_wait3A_748 = arith.constant 5 : i32
      %dma_wait3A_749 = arith.constant 0 : i32
      %dma_wait3A_750 = arith.constant 0 : i32
      %dma_wait3A_751 = tpu.memref_slice %arg8[%dma_wait3A_748, %dma_wait3A_749, %dma_wait3A_750] : memref<16x64x32xf32, #tpu.memory_space<vmem>> -> memref<1x64x32xf32, #tpu.memory_space<vmem>>
      %dma_wait3A_752 = tpu.memref_squeeze %dma_wait3A_751 : memref<1x64x32xf32, #tpu.memory_space<vmem>> -> memref<64x32xf32, #tpu.memory_space<vmem>>
      %dma_wait3A_753 = arith.constant 0 : i32
      %dma_wait3A_754 = tpu.memref_slice %arg6[%dma_wait3A_747, %dma_wait3A_753] : memref<16x64xi32, #tpu.memory_space<vmem>> -> memref<1x64xi32, #tpu.memory_space<vmem>>
      %dma_wait3A_755 = tpu.memref_squeeze %dma_wait3A_754 : memref<1x64xi32, #tpu.memory_space<vmem>> -> memref<64xi32, #tpu.memory_space<vmem>>
      %dma_wait3A_756 = arith.constant 0 : i32
      %dma_wait3A_757 = arith.constant 0 : i32
      %dma_wait3A_758 = tpu.memref_slice %arg3[%dma_wait3A_756, %dma_wait3A_757] : memref<1000000x32xf32, #tpu.memory_space<hbm>> -> memref<1000000x32xf32, #tpu.memory_space<hbm>>
      tpu.wait_indirect_dma semaphore(%arg14 : memref<!tpu.dma_semaphore, #tpu.memory_space<semaphore_mem>>) src(%dma_wait3A_758 : memref<1000000x32xf32, #tpu.memory_space<hbm>>) dst(%dma_wait3A_752 : memref<64x32xf32, #tpu.memory_space<vmem>>)
      %dma_wait3A_759 = arith.constant 6 : i32
      %dma_wait3A_760 = arith.constant 6 : i32
      %dma_wait3A_761 = arith.constant 0 : i32
      %dma_wait3A_762 = arith.constant 0 : i32
      %dma_wait3A_763 = tpu.memref_slice %arg8[%dma_wait3A_760, %dma_wait3A_761, %dma_wait3A_762] : memref<16x64x32xf32, #tpu.memory_space<vmem>> -> memref<1x64x32xf32, #tpu.memory_space<vmem>>
      %dma_wait3A_764 = tpu.memref_squeeze %dma_wait3A_763 : memref<1x64x32xf32, #tpu.memory_space<vmem>> -> memref<64x32xf32, #tpu.memory_space<vmem>>
      %dma_wait3A_765 = arith.constant 0 : i32
      %dma_wait3A_766 = tpu.memref_slice %arg6[%dma_wait3A_759, %dma_wait3A_765] : memref<16x64xi32, #tpu.memory_space<vmem>> -> memref<1x64xi32, #tpu.memory_space<vmem>>
      %dma_wait3A_767 = tpu.memref_squeeze %dma_wait3A_766 : memref<1x64xi32, #tpu.memory_space<vmem>> -> memref<64xi32, #tpu.memory_space<vmem>>
      %dma_wait3A_768 = arith.constant 0 : i32
      %dma_wait3A_769 = arith.constant 0 : i32
      %dma_wait3A_770 = tpu.memref_slice %arg3[%dma_wait3A_768, %dma_wait3A_769] : memref<1000000x32xf32, #tpu.memory_space<hbm>> -> memref<1000000x32xf32, #tpu.memory_space<hbm>>
      tpu.wait_indirect_dma semaphore(%arg14 : memref<!tpu.dma_semaphore, #tpu.memory_space<semaphore_mem>>) src(%dma_wait3A_770 : memref<1000000x32xf32, #tpu.memory_space<hbm>>) dst(%dma_wait3A_764 : memref<64x32xf32, #tpu.memory_space<vmem>>)
      %dma_wait3A_771 = arith.constant 7 : i32
      %dma_wait3A_772 = arith.constant 7 : i32
      %dma_wait3A_773 = arith.constant 0 : i32
      %dma_wait3A_774 = arith.constant 0 : i32
      %dma_wait3A_775 = tpu.memref_slice %arg8[%dma_wait3A_772, %dma_wait3A_773, %dma_wait3A_774] : memref<16x64x32xf32, #tpu.memory_space<vmem>> -> memref<1x64x32xf32, #tpu.memory_space<vmem>>
      %dma_wait3A_776 = tpu.memref_squeeze %dma_wait3A_775 : memref<1x64x32xf32, #tpu.memory_space<vmem>> -> memref<64x32xf32, #tpu.memory_space<vmem>>
      %dma_wait3A_777 = arith.constant 0 : i32
      %dma_wait3A_778 = tpu.memref_slice %arg6[%dma_wait3A_771, %dma_wait3A_777] : memref<16x64xi32, #tpu.memory_space<vmem>> -> memref<1x64xi32, #tpu.memory_space<vmem>>
      %dma_wait3A_779 = tpu.memref_squeeze %dma_wait3A_778 : memref<1x64xi32, #tpu.memory_space<vmem>> -> memref<64xi32, #tpu.memory_space<vmem>>
      %dma_wait3A_780 = arith.constant 0 : i32
      %dma_wait3A_781 = arith.constant 0 : i32
      %dma_wait3A_782 = tpu.memref_slice %arg3[%dma_wait3A_780, %dma_wait3A_781] : memref<1000000x32xf32, #tpu.memory_space<hbm>> -> memref<1000000x32xf32, #tpu.memory_space<hbm>>
      tpu.wait_indirect_dma semaphore(%arg14 : memref<!tpu.dma_semaphore, #tpu.memory_space<semaphore_mem>>) src(%dma_wait3A_782 : memref<1000000x32xf32, #tpu.memory_space<hbm>>) dst(%dma_wait3A_776 : memref<64x32xf32, #tpu.memory_space<vmem>>)
      %dma_wait3A_783 = arith.constant 8 : i32
      %dma_wait3A_784 = arith.constant 8 : i32
      %dma_wait3A_785 = arith.constant 0 : i32
      %dma_wait3A_786 = arith.constant 0 : i32
      %dma_wait3A_787 = tpu.memref_slice %arg8[%dma_wait3A_784, %dma_wait3A_785, %dma_wait3A_786] : memref<16x64x32xf32, #tpu.memory_space<vmem>> -> memref<1x64x32xf32, #tpu.memory_space<vmem>>
      %dma_wait3A_788 = tpu.memref_squeeze %dma_wait3A_787 : memref<1x64x32xf32, #tpu.memory_space<vmem>> -> memref<64x32xf32, #tpu.memory_space<vmem>>
      %dma_wait3A_789 = arith.constant 0 : i32
      %dma_wait3A_790 = tpu.memref_slice %arg6[%dma_wait3A_783, %dma_wait3A_789] : memref<16x64xi32, #tpu.memory_space<vmem>> -> memref<1x64xi32, #tpu.memory_space<vmem>>
      %dma_wait3A_791 = tpu.memref_squeeze %dma_wait3A_790 : memref<1x64xi32, #tpu.memory_space<vmem>> -> memref<64xi32, #tpu.memory_space<vmem>>
      %dma_wait3A_792 = arith.constant 0 : i32
      %dma_wait3A_793 = arith.constant 0 : i32
      %dma_wait3A_794 = tpu.memref_slice %arg3[%dma_wait3A_792, %dma_wait3A_793] : memref<1000000x32xf32, #tpu.memory_space<hbm>> -> memref<1000000x32xf32, #tpu.memory_space<hbm>>
      tpu.wait_indirect_dma semaphore(%arg14 : memref<!tpu.dma_semaphore, #tpu.memory_space<semaphore_mem>>) src(%dma_wait3A_794 : memref<1000000x32xf32, #tpu.memory_space<hbm>>) dst(%dma_wait3A_788 : memref<64x32xf32, #tpu.memory_space<vmem>>)
      %dma_wait3A_795 = arith.constant 9 : i32
      %dma_wait3A_796 = arith.constant 9 : i32
      %dma_wait3A_797 = arith.constant 0 : i32
      %dma_wait3A_798 = arith.constant 0 : i32
      %dma_wait3A_799 = tpu.memref_slice %arg8[%dma_wait3A_796, %dma_wait3A_797, %dma_wait3A_798] : memref<16x64x32xf32, #tpu.memory_space<vmem>> -> memref<1x64x32xf32, #tpu.memory_space<vmem>>
      %dma_wait3A_800 = tpu.memref_squeeze %dma_wait3A_799 : memref<1x64x32xf32, #tpu.memory_space<vmem>> -> memref<64x32xf32, #tpu.memory_space<vmem>>
      %dma_wait3A_801 = arith.constant 0 : i32
      %dma_wait3A_802 = tpu.memref_slice %arg6[%dma_wait3A_795, %dma_wait3A_801] : memref<16x64xi32, #tpu.memory_space<vmem>> -> memref<1x64xi32, #tpu.memory_space<vmem>>
      %dma_wait3A_803 = tpu.memref_squeeze %dma_wait3A_802 : memref<1x64xi32, #tpu.memory_space<vmem>> -> memref<64xi32, #tpu.memory_space<vmem>>
      %dma_wait3A_804 = arith.constant 0 : i32
      %dma_wait3A_805 = arith.constant 0 : i32
      %dma_wait3A_806 = tpu.memref_slice %arg3[%dma_wait3A_804, %dma_wait3A_805] : memref<1000000x32xf32, #tpu.memory_space<hbm>> -> memref<1000000x32xf32, #tpu.memory_space<hbm>>
      tpu.wait_indirect_dma semaphore(%arg14 : memref<!tpu.dma_semaphore, #tpu.memory_space<semaphore_mem>>) src(%dma_wait3A_806 : memref<1000000x32xf32, #tpu.memory_space<hbm>>) dst(%dma_wait3A_800 : memref<64x32xf32, #tpu.memory_space<vmem>>)
      %dma_wait3A_807 = arith.constant 10 : i32
      %dma_wait3A_808 = arith.constant 10 : i32
      %dma_wait3A_809 = arith.constant 0 : i32
      %dma_wait3A_810 = arith.constant 0 : i32
      %dma_wait3A_811 = tpu.memref_slice %arg8[%dma_wait3A_808, %dma_wait3A_809, %dma_wait3A_810] : memref<16x64x32xf32, #tpu.memory_space<vmem>> -> memref<1x64x32xf32, #tpu.memory_space<vmem>>
      %dma_wait3A_812 = tpu.memref_squeeze %dma_wait3A_811 : memref<1x64x32xf32, #tpu.memory_space<vmem>> -> memref<64x32xf32, #tpu.memory_space<vmem>>
      %dma_wait3A_813 = arith.constant 0 : i32
      %dma_wait3A_814 = tpu.memref_slice %arg6[%dma_wait3A_807, %dma_wait3A_813] : memref<16x64xi32, #tpu.memory_space<vmem>> -> memref<1x64xi32, #tpu.memory_space<vmem>>
      %dma_wait3A_815 = tpu.memref_squeeze %dma_wait3A_814 : memref<1x64xi32, #tpu.memory_space<vmem>> -> memref<64xi32, #tpu.memory_space<vmem>>
      %dma_wait3A_816 = arith.constant 0 : i32
      %dma_wait3A_817 = arith.constant 0 : i32
      %dma_wait3A_818 = tpu.memref_slice %arg3[%dma_wait3A_816, %dma_wait3A_817] : memref<1000000x32xf32, #tpu.memory_space<hbm>> -> memref<1000000x32xf32, #tpu.memory_space<hbm>>
      tpu.wait_indirect_dma semaphore(%arg14 : memref<!tpu.dma_semaphore, #tpu.memory_space<semaphore_mem>>) src(%dma_wait3A_818 : memref<1000000x32xf32, #tpu.memory_space<hbm>>) dst(%dma_wait3A_812 : memref<64x32xf32, #tpu.memory_space<vmem>>)
      %dma_wait3A_819 = arith.constant 11 : i32
      %dma_wait3A_820 = arith.constant 11 : i32
      %dma_wait3A_821 = arith.constant 0 : i32
      %dma_wait3A_822 = arith.constant 0 : i32
      %dma_wait3A_823 = tpu.memref_slice %arg8[%dma_wait3A_820, %dma_wait3A_821, %dma_wait3A_822] : memref<16x64x32xf32, #tpu.memory_space<vmem>> -> memref<1x64x32xf32, #tpu.memory_space<vmem>>
      %dma_wait3A_824 = tpu.memref_squeeze %dma_wait3A_823 : memref<1x64x32xf32, #tpu.memory_space<vmem>> -> memref<64x32xf32, #tpu.memory_space<vmem>>
      %dma_wait3A_825 = arith.constant 0 : i32
      %dma_wait3A_826 = tpu.memref_slice %arg6[%dma_wait3A_819, %dma_wait3A_825] : memref<16x64xi32, #tpu.memory_space<vmem>> -> memref<1x64xi32, #tpu.memory_space<vmem>>
      %dma_wait3A_827 = tpu.memref_squeeze %dma_wait3A_826 : memref<1x64xi32, #tpu.memory_space<vmem>> -> memref<64xi32, #tpu.memory_space<vmem>>
      %dma_wait3A_828 = arith.constant 0 : i32
      %dma_wait3A_829 = arith.constant 0 : i32
      %dma_wait3A_830 = tpu.memref_slice %arg3[%dma_wait3A_828, %dma_wait3A_829] : memref<1000000x32xf32, #tpu.memory_space<hbm>> -> memref<1000000x32xf32, #tpu.memory_space<hbm>>
      tpu.wait_indirect_dma semaphore(%arg14 : memref<!tpu.dma_semaphore, #tpu.memory_space<semaphore_mem>>) src(%dma_wait3A_830 : memref<1000000x32xf32, #tpu.memory_space<hbm>>) dst(%dma_wait3A_824 : memref<64x32xf32, #tpu.memory_space<vmem>>)
      %dma_wait3A_831 = arith.constant 12 : i32
      %dma_wait3A_832 = arith.constant 12 : i32
      %dma_wait3A_833 = arith.constant 0 : i32
      %dma_wait3A_834 = arith.constant 0 : i32
      %dma_wait3A_835 = tpu.memref_slice %arg8[%dma_wait3A_832, %dma_wait3A_833, %dma_wait3A_834] : memref<16x64x32xf32, #tpu.memory_space<vmem>> -> memref<1x64x32xf32, #tpu.memory_space<vmem>>
      %dma_wait3A_836 = tpu.memref_squeeze %dma_wait3A_835 : memref<1x64x32xf32, #tpu.memory_space<vmem>> -> memref<64x32xf32, #tpu.memory_space<vmem>>
      %dma_wait3A_837 = arith.constant 0 : i32
      %dma_wait3A_838 = tpu.memref_slice %arg6[%dma_wait3A_831, %dma_wait3A_837] : memref<16x64xi32, #tpu.memory_space<vmem>> -> memref<1x64xi32, #tpu.memory_space<vmem>>
      %dma_wait3A_839 = tpu.memref_squeeze %dma_wait3A_838 : memref<1x64xi32, #tpu.memory_space<vmem>> -> memref<64xi32, #tpu.memory_space<vmem>>
      %dma_wait3A_840 = arith.constant 0 : i32
      %dma_wait3A_841 = arith.constant 0 : i32
      %dma_wait3A_842 = tpu.memref_slice %arg3[%dma_wait3A_840, %dma_wait3A_841] : memref<1000000x32xf32, #tpu.memory_space<hbm>> -> memref<1000000x32xf32, #tpu.memory_space<hbm>>
      tpu.wait_indirect_dma semaphore(%arg14 : memref<!tpu.dma_semaphore, #tpu.memory_space<semaphore_mem>>) src(%dma_wait3A_842 : memref<1000000x32xf32, #tpu.memory_space<hbm>>) dst(%dma_wait3A_836 : memref<64x32xf32, #tpu.memory_space<vmem>>)
      %dma_wait3A_843 = arith.constant 13 : i32
      %dma_wait3A_844 = arith.constant 13 : i32
      %dma_wait3A_845 = arith.constant 0 : i32
      %dma_wait3A_846 = arith.constant 0 : i32
      %dma_wait3A_847 = tpu.memref_slice %arg8[%dma_wait3A_844, %dma_wait3A_845, %dma_wait3A_846] : memref<16x64x32xf32, #tpu.memory_space<vmem>> -> memref<1x64x32xf32, #tpu.memory_space<vmem>>
      %dma_wait3A_848 = tpu.memref_squeeze %dma_wait3A_847 : memref<1x64x32xf32, #tpu.memory_space<vmem>> -> memref<64x32xf32, #tpu.memory_space<vmem>>
      %dma_wait3A_849 = arith.constant 0 : i32
      %dma_wait3A_850 = tpu.memref_slice %arg6[%dma_wait3A_843, %dma_wait3A_849] : memref<16x64xi32, #tpu.memory_space<vmem>> -> memref<1x64xi32, #tpu.memory_space<vmem>>
      %dma_wait3A_851 = tpu.memref_squeeze %dma_wait3A_850 : memref<1x64xi32, #tpu.memory_space<vmem>> -> memref<64xi32, #tpu.memory_space<vmem>>
      %dma_wait3A_852 = arith.constant 0 : i32
      %dma_wait3A_853 = arith.constant 0 : i32
      %dma_wait3A_854 = tpu.memref_slice %arg3[%dma_wait3A_852, %dma_wait3A_853] : memref<1000000x32xf32, #tpu.memory_space<hbm>> -> memref<1000000x32xf32, #tpu.memory_space<hbm>>
      tpu.wait_indirect_dma semaphore(%arg14 : memref<!tpu.dma_semaphore, #tpu.memory_space<semaphore_mem>>) src(%dma_wait3A_854 : memref<1000000x32xf32, #tpu.memory_space<hbm>>) dst(%dma_wait3A_848 : memref<64x32xf32, #tpu.memory_space<vmem>>)
      %dma_wait3A_855 = arith.constant 14 : i32
      %dma_wait3A_856 = arith.constant 14 : i32
      %dma_wait3A_857 = arith.constant 0 : i32
      %dma_wait3A_858 = arith.constant 0 : i32
      %dma_wait3A_859 = tpu.memref_slice %arg8[%dma_wait3A_856, %dma_wait3A_857, %dma_wait3A_858] : memref<16x64x32xf32, #tpu.memory_space<vmem>> -> memref<1x64x32xf32, #tpu.memory_space<vmem>>
      %dma_wait3A_860 = tpu.memref_squeeze %dma_wait3A_859 : memref<1x64x32xf32, #tpu.memory_space<vmem>> -> memref<64x32xf32, #tpu.memory_space<vmem>>
      %dma_wait3A_861 = arith.constant 0 : i32
      %dma_wait3A_862 = tpu.memref_slice %arg6[%dma_wait3A_855, %dma_wait3A_861] : memref<16x64xi32, #tpu.memory_space<vmem>> -> memref<1x64xi32, #tpu.memory_space<vmem>>
      %dma_wait3A_863 = tpu.memref_squeeze %dma_wait3A_862 : memref<1x64xi32, #tpu.memory_space<vmem>> -> memref<64xi32, #tpu.memory_space<vmem>>
      %dma_wait3A_864 = arith.constant 0 : i32
      %dma_wait3A_865 = arith.constant 0 : i32
      %dma_wait3A_866 = tpu.memref_slice %arg3[%dma_wait3A_864, %dma_wait3A_865] : memref<1000000x32xf32, #tpu.memory_space<hbm>> -> memref<1000000x32xf32, #tpu.memory_space<hbm>>
      tpu.wait_indirect_dma semaphore(%arg14 : memref<!tpu.dma_semaphore, #tpu.memory_space<semaphore_mem>>) src(%dma_wait3A_866 : memref<1000000x32xf32, #tpu.memory_space<hbm>>) dst(%dma_wait3A_860 : memref<64x32xf32, #tpu.memory_space<vmem>>)
      %dma_wait3A_867 = arith.constant 15 : i32
      %dma_wait3A_868 = arith.constant 15 : i32
      %dma_wait3A_869 = arith.constant 0 : i32
      %dma_wait3A_870 = arith.constant 0 : i32
      %dma_wait3A_871 = tpu.memref_slice %arg8[%dma_wait3A_868, %dma_wait3A_869, %dma_wait3A_870] : memref<16x64x32xf32, #tpu.memory_space<vmem>> -> memref<1x64x32xf32, #tpu.memory_space<vmem>>
      %dma_wait3A_872 = tpu.memref_squeeze %dma_wait3A_871 : memref<1x64x32xf32, #tpu.memory_space<vmem>> -> memref<64x32xf32, #tpu.memory_space<vmem>>
      %dma_wait3A_873 = arith.constant 0 : i32
      %dma_wait3A_874 = tpu.memref_slice %arg6[%dma_wait3A_867, %dma_wait3A_873] : memref<16x64xi32, #tpu.memory_space<vmem>> -> memref<1x64xi32, #tpu.memory_space<vmem>>
      %dma_wait3A_875 = tpu.memref_squeeze %dma_wait3A_874 : memref<1x64xi32, #tpu.memory_space<vmem>> -> memref<64xi32, #tpu.memory_space<vmem>>
      %dma_wait3A_876 = arith.constant 0 : i32
      %dma_wait3A_877 = arith.constant 0 : i32
      %dma_wait3A_878 = tpu.memref_slice %arg3[%dma_wait3A_876, %dma_wait3A_877] : memref<1000000x32xf32, #tpu.memory_space<hbm>> -> memref<1000000x32xf32, #tpu.memory_space<hbm>>
      tpu.wait_indirect_dma semaphore(%arg14 : memref<!tpu.dma_semaphore, #tpu.memory_space<semaphore_mem>>) src(%dma_wait3A_878 : memref<1000000x32xf32, #tpu.memory_space<hbm>>) dst(%dma_wait3A_872 : memref<64x32xf32, #tpu.memory_space<vmem>>)
      %add3A_879 = arith.constant 2 : i32
      %add3A_880 = arith.addi %add3A_686, %add3A_879 : i32
      %lt3A_881 = arith.constant 32 : i32
      %lt3A_882 = arith.cmpi slt, %add3A_880, %lt3A_881 : i32
      %convert_element_type3A_883 = arith.extui %lt3A_882 : i1 to i32
      %cond3A_884 = arith.constant 0 : i32
      %cond3A_885 = arith.cmpi ne, %convert_element_type3A_883, %cond3A_884 : i32
      scf.if %cond3A_885 {
        %add3A_911 = arith.constant 2 : i32
        %add3A_912 = arith.addi %add3A_686, %add3A_911 : i32
        %mul3A_913 = arith.constant 16 : i32
        %mul3A_914 = arith.muli %add3A_912, %mul3A_913 : i32
        %add3A_915 = arith.addi %mul3A_2, %mul3A_914 : i32
        %dma_start3A_916 = arith.constant 0 : i32
        %dma_start3A_917 = tpu.memref_slice %arg2[%add3A_915, %dma_start3A_916] : memref<16384x64xi32, #tpu.memory_space<hbm>> -> memref<16x64xi32, #tpu.memory_space<hbm>>
        %dma_start3A_918 = arith.constant 0 : i32
        %dma_start3A_919 = tpu.memref_slice %arg2[%add3A_915, %dma_start3A_918] : memref<16384x64xi32, #tpu.memory_space<hbm>> -> memref<16x64xi32, #tpu.memory_space<hbm>>
        tpu.enqueue_dma source(%dma_start3A_919 : memref<16x64xi32, #tpu.memory_space<hbm>>) target(%arg6 : memref<16x64xi32, #tpu.memory_space<vmem>>) target_semaphore(%arg12 : memref<!tpu.dma_semaphore, #tpu.memory_space<semaphore_mem>>)
      } else {
      }
      %ge3A_886 = arith.constant 2 : i32
      %ge3A_887 = arith.cmpi sge, %add3A_686, %ge3A_886 : i32
      %convert_element_type3A_888 = arith.extui %ge3A_887 : i1 to i32
      %cond3A_889 = arith.constant 0 : i32
      %cond3A_890 = arith.cmpi ne, %convert_element_type3A_888, %cond3A_889 : i32
      scf.if %cond3A_890 {
        %sub3A = arith.constant 2 : i32
        %sub3A_911 = arith.subi %add3A_686, %sub3A : i32
        %mul3A_912 = arith.constant 16 : i32
        %mul3A_913 = arith.muli %sub3A_911, %mul3A_912 : i32
        %add3A_914 = arith.addi %mul3A_2, %mul3A_913 : i32
        %dma_wait3A_915 = arith.constant 0 : i32
        %dma_wait3A_916 = tpu.memref_slice %arg4[%add3A_914, %dma_wait3A_915] : memref<16384x32xf32, #tpu.memory_space<hbm>> -> memref<16x32xf32, #tpu.memory_space<hbm>>
        %dma_wait3A_917 = arith.constant 0 : i32
        %dma_wait3A_918 = tpu.memref_slice %arg4[%add3A_914, %dma_wait3A_917] : memref<16384x32xf32, #tpu.memory_space<hbm>> -> memref<16x32xf32, #tpu.memory_space<hbm>>
        tpu.wait_dma2 semaphore(%arg16 : memref<!tpu.dma_semaphore, #tpu.memory_space<semaphore_mem>>) src(%arg10 : memref<16x32xf32, #tpu.memory_space<vmem>>) dst(%dma_wait3A_918 : memref<16x32xf32, #tpu.memory_space<hbm>>)
      } else {
      }
      %scan3A_891 = arith.constant 0 : i32
      %scan3A_892 = arith.constant 0 : i32
      %scan3A_893 = arith.constant 16 : i32
      %scan3A_894 = arith.addi %scan3A_892, %scan3A_893 : i32
      %scan3A_895 = arith.constant 1 : i32
      scf.for %scan3A_911 = %scan3A_892 to %scan3A_894 step %scan3A_895  : i32 {
        %get3A = arith.constant 0 : i32
        %get3A_912 = arith.index_cast %scan3A_911 : i32 to index
        %get3A_913 = arith.index_cast %get3A : i32 to index
        %get3A_914 = arith.constant 0 : index
        %get3A_915 = tpu.vector_load %arg8[%get3A_912, %get3A_913, %get3A_914] {strides = array<i32>} : memref<16x64x32xf32, #tpu.memory_space<vmem>>, vector<1x1x16xf32>,
        %get3A_916 = vector.shape_cast %get3A_915 : vector<1x1x16xf32> to vector<16xf32>
        %get3A_917 = arith.constant 0 : i32
        %get3A_918 = arith.index_cast %scan3A_911 : i32 to index
        %get3A_919 = arith.index_cast %get3A_917 : i32 to index
        %get3A_920 = arith.constant 16 : index
        %get3A_921 = tpu.vector_load %arg8[%get3A_918, %get3A_919, %get3A_920] {strides = array<i32>} : memref<16x64x32xf32, #tpu.memory_space<vmem>>, vector<1x1x16xf32>,
        %get3A_922 = vector.shape_cast %get3A_921 : vector<1x1x16xf32> to vector<16xf32>
        %get3A_923 = arith.constant 1 : i32
        %get3A_924 = arith.index_cast %scan3A_911 : i32 to index
        %get3A_925 = arith.index_cast %get3A_923 : i32 to index
        %get3A_926 = arith.constant 0 : index
        %get3A_927 = tpu.vector_load %arg8[%get3A_924, %get3A_925, %get3A_926] {strides = array<i32>} : memref<16x64x32xf32, #tpu.memory_space<vmem>>, vector<1x1x16xf32>,
        %get3A_928 = vector.shape_cast %get3A_927 : vector<1x1x16xf32> to vector<16xf32>
        %add3A_929 = arith.addf %get3A_916, %get3A_928 : vector<16xf32>
        %get3A_930 = arith.constant 1 : i32
        %get3A_931 = arith.index_cast %scan3A_911 : i32 to index
        %get3A_932 = arith.index_cast %get3A_930 : i32 to index
        %get3A_933 = arith.constant 16 : index
        %get3A_934 = tpu.vector_load %arg8[%get3A_931, %get3A_932, %get3A_933] {strides = array<i32>} : memref<16x64x32xf32, #tpu.memory_space<vmem>>, vector<1x1x16xf32>,
        %get3A_935 = vector.shape_cast %get3A_934 : vector<1x1x16xf32> to vector<16xf32>
        %add3A_936 = arith.addf %get3A_922, %get3A_935 : vector<16xf32>
        %get3A_937 = arith.constant 2 : i32
        %get3A_938 = arith.index_cast %scan3A_911 : i32 to index
        %get3A_939 = arith.index_cast %get3A_937 : i32 to index
        %get3A_940 = arith.constant 0 : index
        %get3A_941 = tpu.vector_load %arg8[%get3A_938, %get3A_939, %get3A_940] {strides = array<i32>} : memref<16x64x32xf32, #tpu.memory_space<vmem>>, vector<1x1x16xf32>,
        %get3A_942 = vector.shape_cast %get3A_941 : vector<1x1x16xf32> to vector<16xf32>
        %add3A_943 = arith.addf %add3A_929, %get3A_942 : vector<16xf32>
        %get3A_944 = arith.constant 2 : i32
        %get3A_945 = arith.index_cast %scan3A_911 : i32 to index
        %get3A_946 = arith.index_cast %get3A_944 : i32 to index
        %get3A_947 = arith.constant 16 : index
        %get3A_948 = tpu.vector_load %arg8[%get3A_945, %get3A_946, %get3A_947] {strides = array<i32>} : memref<16x64x32xf32, #tpu.memory_space<vmem>>, vector<1x1x16xf32>,
        %get3A_949 = vector.shape_cast %get3A_948 : vector<1x1x16xf32> to vector<16xf32>
        %add3A_950 = arith.addf %add3A_936, %get3A_949 : vector<16xf32>
        %get3A_951 = arith.constant 3 : i32
        %get3A_952 = arith.index_cast %scan3A_911 : i32 to index
        %get3A_953 = arith.index_cast %get3A_951 : i32 to index
        %get3A_954 = arith.constant 0 : index
        %get3A_955 = tpu.vector_load %arg8[%get3A_952, %get3A_953, %get3A_954] {strides = array<i32>} : memref<16x64x32xf32, #tpu.memory_space<vmem>>, vector<1x1x16xf32>,
        %get3A_956 = vector.shape_cast %get3A_955 : vector<1x1x16xf32> to vector<16xf32>
        %add3A_957 = arith.addf %add3A_943, %get3A_956 : vector<16xf32>
        %get3A_958 = arith.constant 3 : i32
        %get3A_959 = arith.index_cast %scan3A_911 : i32 to index
        %get3A_960 = arith.index_cast %get3A_958 : i32 to index
        %get3A_961 = arith.constant 16 : index
        %get3A_962 = tpu.vector_load %arg8[%get3A_959, %get3A_960, %get3A_961] {strides = array<i32>} : memref<16x64x32xf32, #tpu.memory_space<vmem>>, vector<1x1x16xf32>,
        %get3A_963 = vector.shape_cast %get3A_962 : vector<1x1x16xf32> to vector<16xf32>
        %add3A_964 = arith.addf %add3A_950, %get3A_963 : vector<16xf32>
        %get3A_965 = arith.constant 4 : i32
        %get3A_966 = arith.index_cast %scan3A_911 : i32 to index
        %get3A_967 = arith.index_cast %get3A_965 : i32 to index
        %get3A_968 = arith.constant 0 : index
        %get3A_969 = tpu.vector_load %arg8[%get3A_966, %get3A_967, %get3A_968] {strides = array<i32>} : memref<16x64x32xf32, #tpu.memory_space<vmem>>, vector<1x1x16xf32>,
        %get3A_970 = vector.shape_cast %get3A_969 : vector<1x1x16xf32> to vector<16xf32>
        %add3A_971 = arith.addf %add3A_957, %get3A_970 : vector<16xf32>
        %get3A_972 = arith.constant 4 : i32
        %get3A_973 = arith.index_cast %scan3A_911 : i32 to index
        %get3A_974 = arith.index_cast %get3A_972 : i32 to index
        %get3A_975 = arith.constant 16 : index
        %get3A_976 = tpu.vector_load %arg8[%get3A_973, %get3A_974, %get3A_975] {strides = array<i32>} : memref<16x64x32xf32, #tpu.memory_space<vmem>>, vector<1x1x16xf32>,
        %get3A_977 = vector.shape_cast %get3A_976 : vector<1x1x16xf32> to vector<16xf32>
        %add3A_978 = arith.addf %add3A_964, %get3A_977 : vector<16xf32>
        %get3A_979 = arith.constant 5 : i32
        %get3A_980 = arith.index_cast %scan3A_911 : i32 to index
        %get3A_981 = arith.index_cast %get3A_979 : i32 to index
        %get3A_982 = arith.constant 0 : index
        %get3A_983 = tpu.vector_load %arg8[%get3A_980, %get3A_981, %get3A_982] {strides = array<i32>} : memref<16x64x32xf32, #tpu.memory_space<vmem>>, vector<1x1x16xf32>,
        %get3A_984 = vector.shape_cast %get3A_983 : vector<1x1x16xf32> to vector<16xf32>
        %add3A_985 = arith.addf %add3A_971, %get3A_984 : vector<16xf32>
        %get3A_986 = arith.constant 5 : i32
        %get3A_987 = arith.index_cast %scan3A_911 : i32 to index
        %get3A_988 = arith.index_cast %get3A_986 : i32 to index
        %get3A_989 = arith.constant 16 : index
        %get3A_990 = tpu.vector_load %arg8[%get3A_987, %get3A_988, %get3A_989] {strides = array<i32>} : memref<16x64x32xf32, #tpu.memory_space<vmem>>, vector<1x1x16xf32>,
        %get3A_991 = vector.shape_cast %get3A_990 : vector<1x1x16xf32> to vector<16xf32>
        %add3A_992 = arith.addf %add3A_978, %get3A_991 : vector<16xf32>
        %get3A_993 = arith.constant 6 : i32
        %get3A_994 = arith.index_cast %scan3A_911 : i32 to index
        %get3A_995 = arith.index_cast %get3A_993 : i32 to index
        %get3A_996 = arith.constant 0 : index
        %get3A_997 = tpu.vector_load %arg8[%get3A_994, %get3A_995, %get3A_996] {strides = array<i32>} : memref<16x64x32xf32, #tpu.memory_space<vmem>>, vector<1x1x16xf32>,
        %get3A_998 = vector.shape_cast %get3A_997 : vector<1x1x16xf32> to vector<16xf32>
        %add3A_999 = arith.addf %add3A_985, %get3A_998 : vector<16xf32>
        %get3A_1000 = arith.constant 6 : i32
        %get3A_1001 = arith.index_cast %scan3A_911 : i32 to index
        %get3A_1002 = arith.index_cast %get3A_1000 : i32 to index
        %get3A_1003 = arith.constant 16 : index
        %get3A_1004 = tpu.vector_load %arg8[%get3A_1001, %get3A_1002, %get3A_1003] {strides = array<i32>} : memref<16x64x32xf32, #tpu.memory_space<vmem>>, vector<1x1x16xf32>,
        %get3A_1005 = vector.shape_cast %get3A_1004 : vector<1x1x16xf32> to vector<16xf32>
        %add3A_1006 = arith.addf %add3A_992, %get3A_1005 : vector<16xf32>
        %get3A_1007 = arith.constant 7 : i32
        %get3A_1008 = arith.index_cast %scan3A_911 : i32 to index
        %get3A_1009 = arith.index_cast %get3A_1007 : i32 to index
        %get3A_1010 = arith.constant 0 : index
        %get3A_1011 = tpu.vector_load %arg8[%get3A_1008, %get3A_1009, %get3A_1010] {strides = array<i32>} : memref<16x64x32xf32, #tpu.memory_space<vmem>>, vector<1x1x16xf32>,
        %get3A_1012 = vector.shape_cast %get3A_1011 : vector<1x1x16xf32> to vector<16xf32>
        %add3A_1013 = arith.addf %add3A_999, %get3A_1012 : vector<16xf32>
        %get3A_1014 = arith.constant 7 : i32
        %get3A_1015 = arith.index_cast %scan3A_911 : i32 to index
        %get3A_1016 = arith.index_cast %get3A_1014 : i32 to index
        %get3A_1017 = arith.constant 16 : index
        %get3A_1018 = tpu.vector_load %arg8[%get3A_1015, %get3A_1016, %get3A_1017] {strides = array<i32>} : memref<16x64x32xf32, #tpu.memory_space<vmem>>, vector<1x1x16xf32>,
        %get3A_1019 = vector.shape_cast %get3A_1018 : vector<1x1x16xf32> to vector<16xf32>
        %add3A_1020 = arith.addf %add3A_1006, %get3A_1019 : vector<16xf32>
        %get3A_1021 = arith.constant 8 : i32
        %get3A_1022 = arith.index_cast %scan3A_911 : i32 to index
        %get3A_1023 = arith.index_cast %get3A_1021 : i32 to index
        %get3A_1024 = arith.constant 0 : index
        %get3A_1025 = tpu.vector_load %arg8[%get3A_1022, %get3A_1023, %get3A_1024] {strides = array<i32>} : memref<16x64x32xf32, #tpu.memory_space<vmem>>, vector<1x1x16xf32>,
        %get3A_1026 = vector.shape_cast %get3A_1025 : vector<1x1x16xf32> to vector<16xf32>
        %add3A_1027 = arith.addf %add3A_1013, %get3A_1026 : vector<16xf32>
        %get3A_1028 = arith.constant 8 : i32
        %get3A_1029 = arith.index_cast %scan3A_911 : i32 to index
        %get3A_1030 = arith.index_cast %get3A_1028 : i32 to index
        %get3A_1031 = arith.constant 16 : index
        %get3A_1032 = tpu.vector_load %arg8[%get3A_1029, %get3A_1030, %get3A_1031] {strides = array<i32>} : memref<16x64x32xf32, #tpu.memory_space<vmem>>, vector<1x1x16xf32>,
        %get3A_1033 = vector.shape_cast %get3A_1032 : vector<1x1x16xf32> to vector<16xf32>
        %add3A_1034 = arith.addf %add3A_1020, %get3A_1033 : vector<16xf32>
        %get3A_1035 = arith.constant 9 : i32
        %get3A_1036 = arith.index_cast %scan3A_911 : i32 to index
        %get3A_1037 = arith.index_cast %get3A_1035 : i32 to index
        %get3A_1038 = arith.constant 0 : index
        %get3A_1039 = tpu.vector_load %arg8[%get3A_1036, %get3A_1037, %get3A_1038] {strides = array<i32>} : memref<16x64x32xf32, #tpu.memory_space<vmem>>, vector<1x1x16xf32>,
        %get3A_1040 = vector.shape_cast %get3A_1039 : vector<1x1x16xf32> to vector<16xf32>
        %add3A_1041 = arith.addf %add3A_1027, %get3A_1040 : vector<16xf32>
        %get3A_1042 = arith.constant 9 : i32
        %get3A_1043 = arith.index_cast %scan3A_911 : i32 to index
        %get3A_1044 = arith.index_cast %get3A_1042 : i32 to index
        %get3A_1045 = arith.constant 16 : index
        %get3A_1046 = tpu.vector_load %arg8[%get3A_1043, %get3A_1044, %get3A_1045] {strides = array<i32>} : memref<16x64x32xf32, #tpu.memory_space<vmem>>, vector<1x1x16xf32>,
        %get3A_1047 = vector.shape_cast %get3A_1046 : vector<1x1x16xf32> to vector<16xf32>
        %add3A_1048 = arith.addf %add3A_1034, %get3A_1047 : vector<16xf32>
        %get3A_1049 = arith.constant 10 : i32
        %get3A_1050 = arith.index_cast %scan3A_911 : i32 to index
        %get3A_1051 = arith.index_cast %get3A_1049 : i32 to index
        %get3A_1052 = arith.constant 0 : index
        %get3A_1053 = tpu.vector_load %arg8[%get3A_1050, %get3A_1051, %get3A_1052] {strides = array<i32>} : memref<16x64x32xf32, #tpu.memory_space<vmem>>, vector<1x1x16xf32>,
        %get3A_1054 = vector.shape_cast %get3A_1053 : vector<1x1x16xf32> to vector<16xf32>
        %add3A_1055 = arith.addf %add3A_1041, %get3A_1054 : vector<16xf32>
        %get3A_1056 = arith.constant 10 : i32
        %get3A_1057 = arith.index_cast %scan3A_911 : i32 to index
        %get3A_1058 = arith.index_cast %get3A_1056 : i32 to index
        %get3A_1059 = arith.constant 16 : index
        %get3A_1060 = tpu.vector_load %arg8[%get3A_1057, %get3A_1058, %get3A_1059] {strides = array<i32>} : memref<16x64x32xf32, #tpu.memory_space<vmem>>, vector<1x1x16xf32>,
        %get3A_1061 = vector.shape_cast %get3A_1060 : vector<1x1x16xf32> to vector<16xf32>
        %add3A_1062 = arith.addf %add3A_1048, %get3A_1061 : vector<16xf32>
        %get3A_1063 = arith.constant 11 : i32
        %get3A_1064 = arith.index_cast %scan3A_911 : i32 to index
        %get3A_1065 = arith.index_cast %get3A_1063 : i32 to index
        %get3A_1066 = arith.constant 0 : index
        %get3A_1067 = tpu.vector_load %arg8[%get3A_1064, %get3A_1065, %get3A_1066] {strides = array<i32>} : memref<16x64x32xf32, #tpu.memory_space<vmem>>, vector<1x1x16xf32>,
        %get3A_1068 = vector.shape_cast %get3A_1067 : vector<1x1x16xf32> to vector<16xf32>
        %add3A_1069 = arith.addf %add3A_1055, %get3A_1068 : vector<16xf32>
        %get3A_1070 = arith.constant 11 : i32
        %get3A_1071 = arith.index_cast %scan3A_911 : i32 to index
        %get3A_1072 = arith.index_cast %get3A_1070 : i32 to index
        %get3A_1073 = arith.constant 16 : index
        %get3A_1074 = tpu.vector_load %arg8[%get3A_1071, %get3A_1072, %get3A_1073] {strides = array<i32>} : memref<16x64x32xf32, #tpu.memory_space<vmem>>, vector<1x1x16xf32>,
        %get3A_1075 = vector.shape_cast %get3A_1074 : vector<1x1x16xf32> to vector<16xf32>
        %add3A_1076 = arith.addf %add3A_1062, %get3A_1075 : vector<16xf32>
        %get3A_1077 = arith.constant 12 : i32
        %get3A_1078 = arith.index_cast %scan3A_911 : i32 to index
        %get3A_1079 = arith.index_cast %get3A_1077 : i32 to index
        %get3A_1080 = arith.constant 0 : index
        %get3A_1081 = tpu.vector_load %arg8[%get3A_1078, %get3A_1079, %get3A_1080] {strides = array<i32>} : memref<16x64x32xf32, #tpu.memory_space<vmem>>, vector<1x1x16xf32>,
        %get3A_1082 = vector.shape_cast %get3A_1081 : vector<1x1x16xf32> to vector<16xf32>
        %add3A_1083 = arith.addf %add3A_1069, %get3A_1082 : vector<16xf32>
        %get3A_1084 = arith.constant 12 : i32
        %get3A_1085 = arith.index_cast %scan3A_911 : i32 to index
        %get3A_1086 = arith.index_cast %get3A_1084 : i32 to index
        %get3A_1087 = arith.constant 16 : index
        %get3A_1088 = tpu.vector_load %arg8[%get3A_1085, %get3A_1086, %get3A_1087] {strides = array<i32>} : memref<16x64x32xf32, #tpu.memory_space<vmem>>, vector<1x1x16xf32>,
        %get3A_1089 = vector.shape_cast %get3A_1088 : vector<1x1x16xf32> to vector<16xf32>
        %add3A_1090 = arith.addf %add3A_1076, %get3A_1089 : vector<16xf32>
        %get3A_1091 = arith.constant 13 : i32
        %get3A_1092 = arith.index_cast %scan3A_911 : i32 to index
        %get3A_1093 = arith.index_cast %get3A_1091 : i32 to index
        %get3A_1094 = arith.constant 0 : index
        %get3A_1095 = tpu.vector_load %arg8[%get3A_1092, %get3A_1093, %get3A_1094] {strides = array<i32>} : memref<16x64x32xf32, #tpu.memory_space<vmem>>, vector<1x1x16xf32>,
        %get3A_1096 = vector.shape_cast %get3A_1095 : vector<1x1x16xf32> to vector<16xf32>
        %add3A_1097 = arith.addf %add3A_1083, %get3A_1096 : vector<16xf32>
        %get3A_1098 = arith.constant 13 : i32
        %get3A_1099 = arith.index_cast %scan3A_911 : i32 to index
        %get3A_1100 = arith.index_cast %get3A_1098 : i32 to index
        %get3A_1101 = arith.constant 16 : index
        %get3A_1102 = tpu.vector_load %arg8[%get3A_1099, %get3A_1100, %get3A_1101] {strides = array<i32>} : memref<16x64x32xf32, #tpu.memory_space<vmem>>, vector<1x1x16xf32>,
        %get3A_1103 = vector.shape_cast %get3A_1102 : vector<1x1x16xf32> to vector<16xf32>
        %add3A_1104 = arith.addf %add3A_1090, %get3A_1103 : vector<16xf32>
        %get3A_1105 = arith.constant 14 : i32
        %get3A_1106 = arith.index_cast %scan3A_911 : i32 to index
        %get3A_1107 = arith.index_cast %get3A_1105 : i32 to index
        %get3A_1108 = arith.constant 0 : index
        %get3A_1109 = tpu.vector_load %arg8[%get3A_1106, %get3A_1107, %get3A_1108] {strides = array<i32>} : memref<16x64x32xf32, #tpu.memory_space<vmem>>, vector<1x1x16xf32>,
        %get3A_1110 = vector.shape_cast %get3A_1109 : vector<1x1x16xf32> to vector<16xf32>
        %add3A_1111 = arith.addf %add3A_1097, %get3A_1110 : vector<16xf32>
        %get3A_1112 = arith.constant 14 : i32
        %get3A_1113 = arith.index_cast %scan3A_911 : i32 to index
        %get3A_1114 = arith.index_cast %get3A_1112 : i32 to index
        %get3A_1115 = arith.constant 16 : index
        %get3A_1116 = tpu.vector_load %arg8[%get3A_1113, %get3A_1114, %get3A_1115] {strides = array<i32>} : memref<16x64x32xf32, #tpu.memory_space<vmem>>, vector<1x1x16xf32>,
        %get3A_1117 = vector.shape_cast %get3A_1116 : vector<1x1x16xf32> to vector<16xf32>
        %add3A_1118 = arith.addf %add3A_1104, %get3A_1117 : vector<16xf32>
        %get3A_1119 = arith.constant 15 : i32
        %get3A_1120 = arith.index_cast %scan3A_911 : i32 to index
        %get3A_1121 = arith.index_cast %get3A_1119 : i32 to index
        %get3A_1122 = arith.constant 0 : index
        %get3A_1123 = tpu.vector_load %arg8[%get3A_1120, %get3A_1121, %get3A_1122] {strides = array<i32>} : memref<16x64x32xf32, #tpu.memory_space<vmem>>, vector<1x1x16xf32>,
        %get3A_1124 = vector.shape_cast %get3A_1123 : vector<1x1x16xf32> to vector<16xf32>
        %add3A_1125 = arith.addf %add3A_1111, %get3A_1124 : vector<16xf32>
        %get3A_1126 = arith.constant 15 : i32
        %get3A_1127 = arith.index_cast %scan3A_911 : i32 to index
        %get3A_1128 = arith.index_cast %get3A_1126 : i32 to index
        %get3A_1129 = arith.constant 16 : index
        %get3A_1130 = tpu.vector_load %arg8[%get3A_1127, %get3A_1128, %get3A_1129] {strides = array<i32>} : memref<16x64x32xf32, #tpu.memory_space<vmem>>, vector<1x1x16xf32>,
        %get3A_1131 = vector.shape_cast %get3A_1130 : vector<1x1x16xf32> to vector<16xf32>
        %add3A_1132 = arith.addf %add3A_1118, %get3A_1131 : vector<16xf32>
        %get3A_1133 = arith.constant 16 : i32
        %get3A_1134 = arith.index_cast %scan3A_911 : i32 to index
        %get3A_1135 = arith.index_cast %get3A_1133 : i32 to index
        %get3A_1136 = arith.constant 0 : index
        %get3A_1137 = tpu.vector_load %arg8[%get3A_1134, %get3A_1135, %get3A_1136] {strides = array<i32>} : memref<16x64x32xf32, #tpu.memory_space<vmem>>, vector<1x1x16xf32>,
        %get3A_1138 = vector.shape_cast %get3A_1137 : vector<1x1x16xf32> to vector<16xf32>
        %add3A_1139 = arith.addf %add3A_1125, %get3A_1138 : vector<16xf32>
        %get3A_1140 = arith.constant 16 : i32
        %get3A_1141 = arith.index_cast %scan3A_911 : i32 to index
        %get3A_1142 = arith.index_cast %get3A_1140 : i32 to index
        %get3A_1143 = arith.constant 16 : index
        %get3A_1144 = tpu.vector_load %arg8[%get3A_1141, %get3A_1142, %get3A_1143] {strides = array<i32>} : memref<16x64x32xf32, #tpu.memory_space<vmem>>, vector<1x1x16xf32>,
        %get3A_1145 = vector.shape_cast %get3A_1144 : vector<1x1x16xf32> to vector<16xf32>
        %add3A_1146 = arith.addf %add3A_1132, %get3A_1145 : vector<16xf32>
        %get3A_1147 = arith.constant 17 : i32
        %get3A_1148 = arith.index_cast %scan3A_911 : i32 to index
        %get3A_1149 = arith.index_cast %get3A_1147 : i32 to index
        %get3A_1150 = arith.constant 0 : index
        %get3A_1151 = tpu.vector_load %arg8[%get3A_1148, %get3A_1149, %get3A_1150] {strides = array<i32>} : memref<16x64x32xf32, #tpu.memory_space<vmem>>, vector<1x1x16xf32>,
        %get3A_1152 = vector.shape_cast %get3A_1151 : vector<1x1x16xf32> to vector<16xf32>
        %add3A_1153 = arith.addf %add3A_1139, %get3A_1152 : vector<16xf32>
        %get3A_1154 = arith.constant 17 : i32
        %get3A_1155 = arith.index_cast %scan3A_911 : i32 to index
        %get3A_1156 = arith.index_cast %get3A_1154 : i32 to index
        %get3A_1157 = arith.constant 16 : index
        %get3A_1158 = tpu.vector_load %arg8[%get3A_1155, %get3A_1156, %get3A_1157] {strides = array<i32>} : memref<16x64x32xf32, #tpu.memory_space<vmem>>, vector<1x1x16xf32>,
        %get3A_1159 = vector.shape_cast %get3A_1158 : vector<1x1x16xf32> to vector<16xf32>
        %add3A_1160 = arith.addf %add3A_1146, %get3A_1159 : vector<16xf32>
        %get3A_1161 = arith.constant 18 : i32
        %get3A_1162 = arith.index_cast %scan3A_911 : i32 to index
        %get3A_1163 = arith.index_cast %get3A_1161 : i32 to index
        %get3A_1164 = arith.constant 0 : index
        %get3A_1165 = tpu.vector_load %arg8[%get3A_1162, %get3A_1163, %get3A_1164] {strides = array<i32>} : memref<16x64x32xf32, #tpu.memory_space<vmem>>, vector<1x1x16xf32>,
        %get3A_1166 = vector.shape_cast %get3A_1165 : vector<1x1x16xf32> to vector<16xf32>
        %add3A_1167 = arith.addf %add3A_1153, %get3A_1166 : vector<16xf32>
        %get3A_1168 = arith.constant 18 : i32
        %get3A_1169 = arith.index_cast %scan3A_911 : i32 to index
        %get3A_1170 = arith.index_cast %get3A_1168 : i32 to index
        %get3A_1171 = arith.constant 16 : index
        %get3A_1172 = tpu.vector_load %arg8[%get3A_1169, %get3A_1170, %get3A_1171] {strides = array<i32>} : memref<16x64x32xf32, #tpu.memory_space<vmem>>, vector<1x1x16xf32>,
        %get3A_1173 = vector.shape_cast %get3A_1172 : vector<1x1x16xf32> to vector<16xf32>
        %add3A_1174 = arith.addf %add3A_1160, %get3A_1173 : vector<16xf32>
        %get3A_1175 = arith.constant 19 : i32
        %get3A_1176 = arith.index_cast %scan3A_911 : i32 to index
        %get3A_1177 = arith.index_cast %get3A_1175 : i32 to index
        %get3A_1178 = arith.constant 0 : index
        %get3A_1179 = tpu.vector_load %arg8[%get3A_1176, %get3A_1177, %get3A_1178] {strides = array<i32>} : memref<16x64x32xf32, #tpu.memory_space<vmem>>, vector<1x1x16xf32>,
        %get3A_1180 = vector.shape_cast %get3A_1179 : vector<1x1x16xf32> to vector<16xf32>
        %add3A_1181 = arith.addf %add3A_1167, %get3A_1180 : vector<16xf32>
        %get3A_1182 = arith.constant 19 : i32
        %get3A_1183 = arith.index_cast %scan3A_911 : i32 to index
        %get3A_1184 = arith.index_cast %get3A_1182 : i32 to index
        %get3A_1185 = arith.constant 16 : index
        %get3A_1186 = tpu.vector_load %arg8[%get3A_1183, %get3A_1184, %get3A_1185] {strides = array<i32>} : memref<16x64x32xf32, #tpu.memory_space<vmem>>, vector<1x1x16xf32>,
        %get3A_1187 = vector.shape_cast %get3A_1186 : vector<1x1x16xf32> to vector<16xf32>
        %add3A_1188 = arith.addf %add3A_1174, %get3A_1187 : vector<16xf32>
        %get3A_1189 = arith.constant 20 : i32
        %get3A_1190 = arith.index_cast %scan3A_911 : i32 to index
        %get3A_1191 = arith.index_cast %get3A_1189 : i32 to index
        %get3A_1192 = arith.constant 0 : index
        %get3A_1193 = tpu.vector_load %arg8[%get3A_1190, %get3A_1191, %get3A_1192] {strides = array<i32>} : memref<16x64x32xf32, #tpu.memory_space<vmem>>, vector<1x1x16xf32>,
        %get3A_1194 = vector.shape_cast %get3A_1193 : vector<1x1x16xf32> to vector<16xf32>
        %add3A_1195 = arith.addf %add3A_1181, %get3A_1194 : vector<16xf32>
        %get3A_1196 = arith.constant 20 : i32
        %get3A_1197 = arith.index_cast %scan3A_911 : i32 to index
        %get3A_1198 = arith.index_cast %get3A_1196 : i32 to index
        %get3A_1199 = arith.constant 16 : index
        %get3A_1200 = tpu.vector_load %arg8[%get3A_1197, %get3A_1198, %get3A_1199] {strides = array<i32>} : memref<16x64x32xf32, #tpu.memory_space<vmem>>, vector<1x1x16xf32>,
        %get3A_1201 = vector.shape_cast %get3A_1200 : vector<1x1x16xf32> to vector<16xf32>
        %add3A_1202 = arith.addf %add3A_1188, %get3A_1201 : vector<16xf32>
        %get3A_1203 = arith.constant 21 : i32
        %get3A_1204 = arith.index_cast %scan3A_911 : i32 to index
        %get3A_1205 = arith.index_cast %get3A_1203 : i32 to index
        %get3A_1206 = arith.constant 0 : index
        %get3A_1207 = tpu.vector_load %arg8[%get3A_1204, %get3A_1205, %get3A_1206] {strides = array<i32>} : memref<16x64x32xf32, #tpu.memory_space<vmem>>, vector<1x1x16xf32>,
        %get3A_1208 = vector.shape_cast %get3A_1207 : vector<1x1x16xf32> to vector<16xf32>
        %add3A_1209 = arith.addf %add3A_1195, %get3A_1208 : vector<16xf32>
        %get3A_1210 = arith.constant 21 : i32
        %get3A_1211 = arith.index_cast %scan3A_911 : i32 to index
        %get3A_1212 = arith.index_cast %get3A_1210 : i32 to index
        %get3A_1213 = arith.constant 16 : index
        %get3A_1214 = tpu.vector_load %arg8[%get3A_1211, %get3A_1212, %get3A_1213] {strides = array<i32>} : memref<16x64x32xf32, #tpu.memory_space<vmem>>, vector<1x1x16xf32>,
        %get3A_1215 = vector.shape_cast %get3A_1214 : vector<1x1x16xf32> to vector<16xf32>
        %add3A_1216 = arith.addf %add3A_1202, %get3A_1215 : vector<16xf32>
        %get3A_1217 = arith.constant 22 : i32
        %get3A_1218 = arith.index_cast %scan3A_911 : i32 to index
        %get3A_1219 = arith.index_cast %get3A_1217 : i32 to index
        %get3A_1220 = arith.constant 0 : index
        %get3A_1221 = tpu.vector_load %arg8[%get3A_1218, %get3A_1219, %get3A_1220] {strides = array<i32>} : memref<16x64x32xf32, #tpu.memory_space<vmem>>, vector<1x1x16xf32>,
        %get3A_1222 = vector.shape_cast %get3A_1221 : vector<1x1x16xf32> to vector<16xf32>
        %add3A_1223 = arith.addf %add3A_1209, %get3A_1222 : vector<16xf32>
        %get3A_1224 = arith.constant 22 : i32
        %get3A_1225 = arith.index_cast %scan3A_911 : i32 to index
        %get3A_1226 = arith.index_cast %get3A_1224 : i32 to index
        %get3A_1227 = arith.constant 16 : index
        %get3A_1228 = tpu.vector_load %arg8[%get3A_1225, %get3A_1226, %get3A_1227] {strides = array<i32>} : memref<16x64x32xf32, #tpu.memory_space<vmem>>, vector<1x1x16xf32>,
        %get3A_1229 = vector.shape_cast %get3A_1228 : vector<1x1x16xf32> to vector<16xf32>
        %add3A_1230 = arith.addf %add3A_1216, %get3A_1229 : vector<16xf32>
        %get3A_1231 = arith.constant 23 : i32
        %get3A_1232 = arith.index_cast %scan3A_911 : i32 to index
        %get3A_1233 = arith.index_cast %get3A_1231 : i32 to index
        %get3A_1234 = arith.constant 0 : index
        %get3A_1235 = tpu.vector_load %arg8[%get3A_1232, %get3A_1233, %get3A_1234] {strides = array<i32>} : memref<16x64x32xf32, #tpu.memory_space<vmem>>, vector<1x1x16xf32>,
        %get3A_1236 = vector.shape_cast %get3A_1235 : vector<1x1x16xf32> to vector<16xf32>
        %add3A_1237 = arith.addf %add3A_1223, %get3A_1236 : vector<16xf32>
        %get3A_1238 = arith.constant 23 : i32
        %get3A_1239 = arith.index_cast %scan3A_911 : i32 to index
        %get3A_1240 = arith.index_cast %get3A_1238 : i32 to index
        %get3A_1241 = arith.constant 16 : index
        %get3A_1242 = tpu.vector_load %arg8[%get3A_1239, %get3A_1240, %get3A_1241] {strides = array<i32>} : memref<16x64x32xf32, #tpu.memory_space<vmem>>, vector<1x1x16xf32>,
        %get3A_1243 = vector.shape_cast %get3A_1242 : vector<1x1x16xf32> to vector<16xf32>
        %add3A_1244 = arith.addf %add3A_1230, %get3A_1243 : vector<16xf32>
        %get3A_1245 = arith.constant 24 : i32
        %get3A_1246 = arith.index_cast %scan3A_911 : i32 to index
        %get3A_1247 = arith.index_cast %get3A_1245 : i32 to index
        %get3A_1248 = arith.constant 0 : index
        %get3A_1249 = tpu.vector_load %arg8[%get3A_1246, %get3A_1247, %get3A_1248] {strides = array<i32>} : memref<16x64x32xf32, #tpu.memory_space<vmem>>, vector<1x1x16xf32>,
        %get3A_1250 = vector.shape_cast %get3A_1249 : vector<1x1x16xf32> to vector<16xf32>
        %add3A_1251 = arith.addf %add3A_1237, %get3A_1250 : vector<16xf32>
        %get3A_1252 = arith.constant 24 : i32
        %get3A_1253 = arith.index_cast %scan3A_911 : i32 to index
        %get3A_1254 = arith.index_cast %get3A_1252 : i32 to index
        %get3A_1255 = arith.constant 16 : index
        %get3A_1256 = tpu.vector_load %arg8[%get3A_1253, %get3A_1254, %get3A_1255] {strides = array<i32>} : memref<16x64x32xf32, #tpu.memory_space<vmem>>, vector<1x1x16xf32>,
        %get3A_1257 = vector.shape_cast %get3A_1256 : vector<1x1x16xf32> to vector<16xf32>
        %add3A_1258 = arith.addf %add3A_1244, %get3A_1257 : vector<16xf32>
        %get3A_1259 = arith.constant 25 : i32
        %get3A_1260 = arith.index_cast %scan3A_911 : i32 to index
        %get3A_1261 = arith.index_cast %get3A_1259 : i32 to index
        %get3A_1262 = arith.constant 0 : index
        %get3A_1263 = tpu.vector_load %arg8[%get3A_1260, %get3A_1261, %get3A_1262] {strides = array<i32>} : memref<16x64x32xf32, #tpu.memory_space<vmem>>, vector<1x1x16xf32>,
        %get3A_1264 = vector.shape_cast %get3A_1263 : vector<1x1x16xf32> to vector<16xf32>
        %add3A_1265 = arith.addf %add3A_1251, %get3A_1264 : vector<16xf32>
        %get3A_1266 = arith.constant 25 : i32
        %get3A_1267 = arith.index_cast %scan3A_911 : i32 to index
        %get3A_1268 = arith.index_cast %get3A_1266 : i32 to index
        %get3A_1269 = arith.constant 16 : index
        %get3A_1270 = tpu.vector_load %arg8[%get3A_1267, %get3A_1268, %get3A_1269] {strides = array<i32>} : memref<16x64x32xf32, #tpu.memory_space<vmem>>, vector<1x1x16xf32>,
        %get3A_1271 = vector.shape_cast %get3A_1270 : vector<1x1x16xf32> to vector<16xf32>
        %add3A_1272 = arith.addf %add3A_1258, %get3A_1271 : vector<16xf32>
        %get3A_1273 = arith.constant 26 : i32
        %get3A_1274 = arith.index_cast %scan3A_911 : i32 to index
        %get3A_1275 = arith.index_cast %get3A_1273 : i32 to index
        %get3A_1276 = arith.constant 0 : index
        %get3A_1277 = tpu.vector_load %arg8[%get3A_1274, %get3A_1275, %get3A_1276] {strides = array<i32>} : memref<16x64x32xf32, #tpu.memory_space<vmem>>, vector<1x1x16xf32>,
        %get3A_1278 = vector.shape_cast %get3A_1277 : vector<1x1x16xf32> to vector<16xf32>
        %add3A_1279 = arith.addf %add3A_1265, %get3A_1278 : vector<16xf32>
        %get3A_1280 = arith.constant 26 : i32
        %get3A_1281 = arith.index_cast %scan3A_911 : i32 to index
        %get3A_1282 = arith.index_cast %get3A_1280 : i32 to index
        %get3A_1283 = arith.constant 16 : index
        %get3A_1284 = tpu.vector_load %arg8[%get3A_1281, %get3A_1282, %get3A_1283] {strides = array<i32>} : memref<16x64x32xf32, #tpu.memory_space<vmem>>, vector<1x1x16xf32>,
        %get3A_1285 = vector.shape_cast %get3A_1284 : vector<1x1x16xf32> to vector<16xf32>
        %add3A_1286 = arith.addf %add3A_1272, %get3A_1285 : vector<16xf32>
        %get3A_1287 = arith.constant 27 : i32
        %get3A_1288 = arith.index_cast %scan3A_911 : i32 to index
        %get3A_1289 = arith.index_cast %get3A_1287 : i32 to index
        %get3A_1290 = arith.constant 0 : index
        %get3A_1291 = tpu.vector_load %arg8[%get3A_1288, %get3A_1289, %get3A_1290] {strides = array<i32>} : memref<16x64x32xf32, #tpu.memory_space<vmem>>, vector<1x1x16xf32>,
        %get3A_1292 = vector.shape_cast %get3A_1291 : vector<1x1x16xf32> to vector<16xf32>
        %add3A_1293 = arith.addf %add3A_1279, %get3A_1292 : vector<16xf32>
        %get3A_1294 = arith.constant 27 : i32
        %get3A_1295 = arith.index_cast %scan3A_911 : i32 to index
        %get3A_1296 = arith.index_cast %get3A_1294 : i32 to index
        %get3A_1297 = arith.constant 16 : index
        %get3A_1298 = tpu.vector_load %arg8[%get3A_1295, %get3A_1296, %get3A_1297] {strides = array<i32>} : memref<16x64x32xf32, #tpu.memory_space<vmem>>, vector<1x1x16xf32>,
        %get3A_1299 = vector.shape_cast %get3A_1298 : vector<1x1x16xf32> to vector<16xf32>
        %add3A_1300 = arith.addf %add3A_1286, %get3A_1299 : vector<16xf32>
        %get3A_1301 = arith.constant 28 : i32
        %get3A_1302 = arith.index_cast %scan3A_911 : i32 to index
        %get3A_1303 = arith.index_cast %get3A_1301 : i32 to index
        %get3A_1304 = arith.constant 0 : index
        %get3A_1305 = tpu.vector_load %arg8[%get3A_1302, %get3A_1303, %get3A_1304] {strides = array<i32>} : memref<16x64x32xf32, #tpu.memory_space<vmem>>, vector<1x1x16xf32>,
        %get3A_1306 = vector.shape_cast %get3A_1305 : vector<1x1x16xf32> to vector<16xf32>
        %add3A_1307 = arith.addf %add3A_1293, %get3A_1306 : vector<16xf32>
        %get3A_1308 = arith.constant 28 : i32
        %get3A_1309 = arith.index_cast %scan3A_911 : i32 to index
        %get3A_1310 = arith.index_cast %get3A_1308 : i32 to index
        %get3A_1311 = arith.constant 16 : index
        %get3A_1312 = tpu.vector_load %arg8[%get3A_1309, %get3A_1310, %get3A_1311] {strides = array<i32>} : memref<16x64x32xf32, #tpu.memory_space<vmem>>, vector<1x1x16xf32>,
        %get3A_1313 = vector.shape_cast %get3A_1312 : vector<1x1x16xf32> to vector<16xf32>
        %add3A_1314 = arith.addf %add3A_1300, %get3A_1313 : vector<16xf32>
        %get3A_1315 = arith.constant 29 : i32
        %get3A_1316 = arith.index_cast %scan3A_911 : i32 to index
        %get3A_1317 = arith.index_cast %get3A_1315 : i32 to index
        %get3A_1318 = arith.constant 0 : index
        %get3A_1319 = tpu.vector_load %arg8[%get3A_1316, %get3A_1317, %get3A_1318] {strides = array<i32>} : memref<16x64x32xf32, #tpu.memory_space<vmem>>, vector<1x1x16xf32>,
        %get3A_1320 = vector.shape_cast %get3A_1319 : vector<1x1x16xf32> to vector<16xf32>
        %add3A_1321 = arith.addf %add3A_1307, %get3A_1320 : vector<16xf32>
        %get3A_1322 = arith.constant 29 : i32
        %get3A_1323 = arith.index_cast %scan3A_911 : i32 to index
        %get3A_1324 = arith.index_cast %get3A_1322 : i32 to index
        %get3A_1325 = arith.constant 16 : index
        %get3A_1326 = tpu.vector_load %arg8[%get3A_1323, %get3A_1324, %get3A_1325] {strides = array<i32>} : memref<16x64x32xf32, #tpu.memory_space<vmem>>, vector<1x1x16xf32>,
        %get3A_1327 = vector.shape_cast %get3A_1326 : vector<1x1x16xf32> to vector<16xf32>
        %add3A_1328 = arith.addf %add3A_1314, %get3A_1327 : vector<16xf32>
        %get3A_1329 = arith.constant 30 : i32
        %get3A_1330 = arith.index_cast %scan3A_911 : i32 to index
        %get3A_1331 = arith.index_cast %get3A_1329 : i32 to index
        %get3A_1332 = arith.constant 0 : index
        %get3A_1333 = tpu.vector_load %arg8[%get3A_1330, %get3A_1331, %get3A_1332] {strides = array<i32>} : memref<16x64x32xf32, #tpu.memory_space<vmem>>, vector<1x1x16xf32>,
        %get3A_1334 = vector.shape_cast %get3A_1333 : vector<1x1x16xf32> to vector<16xf32>
        %add3A_1335 = arith.addf %add3A_1321, %get3A_1334 : vector<16xf32>
        %get3A_1336 = arith.constant 30 : i32
        %get3A_1337 = arith.index_cast %scan3A_911 : i32 to index
        %get3A_1338 = arith.index_cast %get3A_1336 : i32 to index
        %get3A_1339 = arith.constant 16 : index
        %get3A_1340 = tpu.vector_load %arg8[%get3A_1337, %get3A_1338, %get3A_1339] {strides = array<i32>} : memref<16x64x32xf32, #tpu.memory_space<vmem>>, vector<1x1x16xf32>,
        %get3A_1341 = vector.shape_cast %get3A_1340 : vector<1x1x16xf32> to vector<16xf32>
        %add3A_1342 = arith.addf %add3A_1328, %get3A_1341 : vector<16xf32>
        %get3A_1343 = arith.constant 31 : i32
        %get3A_1344 = arith.index_cast %scan3A_911 : i32 to index
        %get3A_1345 = arith.index_cast %get3A_1343 : i32 to index
        %get3A_1346 = arith.constant 0 : index
        %get3A_1347 = tpu.vector_load %arg8[%get3A_1344, %get3A_1345, %get3A_1346] {strides = array<i32>} : memref<16x64x32xf32, #tpu.memory_space<vmem>>, vector<1x1x16xf32>,
        %get3A_1348 = vector.shape_cast %get3A_1347 : vector<1x1x16xf32> to vector<16xf32>
        %add3A_1349 = arith.addf %add3A_1335, %get3A_1348 : vector<16xf32>
        %get3A_1350 = arith.constant 31 : i32
        %get3A_1351 = arith.index_cast %scan3A_911 : i32 to index
        %get3A_1352 = arith.index_cast %get3A_1350 : i32 to index
        %get3A_1353 = arith.constant 16 : index
        %get3A_1354 = tpu.vector_load %arg8[%get3A_1351, %get3A_1352, %get3A_1353] {strides = array<i32>} : memref<16x64x32xf32, #tpu.memory_space<vmem>>, vector<1x1x16xf32>,
        %get3A_1355 = vector.shape_cast %get3A_1354 : vector<1x1x16xf32> to vector<16xf32>
        %add3A_1356 = arith.addf %add3A_1342, %get3A_1355 : vector<16xf32>
        %get3A_1357 = arith.constant 32 : i32
        %get3A_1358 = arith.index_cast %scan3A_911 : i32 to index
        %get3A_1359 = arith.index_cast %get3A_1357 : i32 to index
        %get3A_1360 = arith.constant 0 : index
        %get3A_1361 = tpu.vector_load %arg8[%get3A_1358, %get3A_1359, %get3A_1360] {strides = array<i32>} : memref<16x64x32xf32, #tpu.memory_space<vmem>>, vector<1x1x16xf32>,
        %get3A_1362 = vector.shape_cast %get3A_1361 : vector<1x1x16xf32> to vector<16xf32>
        %add3A_1363 = arith.addf %add3A_1349, %get3A_1362 : vector<16xf32>
        %get3A_1364 = arith.constant 32 : i32
        %get3A_1365 = arith.index_cast %scan3A_911 : i32 to index
        %get3A_1366 = arith.index_cast %get3A_1364 : i32 to index
        %get3A_1367 = arith.constant 16 : index
        %get3A_1368 = tpu.vector_load %arg8[%get3A_1365, %get3A_1366, %get3A_1367] {strides = array<i32>} : memref<16x64x32xf32, #tpu.memory_space<vmem>>, vector<1x1x16xf32>,
        %get3A_1369 = vector.shape_cast %get3A_1368 : vector<1x1x16xf32> to vector<16xf32>
        %add3A_1370 = arith.addf %add3A_1356, %get3A_1369 : vector<16xf32>
        %get3A_1371 = arith.constant 33 : i32
        %get3A_1372 = arith.index_cast %scan3A_911 : i32 to index
        %get3A_1373 = arith.index_cast %get3A_1371 : i32 to index
        %get3A_1374 = arith.constant 0 : index
        %get3A_1375 = tpu.vector_load %arg8[%get3A_1372, %get3A_1373, %get3A_1374] {strides = array<i32>} : memref<16x64x32xf32, #tpu.memory_space<vmem>>, vector<1x1x16xf32>,
        %get3A_1376 = vector.shape_cast %get3A_1375 : vector<1x1x16xf32> to vector<16xf32>
        %add3A_1377 = arith.addf %add3A_1363, %get3A_1376 : vector<16xf32>
        %get3A_1378 = arith.constant 33 : i32
        %get3A_1379 = arith.index_cast %scan3A_911 : i32 to index
        %get3A_1380 = arith.index_cast %get3A_1378 : i32 to index
        %get3A_1381 = arith.constant 16 : index
        %get3A_1382 = tpu.vector_load %arg8[%get3A_1379, %get3A_1380, %get3A_1381] {strides = array<i32>} : memref<16x64x32xf32, #tpu.memory_space<vmem>>, vector<1x1x16xf32>,
        %get3A_1383 = vector.shape_cast %get3A_1382 : vector<1x1x16xf32> to vector<16xf32>
        %add3A_1384 = arith.addf %add3A_1370, %get3A_1383 : vector<16xf32>
        %get3A_1385 = arith.constant 34 : i32
        %get3A_1386 = arith.index_cast %scan3A_911 : i32 to index
        %get3A_1387 = arith.index_cast %get3A_1385 : i32 to index
        %get3A_1388 = arith.constant 0 : index
        %get3A_1389 = tpu.vector_load %arg8[%get3A_1386, %get3A_1387, %get3A_1388] {strides = array<i32>} : memref<16x64x32xf32, #tpu.memory_space<vmem>>, vector<1x1x16xf32>,
        %get3A_1390 = vector.shape_cast %get3A_1389 : vector<1x1x16xf32> to vector<16xf32>
        %add3A_1391 = arith.addf %add3A_1377, %get3A_1390 : vector<16xf32>
        %get3A_1392 = arith.constant 34 : i32
        %get3A_1393 = arith.index_cast %scan3A_911 : i32 to index
        %get3A_1394 = arith.index_cast %get3A_1392 : i32 to index
        %get3A_1395 = arith.constant 16 : index
        %get3A_1396 = tpu.vector_load %arg8[%get3A_1393, %get3A_1394, %get3A_1395] {strides = array<i32>} : memref<16x64x32xf32, #tpu.memory_space<vmem>>, vector<1x1x16xf32>,
        %get3A_1397 = vector.shape_cast %get3A_1396 : vector<1x1x16xf32> to vector<16xf32>
        %add3A_1398 = arith.addf %add3A_1384, %get3A_1397 : vector<16xf32>
        %get3A_1399 = arith.constant 35 : i32
        %get3A_1400 = arith.index_cast %scan3A_911 : i32 to index
        %get3A_1401 = arith.index_cast %get3A_1399 : i32 to index
        %get3A_1402 = arith.constant 0 : index
        %get3A_1403 = tpu.vector_load %arg8[%get3A_1400, %get3A_1401, %get3A_1402] {strides = array<i32>} : memref<16x64x32xf32, #tpu.memory_space<vmem>>, vector<1x1x16xf32>,
        %get3A_1404 = vector.shape_cast %get3A_1403 : vector<1x1x16xf32> to vector<16xf32>
        %add3A_1405 = arith.addf %add3A_1391, %get3A_1404 : vector<16xf32>
        %get3A_1406 = arith.constant 35 : i32
        %get3A_1407 = arith.index_cast %scan3A_911 : i32 to index
        %get3A_1408 = arith.index_cast %get3A_1406 : i32 to index
        %get3A_1409 = arith.constant 16 : index
        %get3A_1410 = tpu.vector_load %arg8[%get3A_1407, %get3A_1408, %get3A_1409] {strides = array<i32>} : memref<16x64x32xf32, #tpu.memory_space<vmem>>, vector<1x1x16xf32>,
        %get3A_1411 = vector.shape_cast %get3A_1410 : vector<1x1x16xf32> to vector<16xf32>
        %add3A_1412 = arith.addf %add3A_1398, %get3A_1411 : vector<16xf32>
        %get3A_1413 = arith.constant 36 : i32
        %get3A_1414 = arith.index_cast %scan3A_911 : i32 to index
        %get3A_1415 = arith.index_cast %get3A_1413 : i32 to index
        %get3A_1416 = arith.constant 0 : index
        %get3A_1417 = tpu.vector_load %arg8[%get3A_1414, %get3A_1415, %get3A_1416] {strides = array<i32>} : memref<16x64x32xf32, #tpu.memory_space<vmem>>, vector<1x1x16xf32>,
        %get3A_1418 = vector.shape_cast %get3A_1417 : vector<1x1x16xf32> to vector<16xf32>
        %add3A_1419 = arith.addf %add3A_1405, %get3A_1418 : vector<16xf32>
        %get3A_1420 = arith.constant 36 : i32
        %get3A_1421 = arith.index_cast %scan3A_911 : i32 to index
        %get3A_1422 = arith.index_cast %get3A_1420 : i32 to index
        %get3A_1423 = arith.constant 16 : index
        %get3A_1424 = tpu.vector_load %arg8[%get3A_1421, %get3A_1422, %get3A_1423] {strides = array<i32>} : memref<16x64x32xf32, #tpu.memory_space<vmem>>, vector<1x1x16xf32>,
        %get3A_1425 = vector.shape_cast %get3A_1424 : vector<1x1x16xf32> to vector<16xf32>
        %add3A_1426 = arith.addf %add3A_1412, %get3A_1425 : vector<16xf32>
        %get3A_1427 = arith.constant 37 : i32
        %get3A_1428 = arith.index_cast %scan3A_911 : i32 to index
        %get3A_1429 = arith.index_cast %get3A_1427 : i32 to index
        %get3A_1430 = arith.constant 0 : index
        %get3A_1431 = tpu.vector_load %arg8[%get3A_1428, %get3A_1429, %get3A_1430] {strides = array<i32>} : memref<16x64x32xf32, #tpu.memory_space<vmem>>, vector<1x1x16xf32>,
        %get3A_1432 = vector.shape_cast %get3A_1431 : vector<1x1x16xf32> to vector<16xf32>
        %add3A_1433 = arith.addf %add3A_1419, %get3A_1432 : vector<16xf32>
        %get3A_1434 = arith.constant 37 : i32
        %get3A_1435 = arith.index_cast %scan3A_911 : i32 to index
        %get3A_1436 = arith.index_cast %get3A_1434 : i32 to index
        %get3A_1437 = arith.constant 16 : index
        %get3A_1438 = tpu.vector_load %arg8[%get3A_1435, %get3A_1436, %get3A_1437] {strides = array<i32>} : memref<16x64x32xf32, #tpu.memory_space<vmem>>, vector<1x1x16xf32>,
        %get3A_1439 = vector.shape_cast %get3A_1438 : vector<1x1x16xf32> to vector<16xf32>
        %add3A_1440 = arith.addf %add3A_1426, %get3A_1439 : vector<16xf32>
        %get3A_1441 = arith.constant 38 : i32
        %get3A_1442 = arith.index_cast %scan3A_911 : i32 to index
        %get3A_1443 = arith.index_cast %get3A_1441 : i32 to index
        %get3A_1444 = arith.constant 0 : index
        %get3A_1445 = tpu.vector_load %arg8[%get3A_1442, %get3A_1443, %get3A_1444] {strides = array<i32>} : memref<16x64x32xf32, #tpu.memory_space<vmem>>, vector<1x1x16xf32>,
        %get3A_1446 = vector.shape_cast %get3A_1445 : vector<1x1x16xf32> to vector<16xf32>
        %add3A_1447 = arith.addf %add3A_1433, %get3A_1446 : vector<16xf32>
        %get3A_1448 = arith.constant 38 : i32
        %get3A_1449 = arith.index_cast %scan3A_911 : i32 to index
        %get3A_1450 = arith.index_cast %get3A_1448 : i32 to index
        %get3A_1451 = arith.constant 16 : index
        %get3A_1452 = tpu.vector_load %arg8[%get3A_1449, %get3A_1450, %get3A_1451] {strides = array<i32>} : memref<16x64x32xf32, #tpu.memory_space<vmem>>, vector<1x1x16xf32>,
        %get3A_1453 = vector.shape_cast %get3A_1452 : vector<1x1x16xf32> to vector<16xf32>
        %add3A_1454 = arith.addf %add3A_1440, %get3A_1453 : vector<16xf32>
        %get3A_1455 = arith.constant 39 : i32
        %get3A_1456 = arith.index_cast %scan3A_911 : i32 to index
        %get3A_1457 = arith.index_cast %get3A_1455 : i32 to index
        %get3A_1458 = arith.constant 0 : index
        %get3A_1459 = tpu.vector_load %arg8[%get3A_1456, %get3A_1457, %get3A_1458] {strides = array<i32>} : memref<16x64x32xf32, #tpu.memory_space<vmem>>, vector<1x1x16xf32>,
        %get3A_1460 = vector.shape_cast %get3A_1459 : vector<1x1x16xf32> to vector<16xf32>
        %add3A_1461 = arith.addf %add3A_1447, %get3A_1460 : vector<16xf32>
        %get3A_1462 = arith.constant 39 : i32
        %get3A_1463 = arith.index_cast %scan3A_911 : i32 to index
        %get3A_1464 = arith.index_cast %get3A_1462 : i32 to index
        %get3A_1465 = arith.constant 16 : index
        %get3A_1466 = tpu.vector_load %arg8[%get3A_1463, %get3A_1464, %get3A_1465] {strides = array<i32>} : memref<16x64x32xf32, #tpu.memory_space<vmem>>, vector<1x1x16xf32>,
        %get3A_1467 = vector.shape_cast %get3A_1466 : vector<1x1x16xf32> to vector<16xf32>
        %add3A_1468 = arith.addf %add3A_1454, %get3A_1467 : vector<16xf32>
        %get3A_1469 = arith.constant 40 : i32
        %get3A_1470 = arith.index_cast %scan3A_911 : i32 to index
        %get3A_1471 = arith.index_cast %get3A_1469 : i32 to index
        %get3A_1472 = arith.constant 0 : index
        %get3A_1473 = tpu.vector_load %arg8[%get3A_1470, %get3A_1471, %get3A_1472] {strides = array<i32>} : memref<16x64x32xf32, #tpu.memory_space<vmem>>, vector<1x1x16xf32>,
        %get3A_1474 = vector.shape_cast %get3A_1473 : vector<1x1x16xf32> to vector<16xf32>
        %add3A_1475 = arith.addf %add3A_1461, %get3A_1474 : vector<16xf32>
        %get3A_1476 = arith.constant 40 : i32
        %get3A_1477 = arith.index_cast %scan3A_911 : i32 to index
        %get3A_1478 = arith.index_cast %get3A_1476 : i32 to index
        %get3A_1479 = arith.constant 16 : index
        %get3A_1480 = tpu.vector_load %arg8[%get3A_1477, %get3A_1478, %get3A_1479] {strides = array<i32>} : memref<16x64x32xf32, #tpu.memory_space<vmem>>, vector<1x1x16xf32>,
        %get3A_1481 = vector.shape_cast %get3A_1480 : vector<1x1x16xf32> to vector<16xf32>
        %add3A_1482 = arith.addf %add3A_1468, %get3A_1481 : vector<16xf32>
        %get3A_1483 = arith.constant 41 : i32
        %get3A_1484 = arith.index_cast %scan3A_911 : i32 to index
        %get3A_1485 = arith.index_cast %get3A_1483 : i32 to index
        %get3A_1486 = arith.constant 0 : index
        %get3A_1487 = tpu.vector_load %arg8[%get3A_1484, %get3A_1485, %get3A_1486] {strides = array<i32>} : memref<16x64x32xf32, #tpu.memory_space<vmem>>, vector<1x1x16xf32>,
        %get3A_1488 = vector.shape_cast %get3A_1487 : vector<1x1x16xf32> to vector<16xf32>
        %add3A_1489 = arith.addf %add3A_1475, %get3A_1488 : vector<16xf32>
        %get3A_1490 = arith.constant 41 : i32
        %get3A_1491 = arith.index_cast %scan3A_911 : i32 to index
        %get3A_1492 = arith.index_cast %get3A_1490 : i32 to index
        %get3A_1493 = arith.constant 16 : index
        %get3A_1494 = tpu.vector_load %arg8[%get3A_1491, %get3A_1492, %get3A_1493] {strides = array<i32>} : memref<16x64x32xf32, #tpu.memory_space<vmem>>, vector<1x1x16xf32>,
        %get3A_1495 = vector.shape_cast %get3A_1494 : vector<1x1x16xf32> to vector<16xf32>
        %add3A_1496 = arith.addf %add3A_1482, %get3A_1495 : vector<16xf32>
        %get3A_1497 = arith.constant 42 : i32
        %get3A_1498 = arith.index_cast %scan3A_911 : i32 to index
        %get3A_1499 = arith.index_cast %get3A_1497 : i32 to index
        %get3A_1500 = arith.constant 0 : index
        %get3A_1501 = tpu.vector_load %arg8[%get3A_1498, %get3A_1499, %get3A_1500] {strides = array<i32>} : memref<16x64x32xf32, #tpu.memory_space<vmem>>, vector<1x1x16xf32>,
        %get3A_1502 = vector.shape_cast %get3A_1501 : vector<1x1x16xf32> to vector<16xf32>
        %add3A_1503 = arith.addf %add3A_1489, %get3A_1502 : vector<16xf32>
        %get3A_1504 = arith.constant 42 : i32
        %get3A_1505 = arith.index_cast %scan3A_911 : i32 to index
        %get3A_1506 = arith.index_cast %get3A_1504 : i32 to index
        %get3A_1507 = arith.constant 16 : index
        %get3A_1508 = tpu.vector_load %arg8[%get3A_1505, %get3A_1506, %get3A_1507] {strides = array<i32>} : memref<16x64x32xf32, #tpu.memory_space<vmem>>, vector<1x1x16xf32>,
        %get3A_1509 = vector.shape_cast %get3A_1508 : vector<1x1x16xf32> to vector<16xf32>
        %add3A_1510 = arith.addf %add3A_1496, %get3A_1509 : vector<16xf32>
        %get3A_1511 = arith.constant 43 : i32
        %get3A_1512 = arith.index_cast %scan3A_911 : i32 to index
        %get3A_1513 = arith.index_cast %get3A_1511 : i32 to index
        %get3A_1514 = arith.constant 0 : index
        %get3A_1515 = tpu.vector_load %arg8[%get3A_1512, %get3A_1513, %get3A_1514] {strides = array<i32>} : memref<16x64x32xf32, #tpu.memory_space<vmem>>, vector<1x1x16xf32>,
        %get3A_1516 = vector.shape_cast %get3A_1515 : vector<1x1x16xf32> to vector<16xf32>
        %add3A_1517 = arith.addf %add3A_1503, %get3A_1516 : vector<16xf32>
        %get3A_1518 = arith.constant 43 : i32
        %get3A_1519 = arith.index_cast %scan3A_911 : i32 to index
        %get3A_1520 = arith.index_cast %get3A_1518 : i32 to index
        %get3A_1521 = arith.constant 16 : index
        %get3A_1522 = tpu.vector_load %arg8[%get3A_1519, %get3A_1520, %get3A_1521] {strides = array<i32>} : memref<16x64x32xf32, #tpu.memory_space<vmem>>, vector<1x1x16xf32>,
        %get3A_1523 = vector.shape_cast %get3A_1522 : vector<1x1x16xf32> to vector<16xf32>
        %add3A_1524 = arith.addf %add3A_1510, %get3A_1523 : vector<16xf32>
        %get3A_1525 = arith.constant 44 : i32
        %get3A_1526 = arith.index_cast %scan3A_911 : i32 to index
        %get3A_1527 = arith.index_cast %get3A_1525 : i32 to index
        %get3A_1528 = arith.constant 0 : index
        %get3A_1529 = tpu.vector_load %arg8[%get3A_1526, %get3A_1527, %get3A_1528] {strides = array<i32>} : memref<16x64x32xf32, #tpu.memory_space<vmem>>, vector<1x1x16xf32>,
        %get3A_1530 = vector.shape_cast %get3A_1529 : vector<1x1x16xf32> to vector<16xf32>
        %add3A_1531 = arith.addf %add3A_1517, %get3A_1530 : vector<16xf32>
        %get3A_1532 = arith.constant 44 : i32
        %get3A_1533 = arith.index_cast %scan3A_911 : i32 to index
        %get3A_1534 = arith.index_cast %get3A_1532 : i32 to index
        %get3A_1535 = arith.constant 16 : index
        %get3A_1536 = tpu.vector_load %arg8[%get3A_1533, %get3A_1534, %get3A_1535] {strides = array<i32>} : memref<16x64x32xf32, #tpu.memory_space<vmem>>, vector<1x1x16xf32>,
        %get3A_1537 = vector.shape_cast %get3A_1536 : vector<1x1x16xf32> to vector<16xf32>
        %add3A_1538 = arith.addf %add3A_1524, %get3A_1537 : vector<16xf32>
        %get3A_1539 = arith.constant 45 : i32
        %get3A_1540 = arith.index_cast %scan3A_911 : i32 to index
        %get3A_1541 = arith.index_cast %get3A_1539 : i32 to index
        %get3A_1542 = arith.constant 0 : index
        %get3A_1543 = tpu.vector_load %arg8[%get3A_1540, %get3A_1541, %get3A_1542] {strides = array<i32>} : memref<16x64x32xf32, #tpu.memory_space<vmem>>, vector<1x1x16xf32>,
        %get3A_1544 = vector.shape_cast %get3A_1543 : vector<1x1x16xf32> to vector<16xf32>
        %add3A_1545 = arith.addf %add3A_1531, %get3A_1544 : vector<16xf32>
        %get3A_1546 = arith.constant 45 : i32
        %get3A_1547 = arith.index_cast %scan3A_911 : i32 to index
        %get3A_1548 = arith.index_cast %get3A_1546 : i32 to index
        %get3A_1549 = arith.constant 16 : index
        %get3A_1550 = tpu.vector_load %arg8[%get3A_1547, %get3A_1548, %get3A_1549] {strides = array<i32>} : memref<16x64x32xf32, #tpu.memory_space<vmem>>, vector<1x1x16xf32>,
        %get3A_1551 = vector.shape_cast %get3A_1550 : vector<1x1x16xf32> to vector<16xf32>
        %add3A_1552 = arith.addf %add3A_1538, %get3A_1551 : vector<16xf32>
        %get3A_1553 = arith.constant 46 : i32
        %get3A_1554 = arith.index_cast %scan3A_911 : i32 to index
        %get3A_1555 = arith.index_cast %get3A_1553 : i32 to index
        %get3A_1556 = arith.constant 0 : index
        %get3A_1557 = tpu.vector_load %arg8[%get3A_1554, %get3A_1555, %get3A_1556] {strides = array<i32>} : memref<16x64x32xf32, #tpu.memory_space<vmem>>, vector<1x1x16xf32>,
        %get3A_1558 = vector.shape_cast %get3A_1557 : vector<1x1x16xf32> to vector<16xf32>
        %add3A_1559 = arith.addf %add3A_1545, %get3A_1558 : vector<16xf32>
        %get3A_1560 = arith.constant 46 : i32
        %get3A_1561 = arith.index_cast %scan3A_911 : i32 to index
        %get3A_1562 = arith.index_cast %get3A_1560 : i32 to index
        %get3A_1563 = arith.constant 16 : index
        %get3A_1564 = tpu.vector_load %arg8[%get3A_1561, %get3A_1562, %get3A_1563] {strides = array<i32>} : memref<16x64x32xf32, #tpu.memory_space<vmem>>, vector<1x1x16xf32>,
        %get3A_1565 = vector.shape_cast %get3A_1564 : vector<1x1x16xf32> to vector<16xf32>
        %add3A_1566 = arith.addf %add3A_1552, %get3A_1565 : vector<16xf32>
        %get3A_1567 = arith.constant 47 : i32
        %get3A_1568 = arith.index_cast %scan3A_911 : i32 to index
        %get3A_1569 = arith.index_cast %get3A_1567 : i32 to index
        %get3A_1570 = arith.constant 0 : index
        %get3A_1571 = tpu.vector_load %arg8[%get3A_1568, %get3A_1569, %get3A_1570] {strides = array<i32>} : memref<16x64x32xf32, #tpu.memory_space<vmem>>, vector<1x1x16xf32>,
        %get3A_1572 = vector.shape_cast %get3A_1571 : vector<1x1x16xf32> to vector<16xf32>
        %add3A_1573 = arith.addf %add3A_1559, %get3A_1572 : vector<16xf32>
        %get3A_1574 = arith.constant 47 : i32
        %get3A_1575 = arith.index_cast %scan3A_911 : i32 to index
        %get3A_1576 = arith.index_cast %get3A_1574 : i32 to index
        %get3A_1577 = arith.constant 16 : index
        %get3A_1578 = tpu.vector_load %arg8[%get3A_1575, %get3A_1576, %get3A_1577] {strides = array<i32>} : memref<16x64x32xf32, #tpu.memory_space<vmem>>, vector<1x1x16xf32>,
        %get3A_1579 = vector.shape_cast %get3A_1578 : vector<1x1x16xf32> to vector<16xf32>
        %add3A_1580 = arith.addf %add3A_1566, %get3A_1579 : vector<16xf32>
        %get3A_1581 = arith.constant 48 : i32
        %get3A_1582 = arith.index_cast %scan3A_911 : i32 to index
        %get3A_1583 = arith.index_cast %get3A_1581 : i32 to index
        %get3A_1584 = arith.constant 0 : index
        %get3A_1585 = tpu.vector_load %arg8[%get3A_1582, %get3A_1583, %get3A_1584] {strides = array<i32>} : memref<16x64x32xf32, #tpu.memory_space<vmem>>, vector<1x1x16xf32>,
        %get3A_1586 = vector.shape_cast %get3A_1585 : vector<1x1x16xf32> to vector<16xf32>
        %add3A_1587 = arith.addf %add3A_1573, %get3A_1586 : vector<16xf32>
        %get3A_1588 = arith.constant 48 : i32
        %get3A_1589 = arith.index_cast %scan3A_911 : i32 to index
        %get3A_1590 = arith.index_cast %get3A_1588 : i32 to index
        %get3A_1591 = arith.constant 16 : index
        %get3A_1592 = tpu.vector_load %arg8[%get3A_1589, %get3A_1590, %get3A_1591] {strides = array<i32>} : memref<16x64x32xf32, #tpu.memory_space<vmem>>, vector<1x1x16xf32>,
        %get3A_1593 = vector.shape_cast %get3A_1592 : vector<1x1x16xf32> to vector<16xf32>
        %add3A_1594 = arith.addf %add3A_1580, %get3A_1593 : vector<16xf32>
        %get3A_1595 = arith.constant 49 : i32
        %get3A_1596 = arith.index_cast %scan3A_911 : i32 to index
        %get3A_1597 = arith.index_cast %get3A_1595 : i32 to index
        %get3A_1598 = arith.constant 0 : index
        %get3A_1599 = tpu.vector_load %arg8[%get3A_1596, %get3A_1597, %get3A_1598] {strides = array<i32>} : memref<16x64x32xf32, #tpu.memory_space<vmem>>, vector<1x1x16xf32>,
        %get3A_1600 = vector.shape_cast %get3A_1599 : vector<1x1x16xf32> to vector<16xf32>
        %add3A_1601 = arith.addf %add3A_1587, %get3A_1600 : vector<16xf32>
        %get3A_1602 = arith.constant 49 : i32
        %get3A_1603 = arith.index_cast %scan3A_911 : i32 to index
        %get3A_1604 = arith.index_cast %get3A_1602 : i32 to index
        %get3A_1605 = arith.constant 16 : index
        %get3A_1606 = tpu.vector_load %arg8[%get3A_1603, %get3A_1604, %get3A_1605] {strides = array<i32>} : memref<16x64x32xf32, #tpu.memory_space<vmem>>, vector<1x1x16xf32>,
        %get3A_1607 = vector.shape_cast %get3A_1606 : vector<1x1x16xf32> to vector<16xf32>
        %add3A_1608 = arith.addf %add3A_1594, %get3A_1607 : vector<16xf32>
        %swap3A = arith.index_cast %scan3A_911 : i32 to index
        %swap3A_1609 = arith.constant 0 : index
        %swap3A_1610 = tpu.vector_load %arg10[%swap3A, %swap3A_1609] {strides = array<i32>} : memref<16x32xf32, #tpu.memory_space<vmem>>, vector<1x16xf32>,
        %swap3A_1611 = vector.shape_cast %swap3A_1610 : vector<1x16xf32> to vector<16xf32>
        %swap3A_1612 = vector.shape_cast %add3A_1601 : vector<16xf32> to vector<1x16xf32>
        tpu.vector_store %arg10[%swap3A, %swap3A_1609], %swap3A_1612 {strides = array<i32>} : memref<16x32xf32, #tpu.memory_space<vmem>>, vector<1x16xf32>,
        %swap3A_1613 = arith.index_cast %scan3A_911 : i32 to index
        %swap3A_1614 = arith.constant 16 : index
        %swap3A_1615 = tpu.vector_load %arg10[%swap3A_1613, %swap3A_1614] {strides = array<i32>} : memref<16x32xf32, #tpu.memory_space<vmem>>, vector<1x16xf32>,
        %swap3A_1616 = vector.shape_cast %swap3A_1615 : vector<1x16xf32> to vector<16xf32>
        %swap3A_1617 = vector.shape_cast %add3A_1608 : vector<16xf32> to vector<1x16xf32>
        tpu.vector_store %arg10[%swap3A_1613, %swap3A_1614], %swap3A_1617 {strides = array<i32>} : memref<16x32xf32, #tpu.memory_space<vmem>>, vector<1x16xf32>,
      }
      %scan3A_896 = arith.constant 16 : i32
      %mul3A_897 = arith.constant 16 : i32
      %mul3A_898 = arith.muli %add3A_686, %mul3A_897 : i32
      %add3A_899 = arith.addi %mul3A_2, %mul3A_898 : i32
      %dma_start3A_900 = arith.constant 0 : i32
      %dma_start3A_901 = tpu.memref_slice %arg4[%add3A_899, %dma_start3A_900] : memref<16384x32xf32, #tpu.memory_space<hbm>> -> memref<16x32xf32, #tpu.memory_space<hbm>>
      %dma_start3A_902 = arith.constant 0 : i32
      %dma_start3A_903 = tpu.memref_slice %arg4[%add3A_899, %dma_start3A_902] : memref<16384x32xf32, #tpu.memory_space<hbm>> -> memref<16x32xf32, #tpu.memory_space<hbm>>
      tpu.enqueue_dma source(%arg10 : memref<16x32xf32, #tpu.memory_space<vmem>>) target(%dma_start3A_903 : memref<16x32xf32, #tpu.memory_space<hbm>>) target_semaphore(%arg16 : memref<!tpu.dma_semaphore, #tpu.memory_space<semaphore_mem>>)
      %add3A_904 = arith.constant 2 : i32
      %add3A_905 = arith.addi %add3A_686, %add3A_904 : i32
      %lt3A_906 = arith.constant 32 : i32
      %lt3A_907 = arith.cmpi slt, %add3A_905, %lt3A_906 : i32
      %convert_element_type3A_908 = arith.extui %lt3A_907 : i1 to i32
      %cond3A_909 = arith.constant 0 : i32
      %cond3A_910 = arith.cmpi ne, %convert_element_type3A_908, %cond3A_909 : i32
      scf.if %cond3A_910 {
        %add3A_911 = arith.constant 2 : i32
        %add3A_912 = arith.addi %add3A_686, %add3A_911 : i32
        %mul3A_913 = arith.constant 16 : i32
        %mul3A_914 = arith.muli %add3A_912, %mul3A_913 : i32
        %add3A_915 = arith.addi %mul3A_2, %mul3A_914 : i32
        %dma_wait3A_916 = arith.constant 0 : i32
        %dma_wait3A_917 = tpu.memref_slice %arg2[%add3A_915, %dma_wait3A_916] : memref<16384x64xi32, #tpu.memory_space<hbm>> -> memref<16x64xi32, #tpu.memory_space<hbm>>
        %dma_wait3A_918 = arith.constant 0 : i32
        %dma_wait3A_919 = tpu.memref_slice %arg2[%add3A_915, %dma_wait3A_918] : memref<16384x64xi32, #tpu.memory_space<hbm>> -> memref<16x64xi32, #tpu.memory_space<hbm>>
        tpu.wait_dma2 semaphore(%arg12 : memref<!tpu.dma_semaphore, #tpu.memory_space<semaphore_mem>>) src(%dma_wait3A_919 : memref<16x64xi32, #tpu.memory_space<hbm>>) dst(%arg6 : memref<16x64xi32, #tpu.memory_space<vmem>>)
        %dma_start3A_920 = arith.constant 0 : i32
        %dma_start3A_921 = arith.constant 0 : i32
        %dma_start3A_922 = arith.constant 0 : i32
        %dma_start3A_923 = arith.constant 0 : i32
        %dma_start3A_924 = tpu.memref_slice %arg8[%dma_start3A_921, %dma_start3A_922, %dma_start3A_923] : memref<16x64x32xf32, #tpu.memory_space<vmem>> -> memref<1x64x32xf32, #tpu.memory_space<vmem>>
        %dma_start3A_925 = tpu.memref_squeeze %dma_start3A_924 : memref<1x64x32xf32, #tpu.memory_space<vmem>> -> memref<64x32xf32, #tpu.memory_space<vmem>>
        %dma_start3A_926 = arith.constant 0 : i32
        %dma_start3A_927 = tpu.memref_slice %arg6[%dma_start3A_920, %dma_start3A_926] : memref<16x64xi32, #tpu.memory_space<vmem>> -> memref<1x64xi32, #tpu.memory_space<vmem>>
        %dma_start3A_928 = tpu.memref_squeeze %dma_start3A_927 : memref<1x64xi32, #tpu.memory_space<vmem>> -> memref<64xi32, #tpu.memory_space<vmem>>
        %dma_start3A_929 = arith.constant 0 : i32
        %dma_start3A_930 = arith.constant 0 : i32
        %dma_start3A_931 = tpu.memref_slice %arg3[%dma_start3A_929, %dma_start3A_930] : memref<1000000x32xf32, #tpu.memory_space<hbm>> -> memref<1000000x32xf32, #tpu.memory_space<hbm>>
        %dma_start3A_932 = arith.constant -1 : i32
        tpu.enqueue_indirect_dma source(%dma_start3A_931 : memref<1000000x32xf32, #tpu.memory_space<hbm>>) target(%dma_start3A_925 : memref<64x32xf32, #tpu.memory_space<vmem>>) offsets(%dma_start3A_928 : memref<64xi32, #tpu.memory_space<vmem>>) offset_filter(%dma_start3A_932) semaphore(%arg14 : memref<!tpu.dma_semaphore, #tpu.memory_space<semaphore_mem>>)
        %dma_start3A_933 = arith.constant 1 : i32
        %dma_start3A_934 = arith.constant 1 : i32
        %dma_start3A_935 = arith.constant 0 : i32
        %dma_start3A_936 = arith.constant 0 : i32
        %dma_start3A_937 = tpu.memref_slice %arg8[%dma_start3A_934, %dma_start3A_935, %dma_start3A_936] : memref<16x64x32xf32, #tpu.memory_space<vmem>> -> memref<1x64x32xf32, #tpu.memory_space<vmem>>
        %dma_start3A_938 = tpu.memref_squeeze %dma_start3A_937 : memref<1x64x32xf32, #tpu.memory_space<vmem>> -> memref<64x32xf32, #tpu.memory_space<vmem>>
        %dma_start3A_939 = arith.constant 0 : i32
        %dma_start3A_940 = tpu.memref_slice %arg6[%dma_start3A_933, %dma_start3A_939] : memref<16x64xi32, #tpu.memory_space<vmem>> -> memref<1x64xi32, #tpu.memory_space<vmem>>
        %dma_start3A_941 = tpu.memref_squeeze %dma_start3A_940 : memref<1x64xi32, #tpu.memory_space<vmem>> -> memref<64xi32, #tpu.memory_space<vmem>>
        %dma_start3A_942 = arith.constant 0 : i32
        %dma_start3A_943 = arith.constant 0 : i32
        %dma_start3A_944 = tpu.memref_slice %arg3[%dma_start3A_942, %dma_start3A_943] : memref<1000000x32xf32, #tpu.memory_space<hbm>> -> memref<1000000x32xf32, #tpu.memory_space<hbm>>
        %dma_start3A_945 = arith.constant -1 : i32
        tpu.enqueue_indirect_dma source(%dma_start3A_944 : memref<1000000x32xf32, #tpu.memory_space<hbm>>) target(%dma_start3A_938 : memref<64x32xf32, #tpu.memory_space<vmem>>) offsets(%dma_start3A_941 : memref<64xi32, #tpu.memory_space<vmem>>) offset_filter(%dma_start3A_945) semaphore(%arg14 : memref<!tpu.dma_semaphore, #tpu.memory_space<semaphore_mem>>)
        %dma_start3A_946 = arith.constant 2 : i32
        %dma_start3A_947 = arith.constant 2 : i32
        %dma_start3A_948 = arith.constant 0 : i32
        %dma_start3A_949 = arith.constant 0 : i32
        %dma_start3A_950 = tpu.memref_slice %arg8[%dma_start3A_947, %dma_start3A_948, %dma_start3A_949] : memref<16x64x32xf32, #tpu.memory_space<vmem>> -> memref<1x64x32xf32, #tpu.memory_space<vmem>>
        %dma_start3A_951 = tpu.memref_squeeze %dma_start3A_950 : memref<1x64x32xf32, #tpu.memory_space<vmem>> -> memref<64x32xf32, #tpu.memory_space<vmem>>
        %dma_start3A_952 = arith.constant 0 : i32
        %dma_start3A_953 = tpu.memref_slice %arg6[%dma_start3A_946, %dma_start3A_952] : memref<16x64xi32, #tpu.memory_space<vmem>> -> memref<1x64xi32, #tpu.memory_space<vmem>>
        %dma_start3A_954 = tpu.memref_squeeze %dma_start3A_953 : memref<1x64xi32, #tpu.memory_space<vmem>> -> memref<64xi32, #tpu.memory_space<vmem>>
        %dma_start3A_955 = arith.constant 0 : i32
        %dma_start3A_956 = arith.constant 0 : i32
        %dma_start3A_957 = tpu.memref_slice %arg3[%dma_start3A_955, %dma_start3A_956] : memref<1000000x32xf32, #tpu.memory_space<hbm>> -> memref<1000000x32xf32, #tpu.memory_space<hbm>>
        %dma_start3A_958 = arith.constant -1 : i32
        tpu.enqueue_indirect_dma source(%dma_start3A_957 : memref<1000000x32xf32, #tpu.memory_space<hbm>>) target(%dma_start3A_951 : memref<64x32xf32, #tpu.memory_space<vmem>>) offsets(%dma_start3A_954 : memref<64xi32, #tpu.memory_space<vmem>>) offset_filter(%dma_start3A_958) semaphore(%arg14 : memref<!tpu.dma_semaphore, #tpu.memory_space<semaphore_mem>>)
        %dma_start3A_959 = arith.constant 3 : i32
        %dma_start3A_960 = arith.constant 3 : i32
        %dma_start3A_961 = arith.constant 0 : i32
        %dma_start3A_962 = arith.constant 0 : i32
        %dma_start3A_963 = tpu.memref_slice %arg8[%dma_start3A_960, %dma_start3A_961, %dma_start3A_962] : memref<16x64x32xf32, #tpu.memory_space<vmem>> -> memref<1x64x32xf32, #tpu.memory_space<vmem>>
        %dma_start3A_964 = tpu.memref_squeeze %dma_start3A_963 : memref<1x64x32xf32, #tpu.memory_space<vmem>> -> memref<64x32xf32, #tpu.memory_space<vmem>>
        %dma_start3A_965 = arith.constant 0 : i32
        %dma_start3A_966 = tpu.memref_slice %arg6[%dma_start3A_959, %dma_start3A_965] : memref<16x64xi32, #tpu.memory_space<vmem>> -> memref<1x64xi32, #tpu.memory_space<vmem>>
        %dma_start3A_967 = tpu.memref_squeeze %dma_start3A_966 : memref<1x64xi32, #tpu.memory_space<vmem>> -> memref<64xi32, #tpu.memory_space<vmem>>
        %dma_start3A_968 = arith.constant 0 : i32
        %dma_start3A_969 = arith.constant 0 : i32
        %dma_start3A_970 = tpu.memref_slice %arg3[%dma_start3A_968, %dma_start3A_969] : memref<1000000x32xf32, #tpu.memory_space<hbm>> -> memref<1000000x32xf32, #tpu.memory_space<hbm>>
        %dma_start3A_971 = arith.constant -1 : i32
        tpu.enqueue_indirect_dma source(%dma_start3A_970 : memref<1000000x32xf32, #tpu.memory_space<hbm>>) target(%dma_start3A_964 : memref<64x32xf32, #tpu.memory_space<vmem>>) offsets(%dma_start3A_967 : memref<64xi32, #tpu.memory_space<vmem>>) offset_filter(%dma_start3A_971) semaphore(%arg14 : memref<!tpu.dma_semaphore, #tpu.memory_space<semaphore_mem>>)
        %dma_start3A_972 = arith.constant 4 : i32
        %dma_start3A_973 = arith.constant 4 : i32
        %dma_start3A_974 = arith.constant 0 : i32
        %dma_start3A_975 = arith.constant 0 : i32
        %dma_start3A_976 = tpu.memref_slice %arg8[%dma_start3A_973, %dma_start3A_974, %dma_start3A_975] : memref<16x64x32xf32, #tpu.memory_space<vmem>> -> memref<1x64x32xf32, #tpu.memory_space<vmem>>
        %dma_start3A_977 = tpu.memref_squeeze %dma_start3A_976 : memref<1x64x32xf32, #tpu.memory_space<vmem>> -> memref<64x32xf32, #tpu.memory_space<vmem>>
        %dma_start3A_978 = arith.constant 0 : i32
        %dma_start3A_979 = tpu.memref_slice %arg6[%dma_start3A_972, %dma_start3A_978] : memref<16x64xi32, #tpu.memory_space<vmem>> -> memref<1x64xi32, #tpu.memory_space<vmem>>
        %dma_start3A_980 = tpu.memref_squeeze %dma_start3A_979 : memref<1x64xi32, #tpu.memory_space<vmem>> -> memref<64xi32, #tpu.memory_space<vmem>>
        %dma_start3A_981 = arith.constant 0 : i32
        %dma_start3A_982 = arith.constant 0 : i32
        %dma_start3A_983 = tpu.memref_slice %arg3[%dma_start3A_981, %dma_start3A_982] : memref<1000000x32xf32, #tpu.memory_space<hbm>> -> memref<1000000x32xf32, #tpu.memory_space<hbm>>
        %dma_start3A_984 = arith.constant -1 : i32
        tpu.enqueue_indirect_dma source(%dma_start3A_983 : memref<1000000x32xf32, #tpu.memory_space<hbm>>) target(%dma_start3A_977 : memref<64x32xf32, #tpu.memory_space<vmem>>) offsets(%dma_start3A_980 : memref<64xi32, #tpu.memory_space<vmem>>) offset_filter(%dma_start3A_984) semaphore(%arg14 : memref<!tpu.dma_semaphore, #tpu.memory_space<semaphore_mem>>)
        %dma_start3A_985 = arith.constant 5 : i32
        %dma_start3A_986 = arith.constant 5 : i32
        %dma_start3A_987 = arith.constant 0 : i32
        %dma_start3A_988 = arith.constant 0 : i32
        %dma_start3A_989 = tpu.memref_slice %arg8[%dma_start3A_986, %dma_start3A_987, %dma_start3A_988] : memref<16x64x32xf32, #tpu.memory_space<vmem>> -> memref<1x64x32xf32, #tpu.memory_space<vmem>>
        %dma_start3A_990 = tpu.memref_squeeze %dma_start3A_989 : memref<1x64x32xf32, #tpu.memory_space<vmem>> -> memref<64x32xf32, #tpu.memory_space<vmem>>
        %dma_start3A_991 = arith.constant 0 : i32
        %dma_start3A_992 = tpu.memref_slice %arg6[%dma_start3A_985, %dma_start3A_991] : memref<16x64xi32, #tpu.memory_space<vmem>> -> memref<1x64xi32, #tpu.memory_space<vmem>>
        %dma_start3A_993 = tpu.memref_squeeze %dma_start3A_992 : memref<1x64xi32, #tpu.memory_space<vmem>> -> memref<64xi32, #tpu.memory_space<vmem>>
        %dma_start3A_994 = arith.constant 0 : i32
        %dma_start3A_995 = arith.constant 0 : i32
        %dma_start3A_996 = tpu.memref_slice %arg3[%dma_start3A_994, %dma_start3A_995] : memref<1000000x32xf32, #tpu.memory_space<hbm>> -> memref<1000000x32xf32, #tpu.memory_space<hbm>>
        %dma_start3A_997 = arith.constant -1 : i32
        tpu.enqueue_indirect_dma source(%dma_start3A_996 : memref<1000000x32xf32, #tpu.memory_space<hbm>>) target(%dma_start3A_990 : memref<64x32xf32, #tpu.memory_space<vmem>>) offsets(%dma_start3A_993 : memref<64xi32, #tpu.memory_space<vmem>>) offset_filter(%dma_start3A_997) semaphore(%arg14 : memref<!tpu.dma_semaphore, #tpu.memory_space<semaphore_mem>>)
        %dma_start3A_998 = arith.constant 6 : i32
        %dma_start3A_999 = arith.constant 6 : i32
        %dma_start3A_1000 = arith.constant 0 : i32
        %dma_start3A_1001 = arith.constant 0 : i32
        %dma_start3A_1002 = tpu.memref_slice %arg8[%dma_start3A_999, %dma_start3A_1000, %dma_start3A_1001] : memref<16x64x32xf32, #tpu.memory_space<vmem>> -> memref<1x64x32xf32, #tpu.memory_space<vmem>>
        %dma_start3A_1003 = tpu.memref_squeeze %dma_start3A_1002 : memref<1x64x32xf32, #tpu.memory_space<vmem>> -> memref<64x32xf32, #tpu.memory_space<vmem>>
        %dma_start3A_1004 = arith.constant 0 : i32
        %dma_start3A_1005 = tpu.memref_slice %arg6[%dma_start3A_998, %dma_start3A_1004] : memref<16x64xi32, #tpu.memory_space<vmem>> -> memref<1x64xi32, #tpu.memory_space<vmem>>
        %dma_start3A_1006 = tpu.memref_squeeze %dma_start3A_1005 : memref<1x64xi32, #tpu.memory_space<vmem>> -> memref<64xi32, #tpu.memory_space<vmem>>
        %dma_start3A_1007 = arith.constant 0 : i32
        %dma_start3A_1008 = arith.constant 0 : i32
        %dma_start3A_1009 = tpu.memref_slice %arg3[%dma_start3A_1007, %dma_start3A_1008] : memref<1000000x32xf32, #tpu.memory_space<hbm>> -> memref<1000000x32xf32, #tpu.memory_space<hbm>>
        %dma_start3A_1010 = arith.constant -1 : i32
        tpu.enqueue_indirect_dma source(%dma_start3A_1009 : memref<1000000x32xf32, #tpu.memory_space<hbm>>) target(%dma_start3A_1003 : memref<64x32xf32, #tpu.memory_space<vmem>>) offsets(%dma_start3A_1006 : memref<64xi32, #tpu.memory_space<vmem>>) offset_filter(%dma_start3A_1010) semaphore(%arg14 : memref<!tpu.dma_semaphore, #tpu.memory_space<semaphore_mem>>)
        %dma_start3A_1011 = arith.constant 7 : i32
        %dma_start3A_1012 = arith.constant 7 : i32
        %dma_start3A_1013 = arith.constant 0 : i32
        %dma_start3A_1014 = arith.constant 0 : i32
        %dma_start3A_1015 = tpu.memref_slice %arg8[%dma_start3A_1012, %dma_start3A_1013, %dma_start3A_1014] : memref<16x64x32xf32, #tpu.memory_space<vmem>> -> memref<1x64x32xf32, #tpu.memory_space<vmem>>
        %dma_start3A_1016 = tpu.memref_squeeze %dma_start3A_1015 : memref<1x64x32xf32, #tpu.memory_space<vmem>> -> memref<64x32xf32, #tpu.memory_space<vmem>>
        %dma_start3A_1017 = arith.constant 0 : i32
        %dma_start3A_1018 = tpu.memref_slice %arg6[%dma_start3A_1011, %dma_start3A_1017] : memref<16x64xi32, #tpu.memory_space<vmem>> -> memref<1x64xi32, #tpu.memory_space<vmem>>
        %dma_start3A_1019 = tpu.memref_squeeze %dma_start3A_1018 : memref<1x64xi32, #tpu.memory_space<vmem>> -> memref<64xi32, #tpu.memory_space<vmem>>
        %dma_start3A_1020 = arith.constant 0 : i32
        %dma_start3A_1021 = arith.constant 0 : i32
        %dma_start3A_1022 = tpu.memref_slice %arg3[%dma_start3A_1020, %dma_start3A_1021] : memref<1000000x32xf32, #tpu.memory_space<hbm>> -> memref<1000000x32xf32, #tpu.memory_space<hbm>>
        %dma_start3A_1023 = arith.constant -1 : i32
        tpu.enqueue_indirect_dma source(%dma_start3A_1022 : memref<1000000x32xf32, #tpu.memory_space<hbm>>) target(%dma_start3A_1016 : memref<64x32xf32, #tpu.memory_space<vmem>>) offsets(%dma_start3A_1019 : memref<64xi32, #tpu.memory_space<vmem>>) offset_filter(%dma_start3A_1023) semaphore(%arg14 : memref<!tpu.dma_semaphore, #tpu.memory_space<semaphore_mem>>)
        %dma_start3A_1024 = arith.constant 8 : i32
        %dma_start3A_1025 = arith.constant 8 : i32
        %dma_start3A_1026 = arith.constant 0 : i32
        %dma_start3A_1027 = arith.constant 0 : i32
        %dma_start3A_1028 = tpu.memref_slice %arg8[%dma_start3A_1025, %dma_start3A_1026, %dma_start3A_1027] : memref<16x64x32xf32, #tpu.memory_space<vmem>> -> memref<1x64x32xf32, #tpu.memory_space<vmem>>
        %dma_start3A_1029 = tpu.memref_squeeze %dma_start3A_1028 : memref<1x64x32xf32, #tpu.memory_space<vmem>> -> memref<64x32xf32, #tpu.memory_space<vmem>>
        %dma_start3A_1030 = arith.constant 0 : i32
        %dma_start3A_1031 = tpu.memref_slice %arg6[%dma_start3A_1024, %dma_start3A_1030] : memref<16x64xi32, #tpu.memory_space<vmem>> -> memref<1x64xi32, #tpu.memory_space<vmem>>
        %dma_start3A_1032 = tpu.memref_squeeze %dma_start3A_1031 : memref<1x64xi32, #tpu.memory_space<vmem>> -> memref<64xi32, #tpu.memory_space<vmem>>
        %dma_start3A_1033 = arith.constant 0 : i32
        %dma_start3A_1034 = arith.constant 0 : i32
        %dma_start3A_1035 = tpu.memref_slice %arg3[%dma_start3A_1033, %dma_start3A_1034] : memref<1000000x32xf32, #tpu.memory_space<hbm>> -> memref<1000000x32xf32, #tpu.memory_space<hbm>>
        %dma_start3A_1036 = arith.constant -1 : i32
        tpu.enqueue_indirect_dma source(%dma_start3A_1035 : memref<1000000x32xf32, #tpu.memory_space<hbm>>) target(%dma_start3A_1029 : memref<64x32xf32, #tpu.memory_space<vmem>>) offsets(%dma_start3A_1032 : memref<64xi32, #tpu.memory_space<vmem>>) offset_filter(%dma_start3A_1036) semaphore(%arg14 : memref<!tpu.dma_semaphore, #tpu.memory_space<semaphore_mem>>)
        %dma_start3A_1037 = arith.constant 9 : i32
        %dma_start3A_1038 = arith.constant 9 : i32
        %dma_start3A_1039 = arith.constant 0 : i32
        %dma_start3A_1040 = arith.constant 0 : i32
        %dma_start3A_1041 = tpu.memref_slice %arg8[%dma_start3A_1038, %dma_start3A_1039, %dma_start3A_1040] : memref<16x64x32xf32, #tpu.memory_space<vmem>> -> memref<1x64x32xf32, #tpu.memory_space<vmem>>
        %dma_start3A_1042 = tpu.memref_squeeze %dma_start3A_1041 : memref<1x64x32xf32, #tpu.memory_space<vmem>> -> memref<64x32xf32, #tpu.memory_space<vmem>>
        %dma_start3A_1043 = arith.constant 0 : i32
        %dma_start3A_1044 = tpu.memref_slice %arg6[%dma_start3A_1037, %dma_start3A_1043] : memref<16x64xi32, #tpu.memory_space<vmem>> -> memref<1x64xi32, #tpu.memory_space<vmem>>
        %dma_start3A_1045 = tpu.memref_squeeze %dma_start3A_1044 : memref<1x64xi32, #tpu.memory_space<vmem>> -> memref<64xi32, #tpu.memory_space<vmem>>
        %dma_start3A_1046 = arith.constant 0 : i32
        %dma_start3A_1047 = arith.constant 0 : i32
        %dma_start3A_1048 = tpu.memref_slice %arg3[%dma_start3A_1046, %dma_start3A_1047] : memref<1000000x32xf32, #tpu.memory_space<hbm>> -> memref<1000000x32xf32, #tpu.memory_space<hbm>>
        %dma_start3A_1049 = arith.constant -1 : i32
        tpu.enqueue_indirect_dma source(%dma_start3A_1048 : memref<1000000x32xf32, #tpu.memory_space<hbm>>) target(%dma_start3A_1042 : memref<64x32xf32, #tpu.memory_space<vmem>>) offsets(%dma_start3A_1045 : memref<64xi32, #tpu.memory_space<vmem>>) offset_filter(%dma_start3A_1049) semaphore(%arg14 : memref<!tpu.dma_semaphore, #tpu.memory_space<semaphore_mem>>)
        %dma_start3A_1050 = arith.constant 10 : i32
        %dma_start3A_1051 = arith.constant 10 : i32
        %dma_start3A_1052 = arith.constant 0 : i32
        %dma_start3A_1053 = arith.constant 0 : i32
        %dma_start3A_1054 = tpu.memref_slice %arg8[%dma_start3A_1051, %dma_start3A_1052, %dma_start3A_1053] : memref<16x64x32xf32, #tpu.memory_space<vmem>> -> memref<1x64x32xf32, #tpu.memory_space<vmem>>
        %dma_start3A_1055 = tpu.memref_squeeze %dma_start3A_1054 : memref<1x64x32xf32, #tpu.memory_space<vmem>> -> memref<64x32xf32, #tpu.memory_space<vmem>>
        %dma_start3A_1056 = arith.constant 0 : i32
        %dma_start3A_1057 = tpu.memref_slice %arg6[%dma_start3A_1050, %dma_start3A_1056] : memref<16x64xi32, #tpu.memory_space<vmem>> -> memref<1x64xi32, #tpu.memory_space<vmem>>
        %dma_start3A_1058 = tpu.memref_squeeze %dma_start3A_1057 : memref<1x64xi32, #tpu.memory_space<vmem>> -> memref<64xi32, #tpu.memory_space<vmem>>
        %dma_start3A_1059 = arith.constant 0 : i32
        %dma_start3A_1060 = arith.constant 0 : i32
        %dma_start3A_1061 = tpu.memref_slice %arg3[%dma_start3A_1059, %dma_start3A_1060] : memref<1000000x32xf32, #tpu.memory_space<hbm>> -> memref<1000000x32xf32, #tpu.memory_space<hbm>>
        %dma_start3A_1062 = arith.constant -1 : i32
        tpu.enqueue_indirect_dma source(%dma_start3A_1061 : memref<1000000x32xf32, #tpu.memory_space<hbm>>) target(%dma_start3A_1055 : memref<64x32xf32, #tpu.memory_space<vmem>>) offsets(%dma_start3A_1058 : memref<64xi32, #tpu.memory_space<vmem>>) offset_filter(%dma_start3A_1062) semaphore(%arg14 : memref<!tpu.dma_semaphore, #tpu.memory_space<semaphore_mem>>)
        %dma_start3A_1063 = arith.constant 11 : i32
        %dma_start3A_1064 = arith.constant 11 : i32
        %dma_start3A_1065 = arith.constant 0 : i32
        %dma_start3A_1066 = arith.constant 0 : i32
        %dma_start3A_1067 = tpu.memref_slice %arg8[%dma_start3A_1064, %dma_start3A_1065, %dma_start3A_1066] : memref<16x64x32xf32, #tpu.memory_space<vmem>> -> memref<1x64x32xf32, #tpu.memory_space<vmem>>
        %dma_start3A_1068 = tpu.memref_squeeze %dma_start3A_1067 : memref<1x64x32xf32, #tpu.memory_space<vmem>> -> memref<64x32xf32, #tpu.memory_space<vmem>>
        %dma_start3A_1069 = arith.constant 0 : i32
        %dma_start3A_1070 = tpu.memref_slice %arg6[%dma_start3A_1063, %dma_start3A_1069] : memref<16x64xi32, #tpu.memory_space<vmem>> -> memref<1x64xi32, #tpu.memory_space<vmem>>
        %dma_start3A_1071 = tpu.memref_squeeze %dma_start3A_1070 : memref<1x64xi32, #tpu.memory_space<vmem>> -> memref<64xi32, #tpu.memory_space<vmem>>
        %dma_start3A_1072 = arith.constant 0 : i32
        %dma_start3A_1073 = arith.constant 0 : i32
        %dma_start3A_1074 = tpu.memref_slice %arg3[%dma_start3A_1072, %dma_start3A_1073] : memref<1000000x32xf32, #tpu.memory_space<hbm>> -> memref<1000000x32xf32, #tpu.memory_space<hbm>>
        %dma_start3A_1075 = arith.constant -1 : i32
        tpu.enqueue_indirect_dma source(%dma_start3A_1074 : memref<1000000x32xf32, #tpu.memory_space<hbm>>) target(%dma_start3A_1068 : memref<64x32xf32, #tpu.memory_space<vmem>>) offsets(%dma_start3A_1071 : memref<64xi32, #tpu.memory_space<vmem>>) offset_filter(%dma_start3A_1075) semaphore(%arg14 : memref<!tpu.dma_semaphore, #tpu.memory_space<semaphore_mem>>)
        %dma_start3A_1076 = arith.constant 12 : i32
        %dma_start3A_1077 = arith.constant 12 : i32
        %dma_start3A_1078 = arith.constant 0 : i32
        %dma_start3A_1079 = arith.constant 0 : i32
        %dma_start3A_1080 = tpu.memref_slice %arg8[%dma_start3A_1077, %dma_start3A_1078, %dma_start3A_1079] : memref<16x64x32xf32, #tpu.memory_space<vmem>> -> memref<1x64x32xf32, #tpu.memory_space<vmem>>
        %dma_start3A_1081 = tpu.memref_squeeze %dma_start3A_1080 : memref<1x64x32xf32, #tpu.memory_space<vmem>> -> memref<64x32xf32, #tpu.memory_space<vmem>>
        %dma_start3A_1082 = arith.constant 0 : i32
        %dma_start3A_1083 = tpu.memref_slice %arg6[%dma_start3A_1076, %dma_start3A_1082] : memref<16x64xi32, #tpu.memory_space<vmem>> -> memref<1x64xi32, #tpu.memory_space<vmem>>
        %dma_start3A_1084 = tpu.memref_squeeze %dma_start3A_1083 : memref<1x64xi32, #tpu.memory_space<vmem>> -> memref<64xi32, #tpu.memory_space<vmem>>
        %dma_start3A_1085 = arith.constant 0 : i32
        %dma_start3A_1086 = arith.constant 0 : i32
        %dma_start3A_1087 = tpu.memref_slice %arg3[%dma_start3A_1085, %dma_start3A_1086] : memref<1000000x32xf32, #tpu.memory_space<hbm>> -> memref<1000000x32xf32, #tpu.memory_space<hbm>>
        %dma_start3A_1088 = arith.constant -1 : i32
        tpu.enqueue_indirect_dma source(%dma_start3A_1087 : memref<1000000x32xf32, #tpu.memory_space<hbm>>) target(%dma_start3A_1081 : memref<64x32xf32, #tpu.memory_space<vmem>>) offsets(%dma_start3A_1084 : memref<64xi32, #tpu.memory_space<vmem>>) offset_filter(%dma_start3A_1088) semaphore(%arg14 : memref<!tpu.dma_semaphore, #tpu.memory_space<semaphore_mem>>)
        %dma_start3A_1089 = arith.constant 13 : i32
        %dma_start3A_1090 = arith.constant 13 : i32
        %dma_start3A_1091 = arith.constant 0 : i32
        %dma_start3A_1092 = arith.constant 0 : i32
        %dma_start3A_1093 = tpu.memref_slice %arg8[%dma_start3A_1090, %dma_start3A_1091, %dma_start3A_1092] : memref<16x64x32xf32, #tpu.memory_space<vmem>> -> memref<1x64x32xf32, #tpu.memory_space<vmem>>
        %dma_start3A_1094 = tpu.memref_squeeze %dma_start3A_1093 : memref<1x64x32xf32, #tpu.memory_space<vmem>> -> memref<64x32xf32, #tpu.memory_space<vmem>>
        %dma_start3A_1095 = arith.constant 0 : i32
        %dma_start3A_1096 = tpu.memref_slice %arg6[%dma_start3A_1089, %dma_start3A_1095] : memref<16x64xi32, #tpu.memory_space<vmem>> -> memref<1x64xi32, #tpu.memory_space<vmem>>
        %dma_start3A_1097 = tpu.memref_squeeze %dma_start3A_1096 : memref<1x64xi32, #tpu.memory_space<vmem>> -> memref<64xi32, #tpu.memory_space<vmem>>
        %dma_start3A_1098 = arith.constant 0 : i32
        %dma_start3A_1099 = arith.constant 0 : i32
        %dma_start3A_1100 = tpu.memref_slice %arg3[%dma_start3A_1098, %dma_start3A_1099] : memref<1000000x32xf32, #tpu.memory_space<hbm>> -> memref<1000000x32xf32, #tpu.memory_space<hbm>>
        %dma_start3A_1101 = arith.constant -1 : i32
        tpu.enqueue_indirect_dma source(%dma_start3A_1100 : memref<1000000x32xf32, #tpu.memory_space<hbm>>) target(%dma_start3A_1094 : memref<64x32xf32, #tpu.memory_space<vmem>>) offsets(%dma_start3A_1097 : memref<64xi32, #tpu.memory_space<vmem>>) offset_filter(%dma_start3A_1101) semaphore(%arg14 : memref<!tpu.dma_semaphore, #tpu.memory_space<semaphore_mem>>)
        %dma_start3A_1102 = arith.constant 14 : i32
        %dma_start3A_1103 = arith.constant 14 : i32
        %dma_start3A_1104 = arith.constant 0 : i32
        %dma_start3A_1105 = arith.constant 0 : i32
        %dma_start3A_1106 = tpu.memref_slice %arg8[%dma_start3A_1103, %dma_start3A_1104, %dma_start3A_1105] : memref<16x64x32xf32, #tpu.memory_space<vmem>> -> memref<1x64x32xf32, #tpu.memory_space<vmem>>
        %dma_start3A_1107 = tpu.memref_squeeze %dma_start3A_1106 : memref<1x64x32xf32, #tpu.memory_space<vmem>> -> memref<64x32xf32, #tpu.memory_space<vmem>>
        %dma_start3A_1108 = arith.constant 0 : i32
        %dma_start3A_1109 = tpu.memref_slice %arg6[%dma_start3A_1102, %dma_start3A_1108] : memref<16x64xi32, #tpu.memory_space<vmem>> -> memref<1x64xi32, #tpu.memory_space<vmem>>
        %dma_start3A_1110 = tpu.memref_squeeze %dma_start3A_1109 : memref<1x64xi32, #tpu.memory_space<vmem>> -> memref<64xi32, #tpu.memory_space<vmem>>
        %dma_start3A_1111 = arith.constant 0 : i32
        %dma_start3A_1112 = arith.constant 0 : i32
        %dma_start3A_1113 = tpu.memref_slice %arg3[%dma_start3A_1111, %dma_start3A_1112] : memref<1000000x32xf32, #tpu.memory_space<hbm>> -> memref<1000000x32xf32, #tpu.memory_space<hbm>>
        %dma_start3A_1114 = arith.constant -1 : i32
        tpu.enqueue_indirect_dma source(%dma_start3A_1113 : memref<1000000x32xf32, #tpu.memory_space<hbm>>) target(%dma_start3A_1107 : memref<64x32xf32, #tpu.memory_space<vmem>>) offsets(%dma_start3A_1110 : memref<64xi32, #tpu.memory_space<vmem>>) offset_filter(%dma_start3A_1114) semaphore(%arg14 : memref<!tpu.dma_semaphore, #tpu.memory_space<semaphore_mem>>)
        %dma_start3A_1115 = arith.constant 15 : i32
        %dma_start3A_1116 = arith.constant 15 : i32
        %dma_start3A_1117 = arith.constant 0 : i32
        %dma_start3A_1118 = arith.constant 0 : i32
        %dma_start3A_1119 = tpu.memref_slice %arg8[%dma_start3A_1116, %dma_start3A_1117, %dma_start3A_1118] : memref<16x64x32xf32, #tpu.memory_space<vmem>> -> memref<1x64x32xf32, #tpu.memory_space<vmem>>
        %dma_start3A_1120 = tpu.memref_squeeze %dma_start3A_1119 : memref<1x64x32xf32, #tpu.memory_space<vmem>> -> memref<64x32xf32, #tpu.memory_space<vmem>>
        %dma_start3A_1121 = arith.constant 0 : i32
        %dma_start3A_1122 = tpu.memref_slice %arg6[%dma_start3A_1115, %dma_start3A_1121] : memref<16x64xi32, #tpu.memory_space<vmem>> -> memref<1x64xi32, #tpu.memory_space<vmem>>
        %dma_start3A_1123 = tpu.memref_squeeze %dma_start3A_1122 : memref<1x64xi32, #tpu.memory_space<vmem>> -> memref<64xi32, #tpu.memory_space<vmem>>
        %dma_start3A_1124 = arith.constant 0 : i32
        %dma_start3A_1125 = arith.constant 0 : i32
        %dma_start3A_1126 = tpu.memref_slice %arg3[%dma_start3A_1124, %dma_start3A_1125] : memref<1000000x32xf32, #tpu.memory_space<hbm>> -> memref<1000000x32xf32, #tpu.memory_space<hbm>>
        %dma_start3A_1127 = arith.constant -1 : i32
        tpu.enqueue_indirect_dma source(%dma_start3A_1126 : memref<1000000x32xf32, #tpu.memory_space<hbm>>) target(%dma_start3A_1120 : memref<64x32xf32, #tpu.memory_space<vmem>>) offsets(%dma_start3A_1123 : memref<64xi32, #tpu.memory_space<vmem>>) offset_filter(%dma_start3A_1127) semaphore(%arg14 : memref<!tpu.dma_semaphore, #tpu.memory_space<semaphore_mem>>)
      } else {
      }
    }
    %scan3A_445 = arith.constant 16 : i32
    %add3A_446 = arith.constant 480 : i32
    %add3A_447 = arith.addi %mul3A_2, %add3A_446 : i32
    %dma_wait3A_448 = arith.constant 0 : i32
    %dma_wait3A_449 = tpu.memref_slice %arg4[%add3A_447, %dma_wait3A_448] : memref<16384x32xf32, #tpu.memory_space<hbm>> -> memref<16x32xf32, #tpu.memory_space<hbm>>
    %dma_wait3A_450 = arith.constant 0 : i32
    %dma_wait3A_451 = tpu.memref_slice %arg4[%add3A_447, %dma_wait3A_450] : memref<16384x32xf32, #tpu.memory_space<hbm>> -> memref<16x32xf32, #tpu.memory_space<hbm>>
    tpu.wait_dma2 semaphore(%arg15 : memref<!tpu.dma_semaphore, #tpu.memory_space<semaphore_mem>>) src(%arg9 : memref<16x32xf32, #tpu.memory_space<vmem>>) dst(%dma_wait3A_451 : memref<16x32xf32, #tpu.memory_space<hbm>>)
    %add3A_452 = arith.constant 496 : i32
    %add3A_453 = arith.addi %mul3A_2, %add3A_452 : i32
    %dma_wait3A_454 = arith.constant 0 : i32
    %dma_wait3A_455 = tpu.memref_slice %arg4[%add3A_453, %dma_wait3A_454] : memref<16384x32xf32, #tpu.memory_space<hbm>> -> memref<16x32xf32, #tpu.memory_space<hbm>>
    %dma_wait3A_456 = arith.constant 0 : i32
    %dma_wait3A_457 = tpu.memref_slice %arg4[%add3A_453, %dma_wait3A_456] : memref<16384x32xf32, #tpu.memory_space<hbm>> -> memref<16x32xf32, #tpu.memory_space<hbm>>
    tpu.wait_dma2 semaphore(%arg16 : memref<!tpu.dma_semaphore, #tpu.memory_space<semaphore_mem>>) src(%arg10 : memref<16x32xf32, #tpu.memory_space<vmem>>) dst(%dma_wait3A_457 : memref<16x32xf32, #tpu.memory_space<hbm>>)
    return
  }
}

module attributes {stable_mosaic.version = 14 : i64} {
  func.func @_mlp_body(%arg0: i32, %arg1: memref<512x32xf32, #tpu.memory_space<vmem>>, %arg2: memref<32x128xf32, #tpu.memory_space<vmem>>, %arg3: memref<1x128xf32, #tpu.memory_space<vmem>>, %arg4: memref<128x128xf32, #tpu.memory_space<vmem>>, %arg5: memref<1x128xf32, #tpu.memory_space<vmem>>, %arg6: memref<128x1000xf32, #tpu.memory_space<vmem>>, %arg7: memref<1x1000xf32, #tpu.memory_space<vmem>>, %arg8: memref<1000x512xf32, #tpu.memory_space<vmem>>) attributes {dimension_semantics = [#tpu.dimension_semantics<arbitrary>], iteration_bounds = array<i64: 32>, scalar_prefetch = 0 : i64, scratch_operands = 0 : i64, tpu.core_type = #tpu.core_type<tc>, window_params = [{transform_indices = @transform_0, window_bounds = array<i64: 512, 32>}, {pipeline_mode = #tpu.pipeline_mode<synchronous>, transform_indices = @transform_1, window_bounds = array<i64: 32, 128>}, {pipeline_mode = #tpu.pipeline_mode<synchronous>, transform_indices = @transform_2, window_bounds = array<i64: 1, 128>}, {pipeline_mode = #tpu.pipeline_mode<synchronous>, transform_indices = @transform_3, window_bounds = array<i64: 128, 128>}, {pipeline_mode = #tpu.pipeline_mode<synchronous>, transform_indices = @transform_4, window_bounds = array<i64: 1, 128>}, {pipeline_mode = #tpu.pipeline_mode<synchronous>, transform_indices = @transform_5, window_bounds = array<i64: 128, 1000>}, {pipeline_mode = #tpu.pipeline_mode<synchronous>, transform_indices = @transform_6, window_bounds = array<i64: 1, 1000>}, {transform_indices = @transform_7, window_bounds = array<i64: 1000, 512>}]} {
    %get3A = arith.constant 0 : index
    %get3A_0 = arith.constant 0 : index
    %get3A_1 = vector.load %arg1[%get3A, %get3A_0] : memref<512x32xf32, #tpu.memory_space<vmem>>, vector<512x32xf32>
    %get3A_2 = arith.constant 0 : index
    %get3A_3 = arith.constant 0 : index
    %get3A_4 = vector.load %arg2[%get3A_2, %get3A_3] : memref<32x128xf32, #tpu.memory_space<vmem>>, vector<32x128xf32>
    %dot_general3A = arith.constant dense<0.000000e+00> : vector<512x128xf32>
    %dot_general3A_5 = tpu.matmul %get3A_1, %get3A_4, %dot_general3A {dimension_numbers = #tpu.dot_dimension_numbers<[1], [0], [0], [1], [0, 0, 1, 1], [], []>, transpose_lhs_hint = false} : vector<512x32xf32>, vector<32x128xf32>, vector<512x128xf32> -> vector<512x128xf32>
    %get3A_6 = arith.constant 0 : index
    %get3A_7 = arith.constant 0 : index
    %get3A_8 = vector.load %arg3[%get3A_6, %get3A_7] : memref<1x128xf32, #tpu.memory_space<vmem>>, vector<1x128xf32>
    %add3A = vector.broadcast %get3A_8 : vector<1x128xf32> to vector<512x128xf32>
    %add3A_9 = arith.addf %dot_general3A_5, %add3A : vector<512x128xf32>
    %max3A = arith.constant 0.000000e+00 : f32
    %max3A_10 = vector.broadcast %max3A : f32 to vector<512x128xf32>
    %max3A_11 = arith.maximumf %add3A_9, %max3A_10 : vector<512x128xf32>
    %get3A_12 = arith.constant 0 : index
    %get3A_13 = arith.constant 0 : index
    %get3A_14 = vector.load %arg4[%get3A_12, %get3A_13] : memref<128x128xf32, #tpu.memory_space<vmem>>, vector<128x128xf32>
    %dot_general3A_15 = arith.constant dense<0.000000e+00> : vector<512x128xf32>
    %dot_general3A_16 = tpu.matmul %max3A_11, %get3A_14, %dot_general3A_15 {dimension_numbers = #tpu.dot_dimension_numbers<[1], [0], [0], [1], [0, 0, 1, 1], [], []>, transpose_lhs_hint = false} : vector<512x128xf32>, vector<128x128xf32>, vector<512x128xf32> -> vector<512x128xf32>
    %get3A_17 = arith.constant 0 : index
    %get3A_18 = arith.constant 0 : index
    %get3A_19 = vector.load %arg5[%get3A_17, %get3A_18] : memref<1x128xf32, #tpu.memory_space<vmem>>, vector<1x128xf32>
    %add3A_20 = vector.broadcast %get3A_19 : vector<1x128xf32> to vector<512x128xf32>
    %add3A_21 = arith.addf %dot_general3A_16, %add3A_20 : vector<512x128xf32>
    %max3A_22 = arith.constant 0.000000e+00 : f32
    %max3A_23 = vector.broadcast %max3A_22 : f32 to vector<512x128xf32>
    %max3A_24 = arith.maximumf %add3A_21, %max3A_23 : vector<512x128xf32>
    %get3A_25 = arith.constant 0 : index
    %get3A_26 = arith.constant 0 : index
    %get3A_27 = vector.load %arg6[%get3A_25, %get3A_26] : memref<128x1000xf32, #tpu.memory_space<vmem>>, vector<128x1000xf32>
    %dot_general3A_28 = arith.constant dense<0.000000e+00> : vector<512x1000xf32>
    %dot_general3A_29 = tpu.matmul %max3A_24, %get3A_27, %dot_general3A_28 {dimension_numbers = #tpu.dot_dimension_numbers<[1], [0], [0], [1], [0, 0, 1, 1], [], []>, transpose_lhs_hint = false} : vector<512x128xf32>, vector<128x1000xf32>, vector<512x1000xf32> -> vector<512x1000xf32>
    %get3A_30 = arith.constant 0 : index
    %get3A_31 = arith.constant 0 : index
    %get3A_32 = vector.load %arg7[%get3A_30, %get3A_31] : memref<1x1000xf32, #tpu.memory_space<vmem>>, vector<1x1000xf32>
    %add3A_33 = vector.broadcast %get3A_32 : vector<1x1000xf32> to vector<512x1000xf32>
    %add3A_34 = arith.addf %dot_general3A_29, %add3A_33 : vector<512x1000xf32>
    %reduce_max3A = arith.constant dense<0xFF800000> : vector<512xf32>
    %reduce_max3A_35 = vector.multi_reduction <maximumf>, %add3A_34, %reduce_max3A [1] : vector<512x1000xf32> to vector<512xf32>
    %broadcast_in_dim3A = vector.shape_cast %reduce_max3A_35 : vector<512xf32> to vector<512x1xf32>
    %sub3A = vector.broadcast %broadcast_in_dim3A : vector<512x1xf32> to vector<512x1000xf32>
    %sub3A_36 = arith.subf %add3A_34, %sub3A : vector<512x1000xf32>
    %exp3A = math.exp %sub3A_36 : vector<512x1000xf32>
    %reduce_sum3A = arith.constant dense<0.000000e+00> : vector<512xf32>
    %reduce_sum3A_37 = vector.multi_reduction <add>, %exp3A, %reduce_sum3A [1] : vector<512x1000xf32> to vector<512xf32>
    %broadcast_in_dim3A_38 = vector.shape_cast %reduce_sum3A_37 : vector<512xf32> to vector<512x1xf32>
    %log3A = math.log %broadcast_in_dim3A_38 : vector<512x1xf32>
    %sub3A_39 = vector.broadcast %broadcast_in_dim3A : vector<512x1xf32> to vector<512x1000xf32>
    %sub3A_40 = arith.subf %add3A_34, %sub3A_39 : vector<512x1000xf32>
    %sub3A_41 = vector.broadcast %log3A : vector<512x1xf32> to vector<512x1000xf32>
    %sub3A_42 = arith.subf %sub3A_40, %sub3A_41 : vector<512x1000xf32>
    %transpose3A = tpu.transpose %sub3A_42, [1, 0] : vector<512x1000xf32> -> vector<1000x512xf32>
    %swap3A = arith.constant 0 : index
    %swap3A_43 = arith.constant 0 : index
    %swap3A_44 = vector.load %arg8[%swap3A, %swap3A_43] : memref<1000x512xf32, #tpu.memory_space<vmem>>, vector<1000x512xf32>
    tpu.vector_store %arg8[%swap3A, %swap3A_43], %transpose3A {strides = array<i32>} : memref<1000x512xf32, #tpu.memory_space<vmem>>, vector<1000x512xf32>,
    return
  }
  func.func @transform_0(%arg0: i32) -> (i32, i32) {
    %c0_i32 = arith.constant 0 : i32
    %c0_i32_0 = arith.constant 0 : i32
    return %arg0, %c0_i32 : i32, i32
  }
  func.func @transform_1(%arg0: i32) -> (i32, i32) {
    %c0_i32 = arith.constant 0 : i32
    %c0_i32_0 = arith.constant 0 : i32
    %c0_i32_1 = arith.constant 0 : i32
    return %c0_i32, %c0_i32_0 : i32, i32
  }
  func.func @transform_2(%arg0: i32) -> (i32, i32) {
    %c0_i32 = arith.constant 0 : i32
    %c0_i32_0 = arith.constant 0 : i32
    %c0_i32_1 = arith.constant 0 : i32
    return %c0_i32, %c0_i32_0 : i32, i32
  }
  func.func @transform_3(%arg0: i32) -> (i32, i32) {
    %c0_i32 = arith.constant 0 : i32
    %c0_i32_0 = arith.constant 0 : i32
    %c0_i32_1 = arith.constant 0 : i32
    return %c0_i32, %c0_i32_0 : i32, i32
  }
  func.func @transform_4(%arg0: i32) -> (i32, i32) {
    %c0_i32 = arith.constant 0 : i32
    %c0_i32_0 = arith.constant 0 : i32
    %c0_i32_1 = arith.constant 0 : i32
    return %c0_i32, %c0_i32_0 : i32, i32
  }
  func.func @transform_5(%arg0: i32) -> (i32, i32) {
    %c0_i32 = arith.constant 0 : i32
    %c0_i32_0 = arith.constant 0 : i32
    %c0_i32_1 = arith.constant 0 : i32
    return %c0_i32, %c0_i32_0 : i32, i32
  }
  func.func @transform_6(%arg0: i32) -> (i32, i32) {
    %c0_i32 = arith.constant 0 : i32
    %c0_i32_0 = arith.constant 0 : i32
    %c0_i32_1 = arith.constant 0 : i32
    return %c0_i32, %c0_i32_0 : i32, i32
  }
  func.func @transform_7(%arg0: i32) -> (i32, i32) {
    %c0_i32 = arith.constant 0 : i32
    %c0_i32_0 = arith.constant 0 : i32
    return %c0_i32, %arg0 : i32, i32
  }
}

</mosaic_0001>

<sc_bundles>
// kernel: kernel.4.cloned.1.call-start
scs
__scs_entry_jumppad:
0x0: {  	(pc) =	sbr.rel $0x88, $3  }
0x1: {  	(tag) =	ssettag $0x0;
	lr =	simm.s32 $0x1  }
0x2: {  	[smem:$0x3F99] =	sst lr;
	_ =	strace $0xD0000000  }
0x3: {  	_ = 	snop  }
0x4: {  	_ = 	snop  }
0x5: {  	_ = 	snop  }
0x6: {  	_ = 	snop  }
0x7: {  	_ = 	snop  }
__scs_overlays_trampoline_lowered:
0x8: {  	[smem:$0x3FA8] =	sst s0  }
0x9: {  	[smem:$0x3FA9] =	sst s1  }
0xa: {  	[smem:$0x3FAA] =	sst s2  }
0xb: {  	[smem:$0x3FAB] =	sst s3  }
0xc: {  	[smem:$0x3FAC] =	sst s4  }
0xd: {  	[smem:$0x3FAD] =	sst s5  }
0xe: {  	[smem:$0x3FAE] =	sst s6  }
0xf: {  	[smem:$0x3FAF] =	sst s7  }
0x10: {  	[smem:$0x3FB0] =	sst s8  }
0x11: {  	[smem:$0x3FB1] =	sst s9;
	s0 =	simm.s32 @!p0 $0x0  }
0x12: {  	s1 =	sld [smem:$0x3F97];
	s0 =	simm.s32 @p0 $0x1  }
0x13: {  	[smem:$0x3FB2] =	sst s0;
	s0 =	simm.s32 @!p1 $0x0  }
0x14: {  	s2 =	sld [smem:$0x3F96];
	s0 =	simm.s32 @p1 $0x1  }
0x15: {  	[smem:$0x3FB3] =	sst s0;
	s0 =	simm.s32 @!p2 $0x0  }
0x16: {  	s3 =	sld [smem:$0x3FDB];
	s0 =	simm.s32 @p2 $0x1  }
0x17: {  	s4 =	simm.s32 $0x1BF5;
	[smem:$0x3FB5] =	sst s0  }
0x18: {  	s0 =	sld [smem:$0x3F98];
	_ =	swait.ge [sflag:s4], $0x0  }
0x19: {  	s7 =	sld [smem:$0x3F99]  }
0x1a: {  	s8 =	sadd.s32 $0xFFFFE003, lr  }
0x1b: {  	s9 =	sadd.s32 $0xFFFFFEF7, lr;
	s5 =	simm.s32 $0xFFFFFFFF;
	p2 =	slt.u32 s8, $0xFFFFF086  }
0x1c: {  	p1 =	slt.u32 s9, $0xF7A;
	s5 =	simm.s32 @!p2 $0x0  }
0x1d: {  	s5 =	simm.s32 @p1 $0x1;
	p0 =	seq.s32 s7, s2  }
0x1e: {  	s7 =	smul.u32 @!p0 $0xF7A, s2;
	p2 =	seq.s32 @!p0 s5, $0x0  }
0x1f: {  	s9 =	smul.u32 $0xF7A, s1;
	s8 =	simm.s32 @!p0 $0x1BF5;
	p2 =	por !p2, p0  }
0x20: {  	[sflag:s8] =	ssyncset.s32 @!p0 $0xFFFFF086;
	s6 =	sadd.s32 @!p0 s3, s7;
	s7 =	simm.s32 @!p0 $0x108  }
0x21: {  	s3 =	sadd.s32 s3, s9;
	s6 =	sadd.s32 @!p0 $0x88, s6;
	s7 =	simm.s32 @p2 $0x1082  }
0x22: {  	[simem:s7], [sflag:s8] =	dma.local @!p0 [hbm:s6], $0xF7A  }
0x23: {  	s9 =	sor.u32 $0xD0000000, s2;
	s6 =	simm.s32 $0x108;
	_ =	swait.ge @!p0 [sflag:s8], $0x0  }
0x24: {  	s3 =	sadd.s32 $0x88, s3;
	s6 =	simm.s32 @!p1 $0x1082;
	[sflag:s4] =	ssyncset.s32 $0xFFFFF086  }
0x25: {  	[simem:s6], [sflag:s4] =	dma.local [hbm:s3], $0xF7A  }
0x26: {  	[smem:$0x3F99] =	sst s1;
	(tag) =	ssettag s2;
	_ =	strace s9  }
0x27: {  	s1 =	sld [smem:$0x3FA9]  }
0x28: {  	s2 =	sld [smem:$0x3FAA]  }
0x29: {  	s4 =	sld [smem:$0x3FAC]  }
0x2a: {  	p0 =	seq.s32 s5, $0x0;
	s5 =	sld [smem:$0x3FAD]  }
0x2b: {  	s6 =	sld [smem:$0x3FAE]  }
0x2c: {  	s7 =	sld [smem:$0x3FAF]  }
0x2d: {  	s3 =	simm.s32 $0x108;
	s8 =	sld [smem:$0x3FB0]  }
0x2e: {  	s3 =	simm.s32 @!p0 $0x1082;
	s9 =	sld [smem:$0x3FB1]  }
0x2f: {  	lr =	sadd.s32 s0, s3;
	s0 =	sld [smem:$0x3FA8]  }
0x30: {  	s3 =	sld [smem:$0x3FAB]  }
0x31: {  	[smem:$0x3FB4] =	sst s10  }
0x32: {  	s10 =	sld [smem:$0x3FB2];
	_ =	sdelay $0x3  }
0x33: {  	p0 =	seq.s32 s10, $0x1;
	s10 =	sld [smem:$0x3FB4];
	_ =	sdelay $0x3  }
0x34: {  	[smem:$0x3FB4] =	sst s10  }
0x35: {  	s10 =	sld [smem:$0x3FB3];
	_ =	sdelay $0x3  }
0x36: {  	p1 =	seq.s32 s10, $0x1;
	s10 =	sld [smem:$0x3FB4];
	_ =	sdelay $0x3  }
0x37: {  	[smem:$0x3FB4] =	sst s10  }
0x38: {  	s10 =	sld [smem:$0x3FB5]  }
0x39: {  	_ = 	snop;
	(pc) =	sbr.ind lr, $3  }
0x3a: {  	_ = 	snop  }
0x3b: {  	_ = 	snop  }
0x3c: {  	p2 =	seq.s32 s10, $0x1;
	s10 =	sld [smem:$0x3FB4]  }
0x3d: {  	_ =	shalt  }
0x3e: {  	_ =	shalt  }
0x3f: {  	_ =	shalt  }
0x40: {  	_ =	shalt  }
0x41: {  	_ =	shalt  }
0x42: {  	_ =	shalt  }
0x43: {  	_ =	shalt  }
0x44: {  	_ =	shalt  }
0x45: {  	_ =	shalt  }
0x46: {  	_ =	shalt  }
0x47: {  	_ =	shalt  }
0x48: {  	_ =	shalt  }
0x49: {  	_ =	shalt  }
0x4a: {  	_ =	shalt  }
0x4b: {  	_ =	shalt  }
0x4c: {  	_ =	shalt  }
0x4d: {  	_ =	shalt  }
0x4e: {  	_ =	shalt  }
0x4f: {  	_ =	shalt  }
0x50: {  	_ =	shalt  }
0x51: {  	_ =	shalt  }
0x52: {  	_ =	shalt  }
0x53: {  	_ =	shalt  }
0x54: {  	_ =	shalt  }
0x55: {  	_ =	shalt  }
0x56: {  	_ =	shalt  }
0x57: {  	_ =	shalt  }
0x58: {  	_ =	shalt  }
0x59: {  	_ =	shalt  }
0x5a: {  	_ =	shalt  }
0x5b: {  	_ =	shalt  }
0x5c: {  	_ =	shalt  }
0x5d: {  	_ =	shalt  }
0x5e: {  	_ =	shalt  }
0x5f: {  	_ =	shalt  }
0x60: {  	_ =	shalt  }
0x61: {  	_ =	shalt  }
0x62: {  	_ =	shalt  }
0x63: {  	_ =	shalt  }
0x64: {  	_ =	shalt  }
0x65: {  	_ =	shalt  }
0x66: {  	_ =	shalt  }
0x67: {  	_ =	shalt  }
0x68: {  	_ =	shalt  }
0x69: {  	_ =	shalt  }
0x6a: {  	_ =	shalt  }
0x6b: {  	_ =	shalt  }
0x6c: {  	_ =	shalt  }
0x6d: {  	_ =	shalt  }
0x6e: {  	_ =	shalt  }
0x6f: {  	_ =	shalt  }
0x70: {  	_ =	shalt  }
0x71: {  	_ =	shalt  }
0x72: {  	_ =	shalt  }
0x73: {  	_ =	shalt  }
0x74: {  	_ =	shalt  }
0x75: {  	_ =	shalt  }
0x76: {  	_ =	shalt  }
0x77: {  	_ =	shalt  }
0x78: {  	_ =	shalt  }
0x79: {  	_ =	shalt  }
0x7a: {  	_ =	shalt  }
0x7b: {  	_ =	shalt  }
0x7c: {  	_ =	shalt  }
0x7d: {  	_ =	shalt  }
0x7e: {  	_ =	shalt  }
0x7f: {  	_ =	shalt  }
0x80: {  	_ =	shalt  }
0x81: {  	_ =	shalt  }
0x82: {  	_ =	shalt  }
0x83: {  	_ =	shalt  }
0x84: {  	_ =	shalt  }
0x85: {  	_ =	shalt  }
0x86: {  	_ =	shalt  }
0x87: {  	_ =	shalt  }
.Lfunc_end0:
.L_simem_size_0:
called_computation_lowered:
.L_overlay_start_0:
0x88: {  	s2 =	sld [smem:$0x3FD9]  }
0x89: {  	s3 =	sld [smem:$0x3FFE];
	_ =	sdelay $0x1  }
0x8a: {  	s1 =	srdreg.scid  }
0x8b: {  	s0 =	sand.u32 $0x1, s1  }
0x8c: {  	s17 =	sshll.u32 s0, $0xA;
	s2 =	sadd.s32 s3, s2  }
0x8d: {  	s2 =	sadd.s32 s2, s17  }
0x8e: {  	[smem:$0x3FC0] =	sst s2  }
0x8f: {  	_ = 	snop  }
0x90: {  	s2 =	sld [smem:$0x3FD0];
	(tm) =	ssettm $0x1  }
0x91: {  	s18 =	sld [smem:$0x3FFB];
	_ =	sdelay $0x3  }
0x92: {  	_ =	strace s18  }
0x93: {  	s3 =	sld [smem:$0x3FFC];
	_ =	sdelay $0x3  }
0x94: {  	_ =	strace s3  }
0x95: {  	s3 =	sld [smem:$0x3FFD];
	_ =	sdelay $0x3  }
0x96: {  	_ =	strace s3  }
0x97: {  	_ =	strace $0x8FFFFFFF  }
0x98: {  	s19 =	sld [smem:$0x3FDB];
	_ =	sdelay $0x1  }
0x99: {  	s4 =	simm.s32 $_scs_section_size  }
0x9a: {  	s5 =	simm.s32 $_size__tile_overlayer_lowered;
	s6 =	simm.s32 $_tile_overlayer_lowered  }
0x9b: {  	s22 =	simm.s32 $0x1BFF;
	s21 =	sshll.u32 s6, $0x1;
	s3 =	sadd.s32 s4, s19  }
0x9c: {  	s7 =	simm.s32 $0x0;
	s20 =	sshll.u32 s5, $0x1;
	s5 =	sadd.s32 s21, s3  }
0x9d: {  	[timem:s7], [sflag:s22] =	dma.local [hbm:s5], s20  }
0x9e: {  	_ =	swait.ge [sflag:s22], s20  }
0x9f: {  	s4 =	ssub.s32 $0x0, s20;
	[sflag:s22] =	ssyncset.done $0x0  }
0xa0: {  	[sflag:s22] =	ssyncadd.s32 s4;
	_ =	sdelay $0x1  }
0xa1: {  	s23 =	simm.s32 $0x1B8B  }
0xa2: {  	_ =	swait.ge [sflag:s23], $0x1  }
0xa3: {  	[sflag:s23] =	ssyncset.done $0x0  }
0xa4: {  	s25 =	simm.s32 $0x1B8E;
	s24 =	sld [smem:$0x3FFE];
	[sflag:s23] =	ssyncadd.s32 $0xFFFFFFFF  }
0xa5: {  	s26 =	simm.s32 $execute0_lowered;
	[smem:$0x3FD2] =	sst s25  }
0xa6: {  	s5 =	sshll.u32 s26, $0x1;
	_ =	strace $0x80000046;
	[dreg:$0x1] =	wrdreg $0xFFFFFFFF  }
0xa7: {  	s28 =	simm.s32 $_size_execute0_lowered;
	s3 =	sadd.s32 s3, s5;
	[dreg:$0x0] =	wrdreg $0x0  }
0xa8: {  	s5 =	sshll.u32 s28, $0x1;
	[dreg:$0x2] =	wrdreg s3  }
0xa9: {  	[dreg:$0x3] =	wrdreg s5  }
0xaa: {  	[dreg:$0x4] =	wrdreg $0xC0  }
0xab: {  	_ =	task [dreg:s7], $0x5FFFF  }
0xac: {  	[dreg:$0x1] =	wrdreg $0xFFFFFFFF  }
0xad: {  	[dreg:$0x0] =	wrdreg $0x60  }
0xae: {  	[dreg:$0x2] =	wrdreg s2  }
0xaf: {  	[dreg:$0x3] =	wrdreg s24  }
0xb0: {  	[dreg:$0x4] =	wrdreg $0x9  }
0xb1: {  	_ =	task.clear_ibuf [dreg:s7], $0x5FFFF;
	_ =	strace $0x90000046  }
0xb2: {  	s29 =	simm.s32 $0x9;
	_ =	strace $0x80000048  }
0xb3: {  	_ =	swait.ge [sflag:s29], $0x1  }
0xb4: {  	[sflag:s29] =	ssyncadd.s32 $0xFFFFFFFF  }
0xb5: {  	_ =	strace $0x90000048  }
0xb6: {  	_ =	sfence  }
0xb7: {  	s30 =	sld [smem:$0x0];
	_ =	sdelay $0x2  }
0xb8: {  	s31 =	sshll.u32 s1, $0xD;
	s1 =	sshrl.u32 s1, $0x2  }
0xb9: {  	s3 =	sand.u32 $0x4000, s31;
	s1 =	sadd.s32 s1, s30  }
0xba: {  	s0 =	sor.u32 s3, s0;
	s1 =	sshll.u32 s1, $0x11  }
0xbb: {  	s0 =	sor.u32 s1, s0  }
0xbc: {  	s0 =	sadd.s32 $0x8F2B, s0  }
0xbd: {  	[sflag:s0] =	ssyncadd.remote.s32 $0x1  }
0xbe: {  	_ =	sfence.sel $0xFFFF  }
0xbf: {  	[dreg:$0x0] =	wrdreg $0xFFFFFFFF;
	(pc) =	sbr.abs _section_cstart, $3  }
0xc0: {  	[dreg:$0x1] =	wrdreg $0xFFFFFFFF  }
0xc1: {  	_ =	task.clear_ibuf [dreg:s7], $0x2FFFF;
	_ =	strace $0x9FFFFFFF  }
0xc2: {  	(tm) =	ssettm $0x7FFFFFFF  }
0xc3: {  	_ =	shalt  }
tec
execute0_lowered:
.L_overlay_start_1:
0x0: {  	(tag) =	ssettag $0x1  }
0x1: {  	s0 =	rddreg [dreg:$0x0]  }
0x2: {  	s1 =	rddreg [dreg:$0x1]  }
0x3: {  	s2 =	simm.s32 $0x0;
	s3 =	srdreg.scid;
	s5 =	stileid.u32  }
0x4: {  	s12 =	simm.s32 $0x1;
	s13 =	simm.s32 $0x40;
	s22 =	simm.s32 $0x2  }
0x5: {  	s21 =	simm.s32 $0xD800;
	s23 =	simm.s32 $0x6C0;
	s24 =	simm.s32 $0xE000  }
0x6: {  	s25 =	simm.s32 $0x700;
	s28 =	simm.s32 $0x740;
	s29 =	simm.s32 $0xF000  }
0x7: {  	s30 =	simm.s32 $0x780;
	s31 =	simm.s32 $0xF800;
	s9 =	simm.s32 $0x10800  }
0x8: {  	s11 =	simm.s32 $0x4;
	s14 =	simm.s32 $0x5;
	s17 =	simm.s32 $0x0  }
0x9: {  	s20 =	simm.s32 $0x400;
	[smem:$0x7FF] =	sst s2;
	s4 =	sand.u32 $0x1, s3  }
0xa: {  	s5 =	sshll.u32 s5, $0xA;
	s3 =	sadd.s32 $0xF43600, s1;
	s6 =	sshll.u32 s4, $0x9  }
0xb: {  	_ =	strace $0x80000047;
	s4 =	ssub.s32 $0x2, s4;
	s5 =	sor.u32 s6, s5  }
0xc: {  	s7 =	sshrl.u32 s4, $0x1;
	s6 =	sshll.u32 s5, $0x2;
	s5 =	sshll.u32 s5, $0x3  }
0xd: {  	s4 =	ssub.s32 s4, s7;
	s1 =	sadd.s32 s6, s1;
	s0 =	sadd.s32 s0, s5  }
.Ltmp0:
0xe: {  	s26 =	smax.u32 s4, $0x1;
	s4 =	simm.s32 $0x10A00;
	(pc) =	sbr.rel .LBB2_1-.Ltmp0, $4  }
0xf: {  	s5 =	sadd.s32 $0x80, s0;
	s6 =	sadd.s32 $0x100, s0;
	[dreg:$0x3] =	wrdreg s0  }
0x10: {  	s7 =	sadd.s32 $0x1200, s1;
	s8 =	sadd.s32 $0x180, s0;
	[dreg:$0x5] =	wrdreg s26  }
0x11: {  	s10 =	sadd.s32 $0x1240, s1;
	s26 =	simm.s32 $0xE800;
	s0 =	simm.s32 $0x7C0  }
0x12: {  	s1 =	simm.s32 $0x10000;
	[dreg:$0x4] =	wrdreg s5;
	s5 =	simm.s32 $0x3  }
.LBB2_13:
0x13: {  	_ =	swait.ge [sflag:s14], $0x200  }
0x14: {  	[sflag:s14] =	ssyncset.done $0x0  }
0x15: {  	s16 =	simm.s32 $0x6;
	[sflag:s14] =	ssyncadd.s32 $0xFFFFFE00  }
0x16: {  	_ =	swait.ge [sflag:s16], $0x200  }
0x17: {  	s17 =	rddreg [dreg:$0x6]  }
0x18: {  	s15 =	rddreg [dreg:$0x5];
	s17 =	sadd.s32 $0x1, s17  }
0x19: {  	p0 =	sne.s32 s17, s15  }
.Ltmp1:
0x1a: {  	_ = 	snop;
	(pc) =	sbr.rel @!p0 .LBB2_14-.Ltmp1, $3  }
0x1b: {  	_ =	sdelay $0x1  }
0x1c: {  	[sflag:s16] =	ssyncset.done $0x0  }
0x1d: {  	[sflag:s16] =	ssyncadd.s32 $0xFFFFFE00  }
.LBB2_1:
0x1e: {  	[dreg:$0x6] =	wrdreg s17  }
0x1f: {  	s15 =	rddreg [dreg:$0x3]  }
0x20: {  	[tilespmem:s2], [sflag:$0x1] =	stream.linear.gather [hbm4b:s15+s2], $0x400, $0x38;
	[tilespmem:$0x10C00] =	vst v63  }
0x21: {  	s18 =	rddreg [dreg:$0x4];
	s16 =	simm.s32 $0x400  }
0x22: {  	[tilespmem:s16], [sflag:$0x2] =	stream.linear.gather [hbm4b:s18+s2], $0x400, $0x38;
	[tilespmem:$0x10C00] =	vst v63  }
0x23: {  	_ =	swait.ge [sflag:s12], $0x400  }
0x24: {  	[sflag:s12] =	ssyncset.done $0x0  }
0x25: {  	[sflag:s12] =	ssyncadd.s32 $0xFFFFFC00;
	(ifvalue) =	ssetifvalue $0xFFFFFFFF  }
0x26: {  	s19 =	simm.s32 $0x800;
	(ifvalue) =	ssetifvalue $0xFFFFFFFF  }
0x27: {  	[tilespmem:s19], [sflag:$0x3] =	stream.indirect.gather [hbm4b:s3+s13], $0x20, s2, s13, $0x40b8;
	[tilespmem:$0x10C00] =	vst v63  }
0x28: {  	(ifvalue) =	ssetifvalue $0xFFFFFFFF  }
0x29: {  	s17 =	simm.s32 $0x1000;
	(ifvalue) =	ssetifvalue $0xFFFFFFFF  }
0x2a: {  	[tilespmem:s17], [sflag:$0x3] =	stream.indirect.gather [hbm4b:s3+s13], $0x20, s13, s13, $0x40b8;
	[tilespmem:$0x10C00] =	vst v63  }
0x2b: {  	(ifvalue) =	ssetifvalue $0xFFFFFFFF  }
0x2c: {  	s18 =	simm.s32 $0x80;
	s19 =	simm.s32 $0x1800;
	(ifvalue) =	ssetifvalue $0xFFFFFFFF  }
0x2d: {  	[tilespmem:s19], [sflag:$0x3] =	stream.indirect.gather [hbm4b:s3+s13], $0x20, s18, s13, $0x40b8;
	[tilespmem:$0x10C00] =	vst v63  }
0x2e: {  	(ifvalue) =	ssetifvalue $0xFFFFFFFF  }
0x2f: {  	s18 =	simm.s32 $0xC0;
	s19 =	simm.s32 $0x2000;
	(ifvalue) =	ssetifvalue $0xFFFFFFFF  }
0x30: {  	[tilespmem:s19], [sflag:$0x3] =	stream.indirect.gather [hbm4b:s3+s13], $0x20, s18, s13, $0x40b8;
	[tilespmem:$0x10C00] =	vst v63  }
0x31: {  	(ifvalue) =	ssetifvalue $0xFFFFFFFF  }
0x32: {  	s18 =	simm.s32 $0x100;
	s19 =	simm.s32 $0x2800;
	(ifvalue) =	ssetifvalue $0xFFFFFFFF  }
0x33: {  	[tilespmem:s19], [sflag:$0x3] =	stream.indirect.gather [hbm4b:s3+s13], $0x20, s18, s13, $0x40b8;
	[tilespmem:$0x10C00] =	vst v63  }
0x34: {  	(ifvalue) =	ssetifvalue $0xFFFFFFFF  }
0x35: {  	s18 =	simm.s32 $0x140;
	s19 =	simm.s32 $0x3000;
	(ifvalue) =	ssetifvalue $0xFFFFFFFF  }
0x36: {  	[tilespmem:s19], [sflag:$0x3] =	stream.indirect.gather [hbm4b:s3+s13], $0x20, s18, s13, $0x40b8;
	[tilespmem:$0x10C00] =	vst v63  }
0x37: {  	(ifvalue) =	ssetifvalue $0xFFFFFFFF  }
0x38: {  	s18 =	simm.s32 $0x180;
	s19 =	simm.s32 $0x3800;
	(ifvalue) =	ssetifvalue $0xFFFFFFFF  }
0x39: {  	[tilespmem:s19], [sflag:$0x3] =	stream.indirect.gather [hbm4b:s3+s13], $0x20, s18, s13, $0x40b8;
	[tilespmem:$0x10C00] =	vst v63  }
0x3a: {  	(ifvalue) =	ssetifvalue $0xFFFFFFFF  }
0x3b: {  	s18 =	simm.s32 $0x1C0;
	s19 =	simm.s32 $0x4000;
	(ifvalue) =	ssetifvalue $0xFFFFFFFF  }
0x3c: {  	[tilespmem:s19], [sflag:$0x3] =	stream.indirect.gather [hbm4b:s3+s13], $0x20, s18, s13, $0x40b8;
	[tilespmem:$0x10C00] =	vst v63  }
0x3d: {  	(ifvalue) =	ssetifvalue $0xFFFFFFFF  }
0x3e: {  	s18 =	simm.s32 $0x200;
	s19 =	simm.s32 $0x4800;
	(ifvalue) =	ssetifvalue $0xFFFFFFFF  }
0x3f: {  	[tilespmem:s19], [sflag:$0x3] =	stream.indirect.gather [hbm4b:s3+s13], $0x20, s18, s13, $0x40b8;
	[tilespmem:$0x10C00] =	vst v63  }
0x40: {  	(ifvalue) =	ssetifvalue $0xFFFFFFFF  }
0x41: {  	s18 =	simm.s32 $0x240;
	s19 =	simm.s32 $0x5000;
	(ifvalue) =	ssetifvalue $0xFFFFFFFF  }
0x42: {  	[tilespmem:s19], [sflag:$0x3] =	stream.indirect.gather [hbm4b:s3+s13], $0x20, s18, s13, $0x40b8;
	[tilespmem:$0x10C00] =	vst v63  }
0x43: {  	(ifvalue) =	ssetifvalue $0xFFFFFFFF  }
0x44: {  	s18 =	simm.s32 $0x280;
	s19 =	simm.s32 $0x5800;
	(ifvalue) =	ssetifvalue $0xFFFFFFFF  }
0x45: {  	[tilespmem:s19], [sflag:$0x3] =	stream.indirect.gather [hbm4b:s3+s13], $0x20, s18, s13, $0x40b8;
	[tilespmem:$0x10C00] =	vst v63  }
0x46: {  	(ifvalue) =	ssetifvalue $0xFFFFFFFF  }
0x47: {  	s18 =	simm.s32 $0x2C0;
	s19 =	simm.s32 $0x6000;
	(ifvalue) =	ssetifvalue $0xFFFFFFFF  }
0x48: {  	[tilespmem:s19], [sflag:$0x3] =	stream.indirect.gather [hbm4b:s3+s13], $0x20, s18, s13, $0x40b8;
	[tilespmem:$0x10C00] =	vst v63  }
0x49: {  	(ifvalue) =	ssetifvalue $0xFFFFFFFF  }
0x4a: {  	s18 =	simm.s32 $0x300;
	s19 =	simm.s32 $0x6800;
	(ifvalue) =	ssetifvalue $0xFFFFFFFF  }
0x4b: {  	[tilespmem:s19], [sflag:$0x3] =	stream.indirect.gather [hbm4b:s3+s13], $0x20, s18, s13, $0x40b8;
	[tilespmem:$0x10C00] =	vst v63  }
0x4c: {  	(ifvalue) =	ssetifvalue $0xFFFFFFFF  }
0x4d: {  	s18 =	simm.s32 $0x340;
	s19 =	simm.s32 $0x7000;
	(ifvalue) =	ssetifvalue $0xFFFFFFFF  }
0x4e: {  	[tilespmem:s19], [sflag:$0x3] =	stream.indirect.gather [hbm4b:s3+s13], $0x20, s18, s13, $0x40b8;
	[tilespmem:$0x10C00] =	vst v63  }
0x4f: {  	(ifvalue) =	ssetifvalue $0xFFFFFFFF  }
0x50: {  	s18 =	simm.s32 $0x380;
	s19 =	simm.s32 $0x7800;
	(ifvalue) =	ssetifvalue $0xFFFFFFFF  }
0x51: {  	[tilespmem:s19], [sflag:$0x3] =	stream.indirect.gather [hbm4b:s3+s13], $0x20, s18, s13, $0x40b8;
	[tilespmem:$0x10C00] =	vst v63  }
0x52: {  	(ifvalue) =	ssetifvalue $0xFFFFFFFF  }
0x53: {  	s17 =	simm.s32 $0x3C0;
	s18 =	simm.s32 $0x8000;
	(ifvalue) =	ssetifvalue $0xFFFFFFFF  }
0x54: {  	[tilespmem:s18], [sflag:$0x3] =	stream.indirect.gather [hbm4b:s3+s13], $0x20, s17, s13, $0x40b8;
	[tilespmem:$0x10C00] =	vst v63  }
0x55: {  	_ =	swait.ge [sflag:s22], $0x400  }
0x56: {  	[sflag:s22] =	ssyncset.done $0x0  }
0x57: {  	[sflag:s22] =	ssyncadd.s32 $0xFFFFFC00;
	(ifvalue) =	ssetifvalue $0xFFFFFFFF  }
0x58: {  	s19 =	simm.s32 $0x8800;
	(ifvalue) =	ssetifvalue $0xFFFFFFFF  }
0x59: {  	[tilespmem:s19], [sflag:$0x4] =	stream.indirect.gather [hbm4b:s3+s13], $0x20, s16, s13, $0x40b8;
	[tilespmem:$0x10C00] =	vst v63  }
0x5a: {  	(ifvalue) =	ssetifvalue $0xFFFFFFFF  }
0x5b: {  	s17 =	simm.s32 $0x9000;
	s16 =	simm.s32 $0x440;
	(ifvalue) =	ssetifvalue $0xFFFFFFFF  }
0x5c: {  	[tilespmem:s17], [sflag:$0x4] =	stream.indirect.gather [hbm4b:s3+s13], $0x20, s16, s13, $0x40b8;
	[tilespmem:$0x10C00] =	vst v63  }
0x5d: {  	(ifvalue) =	ssetifvalue $0xFFFFFFFF  }
0x5e: {  	s18 =	simm.s32 $0x480;
	s19 =	simm.s32 $0x9800;
	(ifvalue) =	ssetifvalue $0xFFFFFFFF  }
0x5f: {  	[tilespmem:s19], [sflag:$0x4] =	stream.indirect.gather [hbm4b:s3+s13], $0x20, s18, s13, $0x40b8;
	[tilespmem:$0x10C00] =	vst v63  }
0x60: {  	(ifvalue) =	ssetifvalue $0xFFFFFFFF  }
0x61: {  	s16 =	simm.s32 $0x4C0;
	s17 =	simm.s32 $0xA000;
	(ifvalue) =	ssetifvalue $0xFFFFFFFF  }
0x62: {  	[tilespmem:s17], [sflag:$0x4] =	stream.indirect.gather [hbm4b:s3+s13], $0x20, s16, s13, $0x40b8;
	[tilespmem:$0x10C00] =	vst v63  }
0x63: {  	(ifvalue) =	ssetifvalue $0xFFFFFFFF  }
0x64: {  	s18 =	simm.s32 $0x500;
	s19 =	simm.s32 $0xA800;
	(ifvalue) =	ssetifvalue $0xFFFFFFFF  }
0x65: {  	[tilespmem:s19], [sflag:$0x4] =	stream.indirect.gather [hbm4b:s3+s13], $0x20, s18, s13, $0x40b8;
	[tilespmem:$0x10C00] =	vst v63  }
0x66: {  	(ifvalue) =	ssetifvalue $0xFFFFFFFF  }
0x67: {  	s16 =	simm.s32 $0x540;
	s17 =	simm.s32 $0xB000;
	(ifvalue) =	ssetifvalue $0xFFFFFFFF  }
0x68: {  	[tilespmem:s17], [sflag:$0x4] =	stream.indirect.gather [hbm4b:s3+s13], $0x20, s16, s13, $0x40b8;
	[tilespmem:$0x10C00] =	vst v63  }
0x69: {  	(ifvalue) =	ssetifvalue $0xFFFFFFFF  }
0x6a: {  	s18 =	simm.s32 $0x580;
	s19 =	simm.s32 $0xB800;
	(ifvalue) =	ssetifvalue $0xFFFFFFFF  }
0x6b: {  	[tilespmem:s19], [sflag:$0x4] =	stream.indirect.gather [hbm4b:s3+s13], $0x20, s18, s13, $0x40b8;
	[tilespmem:$0x10C00] =	vst v63  }
0x6c: {  	(ifvalue) =	ssetifvalue $0xFFFFFFFF  }
0x6d: {  	s16 =	simm.s32 $0x5C0;
	s17 =	simm.s32 $0xC000;
	(ifvalue) =	ssetifvalue $0xFFFFFFFF  }
0x6e: {  	[tilespmem:s17], [sflag:$0x4] =	stream.indirect.gather [hbm4b:s3+s13], $0x20, s16, s13, $0x40b8;
	[tilespmem:$0x10C00] =	vst v63  }
0x6f: {  	(ifvalue) =	ssetifvalue $0xFFFFFFFF  }
0x70: {  	s18 =	simm.s32 $0x600;
	s19 =	simm.s32 $0xC800;
	(ifvalue) =	ssetifvalue $0xFFFFFFFF  }
0x71: {  	[tilespmem:s19], [sflag:$0x4] =	stream.indirect.gather [hbm4b:s3+s13], $0x20, s18, s13, $0x40b8;
	[tilespmem:$0x10C00] =	vst v63  }
0x72: {  	(ifvalue) =	ssetifvalue $0xFFFFFFFF  }
0x73: {  	s17 =	simm.s32 $0x640;
	s18 =	simm.s32 $0xD000;
	(ifvalue) =	ssetifvalue $0xFFFFFFFF  }
0x74: {  	[tilespmem:s18], [sflag:$0x4] =	stream.indirect.gather [hbm4b:s3+s13], $0x20, s17, s13, $0x40b8;
	[tilespmem:$0x10C00] =	vst v63  }
0x75: {  	(ifvalue) =	ssetifvalue $0xFFFFFFFF  }
0x76: {  	s19 =	simm.s32 $0x680;
	(ifvalue) =	ssetifvalue $0xFFFFFFFF  }
0x77: {  	[tilespmem:s21], [sflag:$0x4] =	stream.indirect.gather [hbm4b:s3+s13], $0x20, s19, s13, $0x40b8;
	[tilespmem:$0x10C00] =	vst v63  }
0x78: {  	(ifvalue) =	ssetifvalue $0xFFFFFFFF  }
0x79: {  	(ifvalue) =	ssetifvalue $0xFFFFFFFF  }
0x7a: {  	[tilespmem:s24], [sflag:$0x4] =	stream.indirect.gather [hbm4b:s3+s13], $0x20, s23, s13, $0x40b8;
	[tilespmem:$0x10C00] =	vst v63  }
0x7b: {  	(ifvalue) =	ssetifvalue $0xFFFFFFFF  }
0x7c: {  	(ifvalue) =	ssetifvalue $0xFFFFFFFF  }
0x7d: {  	[tilespmem:s26], [sflag:$0x4] =	stream.indirect.gather [hbm4b:s3+s13], $0x20, s25, s13, $0x40b8;
	[tilespmem:$0x10C00] =	vst v63  }
0x7e: {  	(ifvalue) =	ssetifvalue $0xFFFFFFFF  }
0x7f: {  	(ifvalue) =	ssetifvalue $0xFFFFFFFF  }
0x80: {  	[tilespmem:s29], [sflag:$0x4] =	stream.indirect.gather [hbm4b:s3+s13], $0x20, s28, s13, $0x40b8;
	[tilespmem:$0x10C00] =	vst v63  }
0x81: {  	(ifvalue) =	ssetifvalue $0xFFFFFFFF  }
0x82: {  	(ifvalue) =	ssetifvalue $0xFFFFFFFF  }
0x83: {  	[tilespmem:s31], [sflag:$0x4] =	stream.indirect.gather [hbm4b:s3+s13], $0x20, s30, s13, $0x40b8;
	[tilespmem:$0x10C00] =	vst v63  }
0x84: {  	(ifvalue) =	ssetifvalue $0xFFFFFFFF  }
0x85: {  	s15 =	simm.s32 $0x0;
	(ifvalue) =	ssetifvalue $0xFFFFFFFF  }
0x86: {  	[tilespmem:s1], [sflag:$0x4] =	stream.indirect.gather [hbm4b:s3+s13], $0x20, s0, s13, $0x40b8;
	[tilespmem:$0x10C00] =	vst v63  }
.LBB2_2:
0x87: {  	_ =	swait.ge [sflag:s5], $0x800  }
0x88: {  	[sflag:s5] =	ssyncset.done $0x0  }
0x89: {  	[sflag:s5] =	ssyncadd.s32 $0xFFFFF800  }
0x8a: {  	_ =	swait.ge [sflag:s5], $0x800  }
0x8b: {  	[sflag:s5] =	ssyncset.done $0x0  }
0x8c: {  	[sflag:s5] =	ssyncadd.s32 $0xFFFFF800  }
0x8d: {  	_ =	swait.ge [sflag:s5], $0x800  }
0x8e: {  	[sflag:s5] =	ssyncset.done $0x0  }
0x8f: {  	[sflag:s5] =	ssyncadd.s32 $0xFFFFF800  }
0x90: {  	_ =	swait.ge [sflag:s5], $0x800  }
0x91: {  	[sflag:s5] =	ssyncset.done $0x0  }
0x92: {  	[sflag:s5] =	ssyncadd.s32 $0xFFFFF800  }
0x93: {  	_ =	swait.ge [sflag:s5], $0x800  }
0x94: {  	[sflag:s5] =	ssyncset.done $0x0  }
0x95: {  	[sflag:s5] =	ssyncadd.s32 $0xFFFFF800  }
0x96: {  	_ =	swait.ge [sflag:s5], $0x800  }
0x97: {  	[sflag:s5] =	ssyncset.done $0x0  }
0x98: {  	[sflag:s5] =	ssyncadd.s32 $0xFFFFF800  }
0x99: {  	_ =	swait.ge [sflag:s5], $0x800  }
0x9a: {  	[sflag:s5] =	ssyncset.done $0x0  }
0x9b: {  	[sflag:s5] =	ssyncadd.s32 $0xFFFFF800  }
0x9c: {  	_ =	swait.ge [sflag:s5], $0x800  }
0x9d: {  	[sflag:s5] =	ssyncset.done $0x0  }
0x9e: {  	[sflag:s5] =	ssyncadd.s32 $0xFFFFF800  }
0x9f: {  	_ =	swait.ge [sflag:s5], $0x800  }
0xa0: {  	[sflag:s5] =	ssyncset.done $0x0  }
0xa1: {  	[sflag:s5] =	ssyncadd.s32 $0xFFFFF800  }
0xa2: {  	_ =	swait.ge [sflag:s5], $0x800  }
0xa3: {  	[sflag:s5] =	ssyncset.done $0x0  }
0xa4: {  	[sflag:s5] =	ssyncadd.s32 $0xFFFFF800  }
0xa5: {  	_ =	swait.ge [sflag:s5], $0x800  }
0xa6: {  	[sflag:s5] =	ssyncset.done $0x0  }
0xa7: {  	[sflag:s5] =	ssyncadd.s32 $0xFFFFF800  }
0xa8: {  	_ =	swait.ge [sflag:s5], $0x800  }
0xa9: {  	[sflag:s5] =	ssyncset.done $0x0  }
0xaa: {  	[sflag:s5] =	ssyncadd.s32 $0xFFFFF800  }
0xab: {  	_ =	swait.ge [sflag:s5], $0x800  }
0xac: {  	[sflag:s5] =	ssyncset.done $0x0  }
0xad: {  	[sflag:s5] =	ssyncadd.s32 $0xFFFFF800  }
0xae: {  	_ =	swait.ge [sflag:s5], $0x800  }
0xaf: {  	[sflag:s5] =	ssyncset.done $0x0  }
0xb0: {  	p0 =	seq.s32 s15, $0xF;
	[sflag:s5] =	ssyncadd.s32 $0xFFFFF800  }
0xb1: {  	p1 =	seq.s32 @!p0 s15, $0x0;
	_ =	swait.ge [sflag:s5], $0x800  }
0xb2: {  	p1 =	por p0, !p1;
	[sflag:s5] =	ssyncset.done $0x0  }
.Ltmp2:
0xb3: {  	[sflag:s5] =	ssyncadd.s32 $0xFFFFF800;
	(pc) =	sbr.rel @!p1 .LBB2_3-.Ltmp2, $4  }
0xb4: {  	_ =	swait.ge [sflag:s5], $0x800  }
0xb5: {  	s16 =	sshll.u32 @!p0 s15, $0x8;
	[sflag:s5] =	ssyncset.done $0x0  }
0xb6: {  	s18 =	simm.s32 @!p0 $0x0;
	s17 =	sadd.s32 @!p0 s16, s6;
	[sflag:s5] =	ssyncadd.s32 $0xFFFFF800  }
0xb7: {  	[tilespmem:s18], [sflag:$0x1] =	stream.linear.gather @!p0 [hbm4b:s17+s18], $0x400, $0x38;
	[tilespmem:$0x10C00] =	vst v63  }
.Ltmp3:
0xb8: {  	(pc) =	sbr.rel .LBB2_5-.Ltmp3, $4  }
0xb9: {  	_ = 	snop  }
0xba: {  	_ =	swait.ge [sflag:s14], $0x200  }
0xbb: {  	[sflag:s14] =	ssyncset.done $0x0  }
0xbc: {  	p1 =	por $0x0, $0x0;
	[sflag:s14] =	ssyncadd.s32 $0xFFFFFE00  }
.LBB2_3:
0xbd: {  	p1 =	por @!p0 $0x1, $0x1  }
.LBB2_5:
0xbe: {  	s17 =	simm.s32 $0xB20  }
0xbf: {  	v0 =	vld [tilespmem:s17+$0xFFFFFD00]  }
0xc0: {  	v1 =	vld [tilespmem:s17+$0xFFFFFD10]  }
0xc1: {  	v2 =	vld [tilespmem:s17+$0xFFFFFCE0]  }
0xc2: {  	v3 =	vld [tilespmem:s17+$0xFFFFFCF0]  }
0xc3: {  	v4 =	vld [tilespmem:s17+$0xFFFFFD20]  }
0xc4: {  	v5 =	vld [tilespmem:s17+$0xFFFFFD30]  }
0xc5: {  	v6 =	vld [tilespmem:s17+$0xFFFFFD40]  }
0xc6: {  	v7 =	vld [tilespmem:s17+$0xFFFFFD60];
	v0 =	vadd.f32 v0, v2  }
0xc7: {  	v2 =	vld [tilespmem:s17+$0xFFFFFD50]  }
0xc8: {  	v59 =	vld [tilespmem:s17+$0xFFFFFD80];
	v1 =	vadd.f32 v1, v3;
	v0 =	vadd.f32 v4, v0  }
0xc9: {  	v3 =	vld [tilespmem:s17+$0xFFFFFD70]  }
0xca: {  	v60 =	vld [tilespmem:s17+$0xFFFFFD90];
	v1 =	vadd.f32 v5, v1;
	v0 =	vadd.f32 v6, v0  }
0xcb: {  	v61 =	vld [tilespmem:s17+$0xFFFFFDA0]  }
0xcc: {  	v62 =	vld [tilespmem:s17+$0xFFFFFDC0];
	v1 =	vadd.f32 v2, v1;
	v0 =	vadd.f32 v7, v0  }
0xcd: {  	v2 =	vld [tilespmem:s17+$0xFFFFFDB0]  }
0xce: {  	v63 =	vld [tilespmem:s17+$0xFFFFFDE0];
	v1 =	vadd.f32 v3, v1;
	v0 =	vadd.f32 v59, v0  }
0xcf: {  	v3 =	vld [tilespmem:s17+$0xFFFFFDD0]  }
0xd0: {  	v9 =	vld [tilespmem:s17+$0xFFFFFDF0];
	v1 =	vadd.f32 v60, v1;
	v0 =	vadd.f32 v61, v0  }
0xd1: {  	v10 =	vld [tilespmem:s17+$0xFFFFFE00]  }
0xd2: {  	v11 =	vld [tilespmem:s17+$0xFFFFFE20];
	v1 =	vadd.f32 v2, v1;
	v0 =	vadd.f32 v62, v0  }
0xd3: {  	v2 =	vld [tilespmem:s17+$0xFFFFFE10]  }
0xd4: {  	v12 =	vld [tilespmem:s17+$0xFFFFFE40];
	v1 =	vadd.f32 v3, v1;
	v0 =	vadd.f32 v63, v0  }
0xd5: {  	v3 =	vld [tilespmem:s17+$0xFFFFFE30]  }
0xd6: {  	v13 =	vld [tilespmem:s17+$0xFFFFFE50];
	v1 =	vadd.f32 v9, v1;
	v0 =	vadd.f32 v10, v0  }
0xd7: {  	v14 =	vld [tilespmem:s17+$0xFFFFFE60]  }
0xd8: {  	v15 =	vld [tilespmem:s17+$0xFFFFFE80];
	v1 =	vadd.f32 v2, v1;
	v0 =	vadd.f32 v11, v0  }
0xd9: {  	v2 =	vld [tilespmem:s17+$0xFFFFFE70]  }
0xda: {  	v16 =	vld [tilespmem:s17+$0xFFFFFEA0];
	v1 =	vadd.f32 v3, v1;
	v0 =	vadd.f32 v12, v0  }
0xdb: {  	v3 =	vld [tilespmem:s17+$0xFFFFFE90]  }
0xdc: {  	v17 =	vld [tilespmem:s17+$0xFFFFFEB0];
	v1 =	vadd.f32 v13, v1;
	v0 =	vadd.f32 v14, v0  }
0xdd: {  	v18 =	vld [tilespmem:s17+$0xFFFFFEC0]  }
0xde: {  	v19 =	vld [tilespmem:s17+$0xFFFFFEE0];
	v1 =	vadd.f32 v2, v1;
	v0 =	vadd.f32 v15, v0  }
0xdf: {  	v2 =	vld [tilespmem:s17+$0xFFFFFED0]  }
0xe0: {  	v20 =	vld [tilespmem:s17+$0xFFFFFF00];
	v1 =	vadd.f32 v3, v1;
	v0 =	vadd.f32 v16, v0  }
0xe1: {  	v3 =	vld [tilespmem:s17+$0xFFFFFEF0]  }
0xe2: {  	v21 =	vld [tilespmem:s17+$0xFFFFFF10];
	v1 =	vadd.f32 v17, v1;
	v0 =	vadd.f32 v18, v0  }
0xe3: {  	v22 =	vld [tilespmem:s17+$0xFFFFFF20]  }
0xe4: {  	v23 =	vld [tilespmem:s17+$0xFFFFFF40];
	v1 =	vadd.f32 v2, v1;
	v0 =	vadd.f32 v19, v0  }
0xe5: {  	v2 =	vld [tilespmem:s17+$0xFFFFFF30]  }
0xe6: {  	v24 =	vld [tilespmem:s17+$0xFFFFFF60];
	v1 =	vadd.f32 v3, v1;
	v0 =	vadd.f32 v20, v0  }
0xe7: {  	v3 =	vld [tilespmem:s17+$0xFFFFFF50]  }
0xe8: {  	v25 =	vld [tilespmem:s17+$0xFFFFFF70];
	v1 =	vadd.f32 v21, v1;
	v0 =	vadd.f32 v22, v0  }
0xe9: {  	v26 =	vld [tilespmem:s17+$0xFFFFFF80]  }
0xea: {  	v27 =	vld [tilespmem:s17+$0xFFFFFFA0];
	v1 =	vadd.f32 v2, v1;
	v0 =	vadd.f32 v23, v0  }
0xeb: {  	v2 =	vld [tilespmem:s17+$0xFFFFFF90]  }
0xec: {  	v28 =	vld [tilespmem:s17+$0xFFFFFFC0];
	v1 =	vadd.f32 v3, v1;
	v0 =	vadd.f32 v24, v0  }
0xed: {  	v3 =	vld [tilespmem:s17+$0xFFFFFFB0]  }
0xee: {  	v29 =	vld [tilespmem:s17+$0xFFFFFFD0];
	v1 =	vadd.f32 v25, v1;
	v0 =	vadd.f32 v26, v0  }
0xef: {  	v30 =	vld [tilespmem:s17+$0xFFFFFFE0]  }
0xf0: {  	v31 =	vld [tilespmem:s17+$0x0];
	v1 =	vadd.f32 v2, v1;
	v0 =	vadd.f32 v27, v0  }
0xf1: {  	v2 =	vld [tilespmem:s17+$0xFFFFFFF0]  }
0xf2: {  	v32 =	vld [tilespmem:s17+$0x20];
	v1 =	vadd.f32 v3, v1;
	v0 =	vadd.f32 v28, v0  }
0xf3: {  	v3 =	vld [tilespmem:s17+$0x10]  }
0xf4: {  	v33 =	vld [tilespmem:s17+$0x30];
	v1 =	vadd.f32 v29, v1;
	v0 =	vadd.f32 v30, v0  }
0xf5: {  	v34 =	vld [tilespmem:s17+$0x40]  }
0xf6: {  	v35 =	vld [tilespmem:s17+$0x60];
	v1 =	vadd.f32 v2, v1;
	v0 =	vadd.f32 v31, v0  }
0xf7: {  	v2 =	vld [tilespmem:s17+$0x50]  }
0xf8: {  	v36 =	vld [tilespmem:s17+$0x80];
	v1 =	vadd.f32 v3, v1;
	v0 =	vadd.f32 v32, v0  }
0xf9: {  	v3 =	vld [tilespmem:s17+$0x70]  }
0xfa: {  	v37 =	vld [tilespmem:s17+$0x90];
	v1 =	vadd.f32 v33, v1;
	v0 =	vadd.f32 v34, v0  }
0xfb: {  	v38 =	vld [tilespmem:s17+$0xA0]  }
0xfc: {  	v39 =	vld [tilespmem:s17+$0xC0];
	v1 =	vadd.f32 v2, v1;
	v0 =	vadd.f32 v35, v0  }
0xfd: {  	v2 =	vld [tilespmem:s17+$0xB0]  }
0xfe: {  	v40 =	vld [tilespmem:s17+$0xE0];
	v1 =	vadd.f32 v3, v1;
	v0 =	vadd.f32 v36, v0  }
0xff: {  	v3 =	vld [tilespmem:s17+$0xD0]  }
0x100: {  	v41 =	vld [tilespmem:s17+$0xF0];
	v1 =	vadd.f32 v37, v1;
	v0 =	vadd.f32 v38, v0  }
0x101: {  	v42 =	vld [tilespmem:s17+$0x100]  }
0x102: {  	v43 =	vld [tilespmem:s17+$0x120];
	v1 =	vadd.f32 v2, v1;
	v0 =	vadd.f32 v39, v0  }
0x103: {  	v2 =	vld [tilespmem:s17+$0x110]  }
0x104: {  	v44 =	vld [tilespmem:s17+$0x140];
	v1 =	vadd.f32 v3, v1;
	v0 =	vadd.f32 v40, v0  }
0x105: {  	v3 =	vld [tilespmem:s17+$0x130]  }
0x106: {  	v45 =	vld [tilespmem:s17+$0x150];
	v1 =	vadd.f32 v41, v1;
	v0 =	vadd.f32 v42, v0  }
0x107: {  	v46 =	vld [tilespmem:s17+$0x160]  }
0x108: {  	v47 =	vld [tilespmem:s17+$0x180];
	v1 =	vadd.f32 v2, v1;
	v0 =	vadd.f32 v43, v0  }
0x109: {  	v2 =	vld [tilespmem:s17+$0x170]  }
0x10a: {  	v48 =	vld [tilespmem:s17+$0x1A0];
	v1 =	vadd.f32 v3, v1;
	v0 =	vadd.f32 v44, v0  }
0x10b: {  	v3 =	vld [tilespmem:s17+$0x190]  }
0x10c: {  	v49 =	vld [tilespmem:s17+$0x1B0];
	v1 =	vadd.f32 v45, v1;
	v0 =	vadd.f32 v46, v0  }
0x10d: {  	v50 =	vld [tilespmem:s17+$0x1C0]  }
0x10e: {  	v51 =	vld [tilespmem:s17+$0x1E0];
	v1 =	vadd.f32 v2, v1;
	v0 =	vadd.f32 v47, v0  }
0x10f: {  	v2 =	vld [tilespmem:s17+$0x1D0]  }
0x110: {  	v52 =	vld [tilespmem:s17+$0x200];
	v1 =	vadd.f32 v3, v1;
	v0 =	vadd.f32 v48, v0  }
0x111: {  	v3 =	vld [tilespmem:s17+$0x1F0]  }
0x112: {  	v53 =	vld [tilespmem:s17+$0x210];
	v1 =	vadd.f32 v49, v1;
	v0 =	vadd.f32 v50, v0  }
0x113: {  	v54 =	vld [tilespmem:s17+$0x220]  }
0x114: {  	v55 =	vld [tilespmem:s17+$0x240];
	v1 =	vadd.f32 v2, v1;
	v0 =	vadd.f32 v51, v0  }
0x115: {  	v2 =	vld [tilespmem:s17+$0x230]  }
0x116: {  	v56 =	vld [tilespmem:s17+$0x260];
	v1 =	vadd.f32 v3, v1;
	v0 =	vadd.f32 v52, v0  }
0x117: {  	v3 =	vld [tilespmem:s17+$0x250]  }
0x118: {  	v57 =	vld [tilespmem:s17+$0x270];
	v1 =	vadd.f32 v53, v1;
	v0 =	vadd.f32 v54, v0  }
0x119: {  	v58 =	vld [tilespmem:s17+$0x280]  }
0x11a: {  	v59 =	vld [tilespmem:s17+$0x2A0];
	v1 =	vadd.f32 v2, v1;
	v0 =	vadd.f32 v55, v0  }
0x11b: {  	v2 =	vld [tilespmem:s17+$0x290]  }
0x11c: {  	v60 =	vld [tilespmem:s17+$0x2C0];
	v1 =	vadd.f32 v3, v1;
	v0 =	vadd.f32 v56, v0  }
0x11d: {  	v3 =	vld [tilespmem:s17+$0x2B0]  }
0x11e: {  	v61 =	vld [tilespmem:s17+$0x2D0];
	v1 =	vadd.f32 v57, v1;
	v0 =	vadd.f32 v58, v0  }
0x11f: {  	v62 =	vld [tilespmem:s17+$0x2E0]  }
0x120: {  	v63 =	vld [tilespmem:s17+$0x300];
	v1 =	vadd.f32 v2, v1;
	v0 =	vadd.f32 v59, v0  }
0x121: {  	v2 =	vld [tilespmem:s17+$0x2F0]  }
0x122: {  	v1 =	vadd.f32 v3, v1;
	v0 =	vadd.f32 v60, v0  }
0x123: {  	v3 =	vld [tilespmem:s17+$0x310]  }
0x124: {  	v1 =	vadd.f32 v61, v1;
	v0 =	vadd.f32 v62, v0;
	_ =	sdelay $0x1  }
0x125: {  	v1 =	vadd.f32 v2, v1;
	v2 =	vadd.f32 v63, v0  }
0x126: {  	s19 =	simm.s32 $0x0  }
0x127: {  	s18 =	simm.s32 $0x80;
	v0 =	vadd.f32 v3, v1;
	[tilespmem:s19+$0x10800] =	vst v2  }
.LBB2_6:
0x128: {  	p2 =	sne.s32 s18, $0x780  }
0x129: {  	[tilespmem:s19+$0x10810] =	vst v0;
	s17 =	sadd.s32 $0x800, s17;
	s19 =	smov.u32 s18;
	s18 =	sadd.s32 $0x80, s18  }
0x12a: {  	v0 =	vld [tilespmem:s17+$0xFFFFFD00]  }
0x12b: {  	v1 =	vld [tilespmem:s17+$0xFFFFFD10]  }
0x12c: {  	v2 =	vld [tilespmem:s17+$0xFFFFFCE0]  }
0x12d: {  	v3 =	vld [tilespmem:s17+$0xFFFFFCF0]  }
0x12e: {  	v4 =	vld [tilespmem:s17+$0xFFFFFD20]  }
0x12f: {  	v5 =	vld [tilespmem:s17+$0xFFFFFD30]  }
0x130: {  	v6 =	vld [tilespmem:s17+$0xFFFFFD40]  }
0x131: {  	v0 =	vadd.f32 v0, v2;
	v2 =	vld [tilespmem:s17+$0xFFFFFD50]  }
0x132: {  	v1 =	vadd.f32 v1, v3;
	v3 =	vld [tilespmem:s17+$0xFFFFFD60]  }
0x133: {  	v0 =	vadd.f32 v4, v0;
	v4 =	vld [tilespmem:s17+$0xFFFFFD70]  }
0x134: {  	v1 =	vadd.f32 v5, v1;
	v5 =	vld [tilespmem:s17+$0xFFFFFD80]  }
0x135: {  	v0 =	vadd.f32 v6, v0;
	v6 =	vld [tilespmem:s17+$0xFFFFFD90]  }
0x136: {  	v1 =	vadd.f32 v2, v1;
	v2 =	vld [tilespmem:s17+$0xFFFFFDA0]  }
0x137: {  	v0 =	vadd.f32 v3, v0;
	v3 =	vld [tilespmem:s17+$0xFFFFFDB0]  }
0x138: {  	v1 =	vadd.f32 v4, v1;
	v4 =	vld [tilespmem:s17+$0xFFFFFDC0]  }
0x139: {  	v0 =	vadd.f32 v5, v0;
	v5 =	vld [tilespmem:s17+$0xFFFFFDD0]  }
0x13a: {  	v1 =	vadd.f32 v6, v1;
	v6 =	vld [tilespmem:s17+$0xFFFFFDE0]  }
0x13b: {  	v0 =	vadd.f32 v2, v0;
	v2 =	vld [tilespmem:s17+$0xFFFFFDF0]  }
0x13c: {  	v1 =	vadd.f32 v3, v1;
	v3 =	vld [tilespmem:s17+$0xFFFFFE00]  }
0x13d: {  	v0 =	vadd.f32 v4, v0;
	v4 =	vld [tilespmem:s17+$0xFFFFFE10]  }
0x13e: {  	v1 =	vadd.f32 v5, v1;
	v5 =	vld [tilespmem:s17+$0xFFFFFE20]  }
0x13f: {  	v0 =	vadd.f32 v6, v0;
	v6 =	vld [tilespmem:s17+$0xFFFFFE30]  }
0x140: {  	v1 =	vadd.f32 v2, v1;
	v2 =	vld [tilespmem:s17+$0xFFFFFE40]  }
0x141: {  	v0 =	vadd.f32 v3, v0;
	v3 =	vld [tilespmem:s17+$0xFFFFFE50]  }
0x142: {  	v1 =	vadd.f32 v4, v1;
	v4 =	vld [tilespmem:s17+$0xFFFFFE60]  }
0x143: {  	v0 =	vadd.f32 v5, v0;
	v5 =	vld [tilespmem:s17+$0xFFFFFE70]  }
0x144: {  	v1 =	vadd.f32 v6, v1;
	v6 =	vld [tilespmem:s17+$0xFFFFFE80]  }
0x145: {  	v0 =	vadd.f32 v2, v0;
	v2 =	vld [tilespmem:s17+$0xFFFFFE90]  }
0x146: {  	v1 =	vadd.f32 v3, v1;
	v3 =	vld [tilespmem:s17+$0xFFFFFEA0]  }
0x147: {  	v0 =	vadd.f32 v4, v0;
	v4 =	vld [tilespmem:s17+$0xFFFFFEB0]  }
0x148: {  	v1 =	vadd.f32 v5, v1;
	v5 =	vld [tilespmem:s17+$0xFFFFFEC0]  }
0x149: {  	v0 =	vadd.f32 v6, v0;
	v6 =	vld [tilespmem:s17+$0xFFFFFED0]  }
0x14a: {  	v1 =	vadd.f32 v2, v1;
	v2 =	vld [tilespmem:s17+$0xFFFFFEE0]  }
0x14b: {  	v0 =	vadd.f32 v3, v0;
	v3 =	vld [tilespmem:s17+$0xFFFFFEF0]  }
0x14c: {  	v1 =	vadd.f32 v4, v1;
	v4 =	vld [tilespmem:s17+$0xFFFFFF00]  }
0x14d: {  	v0 =	vadd.f32 v5, v0;
	v5 =	vld [tilespmem:s17+$0xFFFFFF10]  }
0x14e: {  	v1 =	vadd.f32 v6, v1;
	v6 =	vld [tilespmem:s17+$0xFFFFFF20]  }
0x14f: {  	v0 =	vadd.f32 v2, v0;
	v2 =	vld [tilespmem:s17+$0xFFFFFF30]  }
0x150: {  	v1 =	vadd.f32 v3, v1;
	v3 =	vld [tilespmem:s17+$0xFFFFFF40]  }
0x151: {  	v0 =	vadd.f32 v4, v0;
	v4 =	vld [tilespmem:s17+$0xFFFFFF50]  }
0x152: {  	v1 =	vadd.f32 v5, v1;
	v5 =	vld [tilespmem:s17+$0xFFFFFF60]  }
0x153: {  	v0 =	vadd.f32 v6, v0;
	v6 =	vld [tilespmem:s17+$0xFFFFFF70]  }
0x154: {  	v1 =	vadd.f32 v2, v1;
	v2 =	vld [tilespmem:s17+$0xFFFFFF80]  }
0x155: {  	v0 =	vadd.f32 v3, v0;
	v3 =	vld [tilespmem:s17+$0xFFFFFF90]  }
0x156: {  	v1 =	vadd.f32 v4, v1;
	v4 =	vld [tilespmem:s17+$0xFFFFFFA0]  }
0x157: {  	v0 =	vadd.f32 v5, v0;
	v5 =	vld [tilespmem:s17+$0xFFFFFFB0]  }
0x158: {  	v1 =	vadd.f32 v6, v1;
	v6 =	vld [tilespmem:s17+$0xFFFFFFC0]  }
0x159: {  	v0 =	vadd.f32 v2, v0;
	v2 =	vld [tilespmem:s17+$0xFFFFFFD0]  }
0x15a: {  	v1 =	vadd.f32 v3, v1;
	v3 =	vld [tilespmem:s17+$0xFFFFFFE0]  }
0x15b: {  	v0 =	vadd.f32 v4, v0;
	v4 =	vld [tilespmem:s17+$0xFFFFFFF0]  }
0x15c: {  	v1 =	vadd.f32 v5, v1;
	v5 =	vld [tilespmem:s17+$0x0]  }
0x15d: {  	v0 =	vadd.f32 v6, v0;
	v6 =	vld [tilespmem:s17+$0x10]  }
0x15e: {  	v1 =	vadd.f32 v2, v1;
	v2 =	vld [tilespmem:s17+$0x20]  }
0x15f: {  	v0 =	vadd.f32 v3, v0;
	v3 =	vld [tilespmem:s17+$0x30]  }
0x160: {  	v1 =	vadd.f32 v4, v1;
	v4 =	vld [tilespmem:s17+$0x40]  }
0x161: {  	v0 =	vadd.f32 v5, v0;
	v5 =	vld [tilespmem:s17+$0x50]  }
0x162: {  	v1 =	vadd.f32 v6, v1;
	v6 =	vld [tilespmem:s17+$0x60]  }
0x163: {  	v0 =	vadd.f32 v2, v0;
	v2 =	vld [tilespmem:s17+$0x70]  }
0x164: {  	v1 =	vadd.f32 v3, v1;
	v3 =	vld [tilespmem:s17+$0x80]  }
0x165: {  	v0 =	vadd.f32 v4, v0;
	v4 =	vld [tilespmem:s17+$0x90]  }
0x166: {  	v1 =	vadd.f32 v5, v1;
	v5 =	vld [tilespmem:s17+$0xA0]  }
0x167: {  	v0 =	vadd.f32 v6, v0;
	v6 =	vld [tilespmem:s17+$0xB0]  }
0x168: {  	v1 =	vadd.f32 v2, v1;
	v2 =	vld [tilespmem:s17+$0xC0]  }
0x169: {  	v0 =	vadd.f32 v3, v0;
	v3 =	vld [tilespmem:s17+$0xD0]  }
0x16a: {  	v1 =	vadd.f32 v4, v1;
	v4 =	vld [tilespmem:s17+$0xE0]  }
0x16b: {  	v0 =	vadd.f32 v5, v0;
	v5 =	vld [tilespmem:s17+$0xF0]  }
0x16c: {  	v1 =	vadd.f32 v6, v1;
	v6 =	vld [tilespmem:s17+$0x100]  }
0x16d: {  	v0 =	vadd.f32 v2, v0;
	v2 =	vld [tilespmem:s17+$0x110]  }
0x16e: {  	v1 =	vadd.f32 v3, v1;
	v3 =	vld [tilespmem:s17+$0x120]  }
0x16f: {  	v0 =	vadd.f32 v4, v0;
	v4 =	vld [tilespmem:s17+$0x130]  }
0x170: {  	v1 =	vadd.f32 v5, v1;
	v5 =	vld [tilespmem:s17+$0x140]  }
0x171: {  	v0 =	vadd.f32 v6, v0;
	v6 =	vld [tilespmem:s17+$0x150]  }
0x172: {  	v1 =	vadd.f32 v2, v1;
	v2 =	vld [tilespmem:s17+$0x160]  }
0x173: {  	v0 =	vadd.f32 v3, v0;
	v3 =	vld [tilespmem:s17+$0x170]  }
0x174: {  	v1 =	vadd.f32 v4, v1;
	v4 =	vld [tilespmem:s17+$0x180]  }
0x175: {  	v0 =	vadd.f32 v5, v0;
	v5 =	vld [tilespmem:s17+$0x190]  }
0x176: {  	v1 =	vadd.f32 v6, v1;
	v6 =	vld [tilespmem:s17+$0x1A0]  }
0x177: {  	v0 =	vadd.f32 v2, v0;
	v2 =	vld [tilespmem:s17+$0x1B0]  }
0x178: {  	v1 =	vadd.f32 v3, v1;
	v3 =	vld [tilespmem:s17+$0x1C0]  }
0x179: {  	v0 =	vadd.f32 v4, v0;
	v4 =	vld [tilespmem:s17+$0x1D0]  }
0x17a: {  	v1 =	vadd.f32 v5, v1;
	v5 =	vld [tilespmem:s17+$0x1E0]  }
0x17b: {  	v0 =	vadd.f32 v6, v0;
	v6 =	vld [tilespmem:s17+$0x1F0]  }
0x17c: {  	v1 =	vadd.f32 v2, v1;
	v2 =	vld [tilespmem:s17+$0x200]  }
0x17d: {  	v0 =	vadd.f32 v3, v0;
	v3 =	vld [tilespmem:s17+$0x210]  }
0x17e: {  	v1 =	vadd.f32 v4, v1;
	v4 =	vld [tilespmem:s17+$0x220]  }
0x17f: {  	v0 =	vadd.f32 v5, v0;
	v5 =	vld [tilespmem:s17+$0x230]  }
0x180: {  	v1 =	vadd.f32 v6, v1;
	v6 =	vld [tilespmem:s17+$0x240]  }
0x181: {  	v0 =	vadd.f32 v2, v0;
	v2 =	vld [tilespmem:s17+$0x250]  }
0x182: {  	v1 =	vadd.f32 v3, v1;
	v3 =	vld [tilespmem:s17+$0x260]  }
0x183: {  	v0 =	vadd.f32 v4, v0;
	v4 =	vld [tilespmem:s17+$0x270]  }
0x184: {  	v1 =	vadd.f32 v5, v1;
	v5 =	vld [tilespmem:s17+$0x280]  }
0x185: {  	v0 =	vadd.f32 v6, v0;
	v6 =	vld [tilespmem:s17+$0x290]  }
0x186: {  	v1 =	vadd.f32 v2, v1;
	v2 =	vld [tilespmem:s17+$0x2A0]  }
0x187: {  	v0 =	vadd.f32 v3, v0;
	v3 =	vld [tilespmem:s17+$0x2B0]  }
0x188: {  	v1 =	vadd.f32 v4, v1;
	v4 =	vld [tilespmem:s17+$0x2C0]  }
0x189: {  	v0 =	vadd.f32 v5, v0;
	v5 =	vld [tilespmem:s17+$0x2D0]  }
0x18a: {  	v1 =	vadd.f32 v6, v1;
	v6 =	vld [tilespmem:s17+$0x2E0]  }
0x18b: {  	v0 =	vadd.f32 v2, v0;
	v2 =	vld [tilespmem:s17+$0x2F0]  }
0x18c: {  	v1 =	vadd.f32 v3, v1;
	v3 =	vld [tilespmem:s17+$0x300]  }
0x18d: {  	v0 =	vadd.f32 v4, v0;
	v4 =	vld [tilespmem:s17+$0x310]  }
0x18e: {  	v1 =	vadd.f32 v5, v1  }
.Ltmp4:
0x18f: {  	v0 =	vadd.f32 v6, v0;
	(pc) =	sbr.rel @p2 .LBB2_6-.Ltmp4, $4  }
0x190: {  	v1 =	vadd.f32 v2, v1  }
0x191: {  	v2 =	vadd.f32 v3, v0  }
0x192: {  	s19 =	sshra.s32 s19, $0x2;
	v0 =	vadd.f32 v4, v1  }
0x193: {  	[tilespmem:s19+$0x10800] =	vst v2  }
.Ltmp5:
0x194: {  	(pc) =	sbr.rel @p0 .LBB2_9-.Ltmp5, $4  }
0x195: {  	_ = 	snop  }
0x196: {  	s17 =	sshll.u32 s15, $0x7  }
0x197: {  	[tilespmem:s19+$0x10810] =	vst v0;
	s18 =	sadd.s32 s17, s7  }
0x198: {  	[hbm4b:s18+s2] =	stream.linear.scatter [tilespmem:s9], [sflag:$0x5], $0x200, $0x38;
	[tilespmem:$0x10C00] =	vst v63  }
0x199: {  	_ =	swait.ge [sflag:s12], $0x400  }
0x19a: {  	[sflag:s12] =	ssyncset.done $0x0  }
0x19b: {  	[sflag:s12] =	ssyncadd.s32 $0xFFFFFC00;
	(ifvalue) =	ssetifvalue $0xFFFFFFFF  }
0x19c: {  	s18 =	simm.s32 $0x800;
	(ifvalue) =	ssetifvalue $0xFFFFFFFF  }
0x19d: {  	[tilespmem:s18], [sflag:$0x3] =	stream.indirect.gather [hbm4b:s3+s13], $0x20, s2, s13, $0x40b8;
	[tilespmem:$0x10C00] =	vst v63  }
0x19e: {  	(ifvalue) =	ssetifvalue $0xFFFFFFFF  }
0x19f: {  	s19 =	simm.s32 $0x1000;
	(ifvalue) =	ssetifvalue $0xFFFFFFFF  }
0x1a0: {  	[tilespmem:s19], [sflag:$0x3] =	stream.indirect.gather [hbm4b:s3+s13], $0x20, s13, s13, $0x40b8;
	[tilespmem:$0x10C00] =	vst v63  }
0x1a1: {  	(ifvalue) =	ssetifvalue $0xFFFFFFFF  }
0x1a2: {  	s18 =	simm.s32 $0x80;
	s19 =	simm.s32 $0x1800;
	(ifvalue) =	ssetifvalue $0xFFFFFFFF  }
0x1a3: {  	[tilespmem:s19], [sflag:$0x3] =	stream.indirect.gather [hbm4b:s3+s13], $0x20, s18, s13, $0x40b8;
	[tilespmem:$0x10C00] =	vst v63  }
0x1a4: {  	(ifvalue) =	ssetifvalue $0xFFFFFFFF  }
0x1a5: {  	s18 =	simm.s32 $0xC0;
	s19 =	simm.s32 $0x2000;
	(ifvalue) =	ssetifvalue $0xFFFFFFFF  }
0x1a6: {  	[tilespmem:s19], [sflag:$0x3] =	stream.indirect.gather [hbm4b:s3+s13], $0x20, s18, s13, $0x40b8;
	[tilespmem:$0x10C00] =	vst v63  }
0x1a7: {  	(ifvalue) =	ssetifvalue $0xFFFFFFFF  }
0x1a8: {  	s18 =	simm.s32 $0x100;
	s19 =	simm.s32 $0x2800;
	(ifvalue) =	ssetifvalue $0xFFFFFFFF  }
0x1a9: {  	[tilespmem:s19], [sflag:$0x3] =	stream.indirect.gather [hbm4b:s3+s13], $0x20, s18, s13, $0x40b8;
	[tilespmem:$0x10C00] =	vst v63  }
0x1aa: {  	(ifvalue) =	ssetifvalue $0xFFFFFFFF  }
0x1ab: {  	s18 =	simm.s32 $0x140;
	s19 =	simm.s32 $0x3000;
	(ifvalue) =	ssetifvalue $0xFFFFFFFF  }
0x1ac: {  	[tilespmem:s19], [sflag:$0x3] =	stream.indirect.gather [hbm4b:s3+s13], $0x20, s18, s13, $0x40b8;
	[tilespmem:$0x10C00] =	vst v63  }
0x1ad: {  	(ifvalue) =	ssetifvalue $0xFFFFFFFF  }
0x1ae: {  	s18 =	simm.s32 $0x180;
	s19 =	simm.s32 $0x3800;
	(ifvalue) =	ssetifvalue $0xFFFFFFFF  }
0x1af: {  	[tilespmem:s19], [sflag:$0x3] =	stream.indirect.gather [hbm4b:s3+s13], $0x20, s18, s13, $0x40b8;
	[tilespmem:$0x10C00] =	vst v63  }
0x1b0: {  	(ifvalue) =	ssetifvalue $0xFFFFFFFF  }
0x1b1: {  	s18 =	simm.s32 $0x1C0;
	s19 =	simm.s32 $0x4000;
	(ifvalue) =	ssetifvalue $0xFFFFFFFF  }
0x1b2: {  	[tilespmem:s19], [sflag:$0x3] =	stream.indirect.gather [hbm4b:s3+s13], $0x20, s18, s13, $0x40b8;
	[tilespmem:$0x10C00] =	vst v63  }
0x1b3: {  	(ifvalue) =	ssetifvalue $0xFFFFFFFF  }
0x1b4: {  	s18 =	simm.s32 $0x200;
	s19 =	simm.s32 $0x4800;
	(ifvalue) =	ssetifvalue $0xFFFFFFFF  }
0x1b5: {  	[tilespmem:s19], [sflag:$0x3] =	stream.indirect.gather [hbm4b:s3+s13], $0x20, s18, s13, $0x40b8;
	[tilespmem:$0x10C00] =	vst v63  }
0x1b6: {  	(ifvalue) =	ssetifvalue $0xFFFFFFFF  }
0x1b7: {  	s18 =	simm.s32 $0x240;
	s19 =	simm.s32 $0x5000;
	(ifvalue) =	ssetifvalue $0xFFFFFFFF  }
0x1b8: {  	[tilespmem:s19], [sflag:$0x3] =	stream.indirect.gather [hbm4b:s3+s13], $0x20, s18, s13, $0x40b8;
	[tilespmem:$0x10C00] =	vst v63  }
0x1b9: {  	(ifvalue) =	ssetifvalue $0xFFFFFFFF  }
0x1ba: {  	s18 =	simm.s32 $0x280;
	s19 =	simm.s32 $0x5800;
	(ifvalue) =	ssetifvalue $0xFFFFFFFF  }
0x1bb: {  	[tilespmem:s19], [sflag:$0x3] =	stream.indirect.gather [hbm4b:s3+s13], $0x20, s18, s13, $0x40b8;
	[tilespmem:$0x10C00] =	vst v63  }
0x1bc: {  	(ifvalue) =	ssetifvalue $0xFFFFFFFF  }
0x1bd: {  	s18 =	simm.s32 $0x2C0;
	s19 =	simm.s32 $0x6000;
	(ifvalue) =	ssetifvalue $0xFFFFFFFF  }
0x1be: {  	[tilespmem:s19], [sflag:$0x3] =	stream.indirect.gather [hbm4b:s3+s13], $0x20, s18, s13, $0x40b8;
	[tilespmem:$0x10C00] =	vst v63  }
0x1bf: {  	(ifvalue) =	ssetifvalue $0xFFFFFFFF  }
0x1c0: {  	s18 =	simm.s32 $0x300;
	s19 =	simm.s32 $0x6800;
	(ifvalue) =	ssetifvalue $0xFFFFFFFF  }
0x1c1: {  	[tilespmem:s19], [sflag:$0x3] =	stream.indirect.gather [hbm4b:s3+s13], $0x20, s18, s13, $0x40b8;
	[tilespmem:$0x10C00] =	vst v63  }
0x1c2: {  	(ifvalue) =	ssetifvalue $0xFFFFFFFF  }
0x1c3: {  	s18 =	simm.s32 $0x340;
	s19 =	simm.s32 $0x7000;
	(ifvalue) =	ssetifvalue $0xFFFFFFFF  }
0x1c4: {  	[tilespmem:s19], [sflag:$0x3] =	stream.indirect.gather [hbm4b:s3+s13], $0x20, s18, s13, $0x40b8;
	[tilespmem:$0x10C00] =	vst v63  }
0x1c5: {  	(ifvalue) =	ssetifvalue $0xFFFFFFFF  }
0x1c6: {  	s18 =	simm.s32 $0x380;
	s19 =	simm.s32 $0x7800;
	(ifvalue) =	ssetifvalue $0xFFFFFFFF  }
0x1c7: {  	[tilespmem:s19], [sflag:$0x3] =	stream.indirect.gather [hbm4b:s3+s13], $0x20, s18, s13, $0x40b8;
	[tilespmem:$0x10C00] =	vst v63  }
0x1c8: {  	(ifvalue) =	ssetifvalue $0xFFFFFFFF  }
0x1c9: {  	s18 =	simm.s32 $0x3C0;
	s19 =	simm.s32 $0x8000;
	(ifvalue) =	ssetifvalue $0xFFFFFFFF  }
0x1ca: {  	[tilespmem:s19], [sflag:$0x3] =	stream.indirect.gather [hbm4b:s3+s13], $0x20, s18, s13, $0x40b8;
	[tilespmem:$0x10C00] =	vst v63  }
.LBB2_9:
0x1cb: {  	_ =	swait.ge [sflag:s11], $0x800  }
0x1cc: {  	[sflag:s11] =	ssyncset.done $0x0  }
0x1cd: {  	[sflag:s11] =	ssyncadd.s32 $0xFFFFF800  }
0x1ce: {  	_ =	swait.ge [sflag:s11], $0x800  }
0x1cf: {  	[sflag:s11] =	ssyncset.done $0x0  }
0x1d0: {  	[sflag:s11] =	ssyncadd.s32 $0xFFFFF800  }
0x1d1: {  	_ =	swait.ge [sflag:s11], $0x800  }
0x1d2: {  	[sflag:s11] =	ssyncset.done $0x0  }
0x1d3: {  	[sflag:s11] =	ssyncadd.s32 $0xFFFFF800  }
0x1d4: {  	_ =	swait.ge [sflag:s11], $0x800  }
0x1d5: {  	[sflag:s11] =	ssyncset.done $0x0  }
0x1d6: {  	[sflag:s11] =	ssyncadd.s32 $0xFFFFF800  }
0x1d7: {  	_ =	swait.ge [sflag:s11], $0x800  }
0x1d8: {  	[sflag:s11] =	ssyncset.done $0x0  }
0x1d9: {  	[sflag:s11] =	ssyncadd.s32 $0xFFFFF800  }
0x1da: {  	_ =	swait.ge [sflag:s11], $0x800  }
0x1db: {  	[sflag:s11] =	ssyncset.done $0x0  }
0x1dc: {  	[sflag:s11] =	ssyncadd.s32 $0xFFFFF800  }
0x1dd: {  	_ =	swait.ge [sflag:s11], $0x800  }
0x1de: {  	[sflag:s11] =	ssyncset.done $0x0  }
0x1df: {  	[sflag:s11] =	ssyncadd.s32 $0xFFFFF800  }
0x1e0: {  	_ =	swait.ge [sflag:s11], $0x800  }
0x1e1: {  	[sflag:s11] =	ssyncset.done $0x0  }
0x1e2: {  	[sflag:s11] =	ssyncadd.s32 $0xFFFFF800  }
0x1e3: {  	_ =	swait.ge [sflag:s11], $0x800  }
0x1e4: {  	[sflag:s11] =	ssyncset.done $0x0  }
0x1e5: {  	[sflag:s11] =	ssyncadd.s32 $0xFFFFF800  }
0x1e6: {  	_ =	swait.ge [sflag:s11], $0x800  }
0x1e7: {  	[sflag:s11] =	ssyncset.done $0x0  }
0x1e8: {  	[sflag:s11] =	ssyncadd.s32 $0xFFFFF800  }
0x1e9: {  	_ =	swait.ge [sflag:s11], $0x800  }
0x1ea: {  	[sflag:s11] =	ssyncset.done $0x0  }
0x1eb: {  	[sflag:s11] =	ssyncadd.s32 $0xFFFFF800  }
0x1ec: {  	_ =	swait.ge [sflag:s11], $0x800  }
0x1ed: {  	[sflag:s11] =	ssyncset.done $0x0  }
0x1ee: {  	[sflag:s11] =	ssyncadd.s32 $0xFFFFF800  }
0x1ef: {  	_ =	swait.ge [sflag:s11], $0x800  }
0x1f0: {  	[sflag:s11] =	ssyncset.done $0x0  }
0x1f1: {  	[sflag:s11] =	ssyncadd.s32 $0xFFFFF800  }
0x1f2: {  	_ =	swait.ge [sflag:s11], $0x800  }
0x1f3: {  	[sflag:s11] =	ssyncset.done $0x0  }
0x1f4: {  	[sflag:s11] =	ssyncadd.s32 $0xFFFFF800  }
0x1f5: {  	_ =	swait.ge [sflag:s11], $0x800  }
0x1f6: {  	[sflag:s11] =	ssyncset.done $0x0  }
0x1f7: {  	[sflag:s11] =	ssyncadd.s32 $0xFFFFF800  }
0x1f8: {  	_ =	swait.ge [sflag:s11], $0x800  }
0x1f9: {  	s16 =	sadd.s32 @!p0 s16, s8;
	[sflag:s11] =	ssyncset.done $0x0  }
0x1fa: {  	s18 =	simm.s32 @!p0 $0x0;
	s19 =	simm.s32 @!p0 $0x400;
	[sflag:s11] =	ssyncadd.s32 $0xFFFFF800  }
0x1fb: {  	[tilespmem:s19], [sflag:$0x2] =	stream.linear.gather @!p0 [hbm4b:s16+s18], $0x400, $0x38;
	[tilespmem:$0x10C00] =	vst v63  }
0x1fc: {  	s16 =	simm.s32 @!p1 $0x6  }
0x1fd: {  	_ =	swait.ge @!p1 [sflag:s16], $0x200  }
0x1fe: {  	[sflag:s16] =	ssyncset.done @!p1 $0x0  }
0x1ff: {  	[sflag:s16] =	ssyncadd.s32 @!p1 $0xFFFFFE00;
	s16 =	simm.s32 $0x8B20  }
0x200: {  	v0 =	vld [tilespmem:s16+$0xFFFFFD00]  }
0x201: {  	v1 =	vld [tilespmem:s16+$0xFFFFFD10]  }
0x202: {  	v2 =	vld [tilespmem:s16+$0xFFFFFCE0]  }
0x203: {  	v3 =	vld [tilespmem:s16+$0xFFFFFCF0]  }
0x204: {  	v4 =	vld [tilespmem:s16+$0xFFFFFD20]  }
0x205: {  	v5 =	vld [tilespmem:s16+$0xFFFFFD30]  }
0x206: {  	v6 =	vld [tilespmem:s16+$0xFFFFFD40]  }
0x207: {  	v7 =	vld [tilespmem:s16+$0xFFFFFD60];
	v0 =	vadd.f32 v0, v2  }
0x208: {  	v2 =	vld [tilespmem:s16+$0xFFFFFD50]  }
0x209: {  	v59 =	vld [tilespmem:s16+$0xFFFFFD80];
	v1 =	vadd.f32 v1, v3;
	v0 =	vadd.f32 v4, v0  }
0x20a: {  	v3 =	vld [tilespmem:s16+$0xFFFFFD70]  }
0x20b: {  	v60 =	vld [tilespmem:s16+$0xFFFFFD90];
	v1 =	vadd.f32 v5, v1;
	v0 =	vadd.f32 v6, v0  }
0x20c: {  	v61 =	vld [tilespmem:s16+$0xFFFFFDA0]  }
0x20d: {  	v62 =	vld [tilespmem:s16+$0xFFFFFDC0];
	v1 =	vadd.f32 v2, v1;
	v0 =	vadd.f32 v7, v0  }
0x20e: {  	v2 =	vld [tilespmem:s16+$0xFFFFFDB0]  }
0x20f: {  	v63 =	vld [tilespmem:s16+$0xFFFFFDE0];
	v1 =	vadd.f32 v3, v1;
	v0 =	vadd.f32 v59, v0  }
0x210: {  	v3 =	vld [tilespmem:s16+$0xFFFFFDD0]  }
0x211: {  	v9 =	vld [tilespmem:s16+$0xFFFFFDF0];
	v1 =	vadd.f32 v60, v1;
	v0 =	vadd.f32 v61, v0  }
0x212: {  	v10 =	vld [tilespmem:s16+$0xFFFFFE00]  }
0x213: {  	v11 =	vld [tilespmem:s16+$0xFFFFFE20];
	v1 =	vadd.f32 v2, v1;
	v0 =	vadd.f32 v62, v0  }
0x214: {  	v2 =	vld [tilespmem:s16+$0xFFFFFE10]  }
0x215: {  	v12 =	vld [tilespmem:s16+$0xFFFFFE40];
	v1 =	vadd.f32 v3, v1;
	v0 =	vadd.f32 v63, v0  }
0x216: {  	v3 =	vld [tilespmem:s16+$0xFFFFFE30]  }
0x217: {  	v13 =	vld [tilespmem:s16+$0xFFFFFE50];
	v1 =	vadd.f32 v9, v1;
	v0 =	vadd.f32 v10, v0  }
0x218: {  	v14 =	vld [tilespmem:s16+$0xFFFFFE60]  }
0x219: {  	v15 =	vld [tilespmem:s16+$0xFFFFFE80];
	v1 =	vadd.f32 v2, v1;
	v0 =	vadd.f32 v11, v0  }
0x21a: {  	v2 =	vld [tilespmem:s16+$0xFFFFFE70]  }
0x21b: {  	v16 =	vld [tilespmem:s16+$0xFFFFFEA0];
	v1 =	vadd.f32 v3, v1;
	v0 =	vadd.f32 v12, v0  }
0x21c: {  	v3 =	vld [tilespmem:s16+$0xFFFFFE90]  }
0x21d: {  	v17 =	vld [tilespmem:s16+$0xFFFFFEB0];
	v1 =	vadd.f32 v13, v1;
	v0 =	vadd.f32 v14, v0  }
0x21e: {  	v18 =	vld [tilespmem:s16+$0xFFFFFEC0]  }
0x21f: {  	v19 =	vld [tilespmem:s16+$0xFFFFFEE0];
	v1 =	vadd.f32 v2, v1;
	v0 =	vadd.f32 v15, v0  }
0x220: {  	v2 =	vld [tilespmem:s16+$0xFFFFFED0]  }
0x221: {  	v20 =	vld [tilespmem:s16+$0xFFFFFF00];
	v1 =	vadd.f32 v3, v1;
	v0 =	vadd.f32 v16, v0  }
0x222: {  	v3 =	vld [tilespmem:s16+$0xFFFFFEF0]  }
0x223: {  	v21 =	vld [tilespmem:s16+$0xFFFFFF10];
	v1 =	vadd.f32 v17, v1;
	v0 =	vadd.f32 v18, v0  }
0x224: {  	v22 =	vld [tilespmem:s16+$0xFFFFFF20]  }
0x225: {  	v23 =	vld [tilespmem:s16+$0xFFFFFF40];
	v1 =	vadd.f32 v2, v1;
	v0 =	vadd.f32 v19, v0  }
0x226: {  	v2 =	vld [tilespmem:s16+$0xFFFFFF30]  }
0x227: {  	v24 =	vld [tilespmem:s16+$0xFFFFFF60];
	v1 =	vadd.f32 v3, v1;
	v0 =	vadd.f32 v20, v0  }
0x228: {  	v3 =	vld [tilespmem:s16+$0xFFFFFF50]  }
0x229: {  	v25 =	vld [tilespmem:s16+$0xFFFFFF70];
	v1 =	vadd.f32 v21, v1;
	v0 =	vadd.f32 v22, v0  }
0x22a: {  	v26 =	vld [tilespmem:s16+$0xFFFFFF80]  }
0x22b: {  	v27 =	vld [tilespmem:s16+$0xFFFFFFA0];
	v1 =	vadd.f32 v2, v1;
	v0 =	vadd.f32 v23, v0  }
0x22c: {  	v2 =	vld [tilespmem:s16+$0xFFFFFF90]  }
0x22d: {  	v28 =	vld [tilespmem:s16+$0xFFFFFFC0];
	v1 =	vadd.f32 v3, v1;
	v0 =	vadd.f32 v24, v0  }
0x22e: {  	v3 =	vld [tilespmem:s16+$0xFFFFFFB0]  }
0x22f: {  	v29 =	vld [tilespmem:s16+$0xFFFFFFD0];
	v1 =	vadd.f32 v25, v1;
	v0 =	vadd.f32 v26, v0  }
0x230: {  	v30 =	vld [tilespmem:s16+$0xFFFFFFE0]  }
0x231: {  	v31 =	vld [tilespmem:s16+$0x0];
	v1 =	vadd.f32 v2, v1;
	v0 =	vadd.f32 v27, v0  }
0x232: {  	v2 =	vld [tilespmem:s16+$0xFFFFFFF0]  }
0x233: {  	v32 =	vld [tilespmem:s16+$0x20];
	v1 =	vadd.f32 v3, v1;
	v0 =	vadd.f32 v28, v0  }
0x234: {  	v3 =	vld [tilespmem:s16+$0x10]  }
0x235: {  	v33 =	vld [tilespmem:s16+$0x30];
	v1 =	vadd.f32 v29, v1;
	v0 =	vadd.f32 v30, v0  }
0x236: {  	v34 =	vld [tilespmem:s16+$0x40]  }
0x237: {  	v35 =	vld [tilespmem:s16+$0x60];
	v1 =	vadd.f32 v2, v1;
	v0 =	vadd.f32 v31, v0  }
0x238: {  	v2 =	vld [tilespmem:s16+$0x50]  }
0x239: {  	v36 =	vld [tilespmem:s16+$0x80];
	v1 =	vadd.f32 v3, v1;
	v0 =	vadd.f32 v32, v0  }
0x23a: {  	v3 =	vld [tilespmem:s16+$0x70]  }
0x23b: {  	v37 =	vld [tilespmem:s16+$0x90];
	v1 =	vadd.f32 v33, v1;
	v0 =	vadd.f32 v34, v0  }
0x23c: {  	v38 =	vld [tilespmem:s16+$0xA0]  }
0x23d: {  	v39 =	vld [tilespmem:s16+$0xC0];
	v1 =	vadd.f32 v2, v1;
	v0 =	vadd.f32 v35, v0  }
0x23e: {  	v2 =	vld [tilespmem:s16+$0xB0]  }
0x23f: {  	v40 =	vld [tilespmem:s16+$0xE0];
	v1 =	vadd.f32 v3, v1;
	v0 =	vadd.f32 v36, v0  }
0x240: {  	v3 =	vld [tilespmem:s16+$0xD0]  }
0x241: {  	v41 =	vld [tilespmem:s16+$0xF0];
	v1 =	vadd.f32 v37, v1;
	v0 =	vadd.f32 v38, v0  }
0x242: {  	v42 =	vld [tilespmem:s16+$0x100]  }
0x243: {  	v43 =	vld [tilespmem:s16+$0x120];
	v1 =	vadd.f32 v2, v1;
	v0 =	vadd.f32 v39, v0  }
0x244: {  	v2 =	vld [tilespmem:s16+$0x110]  }
0x245: {  	v44 =	vld [tilespmem:s16+$0x140];
	v1 =	vadd.f32 v3, v1;
	v0 =	vadd.f32 v40, v0  }
0x246: {  	v3 =	vld [tilespmem:s16+$0x130]  }
0x247: {  	v45 =	vld [tilespmem:s16+$0x150];
	v1 =	vadd.f32 v41, v1;
	v0 =	vadd.f32 v42, v0  }
0x248: {  	v46 =	vld [tilespmem:s16+$0x160]  }
0x249: {  	v47 =	vld [tilespmem:s16+$0x180];
	v1 =	vadd.f32 v2, v1;
	v0 =	vadd.f32 v43, v0  }
0x24a: {  	v2 =	vld [tilespmem:s16+$0x170]  }
0x24b: {  	v48 =	vld [tilespmem:s16+$0x1A0];
	v1 =	vadd.f32 v3, v1;
	v0 =	vadd.f32 v44, v0  }
0x24c: {  	v3 =	vld [tilespmem:s16+$0x190]  }
0x24d: {  	v49 =	vld [tilespmem:s16+$0x1B0];
	v1 =	vadd.f32 v45, v1;
	v0 =	vadd.f32 v46, v0  }
0x24e: {  	v50 =	vld [tilespmem:s16+$0x1C0]  }
0x24f: {  	v51 =	vld [tilespmem:s16+$0x1E0];
	v1 =	vadd.f32 v2, v1;
	v0 =	vadd.f32 v47, v0  }
0x250: {  	v2 =	vld [tilespmem:s16+$0x1D0]  }
0x251: {  	v52 =	vld [tilespmem:s16+$0x200];
	v1 =	vadd.f32 v3, v1;
	v0 =	vadd.f32 v48, v0  }
0x252: {  	v3 =	vld [tilespmem:s16+$0x1F0]  }
0x253: {  	v53 =	vld [tilespmem:s16+$0x210];
	v1 =	vadd.f32 v49, v1;
	v0 =	vadd.f32 v50, v0  }
0x254: {  	v54 =	vld [tilespmem:s16+$0x220]  }
0x255: {  	v55 =	vld [tilespmem:s16+$0x240];
	v1 =	vadd.f32 v2, v1;
	v0 =	vadd.f32 v51, v0  }
0x256: {  	v2 =	vld [tilespmem:s16+$0x230]  }
0x257: {  	v56 =	vld [tilespmem:s16+$0x260];
	v1 =	vadd.f32 v3, v1;
	v0 =	vadd.f32 v52, v0  }
0x258: {  	v3 =	vld [tilespmem:s16+$0x250]  }
0x259: {  	v57 =	vld [tilespmem:s16+$0x270];
	v1 =	vadd.f32 v53, v1;
	v0 =	vadd.f32 v54, v0  }
0x25a: {  	v58 =	vld [tilespmem:s16+$0x280]  }
0x25b: {  	v59 =	vld [tilespmem:s16+$0x2A0];
	v1 =	vadd.f32 v2, v1;
	v0 =	vadd.f32 v55, v0  }
0x25c: {  	v2 =	vld [tilespmem:s16+$0x290]  }
0x25d: {  	v60 =	vld [tilespmem:s16+$0x2C0];
	v1 =	vadd.f32 v3, v1;
	v0 =	vadd.f32 v56, v0  }
0x25e: {  	v3 =	vld [tilespmem:s16+$0x2B0]  }
0x25f: {  	v61 =	vld [tilespmem:s16+$0x2D0];
	v1 =	vadd.f32 v57, v1;
	v0 =	vadd.f32 v58, v0  }
0x260: {  	v62 =	vld [tilespmem:s16+$0x2E0]  }
0x261: {  	v63 =	vld [tilespmem:s16+$0x300];
	v1 =	vadd.f32 v2, v1;
	v0 =	vadd.f32 v59, v0  }
0x262: {  	v2 =	vld [tilespmem:s16+$0x2F0]  }
0x263: {  	v1 =	vadd.f32 v3, v1;
	v0 =	vadd.f32 v60, v0  }
0x264: {  	v3 =	vld [tilespmem:s16+$0x310]  }
0x265: {  	v1 =	vadd.f32 v61, v1;
	v0 =	vadd.f32 v62, v0;
	_ =	sdelay $0x1  }
0x266: {  	v1 =	vadd.f32 v2, v1;
	v2 =	vadd.f32 v63, v0  }
0x267: {  	s19 =	simm.s32 $0x0  }
0x268: {  	s18 =	simm.s32 $0x80;
	v0 =	vadd.f32 v3, v1;
	[tilespmem:s19+$0x10A00] =	vst v2  }
.LBB2_10:
0x269: {  	p1 =	sne.s32 s18, $0x780  }
0x26a: {  	[tilespmem:s19+$0x10A10] =	vst v0;
	s16 =	sadd.s32 $0x800, s16;
	s19 =	smov.u32 s18;
	s18 =	sadd.s32 $0x80, s18  }
0x26b: {  	v0 =	vld [tilespmem:s16+$0xFFFFFD00]  }
0x26c: {  	v1 =	vld [tilespmem:s16+$0xFFFFFD10]  }
0x26d: {  	v2 =	vld [tilespmem:s16+$0xFFFFFCE0]  }
0x26e: {  	v3 =	vld [tilespmem:s16+$0xFFFFFCF0]  }
0x26f: {  	v4 =	vld [tilespmem:s16+$0xFFFFFD20]  }
0x270: {  	v5 =	vld [tilespmem:s16+$0xFFFFFD30]  }
0x271: {  	v6 =	vld [tilespmem:s16+$0xFFFFFD40]  }
0x272: {  	v0 =	vadd.f32 v0, v2;
	v2 =	vld [tilespmem:s16+$0xFFFFFD50]  }
0x273: {  	v1 =	vadd.f32 v1, v3;
	v3 =	vld [tilespmem:s16+$0xFFFFFD60]  }
0x274: {  	v0 =	vadd.f32 v4, v0;
	v4 =	vld [tilespmem:s16+$0xFFFFFD70]  }
0x275: {  	v1 =	vadd.f32 v5, v1;
	v5 =	vld [tilespmem:s16+$0xFFFFFD80]  }
0x276: {  	v0 =	vadd.f32 v6, v0;
	v6 =	vld [tilespmem:s16+$0xFFFFFD90]  }
0x277: {  	v1 =	vadd.f32 v2, v1;
	v2 =	vld [tilespmem:s16+$0xFFFFFDA0]  }
0x278: {  	v0 =	vadd.f32 v3, v0;
	v3 =	vld [tilespmem:s16+$0xFFFFFDB0]  }
0x279: {  	v1 =	vadd.f32 v4, v1;
	v4 =	vld [tilespmem:s16+$0xFFFFFDC0]  }
0x27a: {  	v0 =	vadd.f32 v5, v0;
	v5 =	vld [tilespmem:s16+$0xFFFFFDD0]  }
0x27b: {  	v1 =	vadd.f32 v6, v1;
	v6 =	vld [tilespmem:s16+$0xFFFFFDE0]  }
0x27c: {  	v0 =	vadd.f32 v2, v0;
	v2 =	vld [tilespmem:s16+$0xFFFFFDF0]  }
0x27d: {  	v1 =	vadd.f32 v3, v1;
	v3 =	vld [tilespmem:s16+$0xFFFFFE00]  }
0x27e: {  	v0 =	vadd.f32 v4, v0;
	v4 =	vld [tilespmem:s16+$0xFFFFFE10]  }
0x27f: {  	v1 =	vadd.f32 v5, v1;
	v5 =	vld [tilespmem:s16+$0xFFFFFE20]  }
0x280: {  	v0 =	vadd.f32 v6, v0;
	v6 =	vld [tilespmem:s16+$0xFFFFFE30]  }
0x281: {  	v1 =	vadd.f32 v2, v1;
	v2 =	vld [tilespmem:s16+$0xFFFFFE40]  }
0x282: {  	v0 =	vadd.f32 v3, v0;
	v3 =	vld [tilespmem:s16+$0xFFFFFE50]  }
0x283: {  	v1 =	vadd.f32 v4, v1;
	v4 =	vld [tilespmem:s16+$0xFFFFFE60]  }
0x284: {  	v0 =	vadd.f32 v5, v0;
	v5 =	vld [tilespmem:s16+$0xFFFFFE70]  }
0x285: {  	v1 =	vadd.f32 v6, v1;
	v6 =	vld [tilespmem:s16+$0xFFFFFE80]  }
0x286: {  	v0 =	vadd.f32 v2, v0;
	v2 =	vld [tilespmem:s16+$0xFFFFFE90]  }
0x287: {  	v1 =	vadd.f32 v3, v1;
	v3 =	vld [tilespmem:s16+$0xFFFFFEA0]  }
0x288: {  	v0 =	vadd.f32 v4, v0;
	v4 =	vld [tilespmem:s16+$0xFFFFFEB0]  }
0x289: {  	v1 =	vadd.f32 v5, v1;
	v5 =	vld [tilespmem:s16+$0xFFFFFEC0]  }
0x28a: {  	v0 =	vadd.f32 v6, v0;
	v6 =	vld [tilespmem:s16+$0xFFFFFED0]  }
0x28b: {  	v1 =	vadd.f32 v2, v1;
	v2 =	vld [tilespmem:s16+$0xFFFFFEE0]  }
0x28c: {  	v0 =	vadd.f32 v3, v0;
	v3 =	vld [tilespmem:s16+$0xFFFFFEF0]  }
0x28d: {  	v1 =	vadd.f32 v4, v1;
	v4 =	vld [tilespmem:s16+$0xFFFFFF00]  }
0x28e: {  	v0 =	vadd.f32 v5, v0;
	v5 =	vld [tilespmem:s16+$0xFFFFFF10]  }
0x28f: {  	v1 =	vadd.f32 v6, v1;
	v6 =	vld [tilespmem:s16+$0xFFFFFF20]  }
0x290: {  	v0 =	vadd.f32 v2, v0;
	v2 =	vld [tilespmem:s16+$0xFFFFFF30]  }
0x291: {  	v1 =	vadd.f32 v3, v1;
	v3 =	vld [tilespmem:s16+$0xFFFFFF40]  }
0x292: {  	v0 =	vadd.f32 v4, v0;
	v4 =	vld [tilespmem:s16+$0xFFFFFF50]  }
0x293: {  	v1 =	vadd.f32 v5, v1;
	v5 =	vld [tilespmem:s16+$0xFFFFFF60]  }
0x294: {  	v0 =	vadd.f32 v6, v0;
	v6 =	vld [tilespmem:s16+$0xFFFFFF70]  }
0x295: {  	v1 =	vadd.f32 v2, v1;
	v2 =	vld [tilespmem:s16+$0xFFFFFF80]  }
0x296: {  	v0 =	vadd.f32 v3, v0;
	v3 =	vld [tilespmem:s16+$0xFFFFFF90]  }
0x297: {  	v1 =	vadd.f32 v4, v1;
	v4 =	vld [tilespmem:s16+$0xFFFFFFA0]  }
0x298: {  	v0 =	vadd.f32 v5, v0;
	v5 =	vld [tilespmem:s16+$0xFFFFFFB0]  }
0x299: {  	v1 =	vadd.f32 v6, v1;
	v6 =	vld [tilespmem:s16+$0xFFFFFFC0]  }
0x29a: {  	v0 =	vadd.f32 v2, v0;
	v2 =	vld [tilespmem:s16+$0xFFFFFFD0]  }
0x29b: {  	v1 =	vadd.f32 v3, v1;
	v3 =	vld [tilespmem:s16+$0xFFFFFFE0]  }
0x29c: {  	v0 =	vadd.f32 v4, v0;
	v4 =	vld [tilespmem:s16+$0xFFFFFFF0]  }
0x29d: {  	v1 =	vadd.f32 v5, v1;
	v5 =	vld [tilespmem:s16+$0x0]  }
0x29e: {  	v0 =	vadd.f32 v6, v0;
	v6 =	vld [tilespmem:s16+$0x10]  }
0x29f: {  	v1 =	vadd.f32 v2, v1;
	v2 =	vld [tilespmem:s16+$0x20]  }
0x2a0: {  	v0 =	vadd.f32 v3, v0;
	v3 =	vld [tilespmem:s16+$0x30]  }
0x2a1: {  	v1 =	vadd.f32 v4, v1;
	v4 =	vld [tilespmem:s16+$0x40]  }
0x2a2: {  	v0 =	vadd.f32 v5, v0;
	v5 =	vld [tilespmem:s16+$0x50]  }
0x2a3: {  	v1 =	vadd.f32 v6, v1;
	v6 =	vld [tilespmem:s16+$0x60]  }
0x2a4: {  	v0 =	vadd.f32 v2, v0;
	v2 =	vld [tilespmem:s16+$0x70]  }
0x2a5: {  	v1 =	vadd.f32 v3, v1;
	v3 =	vld [tilespmem:s16+$0x80]  }
0x2a6: {  	v0 =	vadd.f32 v4, v0;
	v4 =	vld [tilespmem:s16+$0x90]  }
0x2a7: {  	v1 =	vadd.f32 v5, v1;
	v5 =	vld [tilespmem:s16+$0xA0]  }
0x2a8: {  	v0 =	vadd.f32 v6, v0;
	v6 =	vld [tilespmem:s16+$0xB0]  }
0x2a9: {  	v1 =	vadd.f32 v2, v1;
	v2 =	vld [tilespmem:s16+$0xC0]  }
0x2aa: {  	v0 =	vadd.f32 v3, v0;
	v3 =	vld [tilespmem:s16+$0xD0]  }
0x2ab: {  	v1 =	vadd.f32 v4, v1;
	v4 =	vld [tilespmem:s16+$0xE0]  }
0x2ac: {  	v0 =	vadd.f32 v5, v0;
	v5 =	vld [tilespmem:s16+$0xF0]  }
0x2ad: {  	v1 =	vadd.f32 v6, v1;
	v6 =	vld [tilespmem:s16+$0x100]  }
0x2ae: {  	v0 =	vadd.f32 v2, v0;
	v2 =	vld [tilespmem:s16+$0x110]  }
0x2af: {  	v1 =	vadd.f32 v3, v1;
	v3 =	vld [tilespmem:s16+$0x120]  }
0x2b0: {  	v0 =	vadd.f32 v4, v0;
	v4 =	vld [tilespmem:s16+$0x130]  }
0x2b1: {  	v1 =	vadd.f32 v5, v1;
	v5 =	vld [tilespmem:s16+$0x140]  }
0x2b2: {  	v0 =	vadd.f32 v6, v0;
	v6 =	vld [tilespmem:s16+$0x150]  }
0x2b3: {  	v1 =	vadd.f32 v2, v1;
	v2 =	vld [tilespmem:s16+$0x160]  }
0x2b4: {  	v0 =	vadd.f32 v3, v0;
	v3 =	vld [tilespmem:s16+$0x170]  }
0x2b5: {  	v1 =	vadd.f32 v4, v1;
	v4 =	vld [tilespmem:s16+$0x180]  }
0x2b6: {  	v0 =	vadd.f32 v5, v0;
	v5 =	vld [tilespmem:s16+$0x190]  }
0x2b7: {  	v1 =	vadd.f32 v6, v1;
	v6 =	vld [tilespmem:s16+$0x1A0]  }
0x2b8: {  	v0 =	vadd.f32 v2, v0;
	v2 =	vld [tilespmem:s16+$0x1B0]  }
0x2b9: {  	v1 =	vadd.f32 v3, v1;
	v3 =	vld [tilespmem:s16+$0x1C0]  }
0x2ba: {  	v0 =	vadd.f32 v4, v0;
	v4 =	vld [tilespmem:s16+$0x1D0]  }
0x2bb: {  	v1 =	vadd.f32 v5, v1;
	v5 =	vld [tilespmem:s16+$0x1E0]  }
0x2bc: {  	v0 =	vadd.f32 v6, v0;
	v6 =	vld [tilespmem:s16+$0x1F0]  }
0x2bd: {  	v1 =	vadd.f32 v2, v1;
	v2 =	vld [tilespmem:s16+$0x200]  }
0x2be: {  	v0 =	vadd.f32 v3, v0;
	v3 =	vld [tilespmem:s16+$0x210]  }
0x2bf: {  	v1 =	vadd.f32 v4, v1;
	v4 =	vld [tilespmem:s16+$0x220]  }
0x2c0: {  	v0 =	vadd.f32 v5, v0;
	v5 =	vld [tilespmem:s16+$0x230]  }
0x2c1: {  	v1 =	vadd.f32 v6, v1;
	v6 =	vld [tilespmem:s16+$0x240]  }
0x2c2: {  	v0 =	vadd.f32 v2, v0;
	v2 =	vld [tilespmem:s16+$0x250]  }
0x2c3: {  	v1 =	vadd.f32 v3, v1;
	v3 =	vld [tilespmem:s16+$0x260]  }
0x2c4: {  	v0 =	vadd.f32 v4, v0;
	v4 =	vld [tilespmem:s16+$0x270]  }
0x2c5: {  	v1 =	vadd.f32 v5, v1;
	v5 =	vld [tilespmem:s16+$0x280]  }
0x2c6: {  	v0 =	vadd.f32 v6, v0;
	v6 =	vld [tilespmem:s16+$0x290]  }
0x2c7: {  	v1 =	vadd.f32 v2, v1;
	v2 =	vld [tilespmem:s16+$0x2A0]  }
0x2c8: {  	v0 =	vadd.f32 v3, v0;
	v3 =	vld [tilespmem:s16+$0x2B0]  }
0x2c9: {  	v1 =	vadd.f32 v4, v1;
	v4 =	vld [tilespmem:s16+$0x2C0]  }
0x2ca: {  	v0 =	vadd.f32 v5, v0;
	v5 =	vld [tilespmem:s16+$0x2D0]  }
0x2cb: {  	v1 =	vadd.f32 v6, v1;
	v6 =	vld [tilespmem:s16+$0x2E0]  }
0x2cc: {  	v0 =	vadd.f32 v2, v0;
	v2 =	vld [tilespmem:s16+$0x2F0]  }
0x2cd: {  	v1 =	vadd.f32 v3, v1;
	v3 =	vld [tilespmem:s16+$0x300]  }
0x2ce: {  	v0 =	vadd.f32 v4, v0;
	v4 =	vld [tilespmem:s16+$0x310]  }
0x2cf: {  	v1 =	vadd.f32 v5, v1  }
.Ltmp6:
0x2d0: {  	v0 =	vadd.f32 v6, v0;
	(pc) =	sbr.rel @p1 .LBB2_10-.Ltmp6, $4  }
0x2d1: {  	v1 =	vadd.f32 v2, v1  }
0x2d2: {  	v2 =	vadd.f32 v3, v0  }
0x2d3: {  	s19 =	sshra.s32 s19, $0x2;
	v0 =	vadd.f32 v4, v1  }
0x2d4: {  	[tilespmem:s19+$0x10A00] =	vst v2  }
.Ltmp7:
0x2d5: {  	(pc) =	sbr.rel @p0 .LBB2_13-.Ltmp7, $3  }
0x2d6: {  	_ =	sdelay $0x1  }
0x2d7: {  	[tilespmem:s19+$0x10A10] =	vst v0;
	s16 =	sadd.s32 s10, s17  }
0x2d8: {  	[hbm4b:s16+s2] =	stream.linear.scatter [tilespmem:s4], [sflag:$0x6], $0x200, $0x38;
	[tilespmem:$0x10C00] =	vst v63  }
0x2d9: {  	_ =	swait.ge [sflag:s22], $0x400  }
0x2da: {  	[sflag:s22] =	ssyncset.done $0x0  }
0x2db: {  	[sflag:s22] =	ssyncadd.s32 $0xFFFFFC00;
	(ifvalue) =	ssetifvalue $0xFFFFFFFF  }
0x2dc: {  	s16 =	simm.s32 $0x8800;
	(ifvalue) =	ssetifvalue $0xFFFFFFFF  }
0x2dd: {  	[tilespmem:s16], [sflag:$0x4] =	stream.indirect.gather [hbm4b:s3+s13], $0x20, s20, s13, $0x40b8;
	[tilespmem:$0x10C00] =	vst v63  }
0x2de: {  	(ifvalue) =	ssetifvalue $0xFFFFFFFF  }
0x2df: {  	s19 =	simm.s32 $0x440;
	s17 =	simm.s32 $0x9000;
	(ifvalue) =	ssetifvalue $0xFFFFFFFF  }
0x2e0: {  	[tilespmem:s17], [sflag:$0x4] =	stream.indirect.gather [hbm4b:s3+s13], $0x20, s19, s13, $0x40b8;
	[tilespmem:$0x10C00] =	vst v63  }
0x2e1: {  	(ifvalue) =	ssetifvalue $0xFFFFFFFF  }
0x2e2: {  	s18 =	simm.s32 $0x480;
	s19 =	simm.s32 $0x9800;
	(ifvalue) =	ssetifvalue $0xFFFFFFFF  }
0x2e3: {  	[tilespmem:s19], [sflag:$0x4] =	stream.indirect.gather [hbm4b:s3+s13], $0x20, s18, s13, $0x40b8;
	[tilespmem:$0x10C00] =	vst v63  }
0x2e4: {  	(ifvalue) =	ssetifvalue $0xFFFFFFFF  }
0x2e5: {  	s18 =	simm.s32 $0x4C0;
	s19 =	simm.s32 $0xA000;
	(ifvalue) =	ssetifvalue $0xFFFFFFFF  }
0x2e6: {  	[tilespmem:s19], [sflag:$0x4] =	stream.indirect.gather [hbm4b:s3+s13], $0x20, s18, s13, $0x40b8;
	[tilespmem:$0x10C00] =	vst v63  }
0x2e7: {  	(ifvalue) =	ssetifvalue $0xFFFFFFFF  }
0x2e8: {  	s18 =	simm.s32 $0x500;
	s19 =	simm.s32 $0xA800;
	(ifvalue) =	ssetifvalue $0xFFFFFFFF  }
0x2e9: {  	[tilespmem:s19], [sflag:$0x4] =	stream.indirect.gather [hbm4b:s3+s13], $0x20, s18, s13, $0x40b8;
	[tilespmem:$0x10C00] =	vst v63  }
0x2ea: {  	(ifvalue) =	ssetifvalue $0xFFFFFFFF  }
0x2eb: {  	s18 =	simm.s32 $0x540;
	s19 =	simm.s32 $0xB000;
	(ifvalue) =	ssetifvalue $0xFFFFFFFF  }
0x2ec: {  	[tilespmem:s19], [sflag:$0x4] =	stream.indirect.gather [hbm4b:s3+s13], $0x20, s18, s13, $0x40b8;
	[tilespmem:$0x10C00] =	vst v63  }
0x2ed: {  	(ifvalue) =	ssetifvalue $0xFFFFFFFF  }
0x2ee: {  	s18 =	simm.s32 $0x580;
	s19 =	simm.s32 $0xB800;
	(ifvalue) =	ssetifvalue $0xFFFFFFFF  }
0x2ef: {  	[tilespmem:s19], [sflag:$0x4] =	stream.indirect.gather [hbm4b:s3+s13], $0x20, s18, s13, $0x40b8;
	[tilespmem:$0x10C00] =	vst v63  }
0x2f0: {  	(ifvalue) =	ssetifvalue $0xFFFFFFFF  }
0x2f1: {  	s18 =	simm.s32 $0x5C0;
	s19 =	simm.s32 $0xC000;
	(ifvalue) =	ssetifvalue $0xFFFFFFFF  }
0x2f2: {  	[tilespmem:s19], [sflag:$0x4] =	stream.indirect.gather [hbm4b:s3+s13], $0x20, s18, s13, $0x40b8;
	[tilespmem:$0x10C00] =	vst v63  }
0x2f3: {  	(ifvalue) =	ssetifvalue $0xFFFFFFFF  }
0x2f4: {  	s18 =	simm.s32 $0x600;
	s19 =	simm.s32 $0xC800;
	(ifvalue) =	ssetifvalue $0xFFFFFFFF  }
0x2f5: {  	[tilespmem:s19], [sflag:$0x4] =	stream.indirect.gather [hbm4b:s3+s13], $0x20, s18, s13, $0x40b8;
	[tilespmem:$0x10C00] =	vst v63  }
0x2f6: {  	(ifvalue) =	ssetifvalue $0xFFFFFFFF  }
0x2f7: {  	s17 =	simm.s32 $0x640;
	s18 =	simm.s32 $0xD000;
	(ifvalue) =	ssetifvalue $0xFFFFFFFF  }
0x2f8: {  	[tilespmem:s18], [sflag:$0x4] =	stream.indirect.gather [hbm4b:s3+s13], $0x20, s17, s13, $0x40b8;
	[tilespmem:$0x10C00] =	vst v63  }
0x2f9: {  	(ifvalue) =	ssetifvalue $0xFFFFFFFF  }
0x2fa: {  	s19 =	simm.s32 $0x680;
	(ifvalue) =	ssetifvalue $0xFFFFFFFF  }
0x2fb: {  	[tilespmem:s21], [sflag:$0x4] =	stream.indirect.gather [hbm4b:s3+s13], $0x20, s19, s13, $0x40b8;
	[tilespmem:$0x10C00] =	vst v63  }
0x2fc: {  	(ifvalue) =	ssetifvalue $0xFFFFFFFF  }
0x2fd: {  	(ifvalue) =	ssetifvalue $0xFFFFFFFF  }
0x2fe: {  	[tilespmem:s24], [sflag:$0x4] =	stream.indirect.gather [hbm4b:s3+s13], $0x20, s23, s13, $0x40b8;
	[tilespmem:$0x10C00] =	vst v63  }
0x2ff: {  	(ifvalue) =	ssetifvalue $0xFFFFFFFF  }
0x300: {  	(ifvalue) =	ssetifvalue $0xFFFFFFFF  }
0x301: {  	[tilespmem:s26], [sflag:$0x4] =	stream.indirect.gather [hbm4b:s3+s13], $0x20, s25, s13, $0x40b8;
	[tilespmem:$0x10C00] =	vst v63  }
0x302: {  	(ifvalue) =	ssetifvalue $0xFFFFFFFF  }
0x303: {  	(ifvalue) =	ssetifvalue $0xFFFFFFFF  }
0x304: {  	[tilespmem:s29], [sflag:$0x4] =	stream.indirect.gather [hbm4b:s3+s13], $0x20, s28, s13, $0x40b8;
	[tilespmem:$0x10C00] =	vst v63  }
0x305: {  	(ifvalue) =	ssetifvalue $0xFFFFFFFF  }
.Ltmp8:
0x306: {  	(ifvalue) =	ssetifvalue $0xFFFFFFFF;
	(pc) =	sbr.rel .LBB2_2-.Ltmp8, $4  }
0x307: {  	[tilespmem:s31], [sflag:$0x4] =	stream.indirect.gather [hbm4b:s3+s13], $0x20, s30, s13, $0x40b8;
	[tilespmem:$0x10C00] =	vst v63  }
0x308: {  	(ifvalue) =	ssetifvalue $0xFFFFFFFF  }
0x309: {  	s15 =	sadd.s32 $0x1, s15;
	(ifvalue) =	ssetifvalue $0xFFFFFFFF  }
0x30a: {  	[tilespmem:s1], [sflag:$0x4] =	stream.indirect.gather [hbm4b:s3+s13], $0x20, s0, s13, $0x40b8;
	[tilespmem:$0x10C00] =	vst v63  }
.LBB2_14:
0x30b: {  	_ =	sfence.sel $0x180000  }
0x30c: {  	[bflag:$0x0] =	sbarrier.arrive $0xFFFF  }
0x30d: {  	_ =	strace $0x90000047  }
0x30e: {  	s0 =	stileid.u32;
	[bflag:$0x2] =	sbarrier.arrive $0xFFFF  }
0x30f: {  	p0 =	sne.s32 s0, $0x0;
	s0 =	rddreg [dreg:$0x2]  }
0x310: {  	s0 =	sadd.s32 @!p0 $0x100000, s0  }
0x311: {  	[sflag:s0] =	ssyncadd.tile.s32 @!p0 $0x1;
	_ =	shalt  }
.Lfunc_end2:
_tile_overlayer_lowered:
.L_overlay_start_2:
0x312: {  	(tag) =	ssettag $0x2  }
0x313: {  	s0 =	rddreg [dreg:$0x0];
	s2 =	stileid.u32  }
0x314: {  	s1 =	rddreg [dreg:$0x1];
	p0 =	sne.s32 s2, $0x0  }
0x315: {  	s3 =	rddreg [dreg:$0x2];
	[bflag:$0x3] =	sbarrier.arrive $0xFFFF;
	s2 =	simm.s32 @!p0 $0x1C07  }
0x316: {  	[timem:s3], [sflag:s2] =	dma.local @!p0 [hbm:s0], s1  }
0x317: {  	s0 =	simm.s32 @!p0 $0x7  }
0x318: {  	_ =	swait.ge @!p0 [sflag:s0], s1  }
0x319: {  	s1 =	ssub.s32 @!p0 $0x0, s1;
	[sflag:s0] =	ssyncset.done @!p0 $0x0  }
0x31a: {  	[sflag:s0] =	ssyncadd.s32 @!p0 s1  }
0x31b: {  	[bflag:$0x3] =	sbarrier.arrive $0xFFFF  }
0x31c: {  	_ =	shalt  }

</sc_bundles>
